<compile_context>
chip_gen: v7x
topology: tpu7x:2x2x1
jax: 0.10.2.dev20260603
libtpu: 0.0.44.dev20260713+nightly
codegen_flags: <defaults>
</compile_context>

<pallas_src>
import functools

import jax
import jax.numpy as jnp
from jax import lax
from jax.experimental import pallas as pl
from jax.experimental.pallas import tpu as pltpu
from jax.experimental.pallas import tpu_sc as plsc

BATCH = 16384
EMBED_DIM = 128
LANES = 16
NUM_CORES = 2
NUM_SUBCORES = 16
NUM_WORKERS = NUM_CORES * NUM_SUBCORES
B_PER_W = BATCH // NUM_WORKERS
CHUNKS = ((0, 256), (256, 256))
D_CHUNKS = EMBED_DIM // LANES


def _build():
    mesh = plsc.VectorSubcoreMesh(core_axis_name="c", subcore_axis_name="s")

    @functools.partial(
        pl.kernel,
        mesh=mesh,
        out_type=jax.ShapeDtypeStruct((BATCH * EMBED_DIM,), jnp.float32),
        scratch_types=[
            pltpu.VMEM((B_PER_W,), jnp.int32),
            pltpu.VMEM((3, EMBED_DIM), jnp.float32),
            pltpu.VMEM((B_PER_W * EMBED_DIM,), jnp.float32),
            pltpu.SemaphoreType.DMA,
        ],
    )
    def lookup_kernel(idx_hbm, table_hbm, out_hbm, idx_v, table_v, rows_v, sem):
        wid = lax.axis_index("s") * NUM_CORES + lax.axis_index("c")
        base = wid * B_PER_W
        stage = [
            pltpu.async_copy(idx_hbm.at[pl.ds(base, B_PER_W)], idx_v, sem),
            pltpu.async_copy(table_hbm, table_v, sem),
        ]
        for c in stage:
            c.wait()

        trow = [[table_v[r, pl.ds(c * LANES, LANES)] for c in range(D_CHUNKS)]
                for r in range(3)]

        copies = []
        for row0, nrows in CHUNKS:
            @plsc.parallel_loop(0, nrows // LANES, unroll=2)
            def group_body(g, _row0=row0):
                idx16 = idx_v[pl.ds(_row0 + g * LANES, LANES)]
                for k in range(LANES):
                    s = idx16[k]
                    is0 = s == 0
                    is1 = s == 1
                    row_off = (_row0 + g * LANES + k) * EMBED_DIM
                    for c in range(D_CHUNKS):
                        val = jnp.where(is0, trow[0][c],
                                        jnp.where(is1, trow[1][c], trow[2][c]))
                        rows_v[pl.ds(row_off + c * LANES, LANES)] = val
            copies.append(pltpu.async_copy(
                rows_v.at[pl.ds(row0 * EMBED_DIM, nrows * EMBED_DIM)],
                out_hbm.at[pl.ds((base + row0) * EMBED_DIM,
                                 nrows * EMBED_DIM)],
                sem,
            ))
        for c in copies:
            c.wait()

    return lookup_kernel


_sc_lookup = jax.jit(_build())


def kernel(speakers, table):
    out_flat = _sc_lookup(speakers, table)
    return out_flat.reshape(BATCH, EMBED_DIM)

# --- scband reference (transcript-rebuilt; emitter-appended) ---
"""Pipeline reference for scband-speaker-embedding-50886772523275 (READ-ONLY COPY).

The authoritative reference and input builder live on the scoring server;
editing this copy changes nothing except your own understanding.
"""

import jax, jax.numpy as jnp
import numpy as np

BATCH = 16384
EMBED_DIM = 128
NUM_SPEAKER_CODES = 3

def setup_inputs(seed: int = 0) -> dict:
    key = jax.random.key(seed)
    k1, k2 = jax.random.split(key)
    speakers = jax.random.randint(k1, (BATCH,), 0, NUM_SPEAKER_CODES, dtype=jnp.int64 if jax.config.read('jax_enable_x64') else jnp.int32).astype(jnp.int32)
    table = jax.random.normal(k2, (NUM_SPEAKER_CODES, EMBED_DIM), dtype=jnp.float32)
    return {"speakers": speakers, "table": table}

def reference(speakers, table):
    # Faithful translation of Speaker_Embedding.forward:
    #   speakers_tensor = torch.stack(speakers)   (identity for an int index vector)
    #   out = self.embeds(speakers_tensor)        -> gather rows from table
    #   out = self.dropout(out)                   -> identity in eval mode
    out = jnp.take(table, speakers, axis=0)
    return out

if __name__ == "__main__":
    import jax
    _d = setup_inputs()
    print(jax.jit(kernel)(*tuple(_d.values())))

</pallas_src>

<mosaic_0001>
#map = affine_map<(d0, d1) -> (0)>
#map1 = affine_map<(d0, d1) -> (0, 0)>
module attributes {stable_mosaic.version = 14 : i64} {
  func.func @lookup_kernel(%arg0: i32, %arg1: i32, %arg2: memref<16384xi32, #tpu.memory_space<hbm>>, %arg3: memref<3x128xf32, #tpu.memory_space<hbm>>, %arg4: memref<2097152xf32, #tpu.memory_space<hbm>>, %arg5: memref<512xi32, #tpu.memory_space<vmem>>, %arg6: memref<3x128xf32, #tpu.memory_space<vmem>>, %arg7: memref<65536xf32, #tpu.memory_space<vmem>>, %arg8: memref<!tpu.dma_semaphore, #tpu.memory_space<semaphore_mem>>) attributes {dimension_semantics = [#tpu.dimension_semantics<core_parallel>, #tpu.dimension_semantics<subcore_parallel>], iteration_bounds = array<i64: 2, 16>, scalar_prefetch = 0 : i64, scratch_operands = 4 : i64, tpu.core_type = #tpu.core_type<sc_vector_subcore>, window_params = [{transform_indices = #map}, {transform_indices = #map1}, {transform_indices = #map}]} {
    %mul3A = arith.constant 2 : i32
    %mul3A_0 = arith.muli %arg1, %mul3A : i32
    %add3A = arith.addi %mul3A_0, %arg0 : i32
    %mul3A_1 = arith.constant 512 : i32
    %mul3A_2 = arith.muli %add3A, %mul3A_1 : i32
    %dma_start3A = tpu.memref_slice %arg2[%mul3A_2] : memref<16384xi32, #tpu.memory_space<hbm>> -> memref<512xi32, #tpu.memory_space<hbm>>
    %dma_start3A_3 = tpu.memref_slice %arg2[%mul3A_2] : memref<16384xi32, #tpu.memory_space<hbm>> -> memref<512xi32, #tpu.memory_space<hbm>>
    tpu.enqueue_dma source(%dma_start3A_3 : memref<512xi32, #tpu.memory_space<hbm>>) target(%arg5 : memref<512xi32, #tpu.memory_space<vmem>>) target_semaphore(%arg8 : memref<!tpu.dma_semaphore, #tpu.memory_space<semaphore_mem>>)
    tpu.enqueue_dma source(%arg3 : memref<3x128xf32, #tpu.memory_space<hbm>>) target(%arg6 : memref<3x128xf32, #tpu.memory_space<vmem>>) target_semaphore(%arg8 : memref<!tpu.dma_semaphore, #tpu.memory_space<semaphore_mem>>)
    %dma_wait3A = tpu.memref_slice %arg2[%mul3A_2] : memref<16384xi32, #tpu.memory_space<hbm>> -> memref<512xi32, #tpu.memory_space<hbm>>
    %dma_wait3A_4 = tpu.memref_slice %arg2[%mul3A_2] : memref<16384xi32, #tpu.memory_space<hbm>> -> memref<512xi32, #tpu.memory_space<hbm>>
    tpu.wait_dma2 semaphore(%arg8 : memref<!tpu.dma_semaphore, #tpu.memory_space<semaphore_mem>>) src(%dma_wait3A_4 : memref<512xi32, #tpu.memory_space<hbm>>) dst(%arg5 : memref<512xi32, #tpu.memory_space<vmem>>)
    tpu.wait_dma2 semaphore(%arg8 : memref<!tpu.dma_semaphore, #tpu.memory_space<semaphore_mem>>) src(%arg3 : memref<3x128xf32, #tpu.memory_space<hbm>>) dst(%arg6 : memref<3x128xf32, #tpu.memory_space<vmem>>)
    %get3A = arith.constant 0 : i32
    %get3A_5 = arith.index_cast %get3A : i32 to index
    %get3A_6 = arith.constant 0 : index
    %get3A_7 = tpu.vector_load %arg6[%get3A_5, %get3A_6] {strides = array<i32>} : memref<3x128xf32, #tpu.memory_space<vmem>>, vector<1x16xf32>,
    %get3A_8 = vector.shape_cast %get3A_7 : vector<1x16xf32> to vector<16xf32>
    %get3A_9 = arith.constant 0 : i32
    %get3A_10 = arith.index_cast %get3A_9 : i32 to index
    %get3A_11 = arith.constant 16 : index
    %get3A_12 = tpu.vector_load %arg6[%get3A_10, %get3A_11] {strides = array<i32>} : memref<3x128xf32, #tpu.memory_space<vmem>>, vector<1x16xf32>,
    %get3A_13 = vector.shape_cast %get3A_12 : vector<1x16xf32> to vector<16xf32>
    %get3A_14 = arith.constant 0 : i32
    %get3A_15 = arith.index_cast %get3A_14 : i32 to index
    %get3A_16 = arith.constant 32 : index
    %get3A_17 = tpu.vector_load %arg6[%get3A_15, %get3A_16] {strides = array<i32>} : memref<3x128xf32, #tpu.memory_space<vmem>>, vector<1x16xf32>,
    %get3A_18 = vector.shape_cast %get3A_17 : vector<1x16xf32> to vector<16xf32>
    %get3A_19 = arith.constant 0 : i32
    %get3A_20 = arith.index_cast %get3A_19 : i32 to index
    %get3A_21 = arith.constant 48 : index
    %get3A_22 = tpu.vector_load %arg6[%get3A_20, %get3A_21] {strides = array<i32>} : memref<3x128xf32, #tpu.memory_space<vmem>>, vector<1x16xf32>,
    %get3A_23 = vector.shape_cast %get3A_22 : vector<1x16xf32> to vector<16xf32>
    %get3A_24 = arith.constant 0 : i32
    %get3A_25 = arith.index_cast %get3A_24 : i32 to index
    %get3A_26 = arith.constant 64 : index
    %get3A_27 = tpu.vector_load %arg6[%get3A_25, %get3A_26] {strides = array<i32>} : memref<3x128xf32, #tpu.memory_space<vmem>>, vector<1x16xf32>,
    %get3A_28 = vector.shape_cast %get3A_27 : vector<1x16xf32> to vector<16xf32>
    %get3A_29 = arith.constant 0 : i32
    %get3A_30 = arith.index_cast %get3A_29 : i32 to index
    %get3A_31 = arith.constant 80 : index
    %get3A_32 = tpu.vector_load %arg6[%get3A_30, %get3A_31] {strides = array<i32>} : memref<3x128xf32, #tpu.memory_space<vmem>>, vector<1x16xf32>,
    %get3A_33 = vector.shape_cast %get3A_32 : vector<1x16xf32> to vector<16xf32>
    %get3A_34 = arith.constant 0 : i32
    %get3A_35 = arith.index_cast %get3A_34 : i32 to index
    %get3A_36 = arith.constant 96 : index
    %get3A_37 = tpu.vector_load %arg6[%get3A_35, %get3A_36] {strides = array<i32>} : memref<3x128xf32, #tpu.memory_space<vmem>>, vector<1x16xf32>,
    %get3A_38 = vector.shape_cast %get3A_37 : vector<1x16xf32> to vector<16xf32>
    %get3A_39 = arith.constant 0 : i32
    %get3A_40 = arith.index_cast %get3A_39 : i32 to index
    %get3A_41 = arith.constant 112 : index
    %get3A_42 = tpu.vector_load %arg6[%get3A_40, %get3A_41] {strides = array<i32>} : memref<3x128xf32, #tpu.memory_space<vmem>>, vector<1x16xf32>,
    %get3A_43 = vector.shape_cast %get3A_42 : vector<1x16xf32> to vector<16xf32>
    %get3A_44 = arith.constant 1 : i32
    %get3A_45 = arith.index_cast %get3A_44 : i32 to index
    %get3A_46 = arith.constant 0 : index
    %get3A_47 = tpu.vector_load %arg6[%get3A_45, %get3A_46] {strides = array<i32>} : memref<3x128xf32, #tpu.memory_space<vmem>>, vector<1x16xf32>,
    %get3A_48 = vector.shape_cast %get3A_47 : vector<1x16xf32> to vector<16xf32>
    %get3A_49 = arith.constant 1 : i32
    %get3A_50 = arith.index_cast %get3A_49 : i32 to index
    %get3A_51 = arith.constant 16 : index
    %get3A_52 = tpu.vector_load %arg6[%get3A_50, %get3A_51] {strides = array<i32>} : memref<3x128xf32, #tpu.memory_space<vmem>>, vector<1x16xf32>,
    %get3A_53 = vector.shape_cast %get3A_52 : vector<1x16xf32> to vector<16xf32>
    %get3A_54 = arith.constant 1 : i32
    %get3A_55 = arith.index_cast %get3A_54 : i32 to index
    %get3A_56 = arith.constant 32 : index
    %get3A_57 = tpu.vector_load %arg6[%get3A_55, %get3A_56] {strides = array<i32>} : memref<3x128xf32, #tpu.memory_space<vmem>>, vector<1x16xf32>,
    %get3A_58 = vector.shape_cast %get3A_57 : vector<1x16xf32> to vector<16xf32>
    %get3A_59 = arith.constant 1 : i32
    %get3A_60 = arith.index_cast %get3A_59 : i32 to index
    %get3A_61 = arith.constant 48 : index
    %get3A_62 = tpu.vector_load %arg6[%get3A_60, %get3A_61] {strides = array<i32>} : memref<3x128xf32, #tpu.memory_space<vmem>>, vector<1x16xf32>,
    %get3A_63 = vector.shape_cast %get3A_62 : vector<1x16xf32> to vector<16xf32>
    %get3A_64 = arith.constant 1 : i32
    %get3A_65 = arith.index_cast %get3A_64 : i32 to index
    %get3A_66 = arith.constant 64 : index
    %get3A_67 = tpu.vector_load %arg6[%get3A_65, %get3A_66] {strides = array<i32>} : memref<3x128xf32, #tpu.memory_space<vmem>>, vector<1x16xf32>,
    %get3A_68 = vector.shape_cast %get3A_67 : vector<1x16xf32> to vector<16xf32>
    %get3A_69 = arith.constant 1 : i32
    %get3A_70 = arith.index_cast %get3A_69 : i32 to index
    %get3A_71 = arith.constant 80 : index
    %get3A_72 = tpu.vector_load %arg6[%get3A_70, %get3A_71] {strides = array<i32>} : memref<3x128xf32, #tpu.memory_space<vmem>>, vector<1x16xf32>,
    %get3A_73 = vector.shape_cast %get3A_72 : vector<1x16xf32> to vector<16xf32>
    %get3A_74 = arith.constant 1 : i32
    %get3A_75 = arith.index_cast %get3A_74 : i32 to index
    %get3A_76 = arith.constant 96 : index
    %get3A_77 = tpu.vector_load %arg6[%get3A_75, %get3A_76] {strides = array<i32>} : memref<3x128xf32, #tpu.memory_space<vmem>>, vector<1x16xf32>,
    %get3A_78 = vector.shape_cast %get3A_77 : vector<1x16xf32> to vector<16xf32>
    %get3A_79 = arith.constant 1 : i32
    %get3A_80 = arith.index_cast %get3A_79 : i32 to index
    %get3A_81 = arith.constant 112 : index
    %get3A_82 = tpu.vector_load %arg6[%get3A_80, %get3A_81] {strides = array<i32>} : memref<3x128xf32, #tpu.memory_space<vmem>>, vector<1x16xf32>,
    %get3A_83 = vector.shape_cast %get3A_82 : vector<1x16xf32> to vector<16xf32>
    %get3A_84 = arith.constant 2 : i32
    %get3A_85 = arith.index_cast %get3A_84 : i32 to index
    %get3A_86 = arith.constant 0 : index
    %get3A_87 = tpu.vector_load %arg6[%get3A_85, %get3A_86] {strides = array<i32>} : memref<3x128xf32, #tpu.memory_space<vmem>>, vector<1x16xf32>,
    %get3A_88 = vector.shape_cast %get3A_87 : vector<1x16xf32> to vector<16xf32>
    %get3A_89 = arith.constant 2 : i32
    %get3A_90 = arith.index_cast %get3A_89 : i32 to index
    %get3A_91 = arith.constant 16 : index
    %get3A_92 = tpu.vector_load %arg6[%get3A_90, %get3A_91] {strides = array<i32>} : memref<3x128xf32, #tpu.memory_space<vmem>>, vector<1x16xf32>,
    %get3A_93 = vector.shape_cast %get3A_92 : vector<1x16xf32> to vector<16xf32>
    %get3A_94 = arith.constant 2 : i32
    %get3A_95 = arith.index_cast %get3A_94 : i32 to index
    %get3A_96 = arith.constant 32 : index
    %get3A_97 = tpu.vector_load %arg6[%get3A_95, %get3A_96] {strides = array<i32>} : memref<3x128xf32, #tpu.memory_space<vmem>>, vector<1x16xf32>,
    %get3A_98 = vector.shape_cast %get3A_97 : vector<1x16xf32> to vector<16xf32>
    %get3A_99 = arith.constant 2 : i32
    %get3A_100 = arith.index_cast %get3A_99 : i32 to index
    %get3A_101 = arith.constant 48 : index
    %get3A_102 = tpu.vector_load %arg6[%get3A_100, %get3A_101] {strides = array<i32>} : memref<3x128xf32, #tpu.memory_space<vmem>>, vector<1x16xf32>,
    %get3A_103 = vector.shape_cast %get3A_102 : vector<1x16xf32> to vector<16xf32>
    %get3A_104 = arith.constant 2 : i32
    %get3A_105 = arith.index_cast %get3A_104 : i32 to index
    %get3A_106 = arith.constant 64 : index
    %get3A_107 = tpu.vector_load %arg6[%get3A_105, %get3A_106] {strides = array<i32>} : memref<3x128xf32, #tpu.memory_space<vmem>>, vector<1x16xf32>,
    %get3A_108 = vector.shape_cast %get3A_107 : vector<1x16xf32> to vector<16xf32>
    %get3A_109 = arith.constant 2 : i32
    %get3A_110 = arith.index_cast %get3A_109 : i32 to index
    %get3A_111 = arith.constant 80 : index
    %get3A_112 = tpu.vector_load %arg6[%get3A_110, %get3A_111] {strides = array<i32>} : memref<3x128xf32, #tpu.memory_space<vmem>>, vector<1x16xf32>,
    %get3A_113 = vector.shape_cast %get3A_112 : vector<1x16xf32> to vector<16xf32>
    %get3A_114 = arith.constant 2 : i32
    %get3A_115 = arith.index_cast %get3A_114 : i32 to index
    %get3A_116 = arith.constant 96 : index
    %get3A_117 = tpu.vector_load %arg6[%get3A_115, %get3A_116] {strides = array<i32>} : memref<3x128xf32, #tpu.memory_space<vmem>>, vector<1x16xf32>,
    %get3A_118 = vector.shape_cast %get3A_117 : vector<1x16xf32> to vector<16xf32>
    %get3A_119 = arith.constant 2 : i32
    %get3A_120 = arith.index_cast %get3A_119 : i32 to index
    %get3A_121 = arith.constant 112 : index
    %get3A_122 = tpu.vector_load %arg6[%get3A_120, %get3A_121] {strides = array<i32>} : memref<3x128xf32, #tpu.memory_space<vmem>>, vector<1x16xf32>,
    %get3A_123 = vector.shape_cast %get3A_122 : vector<1x16xf32> to vector<16xf32>
    %parallel_loop3A = arith.constant 0 : i32
    %parallel_loop3A_124 = arith.constant 16 : i32
    %parallel_loop3A_125 = arith.constant 1 : i32
    scf.for %parallel_loop3A_161 = %parallel_loop3A to %parallel_loop3A_124 step %parallel_loop3A_125  : i32 {
      %parallel_loop3A_162 = arith.constant 16 : i32
      %parallel_loop3A_163 = arith.muli %parallel_loop3A_161, %parallel_loop3A_162 : i32
      %parallel_loop3A_164 = arith.constant 0 : i32
      %parallel_loop3A_165 = arith.addi %parallel_loop3A_164, %parallel_loop3A_163 : i32
      %parallel_loop3A_166 = arith.index_cast %parallel_loop3A_165 : i32 to index
      %parallel_loop3A_167 = tpu.vector_load %arg5[%parallel_loop3A_166] {strides = array<i32>} : memref<512xi32, #tpu.memory_space<vmem>>, vector<16xi32>,
      %parallel_loop3A_168 = vector.shape_cast %parallel_loop3A_167 : vector<16xi32> to vector<16xi32>
      %parallel_loop3A_169 = vector.extract_strided_slice %parallel_loop3A_168 {offsets = [0], sizes = [1], strides = [1]} : vector<16xi32> to vector<1xi32>
      %parallel_loop3A_170 = vector.extract %parallel_loop3A_169[0] : i32 from vector<1xi32>
      %parallel_loop3A_171 = arith.constant 0 : i32
      %parallel_loop3A_172 = arith.cmpi eq, %parallel_loop3A_170, %parallel_loop3A_171 : i32
      %parallel_loop3A_173 = arith.constant 1 : i32
      %parallel_loop3A_174 = arith.cmpi eq, %parallel_loop3A_170, %parallel_loop3A_173 : i32
      %parallel_loop3A_175 = arith.constant 16 : i32
      %parallel_loop3A_176 = arith.muli %parallel_loop3A_161, %parallel_loop3A_175 : i32
      %parallel_loop3A_177 = arith.constant 0 : i32
      %parallel_loop3A_178 = arith.addi %parallel_loop3A_177, %parallel_loop3A_176 : i32
      %parallel_loop3A_179 = arith.constant 0 : i32
      %parallel_loop3A_180 = arith.addi %parallel_loop3A_178, %parallel_loop3A_179 : i32
      %parallel_loop3A_181 = arith.constant 128 : i32
      %parallel_loop3A_182 = arith.muli %parallel_loop3A_180, %parallel_loop3A_181 : i32
      %parallel_loop3A_183 = arith.select %parallel_loop3A_174, %get3A_48, %get3A_88 : vector<16xf32>
      %parallel_loop3A_184 = arith.select %parallel_loop3A_172, %get3A_8, %parallel_loop3A_183 : vector<16xf32>
      %parallel_loop3A_185 = arith.constant 0 : i32
      %parallel_loop3A_186 = arith.addi %parallel_loop3A_182, %parallel_loop3A_185 : i32
      %parallel_loop3A_187 = arith.index_cast %parallel_loop3A_186 : i32 to index
      %parallel_loop3A_188 = tpu.vector_load %arg7[%parallel_loop3A_187] {strides = array<i32>} : memref<65536xf32, #tpu.memory_space<vmem>>, vector<16xf32>,
      %parallel_loop3A_189 = vector.shape_cast %parallel_loop3A_188 : vector<16xf32> to vector<16xf32>
      %parallel_loop3A_190 = vector.shape_cast %parallel_loop3A_184 : vector<16xf32> to vector<16xf32>
      tpu.vector_store %arg7[%parallel_loop3A_187], %parallel_loop3A_190 {strides = array<i32>} : memref<65536xf32, #tpu.memory_space<vmem>>, vector<16xf32>,
      %parallel_loop3A_191 = arith.select %parallel_loop3A_174, %get3A_53, %get3A_93 : vector<16xf32>
      %parallel_loop3A_192 = arith.select %parallel_loop3A_172, %get3A_13, %parallel_loop3A_191 : vector<16xf32>
      %parallel_loop3A_193 = arith.constant 16 : i32
      %parallel_loop3A_194 = arith.addi %parallel_loop3A_182, %parallel_loop3A_193 : i32
      %parallel_loop3A_195 = arith.index_cast %parallel_loop3A_194 : i32 to index
      %parallel_loop3A_196 = tpu.vector_load %arg7[%parallel_loop3A_195] {strides = array<i32>} : memref<65536xf32, #tpu.memory_space<vmem>>, vector<16xf32>,
      %parallel_loop3A_197 = vector.shape_cast %parallel_loop3A_196 : vector<16xf32> to vector<16xf32>
      %parallel_loop3A_198 = vector.shape_cast %parallel_loop3A_192 : vector<16xf32> to vector<16xf32>
      tpu.vector_store %arg7[%parallel_loop3A_195], %parallel_loop3A_198 {strides = array<i32>} : memref<65536xf32, #tpu.memory_space<vmem>>, vector<16xf32>,
      %parallel_loop3A_199 = arith.select %parallel_loop3A_174, %get3A_58, %get3A_98 : vector<16xf32>
      %parallel_loop3A_200 = arith.select %parallel_loop3A_172, %get3A_18, %parallel_loop3A_199 : vector<16xf32>
      %parallel_loop3A_201 = arith.constant 32 : i32
      %parallel_loop3A_202 = arith.addi %parallel_loop3A_182, %parallel_loop3A_201 : i32
      %parallel_loop3A_203 = arith.index_cast %parallel_loop3A_202 : i32 to index
      %parallel_loop3A_204 = tpu.vector_load %arg7[%parallel_loop3A_203] {strides = array<i32>} : memref<65536xf32, #tpu.memory_space<vmem>>, vector<16xf32>,
      %parallel_loop3A_205 = vector.shape_cast %parallel_loop3A_204 : vector<16xf32> to vector<16xf32>
      %parallel_loop3A_206 = vector.shape_cast %parallel_loop3A_200 : vector<16xf32> to vector<16xf32>
      tpu.vector_store %arg7[%parallel_loop3A_203], %parallel_loop3A_206 {strides = array<i32>} : memref<65536xf32, #tpu.memory_space<vmem>>, vector<16xf32>,
      %parallel_loop3A_207 = arith.select %parallel_loop3A_174, %get3A_63, %get3A_103 : vector<16xf32>
      %parallel_loop3A_208 = arith.select %parallel_loop3A_172, %get3A_23, %parallel_loop3A_207 : vector<16xf32>
      %parallel_loop3A_209 = arith.constant 48 : i32
      %parallel_loop3A_210 = arith.addi %parallel_loop3A_182, %parallel_loop3A_209 : i32
      %parallel_loop3A_211 = arith.index_cast %parallel_loop3A_210 : i32 to index
      %parallel_loop3A_212 = tpu.vector_load %arg7[%parallel_loop3A_211] {strides = array<i32>} : memref<65536xf32, #tpu.memory_space<vmem>>, vector<16xf32>,
      %parallel_loop3A_213 = vector.shape_cast %parallel_loop3A_212 : vector<16xf32> to vector<16xf32>
      %parallel_loop3A_214 = vector.shape_cast %parallel_loop3A_208 : vector<16xf32> to vector<16xf32>
      tpu.vector_store %arg7[%parallel_loop3A_211], %parallel_loop3A_214 {strides = array<i32>} : memref<65536xf32, #tpu.memory_space<vmem>>, vector<16xf32>,
      %parallel_loop3A_215 = arith.select %parallel_loop3A_174, %get3A_68, %get3A_108 : vector<16xf32>
      %parallel_loop3A_216 = arith.select %parallel_loop3A_172, %get3A_28, %parallel_loop3A_215 : vector<16xf32>
      %parallel_loop3A_217 = arith.constant 64 : i32
      %parallel_loop3A_218 = arith.addi %parallel_loop3A_182, %parallel_loop3A_217 : i32
      %parallel_loop3A_219 = arith.index_cast %parallel_loop3A_218 : i32 to index
      %parallel_loop3A_220 = tpu.vector_load %arg7[%parallel_loop3A_219] {strides = array<i32>} : memref<65536xf32, #tpu.memory_space<vmem>>, vector<16xf32>,
      %parallel_loop3A_221 = vector.shape_cast %parallel_loop3A_220 : vector<16xf32> to vector<16xf32>
      %parallel_loop3A_222 = vector.shape_cast %parallel_loop3A_216 : vector<16xf32> to vector<16xf32>
      tpu.vector_store %arg7[%parallel_loop3A_219], %parallel_loop3A_222 {strides = array<i32>} : memref<65536xf32, #tpu.memory_space<vmem>>, vector<16xf32>,
      %parallel_loop3A_223 = arith.select %parallel_loop3A_174, %get3A_73, %get3A_113 : vector<16xf32>
      %parallel_loop3A_224 = arith.select %parallel_loop3A_172, %get3A_33, %parallel_loop3A_223 : vector<16xf32>
      %parallel_loop3A_225 = arith.constant 80 : i32
      %parallel_loop3A_226 = arith.addi %parallel_loop3A_182, %parallel_loop3A_225 : i32
      %parallel_loop3A_227 = arith.index_cast %parallel_loop3A_226 : i32 to index
      %parallel_loop3A_228 = tpu.vector_load %arg7[%parallel_loop3A_227] {strides = array<i32>} : memref<65536xf32, #tpu.memory_space<vmem>>, vector<16xf32>,
      %parallel_loop3A_229 = vector.shape_cast %parallel_loop3A_228 : vector<16xf32> to vector<16xf32>
      %parallel_loop3A_230 = vector.shape_cast %parallel_loop3A_224 : vector<16xf32> to vector<16xf32>
      tpu.vector_store %arg7[%parallel_loop3A_227], %parallel_loop3A_230 {strides = array<i32>} : memref<65536xf32, #tpu.memory_space<vmem>>, vector<16xf32>,
      %parallel_loop3A_231 = arith.select %parallel_loop3A_174, %get3A_78, %get3A_118 : vector<16xf32>
      %parallel_loop3A_232 = arith.select %parallel_loop3A_172, %get3A_38, %parallel_loop3A_231 : vector<16xf32>
      %parallel_loop3A_233 = arith.constant 96 : i32
      %parallel_loop3A_234 = arith.addi %parallel_loop3A_182, %parallel_loop3A_233 : i32
      %parallel_loop3A_235 = arith.index_cast %parallel_loop3A_234 : i32 to index
      %parallel_loop3A_236 = tpu.vector_load %arg7[%parallel_loop3A_235] {strides = array<i32>} : memref<65536xf32, #tpu.memory_space<vmem>>, vector<16xf32>,
      %parallel_loop3A_237 = vector.shape_cast %parallel_loop3A_236 : vector<16xf32> to vector<16xf32>
      %parallel_loop3A_238 = vector.shape_cast %parallel_loop3A_232 : vector<16xf32> to vector<16xf32>
      tpu.vector_store %arg7[%parallel_loop3A_235], %parallel_loop3A_238 {strides = array<i32>} : memref<65536xf32, #tpu.memory_space<vmem>>, vector<16xf32>,
      %parallel_loop3A_239 = arith.select %parallel_loop3A_174, %get3A_83, %get3A_123 : vector<16xf32>
      %parallel_loop3A_240 = arith.select %parallel_loop3A_172, %get3A_43, %parallel_loop3A_239 : vector<16xf32>
      %parallel_loop3A_241 = arith.constant 112 : i32
      %parallel_loop3A_242 = arith.addi %parallel_loop3A_182, %parallel_loop3A_241 : i32
      %parallel_loop3A_243 = arith.index_cast %parallel_loop3A_242 : i32 to index
      %parallel_loop3A_244 = tpu.vector_load %arg7[%parallel_loop3A_243] {strides = array<i32>} : memref<65536xf32, #tpu.memory_space<vmem>>, vector<16xf32>,
      %parallel_loop3A_245 = vector.shape_cast %parallel_loop3A_244 : vector<16xf32> to vector<16xf32>
      %parallel_loop3A_246 = vector.shape_cast %parallel_loop3A_240 : vector<16xf32> to vector<16xf32>
      tpu.vector_store %arg7[%parallel_loop3A_243], %parallel_loop3A_246 {strides = array<i32>} : memref<65536xf32, #tpu.memory_space<vmem>>, vector<16xf32>,
      %parallel_loop3A_247 = vector.extract_strided_slice %parallel_loop3A_168 {offsets = [1], sizes = [1], strides = [1]} : vector<16xi32> to vector<1xi32>
      %parallel_loop3A_248 = vector.extract %parallel_loop3A_247[0] : i32 from vector<1xi32>
      %parallel_loop3A_249 = arith.constant 0 : i32
      %parallel_loop3A_250 = arith.cmpi eq, %parallel_loop3A_248, %parallel_loop3A_249 : i32
      %parallel_loop3A_251 = arith.constant 1 : i32
      %parallel_loop3A_252 = arith.cmpi eq, %parallel_loop3A_248, %parallel_loop3A_251 : i32
      %parallel_loop3A_253 = arith.constant 16 : i32
      %parallel_loop3A_254 = arith.muli %parallel_loop3A_161, %parallel_loop3A_253 : i32
      %parallel_loop3A_255 = arith.constant 0 : i32
      %parallel_loop3A_256 = arith.addi %parallel_loop3A_255, %parallel_loop3A_254 : i32
      %parallel_loop3A_257 = arith.constant 1 : i32
      %parallel_loop3A_258 = arith.addi %parallel_loop3A_256, %parallel_loop3A_257 : i32
      %parallel_loop3A_259 = arith.constant 128 : i32
      %parallel_loop3A_260 = arith.muli %parallel_loop3A_258, %parallel_loop3A_259 : i32
      %parallel_loop3A_261 = arith.select %parallel_loop3A_252, %get3A_48, %get3A_88 : vector<16xf32>
      %parallel_loop3A_262 = arith.select %parallel_loop3A_250, %get3A_8, %parallel_loop3A_261 : vector<16xf32>
      %parallel_loop3A_263 = arith.constant 0 : i32
      %parallel_loop3A_264 = arith.addi %parallel_loop3A_260, %parallel_loop3A_263 : i32
      %parallel_loop3A_265 = arith.index_cast %parallel_loop3A_264 : i32 to index
      %parallel_loop3A_266 = tpu.vector_load %arg7[%parallel_loop3A_265] {strides = array<i32>} : memref<65536xf32, #tpu.memory_space<vmem>>, vector<16xf32>,
      %parallel_loop3A_267 = vector.shape_cast %parallel_loop3A_266 : vector<16xf32> to vector<16xf32>
      %parallel_loop3A_268 = vector.shape_cast %parallel_loop3A_262 : vector<16xf32> to vector<16xf32>
      tpu.vector_store %arg7[%parallel_loop3A_265], %parallel_loop3A_268 {strides = array<i32>} : memref<65536xf32, #tpu.memory_space<vmem>>, vector<16xf32>,
      %parallel_loop3A_269 = arith.select %parallel_loop3A_252, %get3A_53, %get3A_93 : vector<16xf32>
      %parallel_loop3A_270 = arith.select %parallel_loop3A_250, %get3A_13, %parallel_loop3A_269 : vector<16xf32>
      %parallel_loop3A_271 = arith.constant 16 : i32
      %parallel_loop3A_272 = arith.addi %parallel_loop3A_260, %parallel_loop3A_271 : i32
      %parallel_loop3A_273 = arith.index_cast %parallel_loop3A_272 : i32 to index
      %parallel_loop3A_274 = tpu.vector_load %arg7[%parallel_loop3A_273] {strides = array<i32>} : memref<65536xf32, #tpu.memory_space<vmem>>, vector<16xf32>,
      %parallel_loop3A_275 = vector.shape_cast %parallel_loop3A_274 : vector<16xf32> to vector<16xf32>
      %parallel_loop3A_276 = vector.shape_cast %parallel_loop3A_270 : vector<16xf32> to vector<16xf32>
      tpu.vector_store %arg7[%parallel_loop3A_273], %parallel_loop3A_276 {strides = array<i32>} : memref<65536xf32, #tpu.memory_space<vmem>>, vector<16xf32>,
      %parallel_loop3A_277 = arith.select %parallel_loop3A_252, %get3A_58, %get3A_98 : vector<16xf32>
      %parallel_loop3A_278 = arith.select %parallel_loop3A_250, %get3A_18, %parallel_loop3A_277 : vector<16xf32>
      %parallel_loop3A_279 = arith.constant 32 : i32
      %parallel_loop3A_280 = arith.addi %parallel_loop3A_260, %parallel_loop3A_279 : i32
      %parallel_loop3A_281 = arith.index_cast %parallel_loop3A_280 : i32 to index
      %parallel_loop3A_282 = tpu.vector_load %arg7[%parallel_loop3A_281] {strides = array<i32>} : memref<65536xf32, #tpu.memory_space<vmem>>, vector<16xf32>,
      %parallel_loop3A_283 = vector.shape_cast %parallel_loop3A_282 : vector<16xf32> to vector<16xf32>
      %parallel_loop3A_284 = vector.shape_cast %parallel_loop3A_278 : vector<16xf32> to vector<16xf32>
      tpu.vector_store %arg7[%parallel_loop3A_281], %parallel_loop3A_284 {strides = array<i32>} : memref<65536xf32, #tpu.memory_space<vmem>>, vector<16xf32>,
      %parallel_loop3A_285 = arith.select %parallel_loop3A_252, %get3A_63, %get3A_103 : vector<16xf32>
      %parallel_loop3A_286 = arith.select %parallel_loop3A_250, %get3A_23, %parallel_loop3A_285 : vector<16xf32>
      %parallel_loop3A_287 = arith.constant 48 : i32
      %parallel_loop3A_288 = arith.addi %parallel_loop3A_260, %parallel_loop3A_287 : i32
      %parallel_loop3A_289 = arith.index_cast %parallel_loop3A_288 : i32 to index
      %parallel_loop3A_290 = tpu.vector_load %arg7[%parallel_loop3A_289] {strides = array<i32>} : memref<65536xf32, #tpu.memory_space<vmem>>, vector<16xf32>,
      %parallel_loop3A_291 = vector.shape_cast %parallel_loop3A_290 : vector<16xf32> to vector<16xf32>
      %parallel_loop3A_292 = vector.shape_cast %parallel_loop3A_286 : vector<16xf32> to vector<16xf32>
      tpu.vector_store %arg7[%parallel_loop3A_289], %parallel_loop3A_292 {strides = array<i32>} : memref<65536xf32, #tpu.memory_space<vmem>>, vector<16xf32>,
      %parallel_loop3A_293 = arith.select %parallel_loop3A_252, %get3A_68, %get3A_108 : vector<16xf32>
      %parallel_loop3A_294 = arith.select %parallel_loop3A_250, %get3A_28, %parallel_loop3A_293 : vector<16xf32>
      %parallel_loop3A_295 = arith.constant 64 : i32
      %parallel_loop3A_296 = arith.addi %parallel_loop3A_260, %parallel_loop3A_295 : i32
      %parallel_loop3A_297 = arith.index_cast %parallel_loop3A_296 : i32 to index
      %parallel_loop3A_298 = tpu.vector_load %arg7[%parallel_loop3A_297] {strides = array<i32>} : memref<65536xf32, #tpu.memory_space<vmem>>, vector<16xf32>,
      %parallel_loop3A_299 = vector.shape_cast %parallel_loop3A_298 : vector<16xf32> to vector<16xf32>
      %parallel_loop3A_300 = vector.shape_cast %parallel_loop3A_294 : vector<16xf32> to vector<16xf32>
      tpu.vector_store %arg7[%parallel_loop3A_297], %parallel_loop3A_300 {strides = array<i32>} : memref<65536xf32, #tpu.memory_space<vmem>>, vector<16xf32>,
      %parallel_loop3A_301 = arith.select %parallel_loop3A_252, %get3A_73, %get3A_113 : vector<16xf32>
      %parallel_loop3A_302 = arith.select %parallel_loop3A_250, %get3A_33, %parallel_loop3A_301 : vector<16xf32>
      %parallel_loop3A_303 = arith.constant 80 : i32
      %parallel_loop3A_304 = arith.addi %parallel_loop3A_260, %parallel_loop3A_303 : i32
      %parallel_loop3A_305 = arith.index_cast %parallel_loop3A_304 : i32 to index
      %parallel_loop3A_306 = tpu.vector_load %arg7[%parallel_loop3A_305] {strides = array<i32>} : memref<65536xf32, #tpu.memory_space<vmem>>, vector<16xf32>,
      %parallel_loop3A_307 = vector.shape_cast %parallel_loop3A_306 : vector<16xf32> to vector<16xf32>
      %parallel_loop3A_308 = vector.shape_cast %parallel_loop3A_302 : vector<16xf32> to vector<16xf32>
      tpu.vector_store %arg7[%parallel_loop3A_305], %parallel_loop3A_308 {strides = array<i32>} : memref<65536xf32, #tpu.memory_space<vmem>>, vector<16xf32>,
      %parallel_loop3A_309 = arith.select %parallel_loop3A_252, %get3A_78, %get3A_118 : vector<16xf32>
      %parallel_loop3A_310 = arith.select %parallel_loop3A_250, %get3A_38, %parallel_loop3A_309 : vector<16xf32>
      %parallel_loop3A_311 = arith.constant 96 : i32
      %parallel_loop3A_312 = arith.addi %parallel_loop3A_260, %parallel_loop3A_311 : i32
      %parallel_loop3A_313 = arith.index_cast %parallel_loop3A_312 : i32 to index
      %parallel_loop3A_314 = tpu.vector_load %arg7[%parallel_loop3A_313] {strides = array<i32>} : memref<65536xf32, #tpu.memory_space<vmem>>, vector<16xf32>,
      %parallel_loop3A_315 = vector.shape_cast %parallel_loop3A_314 : vector<16xf32> to vector<16xf32>
      %parallel_loop3A_316 = vector.shape_cast %parallel_loop3A_310 : vector<16xf32> to vector<16xf32>
      tpu.vector_store %arg7[%parallel_loop3A_313], %parallel_loop3A_316 {strides = array<i32>} : memref<65536xf32, #tpu.memory_space<vmem>>, vector<16xf32>,
      %parallel_loop3A_317 = arith.select %parallel_loop3A_252, %get3A_83, %get3A_123 : vector<16xf32>
      %parallel_loop3A_318 = arith.select %parallel_loop3A_250, %get3A_43, %parallel_loop3A_317 : vector<16xf32>
      %parallel_loop3A_319 = arith.constant 112 : i32
      %parallel_loop3A_320 = arith.addi %parallel_loop3A_260, %parallel_loop3A_319 : i32
      %parallel_loop3A_321 = arith.index_cast %parallel_loop3A_320 : i32 to index
      %parallel_loop3A_322 = tpu.vector_load %arg7[%parallel_loop3A_321] {strides = array<i32>} : memref<65536xf32, #tpu.memory_space<vmem>>, vector<16xf32>,
      %parallel_loop3A_323 = vector.shape_cast %parallel_loop3A_322 : vector<16xf32> to vector<16xf32>
      %parallel_loop3A_324 = vector.shape_cast %parallel_loop3A_318 : vector<16xf32> to vector<16xf32>
      tpu.vector_store %arg7[%parallel_loop3A_321], %parallel_loop3A_324 {strides = array<i32>} : memref<65536xf32, #tpu.memory_space<vmem>>, vector<16xf32>,
      %parallel_loop3A_325 = vector.extract_strided_slice %parallel_loop3A_168 {offsets = [2], sizes = [1], strides = [1]} : vector<16xi32> to vector<1xi32>
      %parallel_loop3A_326 = vector.extract %parallel_loop3A_325[0] : i32 from vector<1xi32>
      %parallel_loop3A_327 = arith.constant 0 : i32
      %parallel_loop3A_328 = arith.cmpi eq, %parallel_loop3A_326, %parallel_loop3A_327 : i32
      %parallel_loop3A_329 = arith.constant 1 : i32
      %parallel_loop3A_330 = arith.cmpi eq, %parallel_loop3A_326, %parallel_loop3A_329 : i32
      %parallel_loop3A_331 = arith.constant 16 : i32
      %parallel_loop3A_332 = arith.muli %parallel_loop3A_161, %parallel_loop3A_331 : i32
      %parallel_loop3A_333 = arith.constant 0 : i32
      %parallel_loop3A_334 = arith.addi %parallel_loop3A_333, %parallel_loop3A_332 : i32
      %parallel_loop3A_335 = arith.constant 2 : i32
      %parallel_loop3A_336 = arith.addi %parallel_loop3A_334, %parallel_loop3A_335 : i32
      %parallel_loop3A_337 = arith.constant 128 : i32
      %parallel_loop3A_338 = arith.muli %parallel_loop3A_336, %parallel_loop3A_337 : i32
      %parallel_loop3A_339 = arith.select %parallel_loop3A_330, %get3A_48, %get3A_88 : vector<16xf32>
      %parallel_loop3A_340 = arith.select %parallel_loop3A_328, %get3A_8, %parallel_loop3A_339 : vector<16xf32>
      %parallel_loop3A_341 = arith.constant 0 : i32
      %parallel_loop3A_342 = arith.addi %parallel_loop3A_338, %parallel_loop3A_341 : i32
      %parallel_loop3A_343 = arith.index_cast %parallel_loop3A_342 : i32 to index
      %parallel_loop3A_344 = tpu.vector_load %arg7[%parallel_loop3A_343] {strides = array<i32>} : memref<65536xf32, #tpu.memory_space<vmem>>, vector<16xf32>,
      %parallel_loop3A_345 = vector.shape_cast %parallel_loop3A_344 : vector<16xf32> to vector<16xf32>
      %parallel_loop3A_346 = vector.shape_cast %parallel_loop3A_340 : vector<16xf32> to vector<16xf32>
      tpu.vector_store %arg7[%parallel_loop3A_343], %parallel_loop3A_346 {strides = array<i32>} : memref<65536xf32, #tpu.memory_space<vmem>>, vector<16xf32>,
      %parallel_loop3A_347 = arith.select %parallel_loop3A_330, %get3A_53, %get3A_93 : vector<16xf32>
      %parallel_loop3A_348 = arith.select %parallel_loop3A_328, %get3A_13, %parallel_loop3A_347 : vector<16xf32>
      %parallel_loop3A_349 = arith.constant 16 : i32
      %parallel_loop3A_350 = arith.addi %parallel_loop3A_338, %parallel_loop3A_349 : i32
      %parallel_loop3A_351 = arith.index_cast %parallel_loop3A_350 : i32 to index
      %parallel_loop3A_352 = tpu.vector_load %arg7[%parallel_loop3A_351] {strides = array<i32>} : memref<65536xf32, #tpu.memory_space<vmem>>, vector<16xf32>,
      %parallel_loop3A_353 = vector.shape_cast %parallel_loop3A_352 : vector<16xf32> to vector<16xf32>
      %parallel_loop3A_354 = vector.shape_cast %parallel_loop3A_348 : vector<16xf32> to vector<16xf32>
      tpu.vector_store %arg7[%parallel_loop3A_351], %parallel_loop3A_354 {strides = array<i32>} : memref<65536xf32, #tpu.memory_space<vmem>>, vector<16xf32>,
      %parallel_loop3A_355 = arith.select %parallel_loop3A_330, %get3A_58, %get3A_98 : vector<16xf32>
      %parallel_loop3A_356 = arith.select %parallel_loop3A_328, %get3A_18, %parallel_loop3A_355 : vector<16xf32>
      %parallel_loop3A_357 = arith.constant 32 : i32
      %parallel_loop3A_358 = arith.addi %parallel_loop3A_338, %parallel_loop3A_357 : i32
      %parallel_loop3A_359 = arith.index_cast %parallel_loop3A_358 : i32 to index
      %parallel_loop3A_360 = tpu.vector_load %arg7[%parallel_loop3A_359] {strides = array<i32>} : memref<65536xf32, #tpu.memory_space<vmem>>, vector<16xf32>,
      %parallel_loop3A_361 = vector.shape_cast %parallel_loop3A_360 : vector<16xf32> to vector<16xf32>
      %parallel_loop3A_362 = vector.shape_cast %parallel_loop3A_356 : vector<16xf32> to vector<16xf32>
      tpu.vector_store %arg7[%parallel_loop3A_359], %parallel_loop3A_362 {strides = array<i32>} : memref<65536xf32, #tpu.memory_space<vmem>>, vector<16xf32>,
      %parallel_loop3A_363 = arith.select %parallel_loop3A_330, %get3A_63, %get3A_103 : vector<16xf32>
      %parallel_loop3A_364 = arith.select %parallel_loop3A_328, %get3A_23, %parallel_loop3A_363 : vector<16xf32>
      %parallel_loop3A_365 = arith.constant 48 : i32
      %parallel_loop3A_366 = arith.addi %parallel_loop3A_338, %parallel_loop3A_365 : i32
      %parallel_loop3A_367 = arith.index_cast %parallel_loop3A_366 : i32 to index
      %parallel_loop3A_368 = tpu.vector_load %arg7[%parallel_loop3A_367] {strides = array<i32>} : memref<65536xf32, #tpu.memory_space<vmem>>, vector<16xf32>,
      %parallel_loop3A_369 = vector.shape_cast %parallel_loop3A_368 : vector<16xf32> to vector<16xf32>
      %parallel_loop3A_370 = vector.shape_cast %parallel_loop3A_364 : vector<16xf32> to vector<16xf32>
      tpu.vector_store %arg7[%parallel_loop3A_367], %parallel_loop3A_370 {strides = array<i32>} : memref<65536xf32, #tpu.memory_space<vmem>>, vector<16xf32>,
      %parallel_loop3A_371 = arith.select %parallel_loop3A_330, %get3A_68, %get3A_108 : vector<16xf32>
      %parallel_loop3A_372 = arith.select %parallel_loop3A_328, %get3A_28, %parallel_loop3A_371 : vector<16xf32>
      %parallel_loop3A_373 = arith.constant 64 : i32
      %parallel_loop3A_374 = arith.addi %parallel_loop3A_338, %parallel_loop3A_373 : i32
      %parallel_loop3A_375 = arith.index_cast %parallel_loop3A_374 : i32 to index
      %parallel_loop3A_376 = tpu.vector_load %arg7[%parallel_loop3A_375] {strides = array<i32>} : memref<65536xf32, #tpu.memory_space<vmem>>, vector<16xf32>,
      %parallel_loop3A_377 = vector.shape_cast %parallel_loop3A_376 : vector<16xf32> to vector<16xf32>
      %parallel_loop3A_378 = vector.shape_cast %parallel_loop3A_372 : vector<16xf32> to vector<16xf32>
      tpu.vector_store %arg7[%parallel_loop3A_375], %parallel_loop3A_378 {strides = array<i32>} : memref<65536xf32, #tpu.memory_space<vmem>>, vector<16xf32>,
      %parallel_loop3A_379 = arith.select %parallel_loop3A_330, %get3A_73, %get3A_113 : vector<16xf32>
      %parallel_loop3A_380 = arith.select %parallel_loop3A_328, %get3A_33, %parallel_loop3A_379 : vector<16xf32>
      %parallel_loop3A_381 = arith.constant 80 : i32
      %parallel_loop3A_382 = arith.addi %parallel_loop3A_338, %parallel_loop3A_381 : i32
      %parallel_loop3A_383 = arith.index_cast %parallel_loop3A_382 : i32 to index
      %parallel_loop3A_384 = tpu.vector_load %arg7[%parallel_loop3A_383] {strides = array<i32>} : memref<65536xf32, #tpu.memory_space<vmem>>, vector<16xf32>,
      %parallel_loop3A_385 = vector.shape_cast %parallel_loop3A_384 : vector<16xf32> to vector<16xf32>
      %parallel_loop3A_386 = vector.shape_cast %parallel_loop3A_380 : vector<16xf32> to vector<16xf32>
      tpu.vector_store %arg7[%parallel_loop3A_383], %parallel_loop3A_386 {strides = array<i32>} : memref<65536xf32, #tpu.memory_space<vmem>>, vector<16xf32>,
      %parallel_loop3A_387 = arith.select %parallel_loop3A_330, %get3A_78, %get3A_118 : vector<16xf32>
      %parallel_loop3A_388 = arith.select %parallel_loop3A_328, %get3A_38, %parallel_loop3A_387 : vector<16xf32>
      %parallel_loop3A_389 = arith.constant 96 : i32
      %parallel_loop3A_390 = arith.addi %parallel_loop3A_338, %parallel_loop3A_389 : i32
      %parallel_loop3A_391 = arith.index_cast %parallel_loop3A_390 : i32 to index
      %parallel_loop3A_392 = tpu.vector_load %arg7[%parallel_loop3A_391] {strides = array<i32>} : memref<65536xf32, #tpu.memory_space<vmem>>, vector<16xf32>,
      %parallel_loop3A_393 = vector.shape_cast %parallel_loop3A_392 : vector<16xf32> to vector<16xf32>
      %parallel_loop3A_394 = vector.shape_cast %parallel_loop3A_388 : vector<16xf32> to vector<16xf32>
      tpu.vector_store %arg7[%parallel_loop3A_391], %parallel_loop3A_394 {strides = array<i32>} : memref<65536xf32, #tpu.memory_space<vmem>>, vector<16xf32>,
      %parallel_loop3A_395 = arith.select %parallel_loop3A_330, %get3A_83, %get3A_123 : vector<16xf32>
      %parallel_loop3A_396 = arith.select %parallel_loop3A_328, %get3A_43, %parallel_loop3A_395 : vector<16xf32>
      %parallel_loop3A_397 = arith.constant 112 : i32
      %parallel_loop3A_398 = arith.addi %parallel_loop3A_338, %parallel_loop3A_397 : i32
      %parallel_loop3A_399 = arith.index_cast %parallel_loop3A_398 : i32 to index
      %parallel_loop3A_400 = tpu.vector_load %arg7[%parallel_loop3A_399] {strides = array<i32>} : memref<65536xf32, #tpu.memory_space<vmem>>, vector<16xf32>,
      %parallel_loop3A_401 = vector.shape_cast %parallel_loop3A_400 : vector<16xf32> to vector<16xf32>
      %parallel_loop3A_402 = vector.shape_cast %parallel_loop3A_396 : vector<16xf32> to vector<16xf32>
      tpu.vector_store %arg7[%parallel_loop3A_399], %parallel_loop3A_402 {strides = array<i32>} : memref<65536xf32, #tpu.memory_space<vmem>>, vector<16xf32>,
      %parallel_loop3A_403 = vector.extract_strided_slice %parallel_loop3A_168 {offsets = [3], sizes = [1], strides = [1]} : vector<16xi32> to vector<1xi32>
      %parallel_loop3A_404 = vector.extract %parallel_loop3A_403[0] : i32 from vector<1xi32>
      %parallel_loop3A_405 = arith.constant 0 : i32
      %parallel_loop3A_406 = arith.cmpi eq, %parallel_loop3A_404, %parallel_loop3A_405 : i32
      %parallel_loop3A_407 = arith.constant 1 : i32
      %parallel_loop3A_408 = arith.cmpi eq, %parallel_loop3A_404, %parallel_loop3A_407 : i32
      %parallel_loop3A_409 = arith.constant 16 : i32
      %parallel_loop3A_410 = arith.muli %parallel_loop3A_161, %parallel_loop3A_409 : i32
      %parallel_loop3A_411 = arith.constant 0 : i32
      %parallel_loop3A_412 = arith.addi %parallel_loop3A_411, %parallel_loop3A_410 : i32
      %parallel_loop3A_413 = arith.constant 3 : i32
      %parallel_loop3A_414 = arith.addi %parallel_loop3A_412, %parallel_loop3A_413 : i32
      %parallel_loop3A_415 = arith.constant 128 : i32
      %parallel_loop3A_416 = arith.muli %parallel_loop3A_414, %parallel_loop3A_415 : i32
      %parallel_loop3A_417 = arith.select %parallel_loop3A_408, %get3A_48, %get3A_88 : vector<16xf32>
      %parallel_loop3A_418 = arith.select %parallel_loop3A_406, %get3A_8, %parallel_loop3A_417 : vector<16xf32>
      %parallel_loop3A_419 = arith.constant 0 : i32
      %parallel_loop3A_420 = arith.addi %parallel_loop3A_416, %parallel_loop3A_419 : i32
      %parallel_loop3A_421 = arith.index_cast %parallel_loop3A_420 : i32 to index
      %parallel_loop3A_422 = tpu.vector_load %arg7[%parallel_loop3A_421] {strides = array<i32>} : memref<65536xf32, #tpu.memory_space<vmem>>, vector<16xf32>,
      %parallel_loop3A_423 = vector.shape_cast %parallel_loop3A_422 : vector<16xf32> to vector<16xf32>
      %parallel_loop3A_424 = vector.shape_cast %parallel_loop3A_418 : vector<16xf32> to vector<16xf32>
      tpu.vector_store %arg7[%parallel_loop3A_421], %parallel_loop3A_424 {strides = array<i32>} : memref<65536xf32, #tpu.memory_space<vmem>>, vector<16xf32>,
      %parallel_loop3A_425 = arith.select %parallel_loop3A_408, %get3A_53, %get3A_93 : vector<16xf32>
      %parallel_loop3A_426 = arith.select %parallel_loop3A_406, %get3A_13, %parallel_loop3A_425 : vector<16xf32>
      %parallel_loop3A_427 = arith.constant 16 : i32
      %parallel_loop3A_428 = arith.addi %parallel_loop3A_416, %parallel_loop3A_427 : i32
      %parallel_loop3A_429 = arith.index_cast %parallel_loop3A_428 : i32 to index
      %parallel_loop3A_430 = tpu.vector_load %arg7[%parallel_loop3A_429] {strides = array<i32>} : memref<65536xf32, #tpu.memory_space<vmem>>, vector<16xf32>,
      %parallel_loop3A_431 = vector.shape_cast %parallel_loop3A_430 : vector<16xf32> to vector<16xf32>
      %parallel_loop3A_432 = vector.shape_cast %parallel_loop3A_426 : vector<16xf32> to vector<16xf32>
      tpu.vector_store %arg7[%parallel_loop3A_429], %parallel_loop3A_432 {strides = array<i32>} : memref<65536xf32, #tpu.memory_space<vmem>>, vector<16xf32>,
      %parallel_loop3A_433 = arith.select %parallel_loop3A_408, %get3A_58, %get3A_98 : vector<16xf32>
      %parallel_loop3A_434 = arith.select %parallel_loop3A_406, %get3A_18, %parallel_loop3A_433 : vector<16xf32>
      %parallel_loop3A_435 = arith.constant 32 : i32
      %parallel_loop3A_436 = arith.addi %parallel_loop3A_416, %parallel_loop3A_435 : i32
      %parallel_loop3A_437 = arith.index_cast %parallel_loop3A_436 : i32 to index
      %parallel_loop3A_438 = tpu.vector_load %arg7[%parallel_loop3A_437] {strides = array<i32>} : memref<65536xf32, #tpu.memory_space<vmem>>, vector<16xf32>,
      %parallel_loop3A_439 = vector.shape_cast %parallel_loop3A_438 : vector<16xf32> to vector<16xf32>
      %parallel_loop3A_440 = vector.shape_cast %parallel_loop3A_434 : vector<16xf32> to vector<16xf32>
      tpu.vector_store %arg7[%parallel_loop3A_437], %parallel_loop3A_440 {strides = array<i32>} : memref<65536xf32, #tpu.memory_space<vmem>>, vector<16xf32>,
      %parallel_loop3A_441 = arith.select %parallel_loop3A_408, %get3A_63, %get3A_103 : vector<16xf32>
      %parallel_loop3A_442 = arith.select %parallel_loop3A_406, %get3A_23, %parallel_loop3A_441 : vector<16xf32>
      %parallel_loop3A_443 = arith.constant 48 : i32
      %parallel_loop3A_444 = arith.addi %parallel_loop3A_416, %parallel_loop3A_443 : i32
      %parallel_loop3A_445 = arith.index_cast %parallel_loop3A_444 : i32 to index
      %parallel_loop3A_446 = tpu.vector_load %arg7[%parallel_loop3A_445] {strides = array<i32>} : memref<65536xf32, #tpu.memory_space<vmem>>, vector<16xf32>,
      %parallel_loop3A_447 = vector.shape_cast %parallel_loop3A_446 : vector<16xf32> to vector<16xf32>
      %parallel_loop3A_448 = vector.shape_cast %parallel_loop3A_442 : vector<16xf32> to vector<16xf32>
      tpu.vector_store %arg7[%parallel_loop3A_445], %parallel_loop3A_448 {strides = array<i32>} : memref<65536xf32, #tpu.memory_space<vmem>>, vector<16xf32>,
      %parallel_loop3A_449 = arith.select %parallel_loop3A_408, %get3A_68, %get3A_108 : vector<16xf32>
      %parallel_loop3A_450 = arith.select %parallel_loop3A_406, %get3A_28, %parallel_loop3A_449 : vector<16xf32>
      %parallel_loop3A_451 = arith.constant 64 : i32
      %parallel_loop3A_452 = arith.addi %parallel_loop3A_416, %parallel_loop3A_451 : i32
      %parallel_loop3A_453 = arith.index_cast %parallel_loop3A_452 : i32 to index
      %parallel_loop3A_454 = tpu.vector_load %arg7[%parallel_loop3A_453] {strides = array<i32>} : memref<65536xf32, #tpu.memory_space<vmem>>, vector<16xf32>,
      %parallel_loop3A_455 = vector.shape_cast %parallel_loop3A_454 : vector<16xf32> to vector<16xf32>
      %parallel_loop3A_456 = vector.shape_cast %parallel_loop3A_450 : vector<16xf32> to vector<16xf32>
      tpu.vector_store %arg7[%parallel_loop3A_453], %parallel_loop3A_456 {strides = array<i32>} : memref<65536xf32, #tpu.memory_space<vmem>>, vector<16xf32>,
      %parallel_loop3A_457 = arith.select %parallel_loop3A_408, %get3A_73, %get3A_113 : vector<16xf32>
      %parallel_loop3A_458 = arith.select %parallel_loop3A_406, %get3A_33, %parallel_loop3A_457 : vector<16xf32>
      %parallel_loop3A_459 = arith.constant 80 : i32
      %parallel_loop3A_460 = arith.addi %parallel_loop3A_416, %parallel_loop3A_459 : i32
      %parallel_loop3A_461 = arith.index_cast %parallel_loop3A_460 : i32 to index
      %parallel_loop3A_462 = tpu.vector_load %arg7[%parallel_loop3A_461] {strides = array<i32>} : memref<65536xf32, #tpu.memory_space<vmem>>, vector<16xf32>,
      %parallel_loop3A_463 = vector.shape_cast %parallel_loop3A_462 : vector<16xf32> to vector<16xf32>
      %parallel_loop3A_464 = vector.shape_cast %parallel_loop3A_458 : vector<16xf32> to vector<16xf32>
      tpu.vector_store %arg7[%parallel_loop3A_461], %parallel_loop3A_464 {strides = array<i32>} : memref<65536xf32, #tpu.memory_space<vmem>>, vector<16xf32>,
      %parallel_loop3A_465 = arith.select %parallel_loop3A_408, %get3A_78, %get3A_118 : vector<16xf32>
      %parallel_loop3A_466 = arith.select %parallel_loop3A_406, %get3A_38, %parallel_loop3A_465 : vector<16xf32>
      %parallel_loop3A_467 = arith.constant 96 : i32
      %parallel_loop3A_468 = arith.addi %parallel_loop3A_416, %parallel_loop3A_467 : i32
      %parallel_loop3A_469 = arith.index_cast %parallel_loop3A_468 : i32 to index
      %parallel_loop3A_470 = tpu.vector_load %arg7[%parallel_loop3A_469] {strides = array<i32>} : memref<65536xf32, #tpu.memory_space<vmem>>, vector<16xf32>,
      %parallel_loop3A_471 = vector.shape_cast %parallel_loop3A_470 : vector<16xf32> to vector<16xf32>
      %parallel_loop3A_472 = vector.shape_cast %parallel_loop3A_466 : vector<16xf32> to vector<16xf32>
      tpu.vector_store %arg7[%parallel_loop3A_469], %parallel_loop3A_472 {strides = array<i32>} : memref<65536xf32, #tpu.memory_space<vmem>>, vector<16xf32>,
      %parallel_loop3A_473 = arith.select %parallel_loop3A_408, %get3A_83, %get3A_123 : vector<16xf32>
      %parallel_loop3A_474 = arith.select %parallel_loop3A_406, %get3A_43, %parallel_loop3A_473 : vector<16xf32>
      %parallel_loop3A_475 = arith.constant 112 : i32
      %parallel_loop3A_476 = arith.addi %parallel_loop3A_416, %parallel_loop3A_475 : i32
      %parallel_loop3A_477 = arith.index_cast %parallel_loop3A_476 : i32 to index
      %parallel_loop3A_478 = tpu.vector_load %arg7[%parallel_loop3A_477] {strides = array<i32>} : memref<65536xf32, #tpu.memory_space<vmem>>, vector<16xf32>,
      %parallel_loop3A_479 = vector.shape_cast %parallel_loop3A_478 : vector<16xf32> to vector<16xf32>
      %parallel_loop3A_480 = vector.shape_cast %parallel_loop3A_474 : vector<16xf32> to vector<16xf32>
      tpu.vector_store %arg7[%parallel_loop3A_477], %parallel_loop3A_480 {strides = array<i32>} : memref<65536xf32, #tpu.memory_space<vmem>>, vector<16xf32>,
      %parallel_loop3A_481 = vector.extract_strided_slice %parallel_loop3A_168 {offsets = [4], sizes = [1], strides = [1]} : vector<16xi32> to vector<1xi32>
      %parallel_loop3A_482 = vector.extract %parallel_loop3A_481[0] : i32 from vector<1xi32>
      %parallel_loop3A_483 = arith.constant 0 : i32
      %parallel_loop3A_484 = arith.cmpi eq, %parallel_loop3A_482, %parallel_loop3A_483 : i32
      %parallel_loop3A_485 = arith.constant 1 : i32
      %parallel_loop3A_486 = arith.cmpi eq, %parallel_loop3A_482, %parallel_loop3A_485 : i32
      %parallel_loop3A_487 = arith.constant 16 : i32
      %parallel_loop3A_488 = arith.muli %parallel_loop3A_161, %parallel_loop3A_487 : i32
      %parallel_loop3A_489 = arith.constant 0 : i32
      %parallel_loop3A_490 = arith.addi %parallel_loop3A_489, %parallel_loop3A_488 : i32
      %parallel_loop3A_491 = arith.constant 4 : i32
      %parallel_loop3A_492 = arith.addi %parallel_loop3A_490, %parallel_loop3A_491 : i32
      %parallel_loop3A_493 = arith.constant 128 : i32
      %parallel_loop3A_494 = arith.muli %parallel_loop3A_492, %parallel_loop3A_493 : i32
      %parallel_loop3A_495 = arith.select %parallel_loop3A_486, %get3A_48, %get3A_88 : vector<16xf32>
      %parallel_loop3A_496 = arith.select %parallel_loop3A_484, %get3A_8, %parallel_loop3A_495 : vector<16xf32>
      %parallel_loop3A_497 = arith.constant 0 : i32
      %parallel_loop3A_498 = arith.addi %parallel_loop3A_494, %parallel_loop3A_497 : i32
      %parallel_loop3A_499 = arith.index_cast %parallel_loop3A_498 : i32 to index
      %parallel_loop3A_500 = tpu.vector_load %arg7[%parallel_loop3A_499] {strides = array<i32>} : memref<65536xf32, #tpu.memory_space<vmem>>, vector<16xf32>,
      %parallel_loop3A_501 = vector.shape_cast %parallel_loop3A_500 : vector<16xf32> to vector<16xf32>
      %parallel_loop3A_502 = vector.shape_cast %parallel_loop3A_496 : vector<16xf32> to vector<16xf32>
      tpu.vector_store %arg7[%parallel_loop3A_499], %parallel_loop3A_502 {strides = array<i32>} : memref<65536xf32, #tpu.memory_space<vmem>>, vector<16xf32>,
      %parallel_loop3A_503 = arith.select %parallel_loop3A_486, %get3A_53, %get3A_93 : vector<16xf32>
      %parallel_loop3A_504 = arith.select %parallel_loop3A_484, %get3A_13, %parallel_loop3A_503 : vector<16xf32>
      %parallel_loop3A_505 = arith.constant 16 : i32
      %parallel_loop3A_506 = arith.addi %parallel_loop3A_494, %parallel_loop3A_505 : i32
      %parallel_loop3A_507 = arith.index_cast %parallel_loop3A_506 : i32 to index
      %parallel_loop3A_508 = tpu.vector_load %arg7[%parallel_loop3A_507] {strides = array<i32>} : memref<65536xf32, #tpu.memory_space<vmem>>, vector<16xf32>,
      %parallel_loop3A_509 = vector.shape_cast %parallel_loop3A_508 : vector<16xf32> to vector<16xf32>
      %parallel_loop3A_510 = vector.shape_cast %parallel_loop3A_504 : vector<16xf32> to vector<16xf32>
      tpu.vector_store %arg7[%parallel_loop3A_507], %parallel_loop3A_510 {strides = array<i32>} : memref<65536xf32, #tpu.memory_space<vmem>>, vector<16xf32>,
      %parallel_loop3A_511 = arith.select %parallel_loop3A_486, %get3A_58, %get3A_98 : vector<16xf32>
      %parallel_loop3A_512 = arith.select %parallel_loop3A_484, %get3A_18, %parallel_loop3A_511 : vector<16xf32>
      %parallel_loop3A_513 = arith.constant 32 : i32
      %parallel_loop3A_514 = arith.addi %parallel_loop3A_494, %parallel_loop3A_513 : i32
      %parallel_loop3A_515 = arith.index_cast %parallel_loop3A_514 : i32 to index
      %parallel_loop3A_516 = tpu.vector_load %arg7[%parallel_loop3A_515] {strides = array<i32>} : memref<65536xf32, #tpu.memory_space<vmem>>, vector<16xf32>,
      %parallel_loop3A_517 = vector.shape_cast %parallel_loop3A_516 : vector<16xf32> to vector<16xf32>
      %parallel_loop3A_518 = vector.shape_cast %parallel_loop3A_512 : vector<16xf32> to vector<16xf32>
      tpu.vector_store %arg7[%parallel_loop3A_515], %parallel_loop3A_518 {strides = array<i32>} : memref<65536xf32, #tpu.memory_space<vmem>>, vector<16xf32>,
      %parallel_loop3A_519 = arith.select %parallel_loop3A_486, %get3A_63, %get3A_103 : vector<16xf32>
      %parallel_loop3A_520 = arith.select %parallel_loop3A_484, %get3A_23, %parallel_loop3A_519 : vector<16xf32>
      %parallel_loop3A_521 = arith.constant 48 : i32
      %parallel_loop3A_522 = arith.addi %parallel_loop3A_494, %parallel_loop3A_521 : i32
      %parallel_loop3A_523 = arith.index_cast %parallel_loop3A_522 : i32 to index
      %parallel_loop3A_524 = tpu.vector_load %arg7[%parallel_loop3A_523] {strides = array<i32>} : memref<65536xf32, #tpu.memory_space<vmem>>, vector<16xf32>,
      %parallel_loop3A_525 = vector.shape_cast %parallel_loop3A_524 : vector<16xf32> to vector<16xf32>
      %parallel_loop3A_526 = vector.shape_cast %parallel_loop3A_520 : vector<16xf32> to vector<16xf32>
      tpu.vector_store %arg7[%parallel_loop3A_523], %parallel_loop3A_526 {strides = array<i32>} : memref<65536xf32, #tpu.memory_space<vmem>>, vector<16xf32>,
      %parallel_loop3A_527 = arith.select %parallel_loop3A_486, %get3A_68, %get3A_108 : vector<16xf32>
      %parallel_loop3A_528 = arith.select %parallel_loop3A_484, %get3A_28, %parallel_loop3A_527 : vector<16xf32>
      %parallel_loop3A_529 = arith.constant 64 : i32
      %parallel_loop3A_530 = arith.addi %parallel_loop3A_494, %parallel_loop3A_529 : i32
      %parallel_loop3A_531 = arith.index_cast %parallel_loop3A_530 : i32 to index
      %parallel_loop3A_532 = tpu.vector_load %arg7[%parallel_loop3A_531] {strides = array<i32>} : memref<65536xf32, #tpu.memory_space<vmem>>, vector<16xf32>,
      %parallel_loop3A_533 = vector.shape_cast %parallel_loop3A_532 : vector<16xf32> to vector<16xf32>
      %parallel_loop3A_534 = vector.shape_cast %parallel_loop3A_528 : vector<16xf32> to vector<16xf32>
      tpu.vector_store %arg7[%parallel_loop3A_531], %parallel_loop3A_534 {strides = array<i32>} : memref<65536xf32, #tpu.memory_space<vmem>>, vector<16xf32>,
      %parallel_loop3A_535 = arith.select %parallel_loop3A_486, %get3A_73, %get3A_113 : vector<16xf32>
      %parallel_loop3A_536 = arith.select %parallel_loop3A_484, %get3A_33, %parallel_loop3A_535 : vector<16xf32>
      %parallel_loop3A_537 = arith.constant 80 : i32
      %parallel_loop3A_538 = arith.addi %parallel_loop3A_494, %parallel_loop3A_537 : i32
      %parallel_loop3A_539 = arith.index_cast %parallel_loop3A_538 : i32 to index
      %parallel_loop3A_540 = tpu.vector_load %arg7[%parallel_loop3A_539] {strides = array<i32>} : memref<65536xf32, #tpu.memory_space<vmem>>, vector<16xf32>,
      %parallel_loop3A_541 = vector.shape_cast %parallel_loop3A_540 : vector<16xf32> to vector<16xf32>
      %parallel_loop3A_542 = vector.shape_cast %parallel_loop3A_536 : vector<16xf32> to vector<16xf32>
      tpu.vector_store %arg7[%parallel_loop3A_539], %parallel_loop3A_542 {strides = array<i32>} : memref<65536xf32, #tpu.memory_space<vmem>>, vector<16xf32>,
      %parallel_loop3A_543 = arith.select %parallel_loop3A_486, %get3A_78, %get3A_118 : vector<16xf32>
      %parallel_loop3A_544 = arith.select %parallel_loop3A_484, %get3A_38, %parallel_loop3A_543 : vector<16xf32>
      %parallel_loop3A_545 = arith.constant 96 : i32
      %parallel_loop3A_546 = arith.addi %parallel_loop3A_494, %parallel_loop3A_545 : i32
      %parallel_loop3A_547 = arith.index_cast %parallel_loop3A_546 : i32 to index
      %parallel_loop3A_548 = tpu.vector_load %arg7[%parallel_loop3A_547] {strides = array<i32>} : memref<65536xf32, #tpu.memory_space<vmem>>, vector<16xf32>,
      %parallel_loop3A_549 = vector.shape_cast %parallel_loop3A_548 : vector<16xf32> to vector<16xf32>
      %parallel_loop3A_550 = vector.shape_cast %parallel_loop3A_544 : vector<16xf32> to vector<16xf32>
      tpu.vector_store %arg7[%parallel_loop3A_547], %parallel_loop3A_550 {strides = array<i32>} : memref<65536xf32, #tpu.memory_space<vmem>>, vector<16xf32>,
      %parallel_loop3A_551 = arith.select %parallel_loop3A_486, %get3A_83, %get3A_123 : vector<16xf32>
      %parallel_loop3A_552 = arith.select %parallel_loop3A_484, %get3A_43, %parallel_loop3A_551 : vector<16xf32>
      %parallel_loop3A_553 = arith.constant 112 : i32
      %parallel_loop3A_554 = arith.addi %parallel_loop3A_494, %parallel_loop3A_553 : i32
      %parallel_loop3A_555 = arith.index_cast %parallel_loop3A_554 : i32 to index
      %parallel_loop3A_556 = tpu.vector_load %arg7[%parallel_loop3A_555] {strides = array<i32>} : memref<65536xf32, #tpu.memory_space<vmem>>, vector<16xf32>,
      %parallel_loop3A_557 = vector.shape_cast %parallel_loop3A_556 : vector<16xf32> to vector<16xf32>
      %parallel_loop3A_558 = vector.shape_cast %parallel_loop3A_552 : vector<16xf32> to vector<16xf32>
      tpu.vector_store %arg7[%parallel_loop3A_555], %parallel_loop3A_558 {strides = array<i32>} : memref<65536xf32, #tpu.memory_space<vmem>>, vector<16xf32>,
      %parallel_loop3A_559 = vector.extract_strided_slice %parallel_loop3A_168 {offsets = [5], sizes = [1], strides = [1]} : vector<16xi32> to vector<1xi32>
      %parallel_loop3A_560 = vector.extract %parallel_loop3A_559[0] : i32 from vector<1xi32>
      %parallel_loop3A_561 = arith.constant 0 : i32
      %parallel_loop3A_562 = arith.cmpi eq, %parallel_loop3A_560, %parallel_loop3A_561 : i32
      %parallel_loop3A_563 = arith.constant 1 : i32
      %parallel_loop3A_564 = arith.cmpi eq, %parallel_loop3A_560, %parallel_loop3A_563 : i32
      %parallel_loop3A_565 = arith.constant 16 : i32
      %parallel_loop3A_566 = arith.muli %parallel_loop3A_161, %parallel_loop3A_565 : i32
      %parallel_loop3A_567 = arith.constant 0 : i32
      %parallel_loop3A_568 = arith.addi %parallel_loop3A_567, %parallel_loop3A_566 : i32
      %parallel_loop3A_569 = arith.constant 5 : i32
      %parallel_loop3A_570 = arith.addi %parallel_loop3A_568, %parallel_loop3A_569 : i32
      %parallel_loop3A_571 = arith.constant 128 : i32
      %parallel_loop3A_572 = arith.muli %parallel_loop3A_570, %parallel_loop3A_571 : i32
      %parallel_loop3A_573 = arith.select %parallel_loop3A_564, %get3A_48, %get3A_88 : vector<16xf32>
      %parallel_loop3A_574 = arith.select %parallel_loop3A_562, %get3A_8, %parallel_loop3A_573 : vector<16xf32>
      %parallel_loop3A_575 = arith.constant 0 : i32
      %parallel_loop3A_576 = arith.addi %parallel_loop3A_572, %parallel_loop3A_575 : i32
      %parallel_loop3A_577 = arith.index_cast %parallel_loop3A_576 : i32 to index
      %parallel_loop3A_578 = tpu.vector_load %arg7[%parallel_loop3A_577] {strides = array<i32>} : memref<65536xf32, #tpu.memory_space<vmem>>, vector<16xf32>,
      %parallel_loop3A_579 = vector.shape_cast %parallel_loop3A_578 : vector<16xf32> to vector<16xf32>
      %parallel_loop3A_580 = vector.shape_cast %parallel_loop3A_574 : vector<16xf32> to vector<16xf32>
      tpu.vector_store %arg7[%parallel_loop3A_577], %parallel_loop3A_580 {strides = array<i32>} : memref<65536xf32, #tpu.memory_space<vmem>>, vector<16xf32>,
      %parallel_loop3A_581 = arith.select %parallel_loop3A_564, %get3A_53, %get3A_93 : vector<16xf32>
      %parallel_loop3A_582 = arith.select %parallel_loop3A_562, %get3A_13, %parallel_loop3A_581 : vector<16xf32>
      %parallel_loop3A_583 = arith.constant 16 : i32
      %parallel_loop3A_584 = arith.addi %parallel_loop3A_572, %parallel_loop3A_583 : i32
      %parallel_loop3A_585 = arith.index_cast %parallel_loop3A_584 : i32 to index
      %parallel_loop3A_586 = tpu.vector_load %arg7[%parallel_loop3A_585] {strides = array<i32>} : memref<65536xf32, #tpu.memory_space<vmem>>, vector<16xf32>,
      %parallel_loop3A_587 = vector.shape_cast %parallel_loop3A_586 : vector<16xf32> to vector<16xf32>
      %parallel_loop3A_588 = vector.shape_cast %parallel_loop3A_582 : vector<16xf32> to vector<16xf32>
      tpu.vector_store %arg7[%parallel_loop3A_585], %parallel_loop3A_588 {strides = array<i32>} : memref<65536xf32, #tpu.memory_space<vmem>>, vector<16xf32>,
      %parallel_loop3A_589 = arith.select %parallel_loop3A_564, %get3A_58, %get3A_98 : vector<16xf32>
      %parallel_loop3A_590 = arith.select %parallel_loop3A_562, %get3A_18, %parallel_loop3A_589 : vector<16xf32>
      %parallel_loop3A_591 = arith.constant 32 : i32
      %parallel_loop3A_592 = arith.addi %parallel_loop3A_572, %parallel_loop3A_591 : i32
      %parallel_loop3A_593 = arith.index_cast %parallel_loop3A_592 : i32 to index
      %parallel_loop3A_594 = tpu.vector_load %arg7[%parallel_loop3A_593] {strides = array<i32>} : memref<65536xf32, #tpu.memory_space<vmem>>, vector<16xf32>,
      %parallel_loop3A_595 = vector.shape_cast %parallel_loop3A_594 : vector<16xf32> to vector<16xf32>
      %parallel_loop3A_596 = vector.shape_cast %parallel_loop3A_590 : vector<16xf32> to vector<16xf32>
      tpu.vector_store %arg7[%parallel_loop3A_593], %parallel_loop3A_596 {strides = array<i32>} : memref<65536xf32, #tpu.memory_space<vmem>>, vector<16xf32>,
      %parallel_loop3A_597 = arith.select %parallel_loop3A_564, %get3A_63, %get3A_103 : vector<16xf32>
      %parallel_loop3A_598 = arith.select %parallel_loop3A_562, %get3A_23, %parallel_loop3A_597 : vector<16xf32>
      %parallel_loop3A_599 = arith.constant 48 : i32
      %parallel_loop3A_600 = arith.addi %parallel_loop3A_572, %parallel_loop3A_599 : i32
      %parallel_loop3A_601 = arith.index_cast %parallel_loop3A_600 : i32 to index
      %parallel_loop3A_602 = tpu.vector_load %arg7[%parallel_loop3A_601] {strides = array<i32>} : memref<65536xf32, #tpu.memory_space<vmem>>, vector<16xf32>,
      %parallel_loop3A_603 = vector.shape_cast %parallel_loop3A_602 : vector<16xf32> to vector<16xf32>
      %parallel_loop3A_604 = vector.shape_cast %parallel_loop3A_598 : vector<16xf32> to vector<16xf32>
      tpu.vector_store %arg7[%parallel_loop3A_601], %parallel_loop3A_604 {strides = array<i32>} : memref<65536xf32, #tpu.memory_space<vmem>>, vector<16xf32>,
      %parallel_loop3A_605 = arith.select %parallel_loop3A_564, %get3A_68, %get3A_108 : vector<16xf32>
      %parallel_loop3A_606 = arith.select %parallel_loop3A_562, %get3A_28, %parallel_loop3A_605 : vector<16xf32>
      %parallel_loop3A_607 = arith.constant 64 : i32
      %parallel_loop3A_608 = arith.addi %parallel_loop3A_572, %parallel_loop3A_607 : i32
      %parallel_loop3A_609 = arith.index_cast %parallel_loop3A_608 : i32 to index
      %parallel_loop3A_610 = tpu.vector_load %arg7[%parallel_loop3A_609] {strides = array<i32>} : memref<65536xf32, #tpu.memory_space<vmem>>, vector<16xf32>,
      %parallel_loop3A_611 = vector.shape_cast %parallel_loop3A_610 : vector<16xf32> to vector<16xf32>
      %parallel_loop3A_612 = vector.shape_cast %parallel_loop3A_606 : vector<16xf32> to vector<16xf32>
      tpu.vector_store %arg7[%parallel_loop3A_609], %parallel_loop3A_612 {strides = array<i32>} : memref<65536xf32, #tpu.memory_space<vmem>>, vector<16xf32>,
      %parallel_loop3A_613 = arith.select %parallel_loop3A_564, %get3A_73, %get3A_113 : vector<16xf32>
      %parallel_loop3A_614 = arith.select %parallel_loop3A_562, %get3A_33, %parallel_loop3A_613 : vector<16xf32>
      %parallel_loop3A_615 = arith.constant 80 : i32
      %parallel_loop3A_616 = arith.addi %parallel_loop3A_572, %parallel_loop3A_615 : i32
      %parallel_loop3A_617 = arith.index_cast %parallel_loop3A_616 : i32 to index
      %parallel_loop3A_618 = tpu.vector_load %arg7[%parallel_loop3A_617] {strides = array<i32>} : memref<65536xf32, #tpu.memory_space<vmem>>, vector<16xf32>,
      %parallel_loop3A_619 = vector.shape_cast %parallel_loop3A_618 : vector<16xf32> to vector<16xf32>
      %parallel_loop3A_620 = vector.shape_cast %parallel_loop3A_614 : vector<16xf32> to vector<16xf32>
      tpu.vector_store %arg7[%parallel_loop3A_617], %parallel_loop3A_620 {strides = array<i32>} : memref<65536xf32, #tpu.memory_space<vmem>>, vector<16xf32>,
      %parallel_loop3A_621 = arith.select %parallel_loop3A_564, %get3A_78, %get3A_118 : vector<16xf32>
      %parallel_loop3A_622 = arith.select %parallel_loop3A_562, %get3A_38, %parallel_loop3A_621 : vector<16xf32>
      %parallel_loop3A_623 = arith.constant 96 : i32
      %parallel_loop3A_624 = arith.addi %parallel_loop3A_572, %parallel_loop3A_623 : i32
      %parallel_loop3A_625 = arith.index_cast %parallel_loop3A_624 : i32 to index
      %parallel_loop3A_626 = tpu.vector_load %arg7[%parallel_loop3A_625] {strides = array<i32>} : memref<65536xf32, #tpu.memory_space<vmem>>, vector<16xf32>,
      %parallel_loop3A_627 = vector.shape_cast %parallel_loop3A_626 : vector<16xf32> to vector<16xf32>
      %parallel_loop3A_628 = vector.shape_cast %parallel_loop3A_622 : vector<16xf32> to vector<16xf32>
      tpu.vector_store %arg7[%parallel_loop3A_625], %parallel_loop3A_628 {strides = array<i32>} : memref<65536xf32, #tpu.memory_space<vmem>>, vector<16xf32>,
      %parallel_loop3A_629 = arith.select %parallel_loop3A_564, %get3A_83, %get3A_123 : vector<16xf32>
      %parallel_loop3A_630 = arith.select %parallel_loop3A_562, %get3A_43, %parallel_loop3A_629 : vector<16xf32>
      %parallel_loop3A_631 = arith.constant 112 : i32
      %parallel_loop3A_632 = arith.addi %parallel_loop3A_572, %parallel_loop3A_631 : i32
      %parallel_loop3A_633 = arith.index_cast %parallel_loop3A_632 : i32 to index
      %parallel_loop3A_634 = tpu.vector_load %arg7[%parallel_loop3A_633] {strides = array<i32>} : memref<65536xf32, #tpu.memory_space<vmem>>, vector<16xf32>,
      %parallel_loop3A_635 = vector.shape_cast %parallel_loop3A_634 : vector<16xf32> to vector<16xf32>
      %parallel_loop3A_636 = vector.shape_cast %parallel_loop3A_630 : vector<16xf32> to vector<16xf32>
      tpu.vector_store %arg7[%parallel_loop3A_633], %parallel_loop3A_636 {strides = array<i32>} : memref<65536xf32, #tpu.memory_space<vmem>>, vector<16xf32>,
      %parallel_loop3A_637 = vector.extract_strided_slice %parallel_loop3A_168 {offsets = [6], sizes = [1], strides = [1]} : vector<16xi32> to vector<1xi32>
      %parallel_loop3A_638 = vector.extract %parallel_loop3A_637[0] : i32 from vector<1xi32>
      %parallel_loop3A_639 = arith.constant 0 : i32
      %parallel_loop3A_640 = arith.cmpi eq, %parallel_loop3A_638, %parallel_loop3A_639 : i32
      %parallel_loop3A_641 = arith.constant 1 : i32
      %parallel_loop3A_642 = arith.cmpi eq, %parallel_loop3A_638, %parallel_loop3A_641 : i32
      %parallel_loop3A_643 = arith.constant 16 : i32
      %parallel_loop3A_644 = arith.muli %parallel_loop3A_161, %parallel_loop3A_643 : i32
      %parallel_loop3A_645 = arith.constant 0 : i32
      %parallel_loop3A_646 = arith.addi %parallel_loop3A_645, %parallel_loop3A_644 : i32
      %parallel_loop3A_647 = arith.constant 6 : i32
      %parallel_loop3A_648 = arith.addi %parallel_loop3A_646, %parallel_loop3A_647 : i32
      %parallel_loop3A_649 = arith.constant 128 : i32
      %parallel_loop3A_650 = arith.muli %parallel_loop3A_648, %parallel_loop3A_649 : i32
      %parallel_loop3A_651 = arith.select %parallel_loop3A_642, %get3A_48, %get3A_88 : vector<16xf32>
      %parallel_loop3A_652 = arith.select %parallel_loop3A_640, %get3A_8, %parallel_loop3A_651 : vector<16xf32>
      %parallel_loop3A_653 = arith.constant 0 : i32
      %parallel_loop3A_654 = arith.addi %parallel_loop3A_650, %parallel_loop3A_653 : i32
      %parallel_loop3A_655 = arith.index_cast %parallel_loop3A_654 : i32 to index
      %parallel_loop3A_656 = tpu.vector_load %arg7[%parallel_loop3A_655] {strides = array<i32>} : memref<65536xf32, #tpu.memory_space<vmem>>, vector<16xf32>,
      %parallel_loop3A_657 = vector.shape_cast %parallel_loop3A_656 : vector<16xf32> to vector<16xf32>
      %parallel_loop3A_658 = vector.shape_cast %parallel_loop3A_652 : vector<16xf32> to vector<16xf32>
      tpu.vector_store %arg7[%parallel_loop3A_655], %parallel_loop3A_658 {strides = array<i32>} : memref<65536xf32, #tpu.memory_space<vmem>>, vector<16xf32>,
      %parallel_loop3A_659 = arith.select %parallel_loop3A_642, %get3A_53, %get3A_93 : vector<16xf32>
      %parallel_loop3A_660 = arith.select %parallel_loop3A_640, %get3A_13, %parallel_loop3A_659 : vector<16xf32>
      %parallel_loop3A_661 = arith.constant 16 : i32
      %parallel_loop3A_662 = arith.addi %parallel_loop3A_650, %parallel_loop3A_661 : i32
      %parallel_loop3A_663 = arith.index_cast %parallel_loop3A_662 : i32 to index
      %parallel_loop3A_664 = tpu.vector_load %arg7[%parallel_loop3A_663] {strides = array<i32>} : memref<65536xf32, #tpu.memory_space<vmem>>, vector<16xf32>,
      %parallel_loop3A_665 = vector.shape_cast %parallel_loop3A_664 : vector<16xf32> to vector<16xf32>
      %parallel_loop3A_666 = vector.shape_cast %parallel_loop3A_660 : vector<16xf32> to vector<16xf32>
      tpu.vector_store %arg7[%parallel_loop3A_663], %parallel_loop3A_666 {strides = array<i32>} : memref<65536xf32, #tpu.memory_space<vmem>>, vector<16xf32>,
      %parallel_loop3A_667 = arith.select %parallel_loop3A_642, %get3A_58, %get3A_98 : vector<16xf32>
      %parallel_loop3A_668 = arith.select %parallel_loop3A_640, %get3A_18, %parallel_loop3A_667 : vector<16xf32>
      %parallel_loop3A_669 = arith.constant 32 : i32
      %parallel_loop3A_670 = arith.addi %parallel_loop3A_650, %parallel_loop3A_669 : i32
      %parallel_loop3A_671 = arith.index_cast %parallel_loop3A_670 : i32 to index
      %parallel_loop3A_672 = tpu.vector_load %arg7[%parallel_loop3A_671] {strides = array<i32>} : memref<65536xf32, #tpu.memory_space<vmem>>, vector<16xf32>,
      %parallel_loop3A_673 = vector.shape_cast %parallel_loop3A_672 : vector<16xf32> to vector<16xf32>
      %parallel_loop3A_674 = vector.shape_cast %parallel_loop3A_668 : vector<16xf32> to vector<16xf32>
      tpu.vector_store %arg7[%parallel_loop3A_671], %parallel_loop3A_674 {strides = array<i32>} : memref<65536xf32, #tpu.memory_space<vmem>>, vector<16xf32>,
      %parallel_loop3A_675 = arith.select %parallel_loop3A_642, %get3A_63, %get3A_103 : vector<16xf32>
      %parallel_loop3A_676 = arith.select %parallel_loop3A_640, %get3A_23, %parallel_loop3A_675 : vector<16xf32>
      %parallel_loop3A_677 = arith.constant 48 : i32
      %parallel_loop3A_678 = arith.addi %parallel_loop3A_650, %parallel_loop3A_677 : i32
      %parallel_loop3A_679 = arith.index_cast %parallel_loop3A_678 : i32 to index
      %parallel_loop3A_680 = tpu.vector_load %arg7[%parallel_loop3A_679] {strides = array<i32>} : memref<65536xf32, #tpu.memory_space<vmem>>, vector<16xf32>,
      %parallel_loop3A_681 = vector.shape_cast %parallel_loop3A_680 : vector<16xf32> to vector<16xf32>
      %parallel_loop3A_682 = vector.shape_cast %parallel_loop3A_676 : vector<16xf32> to vector<16xf32>
      tpu.vector_store %arg7[%parallel_loop3A_679], %parallel_loop3A_682 {strides = array<i32>} : memref<65536xf32, #tpu.memory_space<vmem>>, vector<16xf32>,
      %parallel_loop3A_683 = arith.select %parallel_loop3A_642, %get3A_68, %get3A_108 : vector<16xf32>
      %parallel_loop3A_684 = arith.select %parallel_loop3A_640, %get3A_28, %parallel_loop3A_683 : vector<16xf32>
      %parallel_loop3A_685 = arith.constant 64 : i32
      %parallel_loop3A_686 = arith.addi %parallel_loop3A_650, %parallel_loop3A_685 : i32
      %parallel_loop3A_687 = arith.index_cast %parallel_loop3A_686 : i32 to index
      %parallel_loop3A_688 = tpu.vector_load %arg7[%parallel_loop3A_687] {strides = array<i32>} : memref<65536xf32, #tpu.memory_space<vmem>>, vector<16xf32>,
      %parallel_loop3A_689 = vector.shape_cast %parallel_loop3A_688 : vector<16xf32> to vector<16xf32>
      %parallel_loop3A_690 = vector.shape_cast %parallel_loop3A_684 : vector<16xf32> to vector<16xf32>
      tpu.vector_store %arg7[%parallel_loop3A_687], %parallel_loop3A_690 {strides = array<i32>} : memref<65536xf32, #tpu.memory_space<vmem>>, vector<16xf32>,
      %parallel_loop3A_691 = arith.select %parallel_loop3A_642, %get3A_73, %get3A_113 : vector<16xf32>
      %parallel_loop3A_692 = arith.select %parallel_loop3A_640, %get3A_33, %parallel_loop3A_691 : vector<16xf32>
      %parallel_loop3A_693 = arith.constant 80 : i32
      %parallel_loop3A_694 = arith.addi %parallel_loop3A_650, %parallel_loop3A_693 : i32
      %parallel_loop3A_695 = arith.index_cast %parallel_loop3A_694 : i32 to index
      %parallel_loop3A_696 = tpu.vector_load %arg7[%parallel_loop3A_695] {strides = array<i32>} : memref<65536xf32, #tpu.memory_space<vmem>>, vector<16xf32>,
      %parallel_loop3A_697 = vector.shape_cast %parallel_loop3A_696 : vector<16xf32> to vector<16xf32>
      %parallel_loop3A_698 = vector.shape_cast %parallel_loop3A_692 : vector<16xf32> to vector<16xf32>
      tpu.vector_store %arg7[%parallel_loop3A_695], %parallel_loop3A_698 {strides = array<i32>} : memref<65536xf32, #tpu.memory_space<vmem>>, vector<16xf32>,
      %parallel_loop3A_699 = arith.select %parallel_loop3A_642, %get3A_78, %get3A_118 : vector<16xf32>
      %parallel_loop3A_700 = arith.select %parallel_loop3A_640, %get3A_38, %parallel_loop3A_699 : vector<16xf32>
      %parallel_loop3A_701 = arith.constant 96 : i32
      %parallel_loop3A_702 = arith.addi %parallel_loop3A_650, %parallel_loop3A_701 : i32
      %parallel_loop3A_703 = arith.index_cast %parallel_loop3A_702 : i32 to index
      %parallel_loop3A_704 = tpu.vector_load %arg7[%parallel_loop3A_703] {strides = array<i32>} : memref<65536xf32, #tpu.memory_space<vmem>>, vector<16xf32>,
      %parallel_loop3A_705 = vector.shape_cast %parallel_loop3A_704 : vector<16xf32> to vector<16xf32>
      %parallel_loop3A_706 = vector.shape_cast %parallel_loop3A_700 : vector<16xf32> to vector<16xf32>
      tpu.vector_store %arg7[%parallel_loop3A_703], %parallel_loop3A_706 {strides = array<i32>} : memref<65536xf32, #tpu.memory_space<vmem>>, vector<16xf32>,
      %parallel_loop3A_707 = arith.select %parallel_loop3A_642, %get3A_83, %get3A_123 : vector<16xf32>
      %parallel_loop3A_708 = arith.select %parallel_loop3A_640, %get3A_43, %parallel_loop3A_707 : vector<16xf32>
      %parallel_loop3A_709 = arith.constant 112 : i32
      %parallel_loop3A_710 = arith.addi %parallel_loop3A_650, %parallel_loop3A_709 : i32
      %parallel_loop3A_711 = arith.index_cast %parallel_loop3A_710 : i32 to index
      %parallel_loop3A_712 = tpu.vector_load %arg7[%parallel_loop3A_711] {strides = array<i32>} : memref<65536xf32, #tpu.memory_space<vmem>>, vector<16xf32>,
      %parallel_loop3A_713 = vector.shape_cast %parallel_loop3A_712 : vector<16xf32> to vector<16xf32>
      %parallel_loop3A_714 = vector.shape_cast %parallel_loop3A_708 : vector<16xf32> to vector<16xf32>
      tpu.vector_store %arg7[%parallel_loop3A_711], %parallel_loop3A_714 {strides = array<i32>} : memref<65536xf32, #tpu.memory_space<vmem>>, vector<16xf32>,
      %parallel_loop3A_715 = vector.extract_strided_slice %parallel_loop3A_168 {offsets = [7], sizes = [1], strides = [1]} : vector<16xi32> to vector<1xi32>
      %parallel_loop3A_716 = vector.extract %parallel_loop3A_715[0] : i32 from vector<1xi32>
      %parallel_loop3A_717 = arith.constant 0 : i32
      %parallel_loop3A_718 = arith.cmpi eq, %parallel_loop3A_716, %parallel_loop3A_717 : i32
      %parallel_loop3A_719 = arith.constant 1 : i32
      %parallel_loop3A_720 = arith.cmpi eq, %parallel_loop3A_716, %parallel_loop3A_719 : i32
      %parallel_loop3A_721 = arith.constant 16 : i32
      %parallel_loop3A_722 = arith.muli %parallel_loop3A_161, %parallel_loop3A_721 : i32
      %parallel_loop3A_723 = arith.constant 0 : i32
      %parallel_loop3A_724 = arith.addi %parallel_loop3A_723, %parallel_loop3A_722 : i32
      %parallel_loop3A_725 = arith.constant 7 : i32
      %parallel_loop3A_726 = arith.addi %parallel_loop3A_724, %parallel_loop3A_725 : i32
      %parallel_loop3A_727 = arith.constant 128 : i32
      %parallel_loop3A_728 = arith.muli %parallel_loop3A_726, %parallel_loop3A_727 : i32
      %parallel_loop3A_729 = arith.select %parallel_loop3A_720, %get3A_48, %get3A_88 : vector<16xf32>
      %parallel_loop3A_730 = arith.select %parallel_loop3A_718, %get3A_8, %parallel_loop3A_729 : vector<16xf32>
      %parallel_loop3A_731 = arith.constant 0 : i32
      %parallel_loop3A_732 = arith.addi %parallel_loop3A_728, %parallel_loop3A_731 : i32
      %parallel_loop3A_733 = arith.index_cast %parallel_loop3A_732 : i32 to index
      %parallel_loop3A_734 = tpu.vector_load %arg7[%parallel_loop3A_733] {strides = array<i32>} : memref<65536xf32, #tpu.memory_space<vmem>>, vector<16xf32>,
      %parallel_loop3A_735 = vector.shape_cast %parallel_loop3A_734 : vector<16xf32> to vector<16xf32>
      %parallel_loop3A_736 = vector.shape_cast %parallel_loop3A_730 : vector<16xf32> to vector<16xf32>
      tpu.vector_store %arg7[%parallel_loop3A_733], %parallel_loop3A_736 {strides = array<i32>} : memref<65536xf32, #tpu.memory_space<vmem>>, vector<16xf32>,
      %parallel_loop3A_737 = arith.select %parallel_loop3A_720, %get3A_53, %get3A_93 : vector<16xf32>
      %parallel_loop3A_738 = arith.select %parallel_loop3A_718, %get3A_13, %parallel_loop3A_737 : vector<16xf32>
      %parallel_loop3A_739 = arith.constant 16 : i32
      %parallel_loop3A_740 = arith.addi %parallel_loop3A_728, %parallel_loop3A_739 : i32
      %parallel_loop3A_741 = arith.index_cast %parallel_loop3A_740 : i32 to index
      %parallel_loop3A_742 = tpu.vector_load %arg7[%parallel_loop3A_741] {strides = array<i32>} : memref<65536xf32, #tpu.memory_space<vmem>>, vector<16xf32>,
      %parallel_loop3A_743 = vector.shape_cast %parallel_loop3A_742 : vector<16xf32> to vector<16xf32>
      %parallel_loop3A_744 = vector.shape_cast %parallel_loop3A_738 : vector<16xf32> to vector<16xf32>
      tpu.vector_store %arg7[%parallel_loop3A_741], %parallel_loop3A_744 {strides = array<i32>} : memref<65536xf32, #tpu.memory_space<vmem>>, vector<16xf32>,
      %parallel_loop3A_745 = arith.select %parallel_loop3A_720, %get3A_58, %get3A_98 : vector<16xf32>
      %parallel_loop3A_746 = arith.select %parallel_loop3A_718, %get3A_18, %parallel_loop3A_745 : vector<16xf32>
      %parallel_loop3A_747 = arith.constant 32 : i32
      %parallel_loop3A_748 = arith.addi %parallel_loop3A_728, %parallel_loop3A_747 : i32
      %parallel_loop3A_749 = arith.index_cast %parallel_loop3A_748 : i32 to index
      %parallel_loop3A_750 = tpu.vector_load %arg7[%parallel_loop3A_749] {strides = array<i32>} : memref<65536xf32, #tpu.memory_space<vmem>>, vector<16xf32>,
      %parallel_loop3A_751 = vector.shape_cast %parallel_loop3A_750 : vector<16xf32> to vector<16xf32>
      %parallel_loop3A_752 = vector.shape_cast %parallel_loop3A_746 : vector<16xf32> to vector<16xf32>
      tpu.vector_store %arg7[%parallel_loop3A_749], %parallel_loop3A_752 {strides = array<i32>} : memref<65536xf32, #tpu.memory_space<vmem>>, vector<16xf32>,
      %parallel_loop3A_753 = arith.select %parallel_loop3A_720, %get3A_63, %get3A_103 : vector<16xf32>
      %parallel_loop3A_754 = arith.select %parallel_loop3A_718, %get3A_23, %parallel_loop3A_753 : vector<16xf32>
      %parallel_loop3A_755 = arith.constant 48 : i32
      %parallel_loop3A_756 = arith.addi %parallel_loop3A_728, %parallel_loop3A_755 : i32
      %parallel_loop3A_757 = arith.index_cast %parallel_loop3A_756 : i32 to index
      %parallel_loop3A_758 = tpu.vector_load %arg7[%parallel_loop3A_757] {strides = array<i32>} : memref<65536xf32, #tpu.memory_space<vmem>>, vector<16xf32>,
      %parallel_loop3A_759 = vector.shape_cast %parallel_loop3A_758 : vector<16xf32> to vector<16xf32>
      %parallel_loop3A_760 = vector.shape_cast %parallel_loop3A_754 : vector<16xf32> to vector<16xf32>
      tpu.vector_store %arg7[%parallel_loop3A_757], %parallel_loop3A_760 {strides = array<i32>} : memref<65536xf32, #tpu.memory_space<vmem>>, vector<16xf32>,
      %parallel_loop3A_761 = arith.select %parallel_loop3A_720, %get3A_68, %get3A_108 : vector<16xf32>
      %parallel_loop3A_762 = arith.select %parallel_loop3A_718, %get3A_28, %parallel_loop3A_761 : vector<16xf32>
      %parallel_loop3A_763 = arith.constant 64 : i32
      %parallel_loop3A_764 = arith.addi %parallel_loop3A_728, %parallel_loop3A_763 : i32
      %parallel_loop3A_765 = arith.index_cast %parallel_loop3A_764 : i32 to index
      %parallel_loop3A_766 = tpu.vector_load %arg7[%parallel_loop3A_765] {strides = array<i32>} : memref<65536xf32, #tpu.memory_space<vmem>>, vector<16xf32>,
      %parallel_loop3A_767 = vector.shape_cast %parallel_loop3A_766 : vector<16xf32> to vector<16xf32>
      %parallel_loop3A_768 = vector.shape_cast %parallel_loop3A_762 : vector<16xf32> to vector<16xf32>
      tpu.vector_store %arg7[%parallel_loop3A_765], %parallel_loop3A_768 {strides = array<i32>} : memref<65536xf32, #tpu.memory_space<vmem>>, vector<16xf32>,
      %parallel_loop3A_769 = arith.select %parallel_loop3A_720, %get3A_73, %get3A_113 : vector<16xf32>
      %parallel_loop3A_770 = arith.select %parallel_loop3A_718, %get3A_33, %parallel_loop3A_769 : vector<16xf32>
      %parallel_loop3A_771 = arith.constant 80 : i32
      %parallel_loop3A_772 = arith.addi %parallel_loop3A_728, %parallel_loop3A_771 : i32
      %parallel_loop3A_773 = arith.index_cast %parallel_loop3A_772 : i32 to index
      %parallel_loop3A_774 = tpu.vector_load %arg7[%parallel_loop3A_773] {strides = array<i32>} : memref<65536xf32, #tpu.memory_space<vmem>>, vector<16xf32>,
      %parallel_loop3A_775 = vector.shape_cast %parallel_loop3A_774 : vector<16xf32> to vector<16xf32>
      %parallel_loop3A_776 = vector.shape_cast %parallel_loop3A_770 : vector<16xf32> to vector<16xf32>
      tpu.vector_store %arg7[%parallel_loop3A_773], %parallel_loop3A_776 {strides = array<i32>} : memref<65536xf32, #tpu.memory_space<vmem>>, vector<16xf32>,
      %parallel_loop3A_777 = arith.select %parallel_loop3A_720, %get3A_78, %get3A_118 : vector<16xf32>
      %parallel_loop3A_778 = arith.select %parallel_loop3A_718, %get3A_38, %parallel_loop3A_777 : vector<16xf32>
      %parallel_loop3A_779 = arith.constant 96 : i32
      %parallel_loop3A_780 = arith.addi %parallel_loop3A_728, %parallel_loop3A_779 : i32
      %parallel_loop3A_781 = arith.index_cast %parallel_loop3A_780 : i32 to index
      %parallel_loop3A_782 = tpu.vector_load %arg7[%parallel_loop3A_781] {strides = array<i32>} : memref<65536xf32, #tpu.memory_space<vmem>>, vector<16xf32>,
      %parallel_loop3A_783 = vector.shape_cast %parallel_loop3A_782 : vector<16xf32> to vector<16xf32>
      %parallel_loop3A_784 = vector.shape_cast %parallel_loop3A_778 : vector<16xf32> to vector<16xf32>
      tpu.vector_store %arg7[%parallel_loop3A_781], %parallel_loop3A_784 {strides = array<i32>} : memref<65536xf32, #tpu.memory_space<vmem>>, vector<16xf32>,
      %parallel_loop3A_785 = arith.select %parallel_loop3A_720, %get3A_83, %get3A_123 : vector<16xf32>
      %parallel_loop3A_786 = arith.select %parallel_loop3A_718, %get3A_43, %parallel_loop3A_785 : vector<16xf32>
      %parallel_loop3A_787 = arith.constant 112 : i32
      %parallel_loop3A_788 = arith.addi %parallel_loop3A_728, %parallel_loop3A_787 : i32
      %parallel_loop3A_789 = arith.index_cast %parallel_loop3A_788 : i32 to index
      %parallel_loop3A_790 = tpu.vector_load %arg7[%parallel_loop3A_789] {strides = array<i32>} : memref<65536xf32, #tpu.memory_space<vmem>>, vector<16xf32>,
      %parallel_loop3A_791 = vector.shape_cast %parallel_loop3A_790 : vector<16xf32> to vector<16xf32>
      %parallel_loop3A_792 = vector.shape_cast %parallel_loop3A_786 : vector<16xf32> to vector<16xf32>
      tpu.vector_store %arg7[%parallel_loop3A_789], %parallel_loop3A_792 {strides = array<i32>} : memref<65536xf32, #tpu.memory_space<vmem>>, vector<16xf32>,
      %parallel_loop3A_793 = vector.extract_strided_slice %parallel_loop3A_168 {offsets = [8], sizes = [1], strides = [1]} : vector<16xi32> to vector<1xi32>
      %parallel_loop3A_794 = vector.extract %parallel_loop3A_793[0] : i32 from vector<1xi32>
      %parallel_loop3A_795 = arith.constant 0 : i32
      %parallel_loop3A_796 = arith.cmpi eq, %parallel_loop3A_794, %parallel_loop3A_795 : i32
      %parallel_loop3A_797 = arith.constant 1 : i32
      %parallel_loop3A_798 = arith.cmpi eq, %parallel_loop3A_794, %parallel_loop3A_797 : i32
      %parallel_loop3A_799 = arith.constant 16 : i32
      %parallel_loop3A_800 = arith.muli %parallel_loop3A_161, %parallel_loop3A_799 : i32
      %parallel_loop3A_801 = arith.constant 0 : i32
      %parallel_loop3A_802 = arith.addi %parallel_loop3A_801, %parallel_loop3A_800 : i32
      %parallel_loop3A_803 = arith.constant 8 : i32
      %parallel_loop3A_804 = arith.addi %parallel_loop3A_802, %parallel_loop3A_803 : i32
      %parallel_loop3A_805 = arith.constant 128 : i32
      %parallel_loop3A_806 = arith.muli %parallel_loop3A_804, %parallel_loop3A_805 : i32
      %parallel_loop3A_807 = arith.select %parallel_loop3A_798, %get3A_48, %get3A_88 : vector<16xf32>
      %parallel_loop3A_808 = arith.select %parallel_loop3A_796, %get3A_8, %parallel_loop3A_807 : vector<16xf32>
      %parallel_loop3A_809 = arith.constant 0 : i32
      %parallel_loop3A_810 = arith.addi %parallel_loop3A_806, %parallel_loop3A_809 : i32
      %parallel_loop3A_811 = arith.index_cast %parallel_loop3A_810 : i32 to index
      %parallel_loop3A_812 = tpu.vector_load %arg7[%parallel_loop3A_811] {strides = array<i32>} : memref<65536xf32, #tpu.memory_space<vmem>>, vector<16xf32>,
      %parallel_loop3A_813 = vector.shape_cast %parallel_loop3A_812 : vector<16xf32> to vector<16xf32>
      %parallel_loop3A_814 = vector.shape_cast %parallel_loop3A_808 : vector<16xf32> to vector<16xf32>
      tpu.vector_store %arg7[%parallel_loop3A_811], %parallel_loop3A_814 {strides = array<i32>} : memref<65536xf32, #tpu.memory_space<vmem>>, vector<16xf32>,
      %parallel_loop3A_815 = arith.select %parallel_loop3A_798, %get3A_53, %get3A_93 : vector<16xf32>
      %parallel_loop3A_816 = arith.select %parallel_loop3A_796, %get3A_13, %parallel_loop3A_815 : vector<16xf32>
      %parallel_loop3A_817 = arith.constant 16 : i32
      %parallel_loop3A_818 = arith.addi %parallel_loop3A_806, %parallel_loop3A_817 : i32
      %parallel_loop3A_819 = arith.index_cast %parallel_loop3A_818 : i32 to index
      %parallel_loop3A_820 = tpu.vector_load %arg7[%parallel_loop3A_819] {strides = array<i32>} : memref<65536xf32, #tpu.memory_space<vmem>>, vector<16xf32>,
      %parallel_loop3A_821 = vector.shape_cast %parallel_loop3A_820 : vector<16xf32> to vector<16xf32>
      %parallel_loop3A_822 = vector.shape_cast %parallel_loop3A_816 : vector<16xf32> to vector<16xf32>
      tpu.vector_store %arg7[%parallel_loop3A_819], %parallel_loop3A_822 {strides = array<i32>} : memref<65536xf32, #tpu.memory_space<vmem>>, vector<16xf32>,
      %parallel_loop3A_823 = arith.select %parallel_loop3A_798, %get3A_58, %get3A_98 : vector<16xf32>
      %parallel_loop3A_824 = arith.select %parallel_loop3A_796, %get3A_18, %parallel_loop3A_823 : vector<16xf32>
      %parallel_loop3A_825 = arith.constant 32 : i32
      %parallel_loop3A_826 = arith.addi %parallel_loop3A_806, %parallel_loop3A_825 : i32
      %parallel_loop3A_827 = arith.index_cast %parallel_loop3A_826 : i32 to index
      %parallel_loop3A_828 = tpu.vector_load %arg7[%parallel_loop3A_827] {strides = array<i32>} : memref<65536xf32, #tpu.memory_space<vmem>>, vector<16xf32>,
      %parallel_loop3A_829 = vector.shape_cast %parallel_loop3A_828 : vector<16xf32> to vector<16xf32>
      %parallel_loop3A_830 = vector.shape_cast %parallel_loop3A_824 : vector<16xf32> to vector<16xf32>
      tpu.vector_store %arg7[%parallel_loop3A_827], %parallel_loop3A_830 {strides = array<i32>} : memref<65536xf32, #tpu.memory_space<vmem>>, vector<16xf32>,
      %parallel_loop3A_831 = arith.select %parallel_loop3A_798, %get3A_63, %get3A_103 : vector<16xf32>
      %parallel_loop3A_832 = arith.select %parallel_loop3A_796, %get3A_23, %parallel_loop3A_831 : vector<16xf32>
      %parallel_loop3A_833 = arith.constant 48 : i32
      %parallel_loop3A_834 = arith.addi %parallel_loop3A_806, %parallel_loop3A_833 : i32
      %parallel_loop3A_835 = arith.index_cast %parallel_loop3A_834 : i32 to index
      %parallel_loop3A_836 = tpu.vector_load %arg7[%parallel_loop3A_835] {strides = array<i32>} : memref<65536xf32, #tpu.memory_space<vmem>>, vector<16xf32>,
      %parallel_loop3A_837 = vector.shape_cast %parallel_loop3A_836 : vector<16xf32> to vector<16xf32>
      %parallel_loop3A_838 = vector.shape_cast %parallel_loop3A_832 : vector<16xf32> to vector<16xf32>
      tpu.vector_store %arg7[%parallel_loop3A_835], %parallel_loop3A_838 {strides = array<i32>} : memref<65536xf32, #tpu.memory_space<vmem>>, vector<16xf32>,
      %parallel_loop3A_839 = arith.select %parallel_loop3A_798, %get3A_68, %get3A_108 : vector<16xf32>
      %parallel_loop3A_840 = arith.select %parallel_loop3A_796, %get3A_28, %parallel_loop3A_839 : vector<16xf32>
      %parallel_loop3A_841 = arith.constant 64 : i32
      %parallel_loop3A_842 = arith.addi %parallel_loop3A_806, %parallel_loop3A_841 : i32
      %parallel_loop3A_843 = arith.index_cast %parallel_loop3A_842 : i32 to index
      %parallel_loop3A_844 = tpu.vector_load %arg7[%parallel_loop3A_843] {strides = array<i32>} : memref<65536xf32, #tpu.memory_space<vmem>>, vector<16xf32>,
      %parallel_loop3A_845 = vector.shape_cast %parallel_loop3A_844 : vector<16xf32> to vector<16xf32>
      %parallel_loop3A_846 = vector.shape_cast %parallel_loop3A_840 : vector<16xf32> to vector<16xf32>
      tpu.vector_store %arg7[%parallel_loop3A_843], %parallel_loop3A_846 {strides = array<i32>} : memref<65536xf32, #tpu.memory_space<vmem>>, vector<16xf32>,
      %parallel_loop3A_847 = arith.select %parallel_loop3A_798, %get3A_73, %get3A_113 : vector<16xf32>
      %parallel_loop3A_848 = arith.select %parallel_loop3A_796, %get3A_33, %parallel_loop3A_847 : vector<16xf32>
      %parallel_loop3A_849 = arith.constant 80 : i32
      %parallel_loop3A_850 = arith.addi %parallel_loop3A_806, %parallel_loop3A_849 : i32
      %parallel_loop3A_851 = arith.index_cast %parallel_loop3A_850 : i32 to index
      %parallel_loop3A_852 = tpu.vector_load %arg7[%parallel_loop3A_851] {strides = array<i32>} : memref<65536xf32, #tpu.memory_space<vmem>>, vector<16xf32>,
      %parallel_loop3A_853 = vector.shape_cast %parallel_loop3A_852 : vector<16xf32> to vector<16xf32>
      %parallel_loop3A_854 = vector.shape_cast %parallel_loop3A_848 : vector<16xf32> to vector<16xf32>
      tpu.vector_store %arg7[%parallel_loop3A_851], %parallel_loop3A_854 {strides = array<i32>} : memref<65536xf32, #tpu.memory_space<vmem>>, vector<16xf32>,
      %parallel_loop3A_855 = arith.select %parallel_loop3A_798, %get3A_78, %get3A_118 : vector<16xf32>
      %parallel_loop3A_856 = arith.select %parallel_loop3A_796, %get3A_38, %parallel_loop3A_855 : vector<16xf32>
      %parallel_loop3A_857 = arith.constant 96 : i32
      %parallel_loop3A_858 = arith.addi %parallel_loop3A_806, %parallel_loop3A_857 : i32
      %parallel_loop3A_859 = arith.index_cast %parallel_loop3A_858 : i32 to index
      %parallel_loop3A_860 = tpu.vector_load %arg7[%parallel_loop3A_859] {strides = array<i32>} : memref<65536xf32, #tpu.memory_space<vmem>>, vector<16xf32>,
      %parallel_loop3A_861 = vector.shape_cast %parallel_loop3A_860 : vector<16xf32> to vector<16xf32>
      %parallel_loop3A_862 = vector.shape_cast %parallel_loop3A_856 : vector<16xf32> to vector<16xf32>
      tpu.vector_store %arg7[%parallel_loop3A_859], %parallel_loop3A_862 {strides = array<i32>} : memref<65536xf32, #tpu.memory_space<vmem>>, vector<16xf32>,
      %parallel_loop3A_863 = arith.select %parallel_loop3A_798, %get3A_83, %get3A_123 : vector<16xf32>
      %parallel_loop3A_864 = arith.select %parallel_loop3A_796, %get3A_43, %parallel_loop3A_863 : vector<16xf32>
      %parallel_loop3A_865 = arith.constant 112 : i32
      %parallel_loop3A_866 = arith.addi %parallel_loop3A_806, %parallel_loop3A_865 : i32
      %parallel_loop3A_867 = arith.index_cast %parallel_loop3A_866 : i32 to index
      %parallel_loop3A_868 = tpu.vector_load %arg7[%parallel_loop3A_867] {strides = array<i32>} : memref<65536xf32, #tpu.memory_space<vmem>>, vector<16xf32>,
      %parallel_loop3A_869 = vector.shape_cast %parallel_loop3A_868 : vector<16xf32> to vector<16xf32>
      %parallel_loop3A_870 = vector.shape_cast %parallel_loop3A_864 : vector<16xf32> to vector<16xf32>
      tpu.vector_store %arg7[%parallel_loop3A_867], %parallel_loop3A_870 {strides = array<i32>} : memref<65536xf32, #tpu.memory_space<vmem>>, vector<16xf32>,
      %parallel_loop3A_871 = vector.extract_strided_slice %parallel_loop3A_168 {offsets = [9], sizes = [1], strides = [1]} : vector<16xi32> to vector<1xi32>
      %parallel_loop3A_872 = vector.extract %parallel_loop3A_871[0] : i32 from vector<1xi32>
      %parallel_loop3A_873 = arith.constant 0 : i32
      %parallel_loop3A_874 = arith.cmpi eq, %parallel_loop3A_872, %parallel_loop3A_873 : i32
      %parallel_loop3A_875 = arith.constant 1 : i32
      %parallel_loop3A_876 = arith.cmpi eq, %parallel_loop3A_872, %parallel_loop3A_875 : i32
      %parallel_loop3A_877 = arith.constant 16 : i32
      %parallel_loop3A_878 = arith.muli %parallel_loop3A_161, %parallel_loop3A_877 : i32
      %parallel_loop3A_879 = arith.constant 0 : i32
      %parallel_loop3A_880 = arith.addi %parallel_loop3A_879, %parallel_loop3A_878 : i32
      %parallel_loop3A_881 = arith.constant 9 : i32
      %parallel_loop3A_882 = arith.addi %parallel_loop3A_880, %parallel_loop3A_881 : i32
      %parallel_loop3A_883 = arith.constant 128 : i32
      %parallel_loop3A_884 = arith.muli %parallel_loop3A_882, %parallel_loop3A_883 : i32
      %parallel_loop3A_885 = arith.select %parallel_loop3A_876, %get3A_48, %get3A_88 : vector<16xf32>
      %parallel_loop3A_886 = arith.select %parallel_loop3A_874, %get3A_8, %parallel_loop3A_885 : vector<16xf32>
      %parallel_loop3A_887 = arith.constant 0 : i32
      %parallel_loop3A_888 = arith.addi %parallel_loop3A_884, %parallel_loop3A_887 : i32
      %parallel_loop3A_889 = arith.index_cast %parallel_loop3A_888 : i32 to index
      %parallel_loop3A_890 = tpu.vector_load %arg7[%parallel_loop3A_889] {strides = array<i32>} : memref<65536xf32, #tpu.memory_space<vmem>>, vector<16xf32>,
      %parallel_loop3A_891 = vector.shape_cast %parallel_loop3A_890 : vector<16xf32> to vector<16xf32>
      %parallel_loop3A_892 = vector.shape_cast %parallel_loop3A_886 : vector<16xf32> to vector<16xf32>
      tpu.vector_store %arg7[%parallel_loop3A_889], %parallel_loop3A_892 {strides = array<i32>} : memref<65536xf32, #tpu.memory_space<vmem>>, vector<16xf32>,
      %parallel_loop3A_893 = arith.select %parallel_loop3A_876, %get3A_53, %get3A_93 : vector<16xf32>
      %parallel_loop3A_894 = arith.select %parallel_loop3A_874, %get3A_13, %parallel_loop3A_893 : vector<16xf32>
      %parallel_loop3A_895 = arith.constant 16 : i32
      %parallel_loop3A_896 = arith.addi %parallel_loop3A_884, %parallel_loop3A_895 : i32
      %parallel_loop3A_897 = arith.index_cast %parallel_loop3A_896 : i32 to index
      %parallel_loop3A_898 = tpu.vector_load %arg7[%parallel_loop3A_897] {strides = array<i32>} : memref<65536xf32, #tpu.memory_space<vmem>>, vector<16xf32>,
      %parallel_loop3A_899 = vector.shape_cast %parallel_loop3A_898 : vector<16xf32> to vector<16xf32>
      %parallel_loop3A_900 = vector.shape_cast %parallel_loop3A_894 : vector<16xf32> to vector<16xf32>
      tpu.vector_store %arg7[%parallel_loop3A_897], %parallel_loop3A_900 {strides = array<i32>} : memref<65536xf32, #tpu.memory_space<vmem>>, vector<16xf32>,
      %parallel_loop3A_901 = arith.select %parallel_loop3A_876, %get3A_58, %get3A_98 : vector<16xf32>
      %parallel_loop3A_902 = arith.select %parallel_loop3A_874, %get3A_18, %parallel_loop3A_901 : vector<16xf32>
      %parallel_loop3A_903 = arith.constant 32 : i32
      %parallel_loop3A_904 = arith.addi %parallel_loop3A_884, %parallel_loop3A_903 : i32
      %parallel_loop3A_905 = arith.index_cast %parallel_loop3A_904 : i32 to index
      %parallel_loop3A_906 = tpu.vector_load %arg7[%parallel_loop3A_905] {strides = array<i32>} : memref<65536xf32, #tpu.memory_space<vmem>>, vector<16xf32>,
      %parallel_loop3A_907 = vector.shape_cast %parallel_loop3A_906 : vector<16xf32> to vector<16xf32>
      %parallel_loop3A_908 = vector.shape_cast %parallel_loop3A_902 : vector<16xf32> to vector<16xf32>
      tpu.vector_store %arg7[%parallel_loop3A_905], %parallel_loop3A_908 {strides = array<i32>} : memref<65536xf32, #tpu.memory_space<vmem>>, vector<16xf32>,
      %parallel_loop3A_909 = arith.select %parallel_loop3A_876, %get3A_63, %get3A_103 : vector<16xf32>
      %parallel_loop3A_910 = arith.select %parallel_loop3A_874, %get3A_23, %parallel_loop3A_909 : vector<16xf32>
      %parallel_loop3A_911 = arith.constant 48 : i32
      %parallel_loop3A_912 = arith.addi %parallel_loop3A_884, %parallel_loop3A_911 : i32
      %parallel_loop3A_913 = arith.index_cast %parallel_loop3A_912 : i32 to index
      %parallel_loop3A_914 = tpu.vector_load %arg7[%parallel_loop3A_913] {strides = array<i32>} : memref<65536xf32, #tpu.memory_space<vmem>>, vector<16xf32>,
      %parallel_loop3A_915 = vector.shape_cast %parallel_loop3A_914 : vector<16xf32> to vector<16xf32>
      %parallel_loop3A_916 = vector.shape_cast %parallel_loop3A_910 : vector<16xf32> to vector<16xf32>
      tpu.vector_store %arg7[%parallel_loop3A_913], %parallel_loop3A_916 {strides = array<i32>} : memref<65536xf32, #tpu.memory_space<vmem>>, vector<16xf32>,
      %parallel_loop3A_917 = arith.select %parallel_loop3A_876, %get3A_68, %get3A_108 : vector<16xf32>
      %parallel_loop3A_918 = arith.select %parallel_loop3A_874, %get3A_28, %parallel_loop3A_917 : vector<16xf32>
      %parallel_loop3A_919 = arith.constant 64 : i32
      %parallel_loop3A_920 = arith.addi %parallel_loop3A_884, %parallel_loop3A_919 : i32
      %parallel_loop3A_921 = arith.index_cast %parallel_loop3A_920 : i32 to index
      %parallel_loop3A_922 = tpu.vector_load %arg7[%parallel_loop3A_921] {strides = array<i32>} : memref<65536xf32, #tpu.memory_space<vmem>>, vector<16xf32>,
      %parallel_loop3A_923 = vector.shape_cast %parallel_loop3A_922 : vector<16xf32> to vector<16xf32>
      %parallel_loop3A_924 = vector.shape_cast %parallel_loop3A_918 : vector<16xf32> to vector<16xf32>
      tpu.vector_store %arg7[%parallel_loop3A_921], %parallel_loop3A_924 {strides = array<i32>} : memref<65536xf32, #tpu.memory_space<vmem>>, vector<16xf32>,
      %parallel_loop3A_925 = arith.select %parallel_loop3A_876, %get3A_73, %get3A_113 : vector<16xf32>
      %parallel_loop3A_926 = arith.select %parallel_loop3A_874, %get3A_33, %parallel_loop3A_925 : vector<16xf32>
      %parallel_loop3A_927 = arith.constant 80 : i32
      %parallel_loop3A_928 = arith.addi %parallel_loop3A_884, %parallel_loop3A_927 : i32
      %parallel_loop3A_929 = arith.index_cast %parallel_loop3A_928 : i32 to index
      %parallel_loop3A_930 = tpu.vector_load %arg7[%parallel_loop3A_929] {strides = array<i32>} : memref<65536xf32, #tpu.memory_space<vmem>>, vector<16xf32>,
      %parallel_loop3A_931 = vector.shape_cast %parallel_loop3A_930 : vector<16xf32> to vector<16xf32>
      %parallel_loop3A_932 = vector.shape_cast %parallel_loop3A_926 : vector<16xf32> to vector<16xf32>
      tpu.vector_store %arg7[%parallel_loop3A_929], %parallel_loop3A_932 {strides = array<i32>} : memref<65536xf32, #tpu.memory_space<vmem>>, vector<16xf32>,
      %parallel_loop3A_933 = arith.select %parallel_loop3A_876, %get3A_78, %get3A_118 : vector<16xf32>
      %parallel_loop3A_934 = arith.select %parallel_loop3A_874, %get3A_38, %parallel_loop3A_933 : vector<16xf32>
      %parallel_loop3A_935 = arith.constant 96 : i32
      %parallel_loop3A_936 = arith.addi %parallel_loop3A_884, %parallel_loop3A_935 : i32
      %parallel_loop3A_937 = arith.index_cast %parallel_loop3A_936 : i32 to index
      %parallel_loop3A_938 = tpu.vector_load %arg7[%parallel_loop3A_937] {strides = array<i32>} : memref<65536xf32, #tpu.memory_space<vmem>>, vector<16xf32>,
      %parallel_loop3A_939 = vector.shape_cast %parallel_loop3A_938 : vector<16xf32> to vector<16xf32>
      %parallel_loop3A_940 = vector.shape_cast %parallel_loop3A_934 : vector<16xf32> to vector<16xf32>
      tpu.vector_store %arg7[%parallel_loop3A_937], %parallel_loop3A_940 {strides = array<i32>} : memref<65536xf32, #tpu.memory_space<vmem>>, vector<16xf32>,
      %parallel_loop3A_941 = arith.select %parallel_loop3A_876, %get3A_83, %get3A_123 : vector<16xf32>
      %parallel_loop3A_942 = arith.select %parallel_loop3A_874, %get3A_43, %parallel_loop3A_941 : vector<16xf32>
      %parallel_loop3A_943 = arith.constant 112 : i32
      %parallel_loop3A_944 = arith.addi %parallel_loop3A_884, %parallel_loop3A_943 : i32
      %parallel_loop3A_945 = arith.index_cast %parallel_loop3A_944 : i32 to index
      %parallel_loop3A_946 = tpu.vector_load %arg7[%parallel_loop3A_945] {strides = array<i32>} : memref<65536xf32, #tpu.memory_space<vmem>>, vector<16xf32>,
      %parallel_loop3A_947 = vector.shape_cast %parallel_loop3A_946 : vector<16xf32> to vector<16xf32>
      %parallel_loop3A_948 = vector.shape_cast %parallel_loop3A_942 : vector<16xf32> to vector<16xf32>
      tpu.vector_store %arg7[%parallel_loop3A_945], %parallel_loop3A_948 {strides = array<i32>} : memref<65536xf32, #tpu.memory_space<vmem>>, vector<16xf32>,
      %parallel_loop3A_949 = vector.extract_strided_slice %parallel_loop3A_168 {offsets = [10], sizes = [1], strides = [1]} : vector<16xi32> to vector<1xi32>
      %parallel_loop3A_950 = vector.extract %parallel_loop3A_949[0] : i32 from vector<1xi32>
      %parallel_loop3A_951 = arith.constant 0 : i32
      %parallel_loop3A_952 = arith.cmpi eq, %parallel_loop3A_950, %parallel_loop3A_951 : i32
      %parallel_loop3A_953 = arith.constant 1 : i32
      %parallel_loop3A_954 = arith.cmpi eq, %parallel_loop3A_950, %parallel_loop3A_953 : i32
      %parallel_loop3A_955 = arith.constant 16 : i32
      %parallel_loop3A_956 = arith.muli %parallel_loop3A_161, %parallel_loop3A_955 : i32
      %parallel_loop3A_957 = arith.constant 0 : i32
      %parallel_loop3A_958 = arith.addi %parallel_loop3A_957, %parallel_loop3A_956 : i32
      %parallel_loop3A_959 = arith.constant 10 : i32
      %parallel_loop3A_960 = arith.addi %parallel_loop3A_958, %parallel_loop3A_959 : i32
      %parallel_loop3A_961 = arith.constant 128 : i32
      %parallel_loop3A_962 = arith.muli %parallel_loop3A_960, %parallel_loop3A_961 : i32
      %parallel_loop3A_963 = arith.select %parallel_loop3A_954, %get3A_48, %get3A_88 : vector<16xf32>
      %parallel_loop3A_964 = arith.select %parallel_loop3A_952, %get3A_8, %parallel_loop3A_963 : vector<16xf32>
      %parallel_loop3A_965 = arith.constant 0 : i32
      %parallel_loop3A_966 = arith.addi %parallel_loop3A_962, %parallel_loop3A_965 : i32
      %parallel_loop3A_967 = arith.index_cast %parallel_loop3A_966 : i32 to index
      %parallel_loop3A_968 = tpu.vector_load %arg7[%parallel_loop3A_967] {strides = array<i32>} : memref<65536xf32, #tpu.memory_space<vmem>>, vector<16xf32>,
      %parallel_loop3A_969 = vector.shape_cast %parallel_loop3A_968 : vector<16xf32> to vector<16xf32>
      %parallel_loop3A_970 = vector.shape_cast %parallel_loop3A_964 : vector<16xf32> to vector<16xf32>
      tpu.vector_store %arg7[%parallel_loop3A_967], %parallel_loop3A_970 {strides = array<i32>} : memref<65536xf32, #tpu.memory_space<vmem>>, vector<16xf32>,
      %parallel_loop3A_971 = arith.select %parallel_loop3A_954, %get3A_53, %get3A_93 : vector<16xf32>
      %parallel_loop3A_972 = arith.select %parallel_loop3A_952, %get3A_13, %parallel_loop3A_971 : vector<16xf32>
      %parallel_loop3A_973 = arith.constant 16 : i32
      %parallel_loop3A_974 = arith.addi %parallel_loop3A_962, %parallel_loop3A_973 : i32
      %parallel_loop3A_975 = arith.index_cast %parallel_loop3A_974 : i32 to index
      %parallel_loop3A_976 = tpu.vector_load %arg7[%parallel_loop3A_975] {strides = array<i32>} : memref<65536xf32, #tpu.memory_space<vmem>>, vector<16xf32>,
      %parallel_loop3A_977 = vector.shape_cast %parallel_loop3A_976 : vector<16xf32> to vector<16xf32>
      %parallel_loop3A_978 = vector.shape_cast %parallel_loop3A_972 : vector<16xf32> to vector<16xf32>
      tpu.vector_store %arg7[%parallel_loop3A_975], %parallel_loop3A_978 {strides = array<i32>} : memref<65536xf32, #tpu.memory_space<vmem>>, vector<16xf32>,
      %parallel_loop3A_979 = arith.select %parallel_loop3A_954, %get3A_58, %get3A_98 : vector<16xf32>
      %parallel_loop3A_980 = arith.select %parallel_loop3A_952, %get3A_18, %parallel_loop3A_979 : vector<16xf32>
      %parallel_loop3A_981 = arith.constant 32 : i32
      %parallel_loop3A_982 = arith.addi %parallel_loop3A_962, %parallel_loop3A_981 : i32
      %parallel_loop3A_983 = arith.index_cast %parallel_loop3A_982 : i32 to index
      %parallel_loop3A_984 = tpu.vector_load %arg7[%parallel_loop3A_983] {strides = array<i32>} : memref<65536xf32, #tpu.memory_space<vmem>>, vector<16xf32>,
      %parallel_loop3A_985 = vector.shape_cast %parallel_loop3A_984 : vector<16xf32> to vector<16xf32>
      %parallel_loop3A_986 = vector.shape_cast %parallel_loop3A_980 : vector<16xf32> to vector<16xf32>
      tpu.vector_store %arg7[%parallel_loop3A_983], %parallel_loop3A_986 {strides = array<i32>} : memref<65536xf32, #tpu.memory_space<vmem>>, vector<16xf32>,
      %parallel_loop3A_987 = arith.select %parallel_loop3A_954, %get3A_63, %get3A_103 : vector<16xf32>
      %parallel_loop3A_988 = arith.select %parallel_loop3A_952, %get3A_23, %parallel_loop3A_987 : vector<16xf32>
      %parallel_loop3A_989 = arith.constant 48 : i32
      %parallel_loop3A_990 = arith.addi %parallel_loop3A_962, %parallel_loop3A_989 : i32
      %parallel_loop3A_991 = arith.index_cast %parallel_loop3A_990 : i32 to index
      %parallel_loop3A_992 = tpu.vector_load %arg7[%parallel_loop3A_991] {strides = array<i32>} : memref<65536xf32, #tpu.memory_space<vmem>>, vector<16xf32>,
      %parallel_loop3A_993 = vector.shape_cast %parallel_loop3A_992 : vector<16xf32> to vector<16xf32>
      %parallel_loop3A_994 = vector.shape_cast %parallel_loop3A_988 : vector<16xf32> to vector<16xf32>
      tpu.vector_store %arg7[%parallel_loop3A_991], %parallel_loop3A_994 {strides = array<i32>} : memref<65536xf32, #tpu.memory_space<vmem>>, vector<16xf32>,
      %parallel_loop3A_995 = arith.select %parallel_loop3A_954, %get3A_68, %get3A_108 : vector<16xf32>
      %parallel_loop3A_996 = arith.select %parallel_loop3A_952, %get3A_28, %parallel_loop3A_995 : vector<16xf32>
      %parallel_loop3A_997 = arith.constant 64 : i32
      %parallel_loop3A_998 = arith.addi %parallel_loop3A_962, %parallel_loop3A_997 : i32
      %parallel_loop3A_999 = arith.index_cast %parallel_loop3A_998 : i32 to index
      %parallel_loop3A_1000 = tpu.vector_load %arg7[%parallel_loop3A_999] {strides = array<i32>} : memref<65536xf32, #tpu.memory_space<vmem>>, vector<16xf32>,
      %parallel_loop3A_1001 = vector.shape_cast %parallel_loop3A_1000 : vector<16xf32> to vector<16xf32>
      %parallel_loop3A_1002 = vector.shape_cast %parallel_loop3A_996 : vector<16xf32> to vector<16xf32>
      tpu.vector_store %arg7[%parallel_loop3A_999], %parallel_loop3A_1002 {strides = array<i32>} : memref<65536xf32, #tpu.memory_space<vmem>>, vector<16xf32>,
      %parallel_loop3A_1003 = arith.select %parallel_loop3A_954, %get3A_73, %get3A_113 : vector<16xf32>
      %parallel_loop3A_1004 = arith.select %parallel_loop3A_952, %get3A_33, %parallel_loop3A_1003 : vector<16xf32>
      %parallel_loop3A_1005 = arith.constant 80 : i32
      %parallel_loop3A_1006 = arith.addi %parallel_loop3A_962, %parallel_loop3A_1005 : i32
      %parallel_loop3A_1007 = arith.index_cast %parallel_loop3A_1006 : i32 to index
      %parallel_loop3A_1008 = tpu.vector_load %arg7[%parallel_loop3A_1007] {strides = array<i32>} : memref<65536xf32, #tpu.memory_space<vmem>>, vector<16xf32>,
      %parallel_loop3A_1009 = vector.shape_cast %parallel_loop3A_1008 : vector<16xf32> to vector<16xf32>
      %parallel_loop3A_1010 = vector.shape_cast %parallel_loop3A_1004 : vector<16xf32> to vector<16xf32>
      tpu.vector_store %arg7[%parallel_loop3A_1007], %parallel_loop3A_1010 {strides = array<i32>} : memref<65536xf32, #tpu.memory_space<vmem>>, vector<16xf32>,
      %parallel_loop3A_1011 = arith.select %parallel_loop3A_954, %get3A_78, %get3A_118 : vector<16xf32>
      %parallel_loop3A_1012 = arith.select %parallel_loop3A_952, %get3A_38, %parallel_loop3A_1011 : vector<16xf32>
      %parallel_loop3A_1013 = arith.constant 96 : i32
      %parallel_loop3A_1014 = arith.addi %parallel_loop3A_962, %parallel_loop3A_1013 : i32
      %parallel_loop3A_1015 = arith.index_cast %parallel_loop3A_1014 : i32 to index
      %parallel_loop3A_1016 = tpu.vector_load %arg7[%parallel_loop3A_1015] {strides = array<i32>} : memref<65536xf32, #tpu.memory_space<vmem>>, vector<16xf32>,
      %parallel_loop3A_1017 = vector.shape_cast %parallel_loop3A_1016 : vector<16xf32> to vector<16xf32>
      %parallel_loop3A_1018 = vector.shape_cast %parallel_loop3A_1012 : vector<16xf32> to vector<16xf32>
      tpu.vector_store %arg7[%parallel_loop3A_1015], %parallel_loop3A_1018 {strides = array<i32>} : memref<65536xf32, #tpu.memory_space<vmem>>, vector<16xf32>,
      %parallel_loop3A_1019 = arith.select %parallel_loop3A_954, %get3A_83, %get3A_123 : vector<16xf32>
      %parallel_loop3A_1020 = arith.select %parallel_loop3A_952, %get3A_43, %parallel_loop3A_1019 : vector<16xf32>
      %parallel_loop3A_1021 = arith.constant 112 : i32
      %parallel_loop3A_1022 = arith.addi %parallel_loop3A_962, %parallel_loop3A_1021 : i32
      %parallel_loop3A_1023 = arith.index_cast %parallel_loop3A_1022 : i32 to index
      %parallel_loop3A_1024 = tpu.vector_load %arg7[%parallel_loop3A_1023] {strides = array<i32>} : memref<65536xf32, #tpu.memory_space<vmem>>, vector<16xf32>,
      %parallel_loop3A_1025 = vector.shape_cast %parallel_loop3A_1024 : vector<16xf32> to vector<16xf32>
      %parallel_loop3A_1026 = vector.shape_cast %parallel_loop3A_1020 : vector<16xf32> to vector<16xf32>
      tpu.vector_store %arg7[%parallel_loop3A_1023], %parallel_loop3A_1026 {strides = array<i32>} : memref<65536xf32, #tpu.memory_space<vmem>>, vector<16xf32>,
      %parallel_loop3A_1027 = vector.extract_strided_slice %parallel_loop3A_168 {offsets = [11], sizes = [1], strides = [1]} : vector<16xi32> to vector<1xi32>
      %parallel_loop3A_1028 = vector.extract %parallel_loop3A_1027[0] : i32 from vector<1xi32>
      %parallel_loop3A_1029 = arith.constant 0 : i32
      %parallel_loop3A_1030 = arith.cmpi eq, %parallel_loop3A_1028, %parallel_loop3A_1029 : i32
      %parallel_loop3A_1031 = arith.constant 1 : i32
      %parallel_loop3A_1032 = arith.cmpi eq, %parallel_loop3A_1028, %parallel_loop3A_1031 : i32
      %parallel_loop3A_1033 = arith.constant 16 : i32
      %parallel_loop3A_1034 = arith.muli %parallel_loop3A_161, %parallel_loop3A_1033 : i32
      %parallel_loop3A_1035 = arith.constant 0 : i32
      %parallel_loop3A_1036 = arith.addi %parallel_loop3A_1035, %parallel_loop3A_1034 : i32
      %parallel_loop3A_1037 = arith.constant 11 : i32
      %parallel_loop3A_1038 = arith.addi %parallel_loop3A_1036, %parallel_loop3A_1037 : i32
      %parallel_loop3A_1039 = arith.constant 128 : i32
      %parallel_loop3A_1040 = arith.muli %parallel_loop3A_1038, %parallel_loop3A_1039 : i32
      %parallel_loop3A_1041 = arith.select %parallel_loop3A_1032, %get3A_48, %get3A_88 : vector<16xf32>
      %parallel_loop3A_1042 = arith.select %parallel_loop3A_1030, %get3A_8, %parallel_loop3A_1041 : vector<16xf32>
      %parallel_loop3A_1043 = arith.constant 0 : i32
      %parallel_loop3A_1044 = arith.addi %parallel_loop3A_1040, %parallel_loop3A_1043 : i32
      %parallel_loop3A_1045 = arith.index_cast %parallel_loop3A_1044 : i32 to index
      %parallel_loop3A_1046 = tpu.vector_load %arg7[%parallel_loop3A_1045] {strides = array<i32>} : memref<65536xf32, #tpu.memory_space<vmem>>, vector<16xf32>,
      %parallel_loop3A_1047 = vector.shape_cast %parallel_loop3A_1046 : vector<16xf32> to vector<16xf32>
      %parallel_loop3A_1048 = vector.shape_cast %parallel_loop3A_1042 : vector<16xf32> to vector<16xf32>
      tpu.vector_store %arg7[%parallel_loop3A_1045], %parallel_loop3A_1048 {strides = array<i32>} : memref<65536xf32, #tpu.memory_space<vmem>>, vector<16xf32>,
      %parallel_loop3A_1049 = arith.select %parallel_loop3A_1032, %get3A_53, %get3A_93 : vector<16xf32>
      %parallel_loop3A_1050 = arith.select %parallel_loop3A_1030, %get3A_13, %parallel_loop3A_1049 : vector<16xf32>
      %parallel_loop3A_1051 = arith.constant 16 : i32
      %parallel_loop3A_1052 = arith.addi %parallel_loop3A_1040, %parallel_loop3A_1051 : i32
      %parallel_loop3A_1053 = arith.index_cast %parallel_loop3A_1052 : i32 to index
      %parallel_loop3A_1054 = tpu.vector_load %arg7[%parallel_loop3A_1053] {strides = array<i32>} : memref<65536xf32, #tpu.memory_space<vmem>>, vector<16xf32>,
      %parallel_loop3A_1055 = vector.shape_cast %parallel_loop3A_1054 : vector<16xf32> to vector<16xf32>
      %parallel_loop3A_1056 = vector.shape_cast %parallel_loop3A_1050 : vector<16xf32> to vector<16xf32>
      tpu.vector_store %arg7[%parallel_loop3A_1053], %parallel_loop3A_1056 {strides = array<i32>} : memref<65536xf32, #tpu.memory_space<vmem>>, vector<16xf32>,
      %parallel_loop3A_1057 = arith.select %parallel_loop3A_1032, %get3A_58, %get3A_98 : vector<16xf32>
      %parallel_loop3A_1058 = arith.select %parallel_loop3A_1030, %get3A_18, %parallel_loop3A_1057 : vector<16xf32>
      %parallel_loop3A_1059 = arith.constant 32 : i32
      %parallel_loop3A_1060 = arith.addi %parallel_loop3A_1040, %parallel_loop3A_1059 : i32
      %parallel_loop3A_1061 = arith.index_cast %parallel_loop3A_1060 : i32 to index
      %parallel_loop3A_1062 = tpu.vector_load %arg7[%parallel_loop3A_1061] {strides = array<i32>} : memref<65536xf32, #tpu.memory_space<vmem>>, vector<16xf32>,
      %parallel_loop3A_1063 = vector.shape_cast %parallel_loop3A_1062 : vector<16xf32> to vector<16xf32>
      %parallel_loop3A_1064 = vector.shape_cast %parallel_loop3A_1058 : vector<16xf32> to vector<16xf32>
      tpu.vector_store %arg7[%parallel_loop3A_1061], %parallel_loop3A_1064 {strides = array<i32>} : memref<65536xf32, #tpu.memory_space<vmem>>, vector<16xf32>,
      %parallel_loop3A_1065 = arith.select %parallel_loop3A_1032, %get3A_63, %get3A_103 : vector<16xf32>
      %parallel_loop3A_1066 = arith.select %parallel_loop3A_1030, %get3A_23, %parallel_loop3A_1065 : vector<16xf32>
      %parallel_loop3A_1067 = arith.constant 48 : i32
      %parallel_loop3A_1068 = arith.addi %parallel_loop3A_1040, %parallel_loop3A_1067 : i32
      %parallel_loop3A_1069 = arith.index_cast %parallel_loop3A_1068 : i32 to index
      %parallel_loop3A_1070 = tpu.vector_load %arg7[%parallel_loop3A_1069] {strides = array<i32>} : memref<65536xf32, #tpu.memory_space<vmem>>, vector<16xf32>,
      %parallel_loop3A_1071 = vector.shape_cast %parallel_loop3A_1070 : vector<16xf32> to vector<16xf32>
      %parallel_loop3A_1072 = vector.shape_cast %parallel_loop3A_1066 : vector<16xf32> to vector<16xf32>
      tpu.vector_store %arg7[%parallel_loop3A_1069], %parallel_loop3A_1072 {strides = array<i32>} : memref<65536xf32, #tpu.memory_space<vmem>>, vector<16xf32>,
      %parallel_loop3A_1073 = arith.select %parallel_loop3A_1032, %get3A_68, %get3A_108 : vector<16xf32>
      %parallel_loop3A_1074 = arith.select %parallel_loop3A_1030, %get3A_28, %parallel_loop3A_1073 : vector<16xf32>
      %parallel_loop3A_1075 = arith.constant 64 : i32
      %parallel_loop3A_1076 = arith.addi %parallel_loop3A_1040, %parallel_loop3A_1075 : i32
      %parallel_loop3A_1077 = arith.index_cast %parallel_loop3A_1076 : i32 to index
      %parallel_loop3A_1078 = tpu.vector_load %arg7[%parallel_loop3A_1077] {strides = array<i32>} : memref<65536xf32, #tpu.memory_space<vmem>>, vector<16xf32>,
      %parallel_loop3A_1079 = vector.shape_cast %parallel_loop3A_1078 : vector<16xf32> to vector<16xf32>
      %parallel_loop3A_1080 = vector.shape_cast %parallel_loop3A_1074 : vector<16xf32> to vector<16xf32>
      tpu.vector_store %arg7[%parallel_loop3A_1077], %parallel_loop3A_1080 {strides = array<i32>} : memref<65536xf32, #tpu.memory_space<vmem>>, vector<16xf32>,
      %parallel_loop3A_1081 = arith.select %parallel_loop3A_1032, %get3A_73, %get3A_113 : vector<16xf32>
      %parallel_loop3A_1082 = arith.select %parallel_loop3A_1030, %get3A_33, %parallel_loop3A_1081 : vector<16xf32>
      %parallel_loop3A_1083 = arith.constant 80 : i32
      %parallel_loop3A_1084 = arith.addi %parallel_loop3A_1040, %parallel_loop3A_1083 : i32
      %parallel_loop3A_1085 = arith.index_cast %parallel_loop3A_1084 : i32 to index
      %parallel_loop3A_1086 = tpu.vector_load %arg7[%parallel_loop3A_1085] {strides = array<i32>} : memref<65536xf32, #tpu.memory_space<vmem>>, vector<16xf32>,
      %parallel_loop3A_1087 = vector.shape_cast %parallel_loop3A_1086 : vector<16xf32> to vector<16xf32>
      %parallel_loop3A_1088 = vector.shape_cast %parallel_loop3A_1082 : vector<16xf32> to vector<16xf32>
      tpu.vector_store %arg7[%parallel_loop3A_1085], %parallel_loop3A_1088 {strides = array<i32>} : memref<65536xf32, #tpu.memory_space<vmem>>, vector<16xf32>,
      %parallel_loop3A_1089 = arith.select %parallel_loop3A_1032, %get3A_78, %get3A_118 : vector<16xf32>
      %parallel_loop3A_1090 = arith.select %parallel_loop3A_1030, %get3A_38, %parallel_loop3A_1089 : vector<16xf32>
      %parallel_loop3A_1091 = arith.constant 96 : i32
      %parallel_loop3A_1092 = arith.addi %parallel_loop3A_1040, %parallel_loop3A_1091 : i32
      %parallel_loop3A_1093 = arith.index_cast %parallel_loop3A_1092 : i32 to index
      %parallel_loop3A_1094 = tpu.vector_load %arg7[%parallel_loop3A_1093] {strides = array<i32>} : memref<65536xf32, #tpu.memory_space<vmem>>, vector<16xf32>,
      %parallel_loop3A_1095 = vector.shape_cast %parallel_loop3A_1094 : vector<16xf32> to vector<16xf32>
      %parallel_loop3A_1096 = vector.shape_cast %parallel_loop3A_1090 : vector<16xf32> to vector<16xf32>
      tpu.vector_store %arg7[%parallel_loop3A_1093], %parallel_loop3A_1096 {strides = array<i32>} : memref<65536xf32, #tpu.memory_space<vmem>>, vector<16xf32>,
      %parallel_loop3A_1097 = arith.select %parallel_loop3A_1032, %get3A_83, %get3A_123 : vector<16xf32>
      %parallel_loop3A_1098 = arith.select %parallel_loop3A_1030, %get3A_43, %parallel_loop3A_1097 : vector<16xf32>
      %parallel_loop3A_1099 = arith.constant 112 : i32
      %parallel_loop3A_1100 = arith.addi %parallel_loop3A_1040, %parallel_loop3A_1099 : i32
      %parallel_loop3A_1101 = arith.index_cast %parallel_loop3A_1100 : i32 to index
      %parallel_loop3A_1102 = tpu.vector_load %arg7[%parallel_loop3A_1101] {strides = array<i32>} : memref<65536xf32, #tpu.memory_space<vmem>>, vector<16xf32>,
      %parallel_loop3A_1103 = vector.shape_cast %parallel_loop3A_1102 : vector<16xf32> to vector<16xf32>
      %parallel_loop3A_1104 = vector.shape_cast %parallel_loop3A_1098 : vector<16xf32> to vector<16xf32>
      tpu.vector_store %arg7[%parallel_loop3A_1101], %parallel_loop3A_1104 {strides = array<i32>} : memref<65536xf32, #tpu.memory_space<vmem>>, vector<16xf32>,
      %parallel_loop3A_1105 = vector.extract_strided_slice %parallel_loop3A_168 {offsets = [12], sizes = [1], strides = [1]} : vector<16xi32> to vector<1xi32>
      %parallel_loop3A_1106 = vector.extract %parallel_loop3A_1105[0] : i32 from vector<1xi32>
      %parallel_loop3A_1107 = arith.constant 0 : i32
      %parallel_loop3A_1108 = arith.cmpi eq, %parallel_loop3A_1106, %parallel_loop3A_1107 : i32
      %parallel_loop3A_1109 = arith.constant 1 : i32
      %parallel_loop3A_1110 = arith.cmpi eq, %parallel_loop3A_1106, %parallel_loop3A_1109 : i32
      %parallel_loop3A_1111 = arith.constant 16 : i32
      %parallel_loop3A_1112 = arith.muli %parallel_loop3A_161, %parallel_loop3A_1111 : i32
      %parallel_loop3A_1113 = arith.constant 0 : i32
      %parallel_loop3A_1114 = arith.addi %parallel_loop3A_1113, %parallel_loop3A_1112 : i32
      %parallel_loop3A_1115 = arith.constant 12 : i32
      %parallel_loop3A_1116 = arith.addi %parallel_loop3A_1114, %parallel_loop3A_1115 : i32
      %parallel_loop3A_1117 = arith.constant 128 : i32
      %parallel_loop3A_1118 = arith.muli %parallel_loop3A_1116, %parallel_loop3A_1117 : i32
      %parallel_loop3A_1119 = arith.select %parallel_loop3A_1110, %get3A_48, %get3A_88 : vector<16xf32>
      %parallel_loop3A_1120 = arith.select %parallel_loop3A_1108, %get3A_8, %parallel_loop3A_1119 : vector<16xf32>
      %parallel_loop3A_1121 = arith.constant 0 : i32
      %parallel_loop3A_1122 = arith.addi %parallel_loop3A_1118, %parallel_loop3A_1121 : i32
      %parallel_loop3A_1123 = arith.index_cast %parallel_loop3A_1122 : i32 to index
      %parallel_loop3A_1124 = tpu.vector_load %arg7[%parallel_loop3A_1123] {strides = array<i32>} : memref<65536xf32, #tpu.memory_space<vmem>>, vector<16xf32>,
      %parallel_loop3A_1125 = vector.shape_cast %parallel_loop3A_1124 : vector<16xf32> to vector<16xf32>
      %parallel_loop3A_1126 = vector.shape_cast %parallel_loop3A_1120 : vector<16xf32> to vector<16xf32>
      tpu.vector_store %arg7[%parallel_loop3A_1123], %parallel_loop3A_1126 {strides = array<i32>} : memref<65536xf32, #tpu.memory_space<vmem>>, vector<16xf32>,
      %parallel_loop3A_1127 = arith.select %parallel_loop3A_1110, %get3A_53, %get3A_93 : vector<16xf32>
      %parallel_loop3A_1128 = arith.select %parallel_loop3A_1108, %get3A_13, %parallel_loop3A_1127 : vector<16xf32>
      %parallel_loop3A_1129 = arith.constant 16 : i32
      %parallel_loop3A_1130 = arith.addi %parallel_loop3A_1118, %parallel_loop3A_1129 : i32
      %parallel_loop3A_1131 = arith.index_cast %parallel_loop3A_1130 : i32 to index
      %parallel_loop3A_1132 = tpu.vector_load %arg7[%parallel_loop3A_1131] {strides = array<i32>} : memref<65536xf32, #tpu.memory_space<vmem>>, vector<16xf32>,
      %parallel_loop3A_1133 = vector.shape_cast %parallel_loop3A_1132 : vector<16xf32> to vector<16xf32>
      %parallel_loop3A_1134 = vector.shape_cast %parallel_loop3A_1128 : vector<16xf32> to vector<16xf32>
      tpu.vector_store %arg7[%parallel_loop3A_1131], %parallel_loop3A_1134 {strides = array<i32>} : memref<65536xf32, #tpu.memory_space<vmem>>, vector<16xf32>,
      %parallel_loop3A_1135 = arith.select %parallel_loop3A_1110, %get3A_58, %get3A_98 : vector<16xf32>
      %parallel_loop3A_1136 = arith.select %parallel_loop3A_1108, %get3A_18, %parallel_loop3A_1135 : vector<16xf32>
      %parallel_loop3A_1137 = arith.constant 32 : i32
      %parallel_loop3A_1138 = arith.addi %parallel_loop3A_1118, %parallel_loop3A_1137 : i32
      %parallel_loop3A_1139 = arith.index_cast %parallel_loop3A_1138 : i32 to index
      %parallel_loop3A_1140 = tpu.vector_load %arg7[%parallel_loop3A_1139] {strides = array<i32>} : memref<65536xf32, #tpu.memory_space<vmem>>, vector<16xf32>,
      %parallel_loop3A_1141 = vector.shape_cast %parallel_loop3A_1140 : vector<16xf32> to vector<16xf32>
      %parallel_loop3A_1142 = vector.shape_cast %parallel_loop3A_1136 : vector<16xf32> to vector<16xf32>
      tpu.vector_store %arg7[%parallel_loop3A_1139], %parallel_loop3A_1142 {strides = array<i32>} : memref<65536xf32, #tpu.memory_space<vmem>>, vector<16xf32>,
      %parallel_loop3A_1143 = arith.select %parallel_loop3A_1110, %get3A_63, %get3A_103 : vector<16xf32>
      %parallel_loop3A_1144 = arith.select %parallel_loop3A_1108, %get3A_23, %parallel_loop3A_1143 : vector<16xf32>
      %parallel_loop3A_1145 = arith.constant 48 : i32
      %parallel_loop3A_1146 = arith.addi %parallel_loop3A_1118, %parallel_loop3A_1145 : i32
      %parallel_loop3A_1147 = arith.index_cast %parallel_loop3A_1146 : i32 to index
      %parallel_loop3A_1148 = tpu.vector_load %arg7[%parallel_loop3A_1147] {strides = array<i32>} : memref<65536xf32, #tpu.memory_space<vmem>>, vector<16xf32>,
      %parallel_loop3A_1149 = vector.shape_cast %parallel_loop3A_1148 : vector<16xf32> to vector<16xf32>
      %parallel_loop3A_1150 = vector.shape_cast %parallel_loop3A_1144 : vector<16xf32> to vector<16xf32>
      tpu.vector_store %arg7[%parallel_loop3A_1147], %parallel_loop3A_1150 {strides = array<i32>} : memref<65536xf32, #tpu.memory_space<vmem>>, vector<16xf32>,
      %parallel_loop3A_1151 = arith.select %parallel_loop3A_1110, %get3A_68, %get3A_108 : vector<16xf32>
      %parallel_loop3A_1152 = arith.select %parallel_loop3A_1108, %get3A_28, %parallel_loop3A_1151 : vector<16xf32>
      %parallel_loop3A_1153 = arith.constant 64 : i32
      %parallel_loop3A_1154 = arith.addi %parallel_loop3A_1118, %parallel_loop3A_1153 : i32
      %parallel_loop3A_1155 = arith.index_cast %parallel_loop3A_1154 : i32 to index
      %parallel_loop3A_1156 = tpu.vector_load %arg7[%parallel_loop3A_1155] {strides = array<i32>} : memref<65536xf32, #tpu.memory_space<vmem>>, vector<16xf32>,
      %parallel_loop3A_1157 = vector.shape_cast %parallel_loop3A_1156 : vector<16xf32> to vector<16xf32>
      %parallel_loop3A_1158 = vector.shape_cast %parallel_loop3A_1152 : vector<16xf32> to vector<16xf32>
      tpu.vector_store %arg7[%parallel_loop3A_1155], %parallel_loop3A_1158 {strides = array<i32>} : memref<65536xf32, #tpu.memory_space<vmem>>, vector<16xf32>,
      %parallel_loop3A_1159 = arith.select %parallel_loop3A_1110, %get3A_73, %get3A_113 : vector<16xf32>
      %parallel_loop3A_1160 = arith.select %parallel_loop3A_1108, %get3A_33, %parallel_loop3A_1159 : vector<16xf32>
      %parallel_loop3A_1161 = arith.constant 80 : i32
      %parallel_loop3A_1162 = arith.addi %parallel_loop3A_1118, %parallel_loop3A_1161 : i32
      %parallel_loop3A_1163 = arith.index_cast %parallel_loop3A_1162 : i32 to index
      %parallel_loop3A_1164 = tpu.vector_load %arg7[%parallel_loop3A_1163] {strides = array<i32>} : memref<65536xf32, #tpu.memory_space<vmem>>, vector<16xf32>,
      %parallel_loop3A_1165 = vector.shape_cast %parallel_loop3A_1164 : vector<16xf32> to vector<16xf32>
      %parallel_loop3A_1166 = vector.shape_cast %parallel_loop3A_1160 : vector<16xf32> to vector<16xf32>
      tpu.vector_store %arg7[%parallel_loop3A_1163], %parallel_loop3A_1166 {strides = array<i32>} : memref<65536xf32, #tpu.memory_space<vmem>>, vector<16xf32>,
      %parallel_loop3A_1167 = arith.select %parallel_loop3A_1110, %get3A_78, %get3A_118 : vector<16xf32>
      %parallel_loop3A_1168 = arith.select %parallel_loop3A_1108, %get3A_38, %parallel_loop3A_1167 : vector<16xf32>
      %parallel_loop3A_1169 = arith.constant 96 : i32
      %parallel_loop3A_1170 = arith.addi %parallel_loop3A_1118, %parallel_loop3A_1169 : i32
      %parallel_loop3A_1171 = arith.index_cast %parallel_loop3A_1170 : i32 to index
      %parallel_loop3A_1172 = tpu.vector_load %arg7[%parallel_loop3A_1171] {strides = array<i32>} : memref<65536xf32, #tpu.memory_space<vmem>>, vector<16xf32>,
      %parallel_loop3A_1173 = vector.shape_cast %parallel_loop3A_1172 : vector<16xf32> to vector<16xf32>
      %parallel_loop3A_1174 = vector.shape_cast %parallel_loop3A_1168 : vector<16xf32> to vector<16xf32>
      tpu.vector_store %arg7[%parallel_loop3A_1171], %parallel_loop3A_1174 {strides = array<i32>} : memref<65536xf32, #tpu.memory_space<vmem>>, vector<16xf32>,
      %parallel_loop3A_1175 = arith.select %parallel_loop3A_1110, %get3A_83, %get3A_123 : vector<16xf32>
      %parallel_loop3A_1176 = arith.select %parallel_loop3A_1108, %get3A_43, %parallel_loop3A_1175 : vector<16xf32>
      %parallel_loop3A_1177 = arith.constant 112 : i32
      %parallel_loop3A_1178 = arith.addi %parallel_loop3A_1118, %parallel_loop3A_1177 : i32
      %parallel_loop3A_1179 = arith.index_cast %parallel_loop3A_1178 : i32 to index
      %parallel_loop3A_1180 = tpu.vector_load %arg7[%parallel_loop3A_1179] {strides = array<i32>} : memref<65536xf32, #tpu.memory_space<vmem>>, vector<16xf32>,
      %parallel_loop3A_1181 = vector.shape_cast %parallel_loop3A_1180 : vector<16xf32> to vector<16xf32>
      %parallel_loop3A_1182 = vector.shape_cast %parallel_loop3A_1176 : vector<16xf32> to vector<16xf32>
      tpu.vector_store %arg7[%parallel_loop3A_1179], %parallel_loop3A_1182 {strides = array<i32>} : memref<65536xf32, #tpu.memory_space<vmem>>, vector<16xf32>,
      %parallel_loop3A_1183 = vector.extract_strided_slice %parallel_loop3A_168 {offsets = [13], sizes = [1], strides = [1]} : vector<16xi32> to vector<1xi32>
      %parallel_loop3A_1184 = vector.extract %parallel_loop3A_1183[0] : i32 from vector<1xi32>
      %parallel_loop3A_1185 = arith.constant 0 : i32
      %parallel_loop3A_1186 = arith.cmpi eq, %parallel_loop3A_1184, %parallel_loop3A_1185 : i32
      %parallel_loop3A_1187 = arith.constant 1 : i32
      %parallel_loop3A_1188 = arith.cmpi eq, %parallel_loop3A_1184, %parallel_loop3A_1187 : i32
      %parallel_loop3A_1189 = arith.constant 16 : i32
      %parallel_loop3A_1190 = arith.muli %parallel_loop3A_161, %parallel_loop3A_1189 : i32
      %parallel_loop3A_1191 = arith.constant 0 : i32
      %parallel_loop3A_1192 = arith.addi %parallel_loop3A_1191, %parallel_loop3A_1190 : i32
      %parallel_loop3A_1193 = arith.constant 13 : i32
      %parallel_loop3A_1194 = arith.addi %parallel_loop3A_1192, %parallel_loop3A_1193 : i32
      %parallel_loop3A_1195 = arith.constant 128 : i32
      %parallel_loop3A_1196 = arith.muli %parallel_loop3A_1194, %parallel_loop3A_1195 : i32
      %parallel_loop3A_1197 = arith.select %parallel_loop3A_1188, %get3A_48, %get3A_88 : vector<16xf32>
      %parallel_loop3A_1198 = arith.select %parallel_loop3A_1186, %get3A_8, %parallel_loop3A_1197 : vector<16xf32>
      %parallel_loop3A_1199 = arith.constant 0 : i32
      %parallel_loop3A_1200 = arith.addi %parallel_loop3A_1196, %parallel_loop3A_1199 : i32
      %parallel_loop3A_1201 = arith.index_cast %parallel_loop3A_1200 : i32 to index
      %parallel_loop3A_1202 = tpu.vector_load %arg7[%parallel_loop3A_1201] {strides = array<i32>} : memref<65536xf32, #tpu.memory_space<vmem>>, vector<16xf32>,
      %parallel_loop3A_1203 = vector.shape_cast %parallel_loop3A_1202 : vector<16xf32> to vector<16xf32>
      %parallel_loop3A_1204 = vector.shape_cast %parallel_loop3A_1198 : vector<16xf32> to vector<16xf32>
      tpu.vector_store %arg7[%parallel_loop3A_1201], %parallel_loop3A_1204 {strides = array<i32>} : memref<65536xf32, #tpu.memory_space<vmem>>, vector<16xf32>,
      %parallel_loop3A_1205 = arith.select %parallel_loop3A_1188, %get3A_53, %get3A_93 : vector<16xf32>
      %parallel_loop3A_1206 = arith.select %parallel_loop3A_1186, %get3A_13, %parallel_loop3A_1205 : vector<16xf32>
      %parallel_loop3A_1207 = arith.constant 16 : i32
      %parallel_loop3A_1208 = arith.addi %parallel_loop3A_1196, %parallel_loop3A_1207 : i32
      %parallel_loop3A_1209 = arith.index_cast %parallel_loop3A_1208 : i32 to index
      %parallel_loop3A_1210 = tpu.vector_load %arg7[%parallel_loop3A_1209] {strides = array<i32>} : memref<65536xf32, #tpu.memory_space<vmem>>, vector<16xf32>,
      %parallel_loop3A_1211 = vector.shape_cast %parallel_loop3A_1210 : vector<16xf32> to vector<16xf32>
      %parallel_loop3A_1212 = vector.shape_cast %parallel_loop3A_1206 : vector<16xf32> to vector<16xf32>
      tpu.vector_store %arg7[%parallel_loop3A_1209], %parallel_loop3A_1212 {strides = array<i32>} : memref<65536xf32, #tpu.memory_space<vmem>>, vector<16xf32>,
      %parallel_loop3A_1213 = arith.select %parallel_loop3A_1188, %get3A_58, %get3A_98 : vector<16xf32>
      %parallel_loop3A_1214 = arith.select %parallel_loop3A_1186, %get3A_18, %parallel_loop3A_1213 : vector<16xf32>
      %parallel_loop3A_1215 = arith.constant 32 : i32
      %parallel_loop3A_1216 = arith.addi %parallel_loop3A_1196, %parallel_loop3A_1215 : i32
      %parallel_loop3A_1217 = arith.index_cast %parallel_loop3A_1216 : i32 to index
      %parallel_loop3A_1218 = tpu.vector_load %arg7[%parallel_loop3A_1217] {strides = array<i32>} : memref<65536xf32, #tpu.memory_space<vmem>>, vector<16xf32>,
      %parallel_loop3A_1219 = vector.shape_cast %parallel_loop3A_1218 : vector<16xf32> to vector<16xf32>
      %parallel_loop3A_1220 = vector.shape_cast %parallel_loop3A_1214 : vector<16xf32> to vector<16xf32>
      tpu.vector_store %arg7[%parallel_loop3A_1217], %parallel_loop3A_1220 {strides = array<i32>} : memref<65536xf32, #tpu.memory_space<vmem>>, vector<16xf32>,
      %parallel_loop3A_1221 = arith.select %parallel_loop3A_1188, %get3A_63, %get3A_103 : vector<16xf32>
      %parallel_loop3A_1222 = arith.select %parallel_loop3A_1186, %get3A_23, %parallel_loop3A_1221 : vector<16xf32>
      %parallel_loop3A_1223 = arith.constant 48 : i32
      %parallel_loop3A_1224 = arith.addi %parallel_loop3A_1196, %parallel_loop3A_1223 : i32
      %parallel_loop3A_1225 = arith.index_cast %parallel_loop3A_1224 : i32 to index
      %parallel_loop3A_1226 = tpu.vector_load %arg7[%parallel_loop3A_1225] {strides = array<i32>} : memref<65536xf32, #tpu.memory_space<vmem>>, vector<16xf32>,
      %parallel_loop3A_1227 = vector.shape_cast %parallel_loop3A_1226 : vector<16xf32> to vector<16xf32>
      %parallel_loop3A_1228 = vector.shape_cast %parallel_loop3A_1222 : vector<16xf32> to vector<16xf32>
      tpu.vector_store %arg7[%parallel_loop3A_1225], %parallel_loop3A_1228 {strides = array<i32>} : memref<65536xf32, #tpu.memory_space<vmem>>, vector<16xf32>,
      %parallel_loop3A_1229 = arith.select %parallel_loop3A_1188, %get3A_68, %get3A_108 : vector<16xf32>
      %parallel_loop3A_1230 = arith.select %parallel_loop3A_1186, %get3A_28, %parallel_loop3A_1229 : vector<16xf32>
      %parallel_loop3A_1231 = arith.constant 64 : i32
      %parallel_loop3A_1232 = arith.addi %parallel_loop3A_1196, %parallel_loop3A_1231 : i32
      %parallel_loop3A_1233 = arith.index_cast %parallel_loop3A_1232 : i32 to index
      %parallel_loop3A_1234 = tpu.vector_load %arg7[%parallel_loop3A_1233] {strides = array<i32>} : memref<65536xf32, #tpu.memory_space<vmem>>, vector<16xf32>,
      %parallel_loop3A_1235 = vector.shape_cast %parallel_loop3A_1234 : vector<16xf32> to vector<16xf32>
      %parallel_loop3A_1236 = vector.shape_cast %parallel_loop3A_1230 : vector<16xf32> to vector<16xf32>
      tpu.vector_store %arg7[%parallel_loop3A_1233], %parallel_loop3A_1236 {strides = array<i32>} : memref<65536xf32, #tpu.memory_space<vmem>>, vector<16xf32>,
      %parallel_loop3A_1237 = arith.select %parallel_loop3A_1188, %get3A_73, %get3A_113 : vector<16xf32>
      %parallel_loop3A_1238 = arith.select %parallel_loop3A_1186, %get3A_33, %parallel_loop3A_1237 : vector<16xf32>
      %parallel_loop3A_1239 = arith.constant 80 : i32
      %parallel_loop3A_1240 = arith.addi %parallel_loop3A_1196, %parallel_loop3A_1239 : i32
      %parallel_loop3A_1241 = arith.index_cast %parallel_loop3A_1240 : i32 to index
      %parallel_loop3A_1242 = tpu.vector_load %arg7[%parallel_loop3A_1241] {strides = array<i32>} : memref<65536xf32, #tpu.memory_space<vmem>>, vector<16xf32>,
      %parallel_loop3A_1243 = vector.shape_cast %parallel_loop3A_1242 : vector<16xf32> to vector<16xf32>
      %parallel_loop3A_1244 = vector.shape_cast %parallel_loop3A_1238 : vector<16xf32> to vector<16xf32>
      tpu.vector_store %arg7[%parallel_loop3A_1241], %parallel_loop3A_1244 {strides = array<i32>} : memref<65536xf32, #tpu.memory_space<vmem>>, vector<16xf32>,
      %parallel_loop3A_1245 = arith.select %parallel_loop3A_1188, %get3A_78, %get3A_118 : vector<16xf32>
      %parallel_loop3A_1246 = arith.select %parallel_loop3A_1186, %get3A_38, %parallel_loop3A_1245 : vector<16xf32>
      %parallel_loop3A_1247 = arith.constant 96 : i32
      %parallel_loop3A_1248 = arith.addi %parallel_loop3A_1196, %parallel_loop3A_1247 : i32
      %parallel_loop3A_1249 = arith.index_cast %parallel_loop3A_1248 : i32 to index
      %parallel_loop3A_1250 = tpu.vector_load %arg7[%parallel_loop3A_1249] {strides = array<i32>} : memref<65536xf32, #tpu.memory_space<vmem>>, vector<16xf32>,
      %parallel_loop3A_1251 = vector.shape_cast %parallel_loop3A_1250 : vector<16xf32> to vector<16xf32>
      %parallel_loop3A_1252 = vector.shape_cast %parallel_loop3A_1246 : vector<16xf32> to vector<16xf32>
      tpu.vector_store %arg7[%parallel_loop3A_1249], %parallel_loop3A_1252 {strides = array<i32>} : memref<65536xf32, #tpu.memory_space<vmem>>, vector<16xf32>,
      %parallel_loop3A_1253 = arith.select %parallel_loop3A_1188, %get3A_83, %get3A_123 : vector<16xf32>
      %parallel_loop3A_1254 = arith.select %parallel_loop3A_1186, %get3A_43, %parallel_loop3A_1253 : vector<16xf32>
      %parallel_loop3A_1255 = arith.constant 112 : i32
      %parallel_loop3A_1256 = arith.addi %parallel_loop3A_1196, %parallel_loop3A_1255 : i32
      %parallel_loop3A_1257 = arith.index_cast %parallel_loop3A_1256 : i32 to index
      %parallel_loop3A_1258 = tpu.vector_load %arg7[%parallel_loop3A_1257] {strides = array<i32>} : memref<65536xf32, #tpu.memory_space<vmem>>, vector<16xf32>,
      %parallel_loop3A_1259 = vector.shape_cast %parallel_loop3A_1258 : vector<16xf32> to vector<16xf32>
      %parallel_loop3A_1260 = vector.shape_cast %parallel_loop3A_1254 : vector<16xf32> to vector<16xf32>
      tpu.vector_store %arg7[%parallel_loop3A_1257], %parallel_loop3A_1260 {strides = array<i32>} : memref<65536xf32, #tpu.memory_space<vmem>>, vector<16xf32>,
      %parallel_loop3A_1261 = vector.extract_strided_slice %parallel_loop3A_168 {offsets = [14], sizes = [1], strides = [1]} : vector<16xi32> to vector<1xi32>
      %parallel_loop3A_1262 = vector.extract %parallel_loop3A_1261[0] : i32 from vector<1xi32>
      %parallel_loop3A_1263 = arith.constant 0 : i32
      %parallel_loop3A_1264 = arith.cmpi eq, %parallel_loop3A_1262, %parallel_loop3A_1263 : i32
      %parallel_loop3A_1265 = arith.constant 1 : i32
      %parallel_loop3A_1266 = arith.cmpi eq, %parallel_loop3A_1262, %parallel_loop3A_1265 : i32
      %parallel_loop3A_1267 = arith.constant 16 : i32
      %parallel_loop3A_1268 = arith.muli %parallel_loop3A_161, %parallel_loop3A_1267 : i32
      %parallel_loop3A_1269 = arith.constant 0 : i32
      %parallel_loop3A_1270 = arith.addi %parallel_loop3A_1269, %parallel_loop3A_1268 : i32
      %parallel_loop3A_1271 = arith.constant 14 : i32
      %parallel_loop3A_1272 = arith.addi %parallel_loop3A_1270, %parallel_loop3A_1271 : i32
      %parallel_loop3A_1273 = arith.constant 128 : i32
      %parallel_loop3A_1274 = arith.muli %parallel_loop3A_1272, %parallel_loop3A_1273 : i32
      %parallel_loop3A_1275 = arith.select %parallel_loop3A_1266, %get3A_48, %get3A_88 : vector<16xf32>
      %parallel_loop3A_1276 = arith.select %parallel_loop3A_1264, %get3A_8, %parallel_loop3A_1275 : vector<16xf32>
      %parallel_loop3A_1277 = arith.constant 0 : i32
      %parallel_loop3A_1278 = arith.addi %parallel_loop3A_1274, %parallel_loop3A_1277 : i32
      %parallel_loop3A_1279 = arith.index_cast %parallel_loop3A_1278 : i32 to index
      %parallel_loop3A_1280 = tpu.vector_load %arg7[%parallel_loop3A_1279] {strides = array<i32>} : memref<65536xf32, #tpu.memory_space<vmem>>, vector<16xf32>,
      %parallel_loop3A_1281 = vector.shape_cast %parallel_loop3A_1280 : vector<16xf32> to vector<16xf32>
      %parallel_loop3A_1282 = vector.shape_cast %parallel_loop3A_1276 : vector<16xf32> to vector<16xf32>
      tpu.vector_store %arg7[%parallel_loop3A_1279], %parallel_loop3A_1282 {strides = array<i32>} : memref<65536xf32, #tpu.memory_space<vmem>>, vector<16xf32>,
      %parallel_loop3A_1283 = arith.select %parallel_loop3A_1266, %get3A_53, %get3A_93 : vector<16xf32>
      %parallel_loop3A_1284 = arith.select %parallel_loop3A_1264, %get3A_13, %parallel_loop3A_1283 : vector<16xf32>
      %parallel_loop3A_1285 = arith.constant 16 : i32
      %parallel_loop3A_1286 = arith.addi %parallel_loop3A_1274, %parallel_loop3A_1285 : i32
      %parallel_loop3A_1287 = arith.index_cast %parallel_loop3A_1286 : i32 to index
      %parallel_loop3A_1288 = tpu.vector_load %arg7[%parallel_loop3A_1287] {strides = array<i32>} : memref<65536xf32, #tpu.memory_space<vmem>>, vector<16xf32>,
      %parallel_loop3A_1289 = vector.shape_cast %parallel_loop3A_1288 : vector<16xf32> to vector<16xf32>
      %parallel_loop3A_1290 = vector.shape_cast %parallel_loop3A_1284 : vector<16xf32> to vector<16xf32>
      tpu.vector_store %arg7[%parallel_loop3A_1287], %parallel_loop3A_1290 {strides = array<i32>} : memref<65536xf32, #tpu.memory_space<vmem>>, vector<16xf32>,
      %parallel_loop3A_1291 = arith.select %parallel_loop3A_1266, %get3A_58, %get3A_98 : vector<16xf32>
      %parallel_loop3A_1292 = arith.select %parallel_loop3A_1264, %get3A_18, %parallel_loop3A_1291 : vector<16xf32>
      %parallel_loop3A_1293 = arith.constant 32 : i32
      %parallel_loop3A_1294 = arith.addi %parallel_loop3A_1274, %parallel_loop3A_1293 : i32
      %parallel_loop3A_1295 = arith.index_cast %parallel_loop3A_1294 : i32 to index
      %parallel_loop3A_1296 = tpu.vector_load %arg7[%parallel_loop3A_1295] {strides = array<i32>} : memref<65536xf32, #tpu.memory_space<vmem>>, vector<16xf32>,
      %parallel_loop3A_1297 = vector.shape_cast %parallel_loop3A_1296 : vector<16xf32> to vector<16xf32>
      %parallel_loop3A_1298 = vector.shape_cast %parallel_loop3A_1292 : vector<16xf32> to vector<16xf32>
      tpu.vector_store %arg7[%parallel_loop3A_1295], %parallel_loop3A_1298 {strides = array<i32>} : memref<65536xf32, #tpu.memory_space<vmem>>, vector<16xf32>,
      %parallel_loop3A_1299 = arith.select %parallel_loop3A_1266, %get3A_63, %get3A_103 : vector<16xf32>
      %parallel_loop3A_1300 = arith.select %parallel_loop3A_1264, %get3A_23, %parallel_loop3A_1299 : vector<16xf32>
      %parallel_loop3A_1301 = arith.constant 48 : i32
      %parallel_loop3A_1302 = arith.addi %parallel_loop3A_1274, %parallel_loop3A_1301 : i32
      %parallel_loop3A_1303 = arith.index_cast %parallel_loop3A_1302 : i32 to index
      %parallel_loop3A_1304 = tpu.vector_load %arg7[%parallel_loop3A_1303] {strides = array<i32>} : memref<65536xf32, #tpu.memory_space<vmem>>, vector<16xf32>,
      %parallel_loop3A_1305 = vector.shape_cast %parallel_loop3A_1304 : vector<16xf32> to vector<16xf32>
      %parallel_loop3A_1306 = vector.shape_cast %parallel_loop3A_1300 : vector<16xf32> to vector<16xf32>
      tpu.vector_store %arg7[%parallel_loop3A_1303], %parallel_loop3A_1306 {strides = array<i32>} : memref<65536xf32, #tpu.memory_space<vmem>>, vector<16xf32>,
      %parallel_loop3A_1307 = arith.select %parallel_loop3A_1266, %get3A_68, %get3A_108 : vector<16xf32>
      %parallel_loop3A_1308 = arith.select %parallel_loop3A_1264, %get3A_28, %parallel_loop3A_1307 : vector<16xf32>
      %parallel_loop3A_1309 = arith.constant 64 : i32
      %parallel_loop3A_1310 = arith.addi %parallel_loop3A_1274, %parallel_loop3A_1309 : i32
      %parallel_loop3A_1311 = arith.index_cast %parallel_loop3A_1310 : i32 to index
      %parallel_loop3A_1312 = tpu.vector_load %arg7[%parallel_loop3A_1311] {strides = array<i32>} : memref<65536xf32, #tpu.memory_space<vmem>>, vector<16xf32>,
      %parallel_loop3A_1313 = vector.shape_cast %parallel_loop3A_1312 : vector<16xf32> to vector<16xf32>
      %parallel_loop3A_1314 = vector.shape_cast %parallel_loop3A_1308 : vector<16xf32> to vector<16xf32>
      tpu.vector_store %arg7[%parallel_loop3A_1311], %parallel_loop3A_1314 {strides = array<i32>} : memref<65536xf32, #tpu.memory_space<vmem>>, vector<16xf32>,
      %parallel_loop3A_1315 = arith.select %parallel_loop3A_1266, %get3A_73, %get3A_113 : vector<16xf32>
      %parallel_loop3A_1316 = arith.select %parallel_loop3A_1264, %get3A_33, %parallel_loop3A_1315 : vector<16xf32>
      %parallel_loop3A_1317 = arith.constant 80 : i32
      %parallel_loop3A_1318 = arith.addi %parallel_loop3A_1274, %parallel_loop3A_1317 : i32
      %parallel_loop3A_1319 = arith.index_cast %parallel_loop3A_1318 : i32 to index
      %parallel_loop3A_1320 = tpu.vector_load %arg7[%parallel_loop3A_1319] {strides = array<i32>} : memref<65536xf32, #tpu.memory_space<vmem>>, vector<16xf32>,
      %parallel_loop3A_1321 = vector.shape_cast %parallel_loop3A_1320 : vector<16xf32> to vector<16xf32>
      %parallel_loop3A_1322 = vector.shape_cast %parallel_loop3A_1316 : vector<16xf32> to vector<16xf32>
      tpu.vector_store %arg7[%parallel_loop3A_1319], %parallel_loop3A_1322 {strides = array<i32>} : memref<65536xf32, #tpu.memory_space<vmem>>, vector<16xf32>,
      %parallel_loop3A_1323 = arith.select %parallel_loop3A_1266, %get3A_78, %get3A_118 : vector<16xf32>
      %parallel_loop3A_1324 = arith.select %parallel_loop3A_1264, %get3A_38, %parallel_loop3A_1323 : vector<16xf32>
      %parallel_loop3A_1325 = arith.constant 96 : i32
      %parallel_loop3A_1326 = arith.addi %parallel_loop3A_1274, %parallel_loop3A_1325 : i32
      %parallel_loop3A_1327 = arith.index_cast %parallel_loop3A_1326 : i32 to index
      %parallel_loop3A_1328 = tpu.vector_load %arg7[%parallel_loop3A_1327] {strides = array<i32>} : memref<65536xf32, #tpu.memory_space<vmem>>, vector<16xf32>,
      %parallel_loop3A_1329 = vector.shape_cast %parallel_loop3A_1328 : vector<16xf32> to vector<16xf32>
      %parallel_loop3A_1330 = vector.shape_cast %parallel_loop3A_1324 : vector<16xf32> to vector<16xf32>
      tpu.vector_store %arg7[%parallel_loop3A_1327], %parallel_loop3A_1330 {strides = array<i32>} : memref<65536xf32, #tpu.memory_space<vmem>>, vector<16xf32>,
      %parallel_loop3A_1331 = arith.select %parallel_loop3A_1266, %get3A_83, %get3A_123 : vector<16xf32>
      %parallel_loop3A_1332 = arith.select %parallel_loop3A_1264, %get3A_43, %parallel_loop3A_1331 : vector<16xf32>
      %parallel_loop3A_1333 = arith.constant 112 : i32
      %parallel_loop3A_1334 = arith.addi %parallel_loop3A_1274, %parallel_loop3A_1333 : i32
      %parallel_loop3A_1335 = arith.index_cast %parallel_loop3A_1334 : i32 to index
      %parallel_loop3A_1336 = tpu.vector_load %arg7[%parallel_loop3A_1335] {strides = array<i32>} : memref<65536xf32, #tpu.memory_space<vmem>>, vector<16xf32>,
      %parallel_loop3A_1337 = vector.shape_cast %parallel_loop3A_1336 : vector<16xf32> to vector<16xf32>
      %parallel_loop3A_1338 = vector.shape_cast %parallel_loop3A_1332 : vector<16xf32> to vector<16xf32>
      tpu.vector_store %arg7[%parallel_loop3A_1335], %parallel_loop3A_1338 {strides = array<i32>} : memref<65536xf32, #tpu.memory_space<vmem>>, vector<16xf32>,
      %parallel_loop3A_1339 = vector.extract_strided_slice %parallel_loop3A_168 {offsets = [15], sizes = [1], strides = [1]} : vector<16xi32> to vector<1xi32>
      %parallel_loop3A_1340 = vector.extract %parallel_loop3A_1339[0] : i32 from vector<1xi32>
      %parallel_loop3A_1341 = arith.constant 0 : i32
      %parallel_loop3A_1342 = arith.cmpi eq, %parallel_loop3A_1340, %parallel_loop3A_1341 : i32
      %parallel_loop3A_1343 = arith.constant 1 : i32
      %parallel_loop3A_1344 = arith.cmpi eq, %parallel_loop3A_1340, %parallel_loop3A_1343 : i32
      %parallel_loop3A_1345 = arith.constant 16 : i32
      %parallel_loop3A_1346 = arith.muli %parallel_loop3A_161, %parallel_loop3A_1345 : i32
      %parallel_loop3A_1347 = arith.constant 0 : i32
      %parallel_loop3A_1348 = arith.addi %parallel_loop3A_1347, %parallel_loop3A_1346 : i32
      %parallel_loop3A_1349 = arith.constant 15 : i32
      %parallel_loop3A_1350 = arith.addi %parallel_loop3A_1348, %parallel_loop3A_1349 : i32
      %parallel_loop3A_1351 = arith.constant 128 : i32
      %parallel_loop3A_1352 = arith.muli %parallel_loop3A_1350, %parallel_loop3A_1351 : i32
      %parallel_loop3A_1353 = arith.select %parallel_loop3A_1344, %get3A_48, %get3A_88 : vector<16xf32>
      %parallel_loop3A_1354 = arith.select %parallel_loop3A_1342, %get3A_8, %parallel_loop3A_1353 : vector<16xf32>
      %parallel_loop3A_1355 = arith.constant 0 : i32
      %parallel_loop3A_1356 = arith.addi %parallel_loop3A_1352, %parallel_loop3A_1355 : i32
      %parallel_loop3A_1357 = arith.index_cast %parallel_loop3A_1356 : i32 to index
      %parallel_loop3A_1358 = tpu.vector_load %arg7[%parallel_loop3A_1357] {strides = array<i32>} : memref<65536xf32, #tpu.memory_space<vmem>>, vector<16xf32>,
      %parallel_loop3A_1359 = vector.shape_cast %parallel_loop3A_1358 : vector<16xf32> to vector<16xf32>
      %parallel_loop3A_1360 = vector.shape_cast %parallel_loop3A_1354 : vector<16xf32> to vector<16xf32>
      tpu.vector_store %arg7[%parallel_loop3A_1357], %parallel_loop3A_1360 {strides = array<i32>} : memref<65536xf32, #tpu.memory_space<vmem>>, vector<16xf32>,
      %parallel_loop3A_1361 = arith.select %parallel_loop3A_1344, %get3A_53, %get3A_93 : vector<16xf32>
      %parallel_loop3A_1362 = arith.select %parallel_loop3A_1342, %get3A_13, %parallel_loop3A_1361 : vector<16xf32>
      %parallel_loop3A_1363 = arith.constant 16 : i32
      %parallel_loop3A_1364 = arith.addi %parallel_loop3A_1352, %parallel_loop3A_1363 : i32
      %parallel_loop3A_1365 = arith.index_cast %parallel_loop3A_1364 : i32 to index
      %parallel_loop3A_1366 = tpu.vector_load %arg7[%parallel_loop3A_1365] {strides = array<i32>} : memref<65536xf32, #tpu.memory_space<vmem>>, vector<16xf32>,
      %parallel_loop3A_1367 = vector.shape_cast %parallel_loop3A_1366 : vector<16xf32> to vector<16xf32>
      %parallel_loop3A_1368 = vector.shape_cast %parallel_loop3A_1362 : vector<16xf32> to vector<16xf32>
      tpu.vector_store %arg7[%parallel_loop3A_1365], %parallel_loop3A_1368 {strides = array<i32>} : memref<65536xf32, #tpu.memory_space<vmem>>, vector<16xf32>,
      %parallel_loop3A_1369 = arith.select %parallel_loop3A_1344, %get3A_58, %get3A_98 : vector<16xf32>
      %parallel_loop3A_1370 = arith.select %parallel_loop3A_1342, %get3A_18, %parallel_loop3A_1369 : vector<16xf32>
      %parallel_loop3A_1371 = arith.constant 32 : i32
      %parallel_loop3A_1372 = arith.addi %parallel_loop3A_1352, %parallel_loop3A_1371 : i32
      %parallel_loop3A_1373 = arith.index_cast %parallel_loop3A_1372 : i32 to index
      %parallel_loop3A_1374 = tpu.vector_load %arg7[%parallel_loop3A_1373] {strides = array<i32>} : memref<65536xf32, #tpu.memory_space<vmem>>, vector<16xf32>,
      %parallel_loop3A_1375 = vector.shape_cast %parallel_loop3A_1374 : vector<16xf32> to vector<16xf32>
      %parallel_loop3A_1376 = vector.shape_cast %parallel_loop3A_1370 : vector<16xf32> to vector<16xf32>
      tpu.vector_store %arg7[%parallel_loop3A_1373], %parallel_loop3A_1376 {strides = array<i32>} : memref<65536xf32, #tpu.memory_space<vmem>>, vector<16xf32>,
      %parallel_loop3A_1377 = arith.select %parallel_loop3A_1344, %get3A_63, %get3A_103 : vector<16xf32>
      %parallel_loop3A_1378 = arith.select %parallel_loop3A_1342, %get3A_23, %parallel_loop3A_1377 : vector<16xf32>
      %parallel_loop3A_1379 = arith.constant 48 : i32
      %parallel_loop3A_1380 = arith.addi %parallel_loop3A_1352, %parallel_loop3A_1379 : i32
      %parallel_loop3A_1381 = arith.index_cast %parallel_loop3A_1380 : i32 to index
      %parallel_loop3A_1382 = tpu.vector_load %arg7[%parallel_loop3A_1381] {strides = array<i32>} : memref<65536xf32, #tpu.memory_space<vmem>>, vector<16xf32>,
      %parallel_loop3A_1383 = vector.shape_cast %parallel_loop3A_1382 : vector<16xf32> to vector<16xf32>
      %parallel_loop3A_1384 = vector.shape_cast %parallel_loop3A_1378 : vector<16xf32> to vector<16xf32>
      tpu.vector_store %arg7[%parallel_loop3A_1381], %parallel_loop3A_1384 {strides = array<i32>} : memref<65536xf32, #tpu.memory_space<vmem>>, vector<16xf32>,
      %parallel_loop3A_1385 = arith.select %parallel_loop3A_1344, %get3A_68, %get3A_108 : vector<16xf32>
      %parallel_loop3A_1386 = arith.select %parallel_loop3A_1342, %get3A_28, %parallel_loop3A_1385 : vector<16xf32>
      %parallel_loop3A_1387 = arith.constant 64 : i32
      %parallel_loop3A_1388 = arith.addi %parallel_loop3A_1352, %parallel_loop3A_1387 : i32
      %parallel_loop3A_1389 = arith.index_cast %parallel_loop3A_1388 : i32 to index
      %parallel_loop3A_1390 = tpu.vector_load %arg7[%parallel_loop3A_1389] {strides = array<i32>} : memref<65536xf32, #tpu.memory_space<vmem>>, vector<16xf32>,
      %parallel_loop3A_1391 = vector.shape_cast %parallel_loop3A_1390 : vector<16xf32> to vector<16xf32>
      %parallel_loop3A_1392 = vector.shape_cast %parallel_loop3A_1386 : vector<16xf32> to vector<16xf32>
      tpu.vector_store %arg7[%parallel_loop3A_1389], %parallel_loop3A_1392 {strides = array<i32>} : memref<65536xf32, #tpu.memory_space<vmem>>, vector<16xf32>,
      %parallel_loop3A_1393 = arith.select %parallel_loop3A_1344, %get3A_73, %get3A_113 : vector<16xf32>
      %parallel_loop3A_1394 = arith.select %parallel_loop3A_1342, %get3A_33, %parallel_loop3A_1393 : vector<16xf32>
      %parallel_loop3A_1395 = arith.constant 80 : i32
      %parallel_loop3A_1396 = arith.addi %parallel_loop3A_1352, %parallel_loop3A_1395 : i32
      %parallel_loop3A_1397 = arith.index_cast %parallel_loop3A_1396 : i32 to index
      %parallel_loop3A_1398 = tpu.vector_load %arg7[%parallel_loop3A_1397] {strides = array<i32>} : memref<65536xf32, #tpu.memory_space<vmem>>, vector<16xf32>,
      %parallel_loop3A_1399 = vector.shape_cast %parallel_loop3A_1398 : vector<16xf32> to vector<16xf32>
      %parallel_loop3A_1400 = vector.shape_cast %parallel_loop3A_1394 : vector<16xf32> to vector<16xf32>
      tpu.vector_store %arg7[%parallel_loop3A_1397], %parallel_loop3A_1400 {strides = array<i32>} : memref<65536xf32, #tpu.memory_space<vmem>>, vector<16xf32>,
      %parallel_loop3A_1401 = arith.select %parallel_loop3A_1344, %get3A_78, %get3A_118 : vector<16xf32>
      %parallel_loop3A_1402 = arith.select %parallel_loop3A_1342, %get3A_38, %parallel_loop3A_1401 : vector<16xf32>
      %parallel_loop3A_1403 = arith.constant 96 : i32
      %parallel_loop3A_1404 = arith.addi %parallel_loop3A_1352, %parallel_loop3A_1403 : i32
      %parallel_loop3A_1405 = arith.index_cast %parallel_loop3A_1404 : i32 to index
      %parallel_loop3A_1406 = tpu.vector_load %arg7[%parallel_loop3A_1405] {strides = array<i32>} : memref<65536xf32, #tpu.memory_space<vmem>>, vector<16xf32>,
      %parallel_loop3A_1407 = vector.shape_cast %parallel_loop3A_1406 : vector<16xf32> to vector<16xf32>
      %parallel_loop3A_1408 = vector.shape_cast %parallel_loop3A_1402 : vector<16xf32> to vector<16xf32>
      tpu.vector_store %arg7[%parallel_loop3A_1405], %parallel_loop3A_1408 {strides = array<i32>} : memref<65536xf32, #tpu.memory_space<vmem>>, vector<16xf32>,
      %parallel_loop3A_1409 = arith.select %parallel_loop3A_1344, %get3A_83, %get3A_123 : vector<16xf32>
      %parallel_loop3A_1410 = arith.select %parallel_loop3A_1342, %get3A_43, %parallel_loop3A_1409 : vector<16xf32>
      %parallel_loop3A_1411 = arith.constant 112 : i32
      %parallel_loop3A_1412 = arith.addi %parallel_loop3A_1352, %parallel_loop3A_1411 : i32
      %parallel_loop3A_1413 = arith.index_cast %parallel_loop3A_1412 : i32 to index
      %parallel_loop3A_1414 = tpu.vector_load %arg7[%parallel_loop3A_1413] {strides = array<i32>} : memref<65536xf32, #tpu.memory_space<vmem>>, vector<16xf32>,
      %parallel_loop3A_1415 = vector.shape_cast %parallel_loop3A_1414 : vector<16xf32> to vector<16xf32>
      %parallel_loop3A_1416 = vector.shape_cast %parallel_loop3A_1410 : vector<16xf32> to vector<16xf32>
      tpu.vector_store %arg7[%parallel_loop3A_1413], %parallel_loop3A_1416 {strides = array<i32>} : memref<65536xf32, #tpu.memory_space<vmem>>, vector<16xf32>,
    } {sc.loop_unroll_factor = 2 : i64, sc.parallel_access}
    %add3A_126 = arith.constant 0 : i32
    %add3A_127 = arith.addi %mul3A_2, %add3A_126 : i32
    %mul3A_128 = arith.constant 128 : i32
    %mul3A_129 = arith.muli %add3A_127, %mul3A_128 : i32
    %dma_start3A_130 = arith.constant 0 : i32
    %dma_start3A_131 = tpu.memref_slice %arg7[%dma_start3A_130] : memref<65536xf32, #tpu.memory_space<vmem>> -> memref<32768xf32, #tpu.memory_space<vmem>>
    %dma_start3A_132 = tpu.memref_slice %arg4[%mul3A_129] : memref<2097152xf32, #tpu.memory_space<hbm>> -> memref<32768xf32, #tpu.memory_space<hbm>>
    %dma_start3A_133 = tpu.memref_slice %arg4[%mul3A_129] : memref<2097152xf32, #tpu.memory_space<hbm>> -> memref<32768xf32, #tpu.memory_space<hbm>>
    %dma_start3A_134 = arith.constant 0 : i32
    %dma_start3A_135 = tpu.memref_slice %arg7[%dma_start3A_134] : memref<65536xf32, #tpu.memory_space<vmem>> -> memref<32768xf32, #tpu.memory_space<vmem>>
    tpu.enqueue_dma source(%dma_start3A_135 : memref<32768xf32, #tpu.memory_space<vmem>>) target(%dma_start3A_133 : memref<32768xf32, #tpu.memory_space<hbm>>) target_semaphore(%arg8 : memref<!tpu.dma_semaphore, #tpu.memory_space<semaphore_mem>>)
    %parallel_loop3A_136 = arith.constant 0 : i32
    %parallel_loop3A_137 = arith.constant 16 : i32
    %parallel_loop3A_138 = arith.constant 1 : i32
    scf.for %parallel_loop3A_161 = %parallel_loop3A_136 to %parallel_loop3A_137 step %parallel_loop3A_138  : i32 {
      %parallel_loop3A_162 = arith.constant 16 : i32
      %parallel_loop3A_163 = arith.muli %parallel_loop3A_161, %parallel_loop3A_162 : i32
      %parallel_loop3A_164 = arith.constant 256 : i32
      %parallel_loop3A_165 = arith.addi %parallel_loop3A_164, %parallel_loop3A_163 : i32
      %parallel_loop3A_166 = arith.index_cast %parallel_loop3A_165 : i32 to index
      %parallel_loop3A_167 = tpu.vector_load %arg5[%parallel_loop3A_166] {strides = array<i32>} : memref<512xi32, #tpu.memory_space<vmem>>, vector<16xi32>,
      %parallel_loop3A_168 = vector.shape_cast %parallel_loop3A_167 : vector<16xi32> to vector<16xi32>
      %parallel_loop3A_169 = vector.extract_strided_slice %parallel_loop3A_168 {offsets = [0], sizes = [1], strides = [1]} : vector<16xi32> to vector<1xi32>
      %parallel_loop3A_170 = vector.extract %parallel_loop3A_169[0] : i32 from vector<1xi32>
      %parallel_loop3A_171 = arith.constant 0 : i32
      %parallel_loop3A_172 = arith.cmpi eq, %parallel_loop3A_170, %parallel_loop3A_171 : i32
      %parallel_loop3A_173 = arith.constant 1 : i32
      %parallel_loop3A_174 = arith.cmpi eq, %parallel_loop3A_170, %parallel_loop3A_173 : i32
      %parallel_loop3A_175 = arith.constant 16 : i32
      %parallel_loop3A_176 = arith.muli %parallel_loop3A_161, %parallel_loop3A_175 : i32
      %parallel_loop3A_177 = arith.constant 256 : i32
      %parallel_loop3A_178 = arith.addi %parallel_loop3A_177, %parallel_loop3A_176 : i32
      %parallel_loop3A_179 = arith.constant 0 : i32
      %parallel_loop3A_180 = arith.addi %parallel_loop3A_178, %parallel_loop3A_179 : i32
      %parallel_loop3A_181 = arith.constant 128 : i32
      %parallel_loop3A_182 = arith.muli %parallel_loop3A_180, %parallel_loop3A_181 : i32
      %parallel_loop3A_183 = arith.select %parallel_loop3A_174, %get3A_48, %get3A_88 : vector<16xf32>
      %parallel_loop3A_184 = arith.select %parallel_loop3A_172, %get3A_8, %parallel_loop3A_183 : vector<16xf32>
      %parallel_loop3A_185 = arith.constant 0 : i32
      %parallel_loop3A_186 = arith.addi %parallel_loop3A_182, %parallel_loop3A_185 : i32
      %parallel_loop3A_187 = arith.index_cast %parallel_loop3A_186 : i32 to index
      %parallel_loop3A_188 = tpu.vector_load %arg7[%parallel_loop3A_187] {strides = array<i32>} : memref<65536xf32, #tpu.memory_space<vmem>>, vector<16xf32>,
      %parallel_loop3A_189 = vector.shape_cast %parallel_loop3A_188 : vector<16xf32> to vector<16xf32>
      %parallel_loop3A_190 = vector.shape_cast %parallel_loop3A_184 : vector<16xf32> to vector<16xf32>
      tpu.vector_store %arg7[%parallel_loop3A_187], %parallel_loop3A_190 {strides = array<i32>} : memref<65536xf32, #tpu.memory_space<vmem>>, vector<16xf32>,
      %parallel_loop3A_191 = arith.select %parallel_loop3A_174, %get3A_53, %get3A_93 : vector<16xf32>
      %parallel_loop3A_192 = arith.select %parallel_loop3A_172, %get3A_13, %parallel_loop3A_191 : vector<16xf32>
      %parallel_loop3A_193 = arith.constant 16 : i32
      %parallel_loop3A_194 = arith.addi %parallel_loop3A_182, %parallel_loop3A_193 : i32
      %parallel_loop3A_195 = arith.index_cast %parallel_loop3A_194 : i32 to index
      %parallel_loop3A_196 = tpu.vector_load %arg7[%parallel_loop3A_195] {strides = array<i32>} : memref<65536xf32, #tpu.memory_space<vmem>>, vector<16xf32>,
      %parallel_loop3A_197 = vector.shape_cast %parallel_loop3A_196 : vector<16xf32> to vector<16xf32>
      %parallel_loop3A_198 = vector.shape_cast %parallel_loop3A_192 : vector<16xf32> to vector<16xf32>
      tpu.vector_store %arg7[%parallel_loop3A_195], %parallel_loop3A_198 {strides = array<i32>} : memref<65536xf32, #tpu.memory_space<vmem>>, vector<16xf32>,
      %parallel_loop3A_199 = arith.select %parallel_loop3A_174, %get3A_58, %get3A_98 : vector<16xf32>
      %parallel_loop3A_200 = arith.select %parallel_loop3A_172, %get3A_18, %parallel_loop3A_199 : vector<16xf32>
      %parallel_loop3A_201 = arith.constant 32 : i32
      %parallel_loop3A_202 = arith.addi %parallel_loop3A_182, %parallel_loop3A_201 : i32
      %parallel_loop3A_203 = arith.index_cast %parallel_loop3A_202 : i32 to index
      %parallel_loop3A_204 = tpu.vector_load %arg7[%parallel_loop3A_203] {strides = array<i32>} : memref<65536xf32, #tpu.memory_space<vmem>>, vector<16xf32>,
      %parallel_loop3A_205 = vector.shape_cast %parallel_loop3A_204 : vector<16xf32> to vector<16xf32>
      %parallel_loop3A_206 = vector.shape_cast %parallel_loop3A_200 : vector<16xf32> to vector<16xf32>
      tpu.vector_store %arg7[%parallel_loop3A_203], %parallel_loop3A_206 {strides = array<i32>} : memref<65536xf32, #tpu.memory_space<vmem>>, vector<16xf32>,
      %parallel_loop3A_207 = arith.select %parallel_loop3A_174, %get3A_63, %get3A_103 : vector<16xf32>
      %parallel_loop3A_208 = arith.select %parallel_loop3A_172, %get3A_23, %parallel_loop3A_207 : vector<16xf32>
      %parallel_loop3A_209 = arith.constant 48 : i32
      %parallel_loop3A_210 = arith.addi %parallel_loop3A_182, %parallel_loop3A_209 : i32
      %parallel_loop3A_211 = arith.index_cast %parallel_loop3A_210 : i32 to index
      %parallel_loop3A_212 = tpu.vector_load %arg7[%parallel_loop3A_211] {strides = array<i32>} : memref<65536xf32, #tpu.memory_space<vmem>>, vector<16xf32>,
      %parallel_loop3A_213 = vector.shape_cast %parallel_loop3A_212 : vector<16xf32> to vector<16xf32>
      %parallel_loop3A_214 = vector.shape_cast %parallel_loop3A_208 : vector<16xf32> to vector<16xf32>
      tpu.vector_store %arg7[%parallel_loop3A_211], %parallel_loop3A_214 {strides = array<i32>} : memref<65536xf32, #tpu.memory_space<vmem>>, vector<16xf32>,
      %parallel_loop3A_215 = arith.select %parallel_loop3A_174, %get3A_68, %get3A_108 : vector<16xf32>
      %parallel_loop3A_216 = arith.select %parallel_loop3A_172, %get3A_28, %parallel_loop3A_215 : vector<16xf32>
      %parallel_loop3A_217 = arith.constant 64 : i32
      %parallel_loop3A_218 = arith.addi %parallel_loop3A_182, %parallel_loop3A_217 : i32
      %parallel_loop3A_219 = arith.index_cast %parallel_loop3A_218 : i32 to index
      %parallel_loop3A_220 = tpu.vector_load %arg7[%parallel_loop3A_219] {strides = array<i32>} : memref<65536xf32, #tpu.memory_space<vmem>>, vector<16xf32>,
      %parallel_loop3A_221 = vector.shape_cast %parallel_loop3A_220 : vector<16xf32> to vector<16xf32>
      %parallel_loop3A_222 = vector.shape_cast %parallel_loop3A_216 : vector<16xf32> to vector<16xf32>
      tpu.vector_store %arg7[%parallel_loop3A_219], %parallel_loop3A_222 {strides = array<i32>} : memref<65536xf32, #tpu.memory_space<vmem>>, vector<16xf32>,
      %parallel_loop3A_223 = arith.select %parallel_loop3A_174, %get3A_73, %get3A_113 : vector<16xf32>
      %parallel_loop3A_224 = arith.select %parallel_loop3A_172, %get3A_33, %parallel_loop3A_223 : vector<16xf32>
      %parallel_loop3A_225 = arith.constant 80 : i32
      %parallel_loop3A_226 = arith.addi %parallel_loop3A_182, %parallel_loop3A_225 : i32
      %parallel_loop3A_227 = arith.index_cast %parallel_loop3A_226 : i32 to index
      %parallel_loop3A_228 = tpu.vector_load %arg7[%parallel_loop3A_227] {strides = array<i32>} : memref<65536xf32, #tpu.memory_space<vmem>>, vector<16xf32>,
      %parallel_loop3A_229 = vector.shape_cast %parallel_loop3A_228 : vector<16xf32> to vector<16xf32>
      %parallel_loop3A_230 = vector.shape_cast %parallel_loop3A_224 : vector<16xf32> to vector<16xf32>
      tpu.vector_store %arg7[%parallel_loop3A_227], %parallel_loop3A_230 {strides = array<i32>} : memref<65536xf32, #tpu.memory_space<vmem>>, vector<16xf32>,
      %parallel_loop3A_231 = arith.select %parallel_loop3A_174, %get3A_78, %get3A_118 : vector<16xf32>
      %parallel_loop3A_232 = arith.select %parallel_loop3A_172, %get3A_38, %parallel_loop3A_231 : vector<16xf32>
      %parallel_loop3A_233 = arith.constant 96 : i32
      %parallel_loop3A_234 = arith.addi %parallel_loop3A_182, %parallel_loop3A_233 : i32
      %parallel_loop3A_235 = arith.index_cast %parallel_loop3A_234 : i32 to index
      %parallel_loop3A_236 = tpu.vector_load %arg7[%parallel_loop3A_235] {strides = array<i32>} : memref<65536xf32, #tpu.memory_space<vmem>>, vector<16xf32>,
      %parallel_loop3A_237 = vector.shape_cast %parallel_loop3A_236 : vector<16xf32> to vector<16xf32>
      %parallel_loop3A_238 = vector.shape_cast %parallel_loop3A_232 : vector<16xf32> to vector<16xf32>
      tpu.vector_store %arg7[%parallel_loop3A_235], %parallel_loop3A_238 {strides = array<i32>} : memref<65536xf32, #tpu.memory_space<vmem>>, vector<16xf32>,
      %parallel_loop3A_239 = arith.select %parallel_loop3A_174, %get3A_83, %get3A_123 : vector<16xf32>
      %parallel_loop3A_240 = arith.select %parallel_loop3A_172, %get3A_43, %parallel_loop3A_239 : vector<16xf32>
      %parallel_loop3A_241 = arith.constant 112 : i32
      %parallel_loop3A_242 = arith.addi %parallel_loop3A_182, %parallel_loop3A_241 : i32
      %parallel_loop3A_243 = arith.index_cast %parallel_loop3A_242 : i32 to index
      %parallel_loop3A_244 = tpu.vector_load %arg7[%parallel_loop3A_243] {strides = array<i32>} : memref<65536xf32, #tpu.memory_space<vmem>>, vector<16xf32>,
      %parallel_loop3A_245 = vector.shape_cast %parallel_loop3A_244 : vector<16xf32> to vector<16xf32>
      %parallel_loop3A_246 = vector.shape_cast %parallel_loop3A_240 : vector<16xf32> to vector<16xf32>
      tpu.vector_store %arg7[%parallel_loop3A_243], %parallel_loop3A_246 {strides = array<i32>} : memref<65536xf32, #tpu.memory_space<vmem>>, vector<16xf32>,
      %parallel_loop3A_247 = vector.extract_strided_slice %parallel_loop3A_168 {offsets = [1], sizes = [1], strides = [1]} : vector<16xi32> to vector<1xi32>
      %parallel_loop3A_248 = vector.extract %parallel_loop3A_247[0] : i32 from vector<1xi32>
      %parallel_loop3A_249 = arith.constant 0 : i32
      %parallel_loop3A_250 = arith.cmpi eq, %parallel_loop3A_248, %parallel_loop3A_249 : i32
      %parallel_loop3A_251 = arith.constant 1 : i32
      %parallel_loop3A_252 = arith.cmpi eq, %parallel_loop3A_248, %parallel_loop3A_251 : i32
      %parallel_loop3A_253 = arith.constant 16 : i32
      %parallel_loop3A_254 = arith.muli %parallel_loop3A_161, %parallel_loop3A_253 : i32
      %parallel_loop3A_255 = arith.constant 256 : i32
      %parallel_loop3A_256 = arith.addi %parallel_loop3A_255, %parallel_loop3A_254 : i32
      %parallel_loop3A_257 = arith.constant 1 : i32
      %parallel_loop3A_258 = arith.addi %parallel_loop3A_256, %parallel_loop3A_257 : i32
      %parallel_loop3A_259 = arith.constant 128 : i32
      %parallel_loop3A_260 = arith.muli %parallel_loop3A_258, %parallel_loop3A_259 : i32
      %parallel_loop3A_261 = arith.select %parallel_loop3A_252, %get3A_48, %get3A_88 : vector<16xf32>
      %parallel_loop3A_262 = arith.select %parallel_loop3A_250, %get3A_8, %parallel_loop3A_261 : vector<16xf32>
      %parallel_loop3A_263 = arith.constant 0 : i32
      %parallel_loop3A_264 = arith.addi %parallel_loop3A_260, %parallel_loop3A_263 : i32
      %parallel_loop3A_265 = arith.index_cast %parallel_loop3A_264 : i32 to index
      %parallel_loop3A_266 = tpu.vector_load %arg7[%parallel_loop3A_265] {strides = array<i32>} : memref<65536xf32, #tpu.memory_space<vmem>>, vector<16xf32>,
      %parallel_loop3A_267 = vector.shape_cast %parallel_loop3A_266 : vector<16xf32> to vector<16xf32>
      %parallel_loop3A_268 = vector.shape_cast %parallel_loop3A_262 : vector<16xf32> to vector<16xf32>
      tpu.vector_store %arg7[%parallel_loop3A_265], %parallel_loop3A_268 {strides = array<i32>} : memref<65536xf32, #tpu.memory_space<vmem>>, vector<16xf32>,
      %parallel_loop3A_269 = arith.select %parallel_loop3A_252, %get3A_53, %get3A_93 : vector<16xf32>
      %parallel_loop3A_270 = arith.select %parallel_loop3A_250, %get3A_13, %parallel_loop3A_269 : vector<16xf32>
      %parallel_loop3A_271 = arith.constant 16 : i32
      %parallel_loop3A_272 = arith.addi %parallel_loop3A_260, %parallel_loop3A_271 : i32
      %parallel_loop3A_273 = arith.index_cast %parallel_loop3A_272 : i32 to index
      %parallel_loop3A_274 = tpu.vector_load %arg7[%parallel_loop3A_273] {strides = array<i32>} : memref<65536xf32, #tpu.memory_space<vmem>>, vector<16xf32>,
      %parallel_loop3A_275 = vector.shape_cast %parallel_loop3A_274 : vector<16xf32> to vector<16xf32>
      %parallel_loop3A_276 = vector.shape_cast %parallel_loop3A_270 : vector<16xf32> to vector<16xf32>
      tpu.vector_store %arg7[%parallel_loop3A_273], %parallel_loop3A_276 {strides = array<i32>} : memref<65536xf32, #tpu.memory_space<vmem>>, vector<16xf32>,
      %parallel_loop3A_277 = arith.select %parallel_loop3A_252, %get3A_58, %get3A_98 : vector<16xf32>
      %parallel_loop3A_278 = arith.select %parallel_loop3A_250, %get3A_18, %parallel_loop3A_277 : vector<16xf32>
      %parallel_loop3A_279 = arith.constant 32 : i32
      %parallel_loop3A_280 = arith.addi %parallel_loop3A_260, %parallel_loop3A_279 : i32
      %parallel_loop3A_281 = arith.index_cast %parallel_loop3A_280 : i32 to index
      %parallel_loop3A_282 = tpu.vector_load %arg7[%parallel_loop3A_281] {strides = array<i32>} : memref<65536xf32, #tpu.memory_space<vmem>>, vector<16xf32>,
      %parallel_loop3A_283 = vector.shape_cast %parallel_loop3A_282 : vector<16xf32> to vector<16xf32>
      %parallel_loop3A_284 = vector.shape_cast %parallel_loop3A_278 : vector<16xf32> to vector<16xf32>
      tpu.vector_store %arg7[%parallel_loop3A_281], %parallel_loop3A_284 {strides = array<i32>} : memref<65536xf32, #tpu.memory_space<vmem>>, vector<16xf32>,
      %parallel_loop3A_285 = arith.select %parallel_loop3A_252, %get3A_63, %get3A_103 : vector<16xf32>
      %parallel_loop3A_286 = arith.select %parallel_loop3A_250, %get3A_23, %parallel_loop3A_285 : vector<16xf32>
      %parallel_loop3A_287 = arith.constant 48 : i32
      %parallel_loop3A_288 = arith.addi %parallel_loop3A_260, %parallel_loop3A_287 : i32
      %parallel_loop3A_289 = arith.index_cast %parallel_loop3A_288 : i32 to index
      %parallel_loop3A_290 = tpu.vector_load %arg7[%parallel_loop3A_289] {strides = array<i32>} : memref<65536xf32, #tpu.memory_space<vmem>>, vector<16xf32>,
      %parallel_loop3A_291 = vector.shape_cast %parallel_loop3A_290 : vector<16xf32> to vector<16xf32>
      %parallel_loop3A_292 = vector.shape_cast %parallel_loop3A_286 : vector<16xf32> to vector<16xf32>
      tpu.vector_store %arg7[%parallel_loop3A_289], %parallel_loop3A_292 {strides = array<i32>} : memref<65536xf32, #tpu.memory_space<vmem>>, vector<16xf32>,
      %parallel_loop3A_293 = arith.select %parallel_loop3A_252, %get3A_68, %get3A_108 : vector<16xf32>
      %parallel_loop3A_294 = arith.select %parallel_loop3A_250, %get3A_28, %parallel_loop3A_293 : vector<16xf32>
      %parallel_loop3A_295 = arith.constant 64 : i32
      %parallel_loop3A_296 = arith.addi %parallel_loop3A_260, %parallel_loop3A_295 : i32
      %parallel_loop3A_297 = arith.index_cast %parallel_loop3A_296 : i32 to index
      %parallel_loop3A_298 = tpu.vector_load %arg7[%parallel_loop3A_297] {strides = array<i32>} : memref<65536xf32, #tpu.memory_space<vmem>>, vector<16xf32>,
      %parallel_loop3A_299 = vector.shape_cast %parallel_loop3A_298 : vector<16xf32> to vector<16xf32>
      %parallel_loop3A_300 = vector.shape_cast %parallel_loop3A_294 : vector<16xf32> to vector<16xf32>
      tpu.vector_store %arg7[%parallel_loop3A_297], %parallel_loop3A_300 {strides = array<i32>} : memref<65536xf32, #tpu.memory_space<vmem>>, vector<16xf32>,
      %parallel_loop3A_301 = arith.select %parallel_loop3A_252, %get3A_73, %get3A_113 : vector<16xf32>
      %parallel_loop3A_302 = arith.select %parallel_loop3A_250, %get3A_33, %parallel_loop3A_301 : vector<16xf32>
      %parallel_loop3A_303 = arith.constant 80 : i32
      %parallel_loop3A_304 = arith.addi %parallel_loop3A_260, %parallel_loop3A_303 : i32
      %parallel_loop3A_305 = arith.index_cast %parallel_loop3A_304 : i32 to index
      %parallel_loop3A_306 = tpu.vector_load %arg7[%parallel_loop3A_305] {strides = array<i32>} : memref<65536xf32, #tpu.memory_space<vmem>>, vector<16xf32>,
      %parallel_loop3A_307 = vector.shape_cast %parallel_loop3A_306 : vector<16xf32> to vector<16xf32>
      %parallel_loop3A_308 = vector.shape_cast %parallel_loop3A_302 : vector<16xf32> to vector<16xf32>
      tpu.vector_store %arg7[%parallel_loop3A_305], %parallel_loop3A_308 {strides = array<i32>} : memref<65536xf32, #tpu.memory_space<vmem>>, vector<16xf32>,
      %parallel_loop3A_309 = arith.select %parallel_loop3A_252, %get3A_78, %get3A_118 : vector<16xf32>
      %parallel_loop3A_310 = arith.select %parallel_loop3A_250, %get3A_38, %parallel_loop3A_309 : vector<16xf32>
      %parallel_loop3A_311 = arith.constant 96 : i32
      %parallel_loop3A_312 = arith.addi %parallel_loop3A_260, %parallel_loop3A_311 : i32
      %parallel_loop3A_313 = arith.index_cast %parallel_loop3A_312 : i32 to index
      %parallel_loop3A_314 = tpu.vector_load %arg7[%parallel_loop3A_313] {strides = array<i32>} : memref<65536xf32, #tpu.memory_space<vmem>>, vector<16xf32>,
      %parallel_loop3A_315 = vector.shape_cast %parallel_loop3A_314 : vector<16xf32> to vector<16xf32>
      %parallel_loop3A_316 = vector.shape_cast %parallel_loop3A_310 : vector<16xf32> to vector<16xf32>
      tpu.vector_store %arg7[%parallel_loop3A_313], %parallel_loop3A_316 {strides = array<i32>} : memref<65536xf32, #tpu.memory_space<vmem>>, vector<16xf32>,
      %parallel_loop3A_317 = arith.select %parallel_loop3A_252, %get3A_83, %get3A_123 : vector<16xf32>
      %parallel_loop3A_318 = arith.select %parallel_loop3A_250, %get3A_43, %parallel_loop3A_317 : vector<16xf32>
      %parallel_loop3A_319 = arith.constant 112 : i32
      %parallel_loop3A_320 = arith.addi %parallel_loop3A_260, %parallel_loop3A_319 : i32
      %parallel_loop3A_321 = arith.index_cast %parallel_loop3A_320 : i32 to index
      %parallel_loop3A_322 = tpu.vector_load %arg7[%parallel_loop3A_321] {strides = array<i32>} : memref<65536xf32, #tpu.memory_space<vmem>>, vector<16xf32>,
      %parallel_loop3A_323 = vector.shape_cast %parallel_loop3A_322 : vector<16xf32> to vector<16xf32>
      %parallel_loop3A_324 = vector.shape_cast %parallel_loop3A_318 : vector<16xf32> to vector<16xf32>
      tpu.vector_store %arg7[%parallel_loop3A_321], %parallel_loop3A_324 {strides = array<i32>} : memref<65536xf32, #tpu.memory_space<vmem>>, vector<16xf32>,
      %parallel_loop3A_325 = vector.extract_strided_slice %parallel_loop3A_168 {offsets = [2], sizes = [1], strides = [1]} : vector<16xi32> to vector<1xi32>
      %parallel_loop3A_326 = vector.extract %parallel_loop3A_325[0] : i32 from vector<1xi32>
      %parallel_loop3A_327 = arith.constant 0 : i32
      %parallel_loop3A_328 = arith.cmpi eq, %parallel_loop3A_326, %parallel_loop3A_327 : i32
      %parallel_loop3A_329 = arith.constant 1 : i32
      %parallel_loop3A_330 = arith.cmpi eq, %parallel_loop3A_326, %parallel_loop3A_329 : i32
      %parallel_loop3A_331 = arith.constant 16 : i32
      %parallel_loop3A_332 = arith.muli %parallel_loop3A_161, %parallel_loop3A_331 : i32
      %parallel_loop3A_333 = arith.constant 256 : i32
      %parallel_loop3A_334 = arith.addi %parallel_loop3A_333, %parallel_loop3A_332 : i32
      %parallel_loop3A_335 = arith.constant 2 : i32
      %parallel_loop3A_336 = arith.addi %parallel_loop3A_334, %parallel_loop3A_335 : i32
      %parallel_loop3A_337 = arith.constant 128 : i32
      %parallel_loop3A_338 = arith.muli %parallel_loop3A_336, %parallel_loop3A_337 : i32
      %parallel_loop3A_339 = arith.select %parallel_loop3A_330, %get3A_48, %get3A_88 : vector<16xf32>
      %parallel_loop3A_340 = arith.select %parallel_loop3A_328, %get3A_8, %parallel_loop3A_339 : vector<16xf32>
      %parallel_loop3A_341 = arith.constant 0 : i32
      %parallel_loop3A_342 = arith.addi %parallel_loop3A_338, %parallel_loop3A_341 : i32
      %parallel_loop3A_343 = arith.index_cast %parallel_loop3A_342 : i32 to index
      %parallel_loop3A_344 = tpu.vector_load %arg7[%parallel_loop3A_343] {strides = array<i32>} : memref<65536xf32, #tpu.memory_space<vmem>>, vector<16xf32>,
      %parallel_loop3A_345 = vector.shape_cast %parallel_loop3A_344 : vector<16xf32> to vector<16xf32>
      %parallel_loop3A_346 = vector.shape_cast %parallel_loop3A_340 : vector<16xf32> to vector<16xf32>
      tpu.vector_store %arg7[%parallel_loop3A_343], %parallel_loop3A_346 {strides = array<i32>} : memref<65536xf32, #tpu.memory_space<vmem>>, vector<16xf32>,
      %parallel_loop3A_347 = arith.select %parallel_loop3A_330, %get3A_53, %get3A_93 : vector<16xf32>
      %parallel_loop3A_348 = arith.select %parallel_loop3A_328, %get3A_13, %parallel_loop3A_347 : vector<16xf32>
      %parallel_loop3A_349 = arith.constant 16 : i32
      %parallel_loop3A_350 = arith.addi %parallel_loop3A_338, %parallel_loop3A_349 : i32
      %parallel_loop3A_351 = arith.index_cast %parallel_loop3A_350 : i32 to index
      %parallel_loop3A_352 = tpu.vector_load %arg7[%parallel_loop3A_351] {strides = array<i32>} : memref<65536xf32, #tpu.memory_space<vmem>>, vector<16xf32>,
      %parallel_loop3A_353 = vector.shape_cast %parallel_loop3A_352 : vector<16xf32> to vector<16xf32>
      %parallel_loop3A_354 = vector.shape_cast %parallel_loop3A_348 : vector<16xf32> to vector<16xf32>
      tpu.vector_store %arg7[%parallel_loop3A_351], %parallel_loop3A_354 {strides = array<i32>} : memref<65536xf32, #tpu.memory_space<vmem>>, vector<16xf32>,
      %parallel_loop3A_355 = arith.select %parallel_loop3A_330, %get3A_58, %get3A_98 : vector<16xf32>
      %parallel_loop3A_356 = arith.select %parallel_loop3A_328, %get3A_18, %parallel_loop3A_355 : vector<16xf32>
      %parallel_loop3A_357 = arith.constant 32 : i32
      %parallel_loop3A_358 = arith.addi %parallel_loop3A_338, %parallel_loop3A_357 : i32
      %parallel_loop3A_359 = arith.index_cast %parallel_loop3A_358 : i32 to index
      %parallel_loop3A_360 = tpu.vector_load %arg7[%parallel_loop3A_359] {strides = array<i32>} : memref<65536xf32, #tpu.memory_space<vmem>>, vector<16xf32>,
      %parallel_loop3A_361 = vector.shape_cast %parallel_loop3A_360 : vector<16xf32> to vector<16xf32>
      %parallel_loop3A_362 = vector.shape_cast %parallel_loop3A_356 : vector<16xf32> to vector<16xf32>
      tpu.vector_store %arg7[%parallel_loop3A_359], %parallel_loop3A_362 {strides = array<i32>} : memref<65536xf32, #tpu.memory_space<vmem>>, vector<16xf32>,
      %parallel_loop3A_363 = arith.select %parallel_loop3A_330, %get3A_63, %get3A_103 : vector<16xf32>
      %parallel_loop3A_364 = arith.select %parallel_loop3A_328, %get3A_23, %parallel_loop3A_363 : vector<16xf32>
      %parallel_loop3A_365 = arith.constant 48 : i32
      %parallel_loop3A_366 = arith.addi %parallel_loop3A_338, %parallel_loop3A_365 : i32
      %parallel_loop3A_367 = arith.index_cast %parallel_loop3A_366 : i32 to index
      %parallel_loop3A_368 = tpu.vector_load %arg7[%parallel_loop3A_367] {strides = array<i32>} : memref<65536xf32, #tpu.memory_space<vmem>>, vector<16xf32>,
      %parallel_loop3A_369 = vector.shape_cast %parallel_loop3A_368 : vector<16xf32> to vector<16xf32>
      %parallel_loop3A_370 = vector.shape_cast %parallel_loop3A_364 : vector<16xf32> to vector<16xf32>
      tpu.vector_store %arg7[%parallel_loop3A_367], %parallel_loop3A_370 {strides = array<i32>} : memref<65536xf32, #tpu.memory_space<vmem>>, vector<16xf32>,
      %parallel_loop3A_371 = arith.select %parallel_loop3A_330, %get3A_68, %get3A_108 : vector<16xf32>
      %parallel_loop3A_372 = arith.select %parallel_loop3A_328, %get3A_28, %parallel_loop3A_371 : vector<16xf32>
      %parallel_loop3A_373 = arith.constant 64 : i32
      %parallel_loop3A_374 = arith.addi %parallel_loop3A_338, %parallel_loop3A_373 : i32
      %parallel_loop3A_375 = arith.index_cast %parallel_loop3A_374 : i32 to index
      %parallel_loop3A_376 = tpu.vector_load %arg7[%parallel_loop3A_375] {strides = array<i32>} : memref<65536xf32, #tpu.memory_space<vmem>>, vector<16xf32>,
      %parallel_loop3A_377 = vector.shape_cast %parallel_loop3A_376 : vector<16xf32> to vector<16xf32>
      %parallel_loop3A_378 = vector.shape_cast %parallel_loop3A_372 : vector<16xf32> to vector<16xf32>
      tpu.vector_store %arg7[%parallel_loop3A_375], %parallel_loop3A_378 {strides = array<i32>} : memref<65536xf32, #tpu.memory_space<vmem>>, vector<16xf32>,
      %parallel_loop3A_379 = arith.select %parallel_loop3A_330, %get3A_73, %get3A_113 : vector<16xf32>
      %parallel_loop3A_380 = arith.select %parallel_loop3A_328, %get3A_33, %parallel_loop3A_379 : vector<16xf32>
      %parallel_loop3A_381 = arith.constant 80 : i32
      %parallel_loop3A_382 = arith.addi %parallel_loop3A_338, %parallel_loop3A_381 : i32
      %parallel_loop3A_383 = arith.index_cast %parallel_loop3A_382 : i32 to index
      %parallel_loop3A_384 = tpu.vector_load %arg7[%parallel_loop3A_383] {strides = array<i32>} : memref<65536xf32, #tpu.memory_space<vmem>>, vector<16xf32>,
      %parallel_loop3A_385 = vector.shape_cast %parallel_loop3A_384 : vector<16xf32> to vector<16xf32>
      %parallel_loop3A_386 = vector.shape_cast %parallel_loop3A_380 : vector<16xf32> to vector<16xf32>
      tpu.vector_store %arg7[%parallel_loop3A_383], %parallel_loop3A_386 {strides = array<i32>} : memref<65536xf32, #tpu.memory_space<vmem>>, vector<16xf32>,
      %parallel_loop3A_387 = arith.select %parallel_loop3A_330, %get3A_78, %get3A_118 : vector<16xf32>
      %parallel_loop3A_388 = arith.select %parallel_loop3A_328, %get3A_38, %parallel_loop3A_387 : vector<16xf32>
      %parallel_loop3A_389 = arith.constant 96 : i32
      %parallel_loop3A_390 = arith.addi %parallel_loop3A_338, %parallel_loop3A_389 : i32
      %parallel_loop3A_391 = arith.index_cast %parallel_loop3A_390 : i32 to index
      %parallel_loop3A_392 = tpu.vector_load %arg7[%parallel_loop3A_391] {strides = array<i32>} : memref<65536xf32, #tpu.memory_space<vmem>>, vector<16xf32>,
      %parallel_loop3A_393 = vector.shape_cast %parallel_loop3A_392 : vector<16xf32> to vector<16xf32>
      %parallel_loop3A_394 = vector.shape_cast %parallel_loop3A_388 : vector<16xf32> to vector<16xf32>
      tpu.vector_store %arg7[%parallel_loop3A_391], %parallel_loop3A_394 {strides = array<i32>} : memref<65536xf32, #tpu.memory_space<vmem>>, vector<16xf32>,
      %parallel_loop3A_395 = arith.select %parallel_loop3A_330, %get3A_83, %get3A_123 : vector<16xf32>
      %parallel_loop3A_396 = arith.select %parallel_loop3A_328, %get3A_43, %parallel_loop3A_395 : vector<16xf32>
      %parallel_loop3A_397 = arith.constant 112 : i32
      %parallel_loop3A_398 = arith.addi %parallel_loop3A_338, %parallel_loop3A_397 : i32
      %parallel_loop3A_399 = arith.index_cast %parallel_loop3A_398 : i32 to index
      %parallel_loop3A_400 = tpu.vector_load %arg7[%parallel_loop3A_399] {strides = array<i32>} : memref<65536xf32, #tpu.memory_space<vmem>>, vector<16xf32>,
      %parallel_loop3A_401 = vector.shape_cast %parallel_loop3A_400 : vector<16xf32> to vector<16xf32>
      %parallel_loop3A_402 = vector.shape_cast %parallel_loop3A_396 : vector<16xf32> to vector<16xf32>
      tpu.vector_store %arg7[%parallel_loop3A_399], %parallel_loop3A_402 {strides = array<i32>} : memref<65536xf32, #tpu.memory_space<vmem>>, vector<16xf32>,
      %parallel_loop3A_403 = vector.extract_strided_slice %parallel_loop3A_168 {offsets = [3], sizes = [1], strides = [1]} : vector<16xi32> to vector<1xi32>
      %parallel_loop3A_404 = vector.extract %parallel_loop3A_403[0] : i32 from vector<1xi32>
      %parallel_loop3A_405 = arith.constant 0 : i32
      %parallel_loop3A_406 = arith.cmpi eq, %parallel_loop3A_404, %parallel_loop3A_405 : i32
      %parallel_loop3A_407 = arith.constant 1 : i32
      %parallel_loop3A_408 = arith.cmpi eq, %parallel_loop3A_404, %parallel_loop3A_407 : i32
      %parallel_loop3A_409 = arith.constant 16 : i32
      %parallel_loop3A_410 = arith.muli %parallel_loop3A_161, %parallel_loop3A_409 : i32
      %parallel_loop3A_411 = arith.constant 256 : i32
      %parallel_loop3A_412 = arith.addi %parallel_loop3A_411, %parallel_loop3A_410 : i32
      %parallel_loop3A_413 = arith.constant 3 : i32
      %parallel_loop3A_414 = arith.addi %parallel_loop3A_412, %parallel_loop3A_413 : i32
      %parallel_loop3A_415 = arith.constant 128 : i32
      %parallel_loop3A_416 = arith.muli %parallel_loop3A_414, %parallel_loop3A_415 : i32
      %parallel_loop3A_417 = arith.select %parallel_loop3A_408, %get3A_48, %get3A_88 : vector<16xf32>
      %parallel_loop3A_418 = arith.select %parallel_loop3A_406, %get3A_8, %parallel_loop3A_417 : vector<16xf32>
      %parallel_loop3A_419 = arith.constant 0 : i32
      %parallel_loop3A_420 = arith.addi %parallel_loop3A_416, %parallel_loop3A_419 : i32
      %parallel_loop3A_421 = arith.index_cast %parallel_loop3A_420 : i32 to index
      %parallel_loop3A_422 = tpu.vector_load %arg7[%parallel_loop3A_421] {strides = array<i32>} : memref<65536xf32, #tpu.memory_space<vmem>>, vector<16xf32>,
      %parallel_loop3A_423 = vector.shape_cast %parallel_loop3A_422 : vector<16xf32> to vector<16xf32>
      %parallel_loop3A_424 = vector.shape_cast %parallel_loop3A_418 : vector<16xf32> to vector<16xf32>
      tpu.vector_store %arg7[%parallel_loop3A_421], %parallel_loop3A_424 {strides = array<i32>} : memref<65536xf32, #tpu.memory_space<vmem>>, vector<16xf32>,
      %parallel_loop3A_425 = arith.select %parallel_loop3A_408, %get3A_53, %get3A_93 : vector<16xf32>
      %parallel_loop3A_426 = arith.select %parallel_loop3A_406, %get3A_13, %parallel_loop3A_425 : vector<16xf32>
      %parallel_loop3A_427 = arith.constant 16 : i32
      %parallel_loop3A_428 = arith.addi %parallel_loop3A_416, %parallel_loop3A_427 : i32
      %parallel_loop3A_429 = arith.index_cast %parallel_loop3A_428 : i32 to index
      %parallel_loop3A_430 = tpu.vector_load %arg7[%parallel_loop3A_429] {strides = array<i32>} : memref<65536xf32, #tpu.memory_space<vmem>>, vector<16xf32>,
      %parallel_loop3A_431 = vector.shape_cast %parallel_loop3A_430 : vector<16xf32> to vector<16xf32>
      %parallel_loop3A_432 = vector.shape_cast %parallel_loop3A_426 : vector<16xf32> to vector<16xf32>
      tpu.vector_store %arg7[%parallel_loop3A_429], %parallel_loop3A_432 {strides = array<i32>} : memref<65536xf32, #tpu.memory_space<vmem>>, vector<16xf32>,
      %parallel_loop3A_433 = arith.select %parallel_loop3A_408, %get3A_58, %get3A_98 : vector<16xf32>
      %parallel_loop3A_434 = arith.select %parallel_loop3A_406, %get3A_18, %parallel_loop3A_433 : vector<16xf32>
      %parallel_loop3A_435 = arith.constant 32 : i32
      %parallel_loop3A_436 = arith.addi %parallel_loop3A_416, %parallel_loop3A_435 : i32
      %parallel_loop3A_437 = arith.index_cast %parallel_loop3A_436 : i32 to index
      %parallel_loop3A_438 = tpu.vector_load %arg7[%parallel_loop3A_437] {strides = array<i32>} : memref<65536xf32, #tpu.memory_space<vmem>>, vector<16xf32>,
      %parallel_loop3A_439 = vector.shape_cast %parallel_loop3A_438 : vector<16xf32> to vector<16xf32>
      %parallel_loop3A_440 = vector.shape_cast %parallel_loop3A_434 : vector<16xf32> to vector<16xf32>
      tpu.vector_store %arg7[%parallel_loop3A_437], %parallel_loop3A_440 {strides = array<i32>} : memref<65536xf32, #tpu.memory_space<vmem>>, vector<16xf32>,
      %parallel_loop3A_441 = arith.select %parallel_loop3A_408, %get3A_63, %get3A_103 : vector<16xf32>
      %parallel_loop3A_442 = arith.select %parallel_loop3A_406, %get3A_23, %parallel_loop3A_441 : vector<16xf32>
      %parallel_loop3A_443 = arith.constant 48 : i32
      %parallel_loop3A_444 = arith.addi %parallel_loop3A_416, %parallel_loop3A_443 : i32
      %parallel_loop3A_445 = arith.index_cast %parallel_loop3A_444 : i32 to index
      %parallel_loop3A_446 = tpu.vector_load %arg7[%parallel_loop3A_445] {strides = array<i32>} : memref<65536xf32, #tpu.memory_space<vmem>>, vector<16xf32>,
      %parallel_loop3A_447 = vector.shape_cast %parallel_loop3A_446 : vector<16xf32> to vector<16xf32>
      %parallel_loop3A_448 = vector.shape_cast %parallel_loop3A_442 : vector<16xf32> to vector<16xf32>
      tpu.vector_store %arg7[%parallel_loop3A_445], %parallel_loop3A_448 {strides = array<i32>} : memref<65536xf32, #tpu.memory_space<vmem>>, vector<16xf32>,
      %parallel_loop3A_449 = arith.select %parallel_loop3A_408, %get3A_68, %get3A_108 : vector<16xf32>
      %parallel_loop3A_450 = arith.select %parallel_loop3A_406, %get3A_28, %parallel_loop3A_449 : vector<16xf32>
      %parallel_loop3A_451 = arith.constant 64 : i32
      %parallel_loop3A_452 = arith.addi %parallel_loop3A_416, %parallel_loop3A_451 : i32
      %parallel_loop3A_453 = arith.index_cast %parallel_loop3A_452 : i32 to index
      %parallel_loop3A_454 = tpu.vector_load %arg7[%parallel_loop3A_453] {strides = array<i32>} : memref<65536xf32, #tpu.memory_space<vmem>>, vector<16xf32>,
      %parallel_loop3A_455 = vector.shape_cast %parallel_loop3A_454 : vector<16xf32> to vector<16xf32>
      %parallel_loop3A_456 = vector.shape_cast %parallel_loop3A_450 : vector<16xf32> to vector<16xf32>
      tpu.vector_store %arg7[%parallel_loop3A_453], %parallel_loop3A_456 {strides = array<i32>} : memref<65536xf32, #tpu.memory_space<vmem>>, vector<16xf32>,
      %parallel_loop3A_457 = arith.select %parallel_loop3A_408, %get3A_73, %get3A_113 : vector<16xf32>
      %parallel_loop3A_458 = arith.select %parallel_loop3A_406, %get3A_33, %parallel_loop3A_457 : vector<16xf32>
      %parallel_loop3A_459 = arith.constant 80 : i32
      %parallel_loop3A_460 = arith.addi %parallel_loop3A_416, %parallel_loop3A_459 : i32
      %parallel_loop3A_461 = arith.index_cast %parallel_loop3A_460 : i32 to index
      %parallel_loop3A_462 = tpu.vector_load %arg7[%parallel_loop3A_461] {strides = array<i32>} : memref<65536xf32, #tpu.memory_space<vmem>>, vector<16xf32>,
      %parallel_loop3A_463 = vector.shape_cast %parallel_loop3A_462 : vector<16xf32> to vector<16xf32>
      %parallel_loop3A_464 = vector.shape_cast %parallel_loop3A_458 : vector<16xf32> to vector<16xf32>
      tpu.vector_store %arg7[%parallel_loop3A_461], %parallel_loop3A_464 {strides = array<i32>} : memref<65536xf32, #tpu.memory_space<vmem>>, vector<16xf32>,
      %parallel_loop3A_465 = arith.select %parallel_loop3A_408, %get3A_78, %get3A_118 : vector<16xf32>
      %parallel_loop3A_466 = arith.select %parallel_loop3A_406, %get3A_38, %parallel_loop3A_465 : vector<16xf32>
      %parallel_loop3A_467 = arith.constant 96 : i32
      %parallel_loop3A_468 = arith.addi %parallel_loop3A_416, %parallel_loop3A_467 : i32
      %parallel_loop3A_469 = arith.index_cast %parallel_loop3A_468 : i32 to index
      %parallel_loop3A_470 = tpu.vector_load %arg7[%parallel_loop3A_469] {strides = array<i32>} : memref<65536xf32, #tpu.memory_space<vmem>>, vector<16xf32>,
      %parallel_loop3A_471 = vector.shape_cast %parallel_loop3A_470 : vector<16xf32> to vector<16xf32>
      %parallel_loop3A_472 = vector.shape_cast %parallel_loop3A_466 : vector<16xf32> to vector<16xf32>
      tpu.vector_store %arg7[%parallel_loop3A_469], %parallel_loop3A_472 {strides = array<i32>} : memref<65536xf32, #tpu.memory_space<vmem>>, vector<16xf32>,
      %parallel_loop3A_473 = arith.select %parallel_loop3A_408, %get3A_83, %get3A_123 : vector<16xf32>
      %parallel_loop3A_474 = arith.select %parallel_loop3A_406, %get3A_43, %parallel_loop3A_473 : vector<16xf32>
      %parallel_loop3A_475 = arith.constant 112 : i32
      %parallel_loop3A_476 = arith.addi %parallel_loop3A_416, %parallel_loop3A_475 : i32
      %parallel_loop3A_477 = arith.index_cast %parallel_loop3A_476 : i32 to index
      %parallel_loop3A_478 = tpu.vector_load %arg7[%parallel_loop3A_477] {strides = array<i32>} : memref<65536xf32, #tpu.memory_space<vmem>>, vector<16xf32>,
      %parallel_loop3A_479 = vector.shape_cast %parallel_loop3A_478 : vector<16xf32> to vector<16xf32>
      %parallel_loop3A_480 = vector.shape_cast %parallel_loop3A_474 : vector<16xf32> to vector<16xf32>
      tpu.vector_store %arg7[%parallel_loop3A_477], %parallel_loop3A_480 {strides = array<i32>} : memref<65536xf32, #tpu.memory_space<vmem>>, vector<16xf32>,
      %parallel_loop3A_481 = vector.extract_strided_slice %parallel_loop3A_168 {offsets = [4], sizes = [1], strides = [1]} : vector<16xi32> to vector<1xi32>
      %parallel_loop3A_482 = vector.extract %parallel_loop3A_481[0] : i32 from vector<1xi32>
      %parallel_loop3A_483 = arith.constant 0 : i32
      %parallel_loop3A_484 = arith.cmpi eq, %parallel_loop3A_482, %parallel_loop3A_483 : i32
      %parallel_loop3A_485 = arith.constant 1 : i32
      %parallel_loop3A_486 = arith.cmpi eq, %parallel_loop3A_482, %parallel_loop3A_485 : i32
      %parallel_loop3A_487 = arith.constant 16 : i32
      %parallel_loop3A_488 = arith.muli %parallel_loop3A_161, %parallel_loop3A_487 : i32
      %parallel_loop3A_489 = arith.constant 256 : i32
      %parallel_loop3A_490 = arith.addi %parallel_loop3A_489, %parallel_loop3A_488 : i32
      %parallel_loop3A_491 = arith.constant 4 : i32
      %parallel_loop3A_492 = arith.addi %parallel_loop3A_490, %parallel_loop3A_491 : i32
      %parallel_loop3A_493 = arith.constant 128 : i32
      %parallel_loop3A_494 = arith.muli %parallel_loop3A_492, %parallel_loop3A_493 : i32
      %parallel_loop3A_495 = arith.select %parallel_loop3A_486, %get3A_48, %get3A_88 : vector<16xf32>
      %parallel_loop3A_496 = arith.select %parallel_loop3A_484, %get3A_8, %parallel_loop3A_495 : vector<16xf32>
      %parallel_loop3A_497 = arith.constant 0 : i32
      %parallel_loop3A_498 = arith.addi %parallel_loop3A_494, %parallel_loop3A_497 : i32
      %parallel_loop3A_499 = arith.index_cast %parallel_loop3A_498 : i32 to index
      %parallel_loop3A_500 = tpu.vector_load %arg7[%parallel_loop3A_499] {strides = array<i32>} : memref<65536xf32, #tpu.memory_space<vmem>>, vector<16xf32>,
      %parallel_loop3A_501 = vector.shape_cast %parallel_loop3A_500 : vector<16xf32> to vector<16xf32>
      %parallel_loop3A_502 = vector.shape_cast %parallel_loop3A_496 : vector<16xf32> to vector<16xf32>
      tpu.vector_store %arg7[%parallel_loop3A_499], %parallel_loop3A_502 {strides = array<i32>} : memref<65536xf32, #tpu.memory_space<vmem>>, vector<16xf32>,
      %parallel_loop3A_503 = arith.select %parallel_loop3A_486, %get3A_53, %get3A_93 : vector<16xf32>
      %parallel_loop3A_504 = arith.select %parallel_loop3A_484, %get3A_13, %parallel_loop3A_503 : vector<16xf32>
      %parallel_loop3A_505 = arith.constant 16 : i32
      %parallel_loop3A_506 = arith.addi %parallel_loop3A_494, %parallel_loop3A_505 : i32
      %parallel_loop3A_507 = arith.index_cast %parallel_loop3A_506 : i32 to index
      %parallel_loop3A_508 = tpu.vector_load %arg7[%parallel_loop3A_507] {strides = array<i32>} : memref<65536xf32, #tpu.memory_space<vmem>>, vector<16xf32>,
      %parallel_loop3A_509 = vector.shape_cast %parallel_loop3A_508 : vector<16xf32> to vector<16xf32>
      %parallel_loop3A_510 = vector.shape_cast %parallel_loop3A_504 : vector<16xf32> to vector<16xf32>
      tpu.vector_store %arg7[%parallel_loop3A_507], %parallel_loop3A_510 {strides = array<i32>} : memref<65536xf32, #tpu.memory_space<vmem>>, vector<16xf32>,
      %parallel_loop3A_511 = arith.select %parallel_loop3A_486, %get3A_58, %get3A_98 : vector<16xf32>
      %parallel_loop3A_512 = arith.select %parallel_loop3A_484, %get3A_18, %parallel_loop3A_511 : vector<16xf32>
      %parallel_loop3A_513 = arith.constant 32 : i32
      %parallel_loop3A_514 = arith.addi %parallel_loop3A_494, %parallel_loop3A_513 : i32
      %parallel_loop3A_515 = arith.index_cast %parallel_loop3A_514 : i32 to index
      %parallel_loop3A_516 = tpu.vector_load %arg7[%parallel_loop3A_515] {strides = array<i32>} : memref<65536xf32, #tpu.memory_space<vmem>>, vector<16xf32>,
      %parallel_loop3A_517 = vector.shape_cast %parallel_loop3A_516 : vector<16xf32> to vector<16xf32>
      %parallel_loop3A_518 = vector.shape_cast %parallel_loop3A_512 : vector<16xf32> to vector<16xf32>
      tpu.vector_store %arg7[%parallel_loop3A_515], %parallel_loop3A_518 {strides = array<i32>} : memref<65536xf32, #tpu.memory_space<vmem>>, vector<16xf32>,
      %parallel_loop3A_519 = arith.select %parallel_loop3A_486, %get3A_63, %get3A_103 : vector<16xf32>
      %parallel_loop3A_520 = arith.select %parallel_loop3A_484, %get3A_23, %parallel_loop3A_519 : vector<16xf32>
      %parallel_loop3A_521 = arith.constant 48 : i32
      %parallel_loop3A_522 = arith.addi %parallel_loop3A_494, %parallel_loop3A_521 : i32
      %parallel_loop3A_523 = arith.index_cast %parallel_loop3A_522 : i32 to index
      %parallel_loop3A_524 = tpu.vector_load %arg7[%parallel_loop3A_523] {strides = array<i32>} : memref<65536xf32, #tpu.memory_space<vmem>>, vector<16xf32>,
      %parallel_loop3A_525 = vector.shape_cast %parallel_loop3A_524 : vector<16xf32> to vector<16xf32>
      %parallel_loop3A_526 = vector.shape_cast %parallel_loop3A_520 : vector<16xf32> to vector<16xf32>
      tpu.vector_store %arg7[%parallel_loop3A_523], %parallel_loop3A_526 {strides = array<i32>} : memref<65536xf32, #tpu.memory_space<vmem>>, vector<16xf32>,
      %parallel_loop3A_527 = arith.select %parallel_loop3A_486, %get3A_68, %get3A_108 : vector<16xf32>
      %parallel_loop3A_528 = arith.select %parallel_loop3A_484, %get3A_28, %parallel_loop3A_527 : vector<16xf32>
      %parallel_loop3A_529 = arith.constant 64 : i32
      %parallel_loop3A_530 = arith.addi %parallel_loop3A_494, %parallel_loop3A_529 : i32
      %parallel_loop3A_531 = arith.index_cast %parallel_loop3A_530 : i32 to index
      %parallel_loop3A_532 = tpu.vector_load %arg7[%parallel_loop3A_531] {strides = array<i32>} : memref<65536xf32, #tpu.memory_space<vmem>>, vector<16xf32>,
      %parallel_loop3A_533 = vector.shape_cast %parallel_loop3A_532 : vector<16xf32> to vector<16xf32>
      %parallel_loop3A_534 = vector.shape_cast %parallel_loop3A_528 : vector<16xf32> to vector<16xf32>
      tpu.vector_store %arg7[%parallel_loop3A_531], %parallel_loop3A_534 {strides = array<i32>} : memref<65536xf32, #tpu.memory_space<vmem>>, vector<16xf32>,
      %parallel_loop3A_535 = arith.select %parallel_loop3A_486, %get3A_73, %get3A_113 : vector<16xf32>
      %parallel_loop3A_536 = arith.select %parallel_loop3A_484, %get3A_33, %parallel_loop3A_535 : vector<16xf32>
      %parallel_loop3A_537 = arith.constant 80 : i32
      %parallel_loop3A_538 = arith.addi %parallel_loop3A_494, %parallel_loop3A_537 : i32
      %parallel_loop3A_539 = arith.index_cast %parallel_loop3A_538 : i32 to index
      %parallel_loop3A_540 = tpu.vector_load %arg7[%parallel_loop3A_539] {strides = array<i32>} : memref<65536xf32, #tpu.memory_space<vmem>>, vector<16xf32>,
      %parallel_loop3A_541 = vector.shape_cast %parallel_loop3A_540 : vector<16xf32> to vector<16xf32>
      %parallel_loop3A_542 = vector.shape_cast %parallel_loop3A_536 : vector<16xf32> to vector<16xf32>
      tpu.vector_store %arg7[%parallel_loop3A_539], %parallel_loop3A_542 {strides = array<i32>} : memref<65536xf32, #tpu.memory_space<vmem>>, vector<16xf32>,
      %parallel_loop3A_543 = arith.select %parallel_loop3A_486, %get3A_78, %get3A_118 : vector<16xf32>
      %parallel_loop3A_544 = arith.select %parallel_loop3A_484, %get3A_38, %parallel_loop3A_543 : vector<16xf32>
      %parallel_loop3A_545 = arith.constant 96 : i32
      %parallel_loop3A_546 = arith.addi %parallel_loop3A_494, %parallel_loop3A_545 : i32
      %parallel_loop3A_547 = arith.index_cast %parallel_loop3A_546 : i32 to index
      %parallel_loop3A_548 = tpu.vector_load %arg7[%parallel_loop3A_547] {strides = array<i32>} : memref<65536xf32, #tpu.memory_space<vmem>>, vector<16xf32>,
      %parallel_loop3A_549 = vector.shape_cast %parallel_loop3A_548 : vector<16xf32> to vector<16xf32>
      %parallel_loop3A_550 = vector.shape_cast %parallel_loop3A_544 : vector<16xf32> to vector<16xf32>
      tpu.vector_store %arg7[%parallel_loop3A_547], %parallel_loop3A_550 {strides = array<i32>} : memref<65536xf32, #tpu.memory_space<vmem>>, vector<16xf32>,
      %parallel_loop3A_551 = arith.select %parallel_loop3A_486, %get3A_83, %get3A_123 : vector<16xf32>
      %parallel_loop3A_552 = arith.select %parallel_loop3A_484, %get3A_43, %parallel_loop3A_551 : vector<16xf32>
      %parallel_loop3A_553 = arith.constant 112 : i32
      %parallel_loop3A_554 = arith.addi %parallel_loop3A_494, %parallel_loop3A_553 : i32
      %parallel_loop3A_555 = arith.index_cast %parallel_loop3A_554 : i32 to index
      %parallel_loop3A_556 = tpu.vector_load %arg7[%parallel_loop3A_555] {strides = array<i32>} : memref<65536xf32, #tpu.memory_space<vmem>>, vector<16xf32>,
      %parallel_loop3A_557 = vector.shape_cast %parallel_loop3A_556 : vector<16xf32> to vector<16xf32>
      %parallel_loop3A_558 = vector.shape_cast %parallel_loop3A_552 : vector<16xf32> to vector<16xf32>
      tpu.vector_store %arg7[%parallel_loop3A_555], %parallel_loop3A_558 {strides = array<i32>} : memref<65536xf32, #tpu.memory_space<vmem>>, vector<16xf32>,
      %parallel_loop3A_559 = vector.extract_strided_slice %parallel_loop3A_168 {offsets = [5], sizes = [1], strides = [1]} : vector<16xi32> to vector<1xi32>
      %parallel_loop3A_560 = vector.extract %parallel_loop3A_559[0] : i32 from vector<1xi32>
      %parallel_loop3A_561 = arith.constant 0 : i32
      %parallel_loop3A_562 = arith.cmpi eq, %parallel_loop3A_560, %parallel_loop3A_561 : i32
      %parallel_loop3A_563 = arith.constant 1 : i32
      %parallel_loop3A_564 = arith.cmpi eq, %parallel_loop3A_560, %parallel_loop3A_563 : i32
      %parallel_loop3A_565 = arith.constant 16 : i32
      %parallel_loop3A_566 = arith.muli %parallel_loop3A_161, %parallel_loop3A_565 : i32
      %parallel_loop3A_567 = arith.constant 256 : i32
      %parallel_loop3A_568 = arith.addi %parallel_loop3A_567, %parallel_loop3A_566 : i32
      %parallel_loop3A_569 = arith.constant 5 : i32
      %parallel_loop3A_570 = arith.addi %parallel_loop3A_568, %parallel_loop3A_569 : i32
      %parallel_loop3A_571 = arith.constant 128 : i32
      %parallel_loop3A_572 = arith.muli %parallel_loop3A_570, %parallel_loop3A_571 : i32
      %parallel_loop3A_573 = arith.select %parallel_loop3A_564, %get3A_48, %get3A_88 : vector<16xf32>
      %parallel_loop3A_574 = arith.select %parallel_loop3A_562, %get3A_8, %parallel_loop3A_573 : vector<16xf32>
      %parallel_loop3A_575 = arith.constant 0 : i32
      %parallel_loop3A_576 = arith.addi %parallel_loop3A_572, %parallel_loop3A_575 : i32
      %parallel_loop3A_577 = arith.index_cast %parallel_loop3A_576 : i32 to index
      %parallel_loop3A_578 = tpu.vector_load %arg7[%parallel_loop3A_577] {strides = array<i32>} : memref<65536xf32, #tpu.memory_space<vmem>>, vector<16xf32>,
      %parallel_loop3A_579 = vector.shape_cast %parallel_loop3A_578 : vector<16xf32> to vector<16xf32>
      %parallel_loop3A_580 = vector.shape_cast %parallel_loop3A_574 : vector<16xf32> to vector<16xf32>
      tpu.vector_store %arg7[%parallel_loop3A_577], %parallel_loop3A_580 {strides = array<i32>} : memref<65536xf32, #tpu.memory_space<vmem>>, vector<16xf32>,
      %parallel_loop3A_581 = arith.select %parallel_loop3A_564, %get3A_53, %get3A_93 : vector<16xf32>
      %parallel_loop3A_582 = arith.select %parallel_loop3A_562, %get3A_13, %parallel_loop3A_581 : vector<16xf32>
      %parallel_loop3A_583 = arith.constant 16 : i32
      %parallel_loop3A_584 = arith.addi %parallel_loop3A_572, %parallel_loop3A_583 : i32
      %parallel_loop3A_585 = arith.index_cast %parallel_loop3A_584 : i32 to index
      %parallel_loop3A_586 = tpu.vector_load %arg7[%parallel_loop3A_585] {strides = array<i32>} : memref<65536xf32, #tpu.memory_space<vmem>>, vector<16xf32>,
      %parallel_loop3A_587 = vector.shape_cast %parallel_loop3A_586 : vector<16xf32> to vector<16xf32>
      %parallel_loop3A_588 = vector.shape_cast %parallel_loop3A_582 : vector<16xf32> to vector<16xf32>
      tpu.vector_store %arg7[%parallel_loop3A_585], %parallel_loop3A_588 {strides = array<i32>} : memref<65536xf32, #tpu.memory_space<vmem>>, vector<16xf32>,
      %parallel_loop3A_589 = arith.select %parallel_loop3A_564, %get3A_58, %get3A_98 : vector<16xf32>
      %parallel_loop3A_590 = arith.select %parallel_loop3A_562, %get3A_18, %parallel_loop3A_589 : vector<16xf32>
      %parallel_loop3A_591 = arith.constant 32 : i32
      %parallel_loop3A_592 = arith.addi %parallel_loop3A_572, %parallel_loop3A_591 : i32
      %parallel_loop3A_593 = arith.index_cast %parallel_loop3A_592 : i32 to index
      %parallel_loop3A_594 = tpu.vector_load %arg7[%parallel_loop3A_593] {strides = array<i32>} : memref<65536xf32, #tpu.memory_space<vmem>>, vector<16xf32>,
      %parallel_loop3A_595 = vector.shape_cast %parallel_loop3A_594 : vector<16xf32> to vector<16xf32>
      %parallel_loop3A_596 = vector.shape_cast %parallel_loop3A_590 : vector<16xf32> to vector<16xf32>
      tpu.vector_store %arg7[%parallel_loop3A_593], %parallel_loop3A_596 {strides = array<i32>} : memref<65536xf32, #tpu.memory_space<vmem>>, vector<16xf32>,
      %parallel_loop3A_597 = arith.select %parallel_loop3A_564, %get3A_63, %get3A_103 : vector<16xf32>
      %parallel_loop3A_598 = arith.select %parallel_loop3A_562, %get3A_23, %parallel_loop3A_597 : vector<16xf32>
      %parallel_loop3A_599 = arith.constant 48 : i32
      %parallel_loop3A_600 = arith.addi %parallel_loop3A_572, %parallel_loop3A_599 : i32
      %parallel_loop3A_601 = arith.index_cast %parallel_loop3A_600 : i32 to index
      %parallel_loop3A_602 = tpu.vector_load %arg7[%parallel_loop3A_601] {strides = array<i32>} : memref<65536xf32, #tpu.memory_space<vmem>>, vector<16xf32>,
      %parallel_loop3A_603 = vector.shape_cast %parallel_loop3A_602 : vector<16xf32> to vector<16xf32>
      %parallel_loop3A_604 = vector.shape_cast %parallel_loop3A_598 : vector<16xf32> to vector<16xf32>
      tpu.vector_store %arg7[%parallel_loop3A_601], %parallel_loop3A_604 {strides = array<i32>} : memref<65536xf32, #tpu.memory_space<vmem>>, vector<16xf32>,
      %parallel_loop3A_605 = arith.select %parallel_loop3A_564, %get3A_68, %get3A_108 : vector<16xf32>
      %parallel_loop3A_606 = arith.select %parallel_loop3A_562, %get3A_28, %parallel_loop3A_605 : vector<16xf32>
      %parallel_loop3A_607 = arith.constant 64 : i32
      %parallel_loop3A_608 = arith.addi %parallel_loop3A_572, %parallel_loop3A_607 : i32
      %parallel_loop3A_609 = arith.index_cast %parallel_loop3A_608 : i32 to index
      %parallel_loop3A_610 = tpu.vector_load %arg7[%parallel_loop3A_609] {strides = array<i32>} : memref<65536xf32, #tpu.memory_space<vmem>>, vector<16xf32>,
      %parallel_loop3A_611 = vector.shape_cast %parallel_loop3A_610 : vector<16xf32> to vector<16xf32>
      %parallel_loop3A_612 = vector.shape_cast %parallel_loop3A_606 : vector<16xf32> to vector<16xf32>
      tpu.vector_store %arg7[%parallel_loop3A_609], %parallel_loop3A_612 {strides = array<i32>} : memref<65536xf32, #tpu.memory_space<vmem>>, vector<16xf32>,
      %parallel_loop3A_613 = arith.select %parallel_loop3A_564, %get3A_73, %get3A_113 : vector<16xf32>
      %parallel_loop3A_614 = arith.select %parallel_loop3A_562, %get3A_33, %parallel_loop3A_613 : vector<16xf32>
      %parallel_loop3A_615 = arith.constant 80 : i32
      %parallel_loop3A_616 = arith.addi %parallel_loop3A_572, %parallel_loop3A_615 : i32
      %parallel_loop3A_617 = arith.index_cast %parallel_loop3A_616 : i32 to index
      %parallel_loop3A_618 = tpu.vector_load %arg7[%parallel_loop3A_617] {strides = array<i32>} : memref<65536xf32, #tpu.memory_space<vmem>>, vector<16xf32>,
      %parallel_loop3A_619 = vector.shape_cast %parallel_loop3A_618 : vector<16xf32> to vector<16xf32>
      %parallel_loop3A_620 = vector.shape_cast %parallel_loop3A_614 : vector<16xf32> to vector<16xf32>
      tpu.vector_store %arg7[%parallel_loop3A_617], %parallel_loop3A_620 {strides = array<i32>} : memref<65536xf32, #tpu.memory_space<vmem>>, vector<16xf32>,
      %parallel_loop3A_621 = arith.select %parallel_loop3A_564, %get3A_78, %get3A_118 : vector<16xf32>
      %parallel_loop3A_622 = arith.select %parallel_loop3A_562, %get3A_38, %parallel_loop3A_621 : vector<16xf32>
      %parallel_loop3A_623 = arith.constant 96 : i32
      %parallel_loop3A_624 = arith.addi %parallel_loop3A_572, %parallel_loop3A_623 : i32
      %parallel_loop3A_625 = arith.index_cast %parallel_loop3A_624 : i32 to index
      %parallel_loop3A_626 = tpu.vector_load %arg7[%parallel_loop3A_625] {strides = array<i32>} : memref<65536xf32, #tpu.memory_space<vmem>>, vector<16xf32>,
      %parallel_loop3A_627 = vector.shape_cast %parallel_loop3A_626 : vector<16xf32> to vector<16xf32>
      %parallel_loop3A_628 = vector.shape_cast %parallel_loop3A_622 : vector<16xf32> to vector<16xf32>
      tpu.vector_store %arg7[%parallel_loop3A_625], %parallel_loop3A_628 {strides = array<i32>} : memref<65536xf32, #tpu.memory_space<vmem>>, vector<16xf32>,
      %parallel_loop3A_629 = arith.select %parallel_loop3A_564, %get3A_83, %get3A_123 : vector<16xf32>
      %parallel_loop3A_630 = arith.select %parallel_loop3A_562, %get3A_43, %parallel_loop3A_629 : vector<16xf32>
      %parallel_loop3A_631 = arith.constant 112 : i32
      %parallel_loop3A_632 = arith.addi %parallel_loop3A_572, %parallel_loop3A_631 : i32
      %parallel_loop3A_633 = arith.index_cast %parallel_loop3A_632 : i32 to index
      %parallel_loop3A_634 = tpu.vector_load %arg7[%parallel_loop3A_633] {strides = array<i32>} : memref<65536xf32, #tpu.memory_space<vmem>>, vector<16xf32>,
      %parallel_loop3A_635 = vector.shape_cast %parallel_loop3A_634 : vector<16xf32> to vector<16xf32>
      %parallel_loop3A_636 = vector.shape_cast %parallel_loop3A_630 : vector<16xf32> to vector<16xf32>
      tpu.vector_store %arg7[%parallel_loop3A_633], %parallel_loop3A_636 {strides = array<i32>} : memref<65536xf32, #tpu.memory_space<vmem>>, vector<16xf32>,
      %parallel_loop3A_637 = vector.extract_strided_slice %parallel_loop3A_168 {offsets = [6], sizes = [1], strides = [1]} : vector<16xi32> to vector<1xi32>
      %parallel_loop3A_638 = vector.extract %parallel_loop3A_637[0] : i32 from vector<1xi32>
      %parallel_loop3A_639 = arith.constant 0 : i32
      %parallel_loop3A_640 = arith.cmpi eq, %parallel_loop3A_638, %parallel_loop3A_639 : i32
      %parallel_loop3A_641 = arith.constant 1 : i32
      %parallel_loop3A_642 = arith.cmpi eq, %parallel_loop3A_638, %parallel_loop3A_641 : i32
      %parallel_loop3A_643 = arith.constant 16 : i32
      %parallel_loop3A_644 = arith.muli %parallel_loop3A_161, %parallel_loop3A_643 : i32
      %parallel_loop3A_645 = arith.constant 256 : i32
      %parallel_loop3A_646 = arith.addi %parallel_loop3A_645, %parallel_loop3A_644 : i32
      %parallel_loop3A_647 = arith.constant 6 : i32
      %parallel_loop3A_648 = arith.addi %parallel_loop3A_646, %parallel_loop3A_647 : i32
      %parallel_loop3A_649 = arith.constant 128 : i32
      %parallel_loop3A_650 = arith.muli %parallel_loop3A_648, %parallel_loop3A_649 : i32
      %parallel_loop3A_651 = arith.select %parallel_loop3A_642, %get3A_48, %get3A_88 : vector<16xf32>
      %parallel_loop3A_652 = arith.select %parallel_loop3A_640, %get3A_8, %parallel_loop3A_651 : vector<16xf32>
      %parallel_loop3A_653 = arith.constant 0 : i32
      %parallel_loop3A_654 = arith.addi %parallel_loop3A_650, %parallel_loop3A_653 : i32
      %parallel_loop3A_655 = arith.index_cast %parallel_loop3A_654 : i32 to index
      %parallel_loop3A_656 = tpu.vector_load %arg7[%parallel_loop3A_655] {strides = array<i32>} : memref<65536xf32, #tpu.memory_space<vmem>>, vector<16xf32>,
      %parallel_loop3A_657 = vector.shape_cast %parallel_loop3A_656 : vector<16xf32> to vector<16xf32>
      %parallel_loop3A_658 = vector.shape_cast %parallel_loop3A_652 : vector<16xf32> to vector<16xf32>
      tpu.vector_store %arg7[%parallel_loop3A_655], %parallel_loop3A_658 {strides = array<i32>} : memref<65536xf32, #tpu.memory_space<vmem>>, vector<16xf32>,
      %parallel_loop3A_659 = arith.select %parallel_loop3A_642, %get3A_53, %get3A_93 : vector<16xf32>
      %parallel_loop3A_660 = arith.select %parallel_loop3A_640, %get3A_13, %parallel_loop3A_659 : vector<16xf32>
      %parallel_loop3A_661 = arith.constant 16 : i32
      %parallel_loop3A_662 = arith.addi %parallel_loop3A_650, %parallel_loop3A_661 : i32
      %parallel_loop3A_663 = arith.index_cast %parallel_loop3A_662 : i32 to index
      %parallel_loop3A_664 = tpu.vector_load %arg7[%parallel_loop3A_663] {strides = array<i32>} : memref<65536xf32, #tpu.memory_space<vmem>>, vector<16xf32>,
      %parallel_loop3A_665 = vector.shape_cast %parallel_loop3A_664 : vector<16xf32> to vector<16xf32>
      %parallel_loop3A_666 = vector.shape_cast %parallel_loop3A_660 : vector<16xf32> to vector<16xf32>
      tpu.vector_store %arg7[%parallel_loop3A_663], %parallel_loop3A_666 {strides = array<i32>} : memref<65536xf32, #tpu.memory_space<vmem>>, vector<16xf32>,
      %parallel_loop3A_667 = arith.select %parallel_loop3A_642, %get3A_58, %get3A_98 : vector<16xf32>
      %parallel_loop3A_668 = arith.select %parallel_loop3A_640, %get3A_18, %parallel_loop3A_667 : vector<16xf32>
      %parallel_loop3A_669 = arith.constant 32 : i32
      %parallel_loop3A_670 = arith.addi %parallel_loop3A_650, %parallel_loop3A_669 : i32
      %parallel_loop3A_671 = arith.index_cast %parallel_loop3A_670 : i32 to index
      %parallel_loop3A_672 = tpu.vector_load %arg7[%parallel_loop3A_671] {strides = array<i32>} : memref<65536xf32, #tpu.memory_space<vmem>>, vector<16xf32>,
      %parallel_loop3A_673 = vector.shape_cast %parallel_loop3A_672 : vector<16xf32> to vector<16xf32>
      %parallel_loop3A_674 = vector.shape_cast %parallel_loop3A_668 : vector<16xf32> to vector<16xf32>
      tpu.vector_store %arg7[%parallel_loop3A_671], %parallel_loop3A_674 {strides = array<i32>} : memref<65536xf32, #tpu.memory_space<vmem>>, vector<16xf32>,
      %parallel_loop3A_675 = arith.select %parallel_loop3A_642, %get3A_63, %get3A_103 : vector<16xf32>
      %parallel_loop3A_676 = arith.select %parallel_loop3A_640, %get3A_23, %parallel_loop3A_675 : vector<16xf32>
      %parallel_loop3A_677 = arith.constant 48 : i32
      %parallel_loop3A_678 = arith.addi %parallel_loop3A_650, %parallel_loop3A_677 : i32
      %parallel_loop3A_679 = arith.index_cast %parallel_loop3A_678 : i32 to index
      %parallel_loop3A_680 = tpu.vector_load %arg7[%parallel_loop3A_679] {strides = array<i32>} : memref<65536xf32, #tpu.memory_space<vmem>>, vector<16xf32>,
      %parallel_loop3A_681 = vector.shape_cast %parallel_loop3A_680 : vector<16xf32> to vector<16xf32>
      %parallel_loop3A_682 = vector.shape_cast %parallel_loop3A_676 : vector<16xf32> to vector<16xf32>
      tpu.vector_store %arg7[%parallel_loop3A_679], %parallel_loop3A_682 {strides = array<i32>} : memref<65536xf32, #tpu.memory_space<vmem>>, vector<16xf32>,
      %parallel_loop3A_683 = arith.select %parallel_loop3A_642, %get3A_68, %get3A_108 : vector<16xf32>
      %parallel_loop3A_684 = arith.select %parallel_loop3A_640, %get3A_28, %parallel_loop3A_683 : vector<16xf32>
      %parallel_loop3A_685 = arith.constant 64 : i32
      %parallel_loop3A_686 = arith.addi %parallel_loop3A_650, %parallel_loop3A_685 : i32
      %parallel_loop3A_687 = arith.index_cast %parallel_loop3A_686 : i32 to index
      %parallel_loop3A_688 = tpu.vector_load %arg7[%parallel_loop3A_687] {strides = array<i32>} : memref<65536xf32, #tpu.memory_space<vmem>>, vector<16xf32>,
      %parallel_loop3A_689 = vector.shape_cast %parallel_loop3A_688 : vector<16xf32> to vector<16xf32>
      %parallel_loop3A_690 = vector.shape_cast %parallel_loop3A_684 : vector<16xf32> to vector<16xf32>
      tpu.vector_store %arg7[%parallel_loop3A_687], %parallel_loop3A_690 {strides = array<i32>} : memref<65536xf32, #tpu.memory_space<vmem>>, vector<16xf32>,
      %parallel_loop3A_691 = arith.select %parallel_loop3A_642, %get3A_73, %get3A_113 : vector<16xf32>
      %parallel_loop3A_692 = arith.select %parallel_loop3A_640, %get3A_33, %parallel_loop3A_691 : vector<16xf32>
      %parallel_loop3A_693 = arith.constant 80 : i32
      %parallel_loop3A_694 = arith.addi %parallel_loop3A_650, %parallel_loop3A_693 : i32
      %parallel_loop3A_695 = arith.index_cast %parallel_loop3A_694 : i32 to index
      %parallel_loop3A_696 = tpu.vector_load %arg7[%parallel_loop3A_695] {strides = array<i32>} : memref<65536xf32, #tpu.memory_space<vmem>>, vector<16xf32>,
      %parallel_loop3A_697 = vector.shape_cast %parallel_loop3A_696 : vector<16xf32> to vector<16xf32>
      %parallel_loop3A_698 = vector.shape_cast %parallel_loop3A_692 : vector<16xf32> to vector<16xf32>
      tpu.vector_store %arg7[%parallel_loop3A_695], %parallel_loop3A_698 {strides = array<i32>} : memref<65536xf32, #tpu.memory_space<vmem>>, vector<16xf32>,
      %parallel_loop3A_699 = arith.select %parallel_loop3A_642, %get3A_78, %get3A_118 : vector<16xf32>
      %parallel_loop3A_700 = arith.select %parallel_loop3A_640, %get3A_38, %parallel_loop3A_699 : vector<16xf32>
      %parallel_loop3A_701 = arith.constant 96 : i32
      %parallel_loop3A_702 = arith.addi %parallel_loop3A_650, %parallel_loop3A_701 : i32
      %parallel_loop3A_703 = arith.index_cast %parallel_loop3A_702 : i32 to index
      %parallel_loop3A_704 = tpu.vector_load %arg7[%parallel_loop3A_703] {strides = array<i32>} : memref<65536xf32, #tpu.memory_space<vmem>>, vector<16xf32>,
      %parallel_loop3A_705 = vector.shape_cast %parallel_loop3A_704 : vector<16xf32> to vector<16xf32>
      %parallel_loop3A_706 = vector.shape_cast %parallel_loop3A_700 : vector<16xf32> to vector<16xf32>
      tpu.vector_store %arg7[%parallel_loop3A_703], %parallel_loop3A_706 {strides = array<i32>} : memref<65536xf32, #tpu.memory_space<vmem>>, vector<16xf32>,
      %parallel_loop3A_707 = arith.select %parallel_loop3A_642, %get3A_83, %get3A_123 : vector<16xf32>
      %parallel_loop3A_708 = arith.select %parallel_loop3A_640, %get3A_43, %parallel_loop3A_707 : vector<16xf32>
      %parallel_loop3A_709 = arith.constant 112 : i32
      %parallel_loop3A_710 = arith.addi %parallel_loop3A_650, %parallel_loop3A_709 : i32
      %parallel_loop3A_711 = arith.index_cast %parallel_loop3A_710 : i32 to index
      %parallel_loop3A_712 = tpu.vector_load %arg7[%parallel_loop3A_711] {strides = array<i32>} : memref<65536xf32, #tpu.memory_space<vmem>>, vector<16xf32>,
      %parallel_loop3A_713 = vector.shape_cast %parallel_loop3A_712 : vector<16xf32> to vector<16xf32>
      %parallel_loop3A_714 = vector.shape_cast %parallel_loop3A_708 : vector<16xf32> to vector<16xf32>
      tpu.vector_store %arg7[%parallel_loop3A_711], %parallel_loop3A_714 {strides = array<i32>} : memref<65536xf32, #tpu.memory_space<vmem>>, vector<16xf32>,
      %parallel_loop3A_715 = vector.extract_strided_slice %parallel_loop3A_168 {offsets = [7], sizes = [1], strides = [1]} : vector<16xi32> to vector<1xi32>
      %parallel_loop3A_716 = vector.extract %parallel_loop3A_715[0] : i32 from vector<1xi32>
      %parallel_loop3A_717 = arith.constant 0 : i32
      %parallel_loop3A_718 = arith.cmpi eq, %parallel_loop3A_716, %parallel_loop3A_717 : i32
      %parallel_loop3A_719 = arith.constant 1 : i32
      %parallel_loop3A_720 = arith.cmpi eq, %parallel_loop3A_716, %parallel_loop3A_719 : i32
      %parallel_loop3A_721 = arith.constant 16 : i32
      %parallel_loop3A_722 = arith.muli %parallel_loop3A_161, %parallel_loop3A_721 : i32
      %parallel_loop3A_723 = arith.constant 256 : i32
      %parallel_loop3A_724 = arith.addi %parallel_loop3A_723, %parallel_loop3A_722 : i32
      %parallel_loop3A_725 = arith.constant 7 : i32
      %parallel_loop3A_726 = arith.addi %parallel_loop3A_724, %parallel_loop3A_725 : i32
      %parallel_loop3A_727 = arith.constant 128 : i32
      %parallel_loop3A_728 = arith.muli %parallel_loop3A_726, %parallel_loop3A_727 : i32
      %parallel_loop3A_729 = arith.select %parallel_loop3A_720, %get3A_48, %get3A_88 : vector<16xf32>
      %parallel_loop3A_730 = arith.select %parallel_loop3A_718, %get3A_8, %parallel_loop3A_729 : vector<16xf32>
      %parallel_loop3A_731 = arith.constant 0 : i32
      %parallel_loop3A_732 = arith.addi %parallel_loop3A_728, %parallel_loop3A_731 : i32
      %parallel_loop3A_733 = arith.index_cast %parallel_loop3A_732 : i32 to index
      %parallel_loop3A_734 = tpu.vector_load %arg7[%parallel_loop3A_733] {strides = array<i32>} : memref<65536xf32, #tpu.memory_space<vmem>>, vector<16xf32>,
      %parallel_loop3A_735 = vector.shape_cast %parallel_loop3A_734 : vector<16xf32> to vector<16xf32>
      %parallel_loop3A_736 = vector.shape_cast %parallel_loop3A_730 : vector<16xf32> to vector<16xf32>
      tpu.vector_store %arg7[%parallel_loop3A_733], %parallel_loop3A_736 {strides = array<i32>} : memref<65536xf32, #tpu.memory_space<vmem>>, vector<16xf32>,
      %parallel_loop3A_737 = arith.select %parallel_loop3A_720, %get3A_53, %get3A_93 : vector<16xf32>
      %parallel_loop3A_738 = arith.select %parallel_loop3A_718, %get3A_13, %parallel_loop3A_737 : vector<16xf32>
      %parallel_loop3A_739 = arith.constant 16 : i32
      %parallel_loop3A_740 = arith.addi %parallel_loop3A_728, %parallel_loop3A_739 : i32
      %parallel_loop3A_741 = arith.index_cast %parallel_loop3A_740 : i32 to index
      %parallel_loop3A_742 = tpu.vector_load %arg7[%parallel_loop3A_741] {strides = array<i32>} : memref<65536xf32, #tpu.memory_space<vmem>>, vector<16xf32>,
      %parallel_loop3A_743 = vector.shape_cast %parallel_loop3A_742 : vector<16xf32> to vector<16xf32>
      %parallel_loop3A_744 = vector.shape_cast %parallel_loop3A_738 : vector<16xf32> to vector<16xf32>
      tpu.vector_store %arg7[%parallel_loop3A_741], %parallel_loop3A_744 {strides = array<i32>} : memref<65536xf32, #tpu.memory_space<vmem>>, vector<16xf32>,
      %parallel_loop3A_745 = arith.select %parallel_loop3A_720, %get3A_58, %get3A_98 : vector<16xf32>
      %parallel_loop3A_746 = arith.select %parallel_loop3A_718, %get3A_18, %parallel_loop3A_745 : vector<16xf32>
      %parallel_loop3A_747 = arith.constant 32 : i32
      %parallel_loop3A_748 = arith.addi %parallel_loop3A_728, %parallel_loop3A_747 : i32
      %parallel_loop3A_749 = arith.index_cast %parallel_loop3A_748 : i32 to index
      %parallel_loop3A_750 = tpu.vector_load %arg7[%parallel_loop3A_749] {strides = array<i32>} : memref<65536xf32, #tpu.memory_space<vmem>>, vector<16xf32>,
      %parallel_loop3A_751 = vector.shape_cast %parallel_loop3A_750 : vector<16xf32> to vector<16xf32>
      %parallel_loop3A_752 = vector.shape_cast %parallel_loop3A_746 : vector<16xf32> to vector<16xf32>
      tpu.vector_store %arg7[%parallel_loop3A_749], %parallel_loop3A_752 {strides = array<i32>} : memref<65536xf32, #tpu.memory_space<vmem>>, vector<16xf32>,
      %parallel_loop3A_753 = arith.select %parallel_loop3A_720, %get3A_63, %get3A_103 : vector<16xf32>
      %parallel_loop3A_754 = arith.select %parallel_loop3A_718, %get3A_23, %parallel_loop3A_753 : vector<16xf32>
      %parallel_loop3A_755 = arith.constant 48 : i32
      %parallel_loop3A_756 = arith.addi %parallel_loop3A_728, %parallel_loop3A_755 : i32
      %parallel_loop3A_757 = arith.index_cast %parallel_loop3A_756 : i32 to index
      %parallel_loop3A_758 = tpu.vector_load %arg7[%parallel_loop3A_757] {strides = array<i32>} : memref<65536xf32, #tpu.memory_space<vmem>>, vector<16xf32>,
      %parallel_loop3A_759 = vector.shape_cast %parallel_loop3A_758 : vector<16xf32> to vector<16xf32>
      %parallel_loop3A_760 = vector.shape_cast %parallel_loop3A_754 : vector<16xf32> to vector<16xf32>
      tpu.vector_store %arg7[%parallel_loop3A_757], %parallel_loop3A_760 {strides = array<i32>} : memref<65536xf32, #tpu.memory_space<vmem>>, vector<16xf32>,
      %parallel_loop3A_761 = arith.select %parallel_loop3A_720, %get3A_68, %get3A_108 : vector<16xf32>
      %parallel_loop3A_762 = arith.select %parallel_loop3A_718, %get3A_28, %parallel_loop3A_761 : vector<16xf32>
      %parallel_loop3A_763 = arith.constant 64 : i32
      %parallel_loop3A_764 = arith.addi %parallel_loop3A_728, %parallel_loop3A_763 : i32
      %parallel_loop3A_765 = arith.index_cast %parallel_loop3A_764 : i32 to index
      %parallel_loop3A_766 = tpu.vector_load %arg7[%parallel_loop3A_765] {strides = array<i32>} : memref<65536xf32, #tpu.memory_space<vmem>>, vector<16xf32>,
      %parallel_loop3A_767 = vector.shape_cast %parallel_loop3A_766 : vector<16xf32> to vector<16xf32>
      %parallel_loop3A_768 = vector.shape_cast %parallel_loop3A_762 : vector<16xf32> to vector<16xf32>
      tpu.vector_store %arg7[%parallel_loop3A_765], %parallel_loop3A_768 {strides = array<i32>} : memref<65536xf32, #tpu.memory_space<vmem>>, vector<16xf32>,
      %parallel_loop3A_769 = arith.select %parallel_loop3A_720, %get3A_73, %get3A_113 : vector<16xf32>
      %parallel_loop3A_770 = arith.select %parallel_loop3A_718, %get3A_33, %parallel_loop3A_769 : vector<16xf32>
      %parallel_loop3A_771 = arith.constant 80 : i32
      %parallel_loop3A_772 = arith.addi %parallel_loop3A_728, %parallel_loop3A_771 : i32
      %parallel_loop3A_773 = arith.index_cast %parallel_loop3A_772 : i32 to index
      %parallel_loop3A_774 = tpu.vector_load %arg7[%parallel_loop3A_773] {strides = array<i32>} : memref<65536xf32, #tpu.memory_space<vmem>>, vector<16xf32>,
      %parallel_loop3A_775 = vector.shape_cast %parallel_loop3A_774 : vector<16xf32> to vector<16xf32>
      %parallel_loop3A_776 = vector.shape_cast %parallel_loop3A_770 : vector<16xf32> to vector<16xf32>
      tpu.vector_store %arg7[%parallel_loop3A_773], %parallel_loop3A_776 {strides = array<i32>} : memref<65536xf32, #tpu.memory_space<vmem>>, vector<16xf32>,
      %parallel_loop3A_777 = arith.select %parallel_loop3A_720, %get3A_78, %get3A_118 : vector<16xf32>
      %parallel_loop3A_778 = arith.select %parallel_loop3A_718, %get3A_38, %parallel_loop3A_777 : vector<16xf32>
      %parallel_loop3A_779 = arith.constant 96 : i32
      %parallel_loop3A_780 = arith.addi %parallel_loop3A_728, %parallel_loop3A_779 : i32
      %parallel_loop3A_781 = arith.index_cast %parallel_loop3A_780 : i32 to index
      %parallel_loop3A_782 = tpu.vector_load %arg7[%parallel_loop3A_781] {strides = array<i32>} : memref<65536xf32, #tpu.memory_space<vmem>>, vector<16xf32>,
      %parallel_loop3A_783 = vector.shape_cast %parallel_loop3A_782 : vector<16xf32> to vector<16xf32>
      %parallel_loop3A_784 = vector.shape_cast %parallel_loop3A_778 : vector<16xf32> to vector<16xf32>
      tpu.vector_store %arg7[%parallel_loop3A_781], %parallel_loop3A_784 {strides = array<i32>} : memref<65536xf32, #tpu.memory_space<vmem>>, vector<16xf32>,
      %parallel_loop3A_785 = arith.select %parallel_loop3A_720, %get3A_83, %get3A_123 : vector<16xf32>
      %parallel_loop3A_786 = arith.select %parallel_loop3A_718, %get3A_43, %parallel_loop3A_785 : vector<16xf32>
      %parallel_loop3A_787 = arith.constant 112 : i32
      %parallel_loop3A_788 = arith.addi %parallel_loop3A_728, %parallel_loop3A_787 : i32
      %parallel_loop3A_789 = arith.index_cast %parallel_loop3A_788 : i32 to index
      %parallel_loop3A_790 = tpu.vector_load %arg7[%parallel_loop3A_789] {strides = array<i32>} : memref<65536xf32, #tpu.memory_space<vmem>>, vector<16xf32>,
      %parallel_loop3A_791 = vector.shape_cast %parallel_loop3A_790 : vector<16xf32> to vector<16xf32>
      %parallel_loop3A_792 = vector.shape_cast %parallel_loop3A_786 : vector<16xf32> to vector<16xf32>
      tpu.vector_store %arg7[%parallel_loop3A_789], %parallel_loop3A_792 {strides = array<i32>} : memref<65536xf32, #tpu.memory_space<vmem>>, vector<16xf32>,
      %parallel_loop3A_793 = vector.extract_strided_slice %parallel_loop3A_168 {offsets = [8], sizes = [1], strides = [1]} : vector<16xi32> to vector<1xi32>
      %parallel_loop3A_794 = vector.extract %parallel_loop3A_793[0] : i32 from vector<1xi32>
      %parallel_loop3A_795 = arith.constant 0 : i32
      %parallel_loop3A_796 = arith.cmpi eq, %parallel_loop3A_794, %parallel_loop3A_795 : i32
      %parallel_loop3A_797 = arith.constant 1 : i32
      %parallel_loop3A_798 = arith.cmpi eq, %parallel_loop3A_794, %parallel_loop3A_797 : i32
      %parallel_loop3A_799 = arith.constant 16 : i32
      %parallel_loop3A_800 = arith.muli %parallel_loop3A_161, %parallel_loop3A_799 : i32
      %parallel_loop3A_801 = arith.constant 256 : i32
      %parallel_loop3A_802 = arith.addi %parallel_loop3A_801, %parallel_loop3A_800 : i32
      %parallel_loop3A_803 = arith.constant 8 : i32
      %parallel_loop3A_804 = arith.addi %parallel_loop3A_802, %parallel_loop3A_803 : i32
      %parallel_loop3A_805 = arith.constant 128 : i32
      %parallel_loop3A_806 = arith.muli %parallel_loop3A_804, %parallel_loop3A_805 : i32
      %parallel_loop3A_807 = arith.select %parallel_loop3A_798, %get3A_48, %get3A_88 : vector<16xf32>
      %parallel_loop3A_808 = arith.select %parallel_loop3A_796, %get3A_8, %parallel_loop3A_807 : vector<16xf32>
      %parallel_loop3A_809 = arith.constant 0 : i32
      %parallel_loop3A_810 = arith.addi %parallel_loop3A_806, %parallel_loop3A_809 : i32
      %parallel_loop3A_811 = arith.index_cast %parallel_loop3A_810 : i32 to index
      %parallel_loop3A_812 = tpu.vector_load %arg7[%parallel_loop3A_811] {strides = array<i32>} : memref<65536xf32, #tpu.memory_space<vmem>>, vector<16xf32>,
      %parallel_loop3A_813 = vector.shape_cast %parallel_loop3A_812 : vector<16xf32> to vector<16xf32>
      %parallel_loop3A_814 = vector.shape_cast %parallel_loop3A_808 : vector<16xf32> to vector<16xf32>
      tpu.vector_store %arg7[%parallel_loop3A_811], %parallel_loop3A_814 {strides = array<i32>} : memref<65536xf32, #tpu.memory_space<vmem>>, vector<16xf32>,
      %parallel_loop3A_815 = arith.select %parallel_loop3A_798, %get3A_53, %get3A_93 : vector<16xf32>
      %parallel_loop3A_816 = arith.select %parallel_loop3A_796, %get3A_13, %parallel_loop3A_815 : vector<16xf32>
      %parallel_loop3A_817 = arith.constant 16 : i32
      %parallel_loop3A_818 = arith.addi %parallel_loop3A_806, %parallel_loop3A_817 : i32
      %parallel_loop3A_819 = arith.index_cast %parallel_loop3A_818 : i32 to index
      %parallel_loop3A_820 = tpu.vector_load %arg7[%parallel_loop3A_819] {strides = array<i32>} : memref<65536xf32, #tpu.memory_space<vmem>>, vector<16xf32>,
      %parallel_loop3A_821 = vector.shape_cast %parallel_loop3A_820 : vector<16xf32> to vector<16xf32>
      %parallel_loop3A_822 = vector.shape_cast %parallel_loop3A_816 : vector<16xf32> to vector<16xf32>
      tpu.vector_store %arg7[%parallel_loop3A_819], %parallel_loop3A_822 {strides = array<i32>} : memref<65536xf32, #tpu.memory_space<vmem>>, vector<16xf32>,
      %parallel_loop3A_823 = arith.select %parallel_loop3A_798, %get3A_58, %get3A_98 : vector<16xf32>
      %parallel_loop3A_824 = arith.select %parallel_loop3A_796, %get3A_18, %parallel_loop3A_823 : vector<16xf32>
      %parallel_loop3A_825 = arith.constant 32 : i32
      %parallel_loop3A_826 = arith.addi %parallel_loop3A_806, %parallel_loop3A_825 : i32
      %parallel_loop3A_827 = arith.index_cast %parallel_loop3A_826 : i32 to index
      %parallel_loop3A_828 = tpu.vector_load %arg7[%parallel_loop3A_827] {strides = array<i32>} : memref<65536xf32, #tpu.memory_space<vmem>>, vector<16xf32>,
      %parallel_loop3A_829 = vector.shape_cast %parallel_loop3A_828 : vector<16xf32> to vector<16xf32>
      %parallel_loop3A_830 = vector.shape_cast %parallel_loop3A_824 : vector<16xf32> to vector<16xf32>
      tpu.vector_store %arg7[%parallel_loop3A_827], %parallel_loop3A_830 {strides = array<i32>} : memref<65536xf32, #tpu.memory_space<vmem>>, vector<16xf32>,
      %parallel_loop3A_831 = arith.select %parallel_loop3A_798, %get3A_63, %get3A_103 : vector<16xf32>
      %parallel_loop3A_832 = arith.select %parallel_loop3A_796, %get3A_23, %parallel_loop3A_831 : vector<16xf32>
      %parallel_loop3A_833 = arith.constant 48 : i32
      %parallel_loop3A_834 = arith.addi %parallel_loop3A_806, %parallel_loop3A_833 : i32
      %parallel_loop3A_835 = arith.index_cast %parallel_loop3A_834 : i32 to index
      %parallel_loop3A_836 = tpu.vector_load %arg7[%parallel_loop3A_835] {strides = array<i32>} : memref<65536xf32, #tpu.memory_space<vmem>>, vector<16xf32>,
      %parallel_loop3A_837 = vector.shape_cast %parallel_loop3A_836 : vector<16xf32> to vector<16xf32>
      %parallel_loop3A_838 = vector.shape_cast %parallel_loop3A_832 : vector<16xf32> to vector<16xf32>
      tpu.vector_store %arg7[%parallel_loop3A_835], %parallel_loop3A_838 {strides = array<i32>} : memref<65536xf32, #tpu.memory_space<vmem>>, vector<16xf32>,
      %parallel_loop3A_839 = arith.select %parallel_loop3A_798, %get3A_68, %get3A_108 : vector<16xf32>
      %parallel_loop3A_840 = arith.select %parallel_loop3A_796, %get3A_28, %parallel_loop3A_839 : vector<16xf32>
      %parallel_loop3A_841 = arith.constant 64 : i32
      %parallel_loop3A_842 = arith.addi %parallel_loop3A_806, %parallel_loop3A_841 : i32
      %parallel_loop3A_843 = arith.index_cast %parallel_loop3A_842 : i32 to index
      %parallel_loop3A_844 = tpu.vector_load %arg7[%parallel_loop3A_843] {strides = array<i32>} : memref<65536xf32, #tpu.memory_space<vmem>>, vector<16xf32>,
      %parallel_loop3A_845 = vector.shape_cast %parallel_loop3A_844 : vector<16xf32> to vector<16xf32>
      %parallel_loop3A_846 = vector.shape_cast %parallel_loop3A_840 : vector<16xf32> to vector<16xf32>
      tpu.vector_store %arg7[%parallel_loop3A_843], %parallel_loop3A_846 {strides = array<i32>} : memref<65536xf32, #tpu.memory_space<vmem>>, vector<16xf32>,
      %parallel_loop3A_847 = arith.select %parallel_loop3A_798, %get3A_73, %get3A_113 : vector<16xf32>
      %parallel_loop3A_848 = arith.select %parallel_loop3A_796, %get3A_33, %parallel_loop3A_847 : vector<16xf32>
      %parallel_loop3A_849 = arith.constant 80 : i32
      %parallel_loop3A_850 = arith.addi %parallel_loop3A_806, %parallel_loop3A_849 : i32
      %parallel_loop3A_851 = arith.index_cast %parallel_loop3A_850 : i32 to index
      %parallel_loop3A_852 = tpu.vector_load %arg7[%parallel_loop3A_851] {strides = array<i32>} : memref<65536xf32, #tpu.memory_space<vmem>>, vector<16xf32>,
      %parallel_loop3A_853 = vector.shape_cast %parallel_loop3A_852 : vector<16xf32> to vector<16xf32>
      %parallel_loop3A_854 = vector.shape_cast %parallel_loop3A_848 : vector<16xf32> to vector<16xf32>
      tpu.vector_store %arg7[%parallel_loop3A_851], %parallel_loop3A_854 {strides = array<i32>} : memref<65536xf32, #tpu.memory_space<vmem>>, vector<16xf32>,
      %parallel_loop3A_855 = arith.select %parallel_loop3A_798, %get3A_78, %get3A_118 : vector<16xf32>
      %parallel_loop3A_856 = arith.select %parallel_loop3A_796, %get3A_38, %parallel_loop3A_855 : vector<16xf32>
      %parallel_loop3A_857 = arith.constant 96 : i32
      %parallel_loop3A_858 = arith.addi %parallel_loop3A_806, %parallel_loop3A_857 : i32
      %parallel_loop3A_859 = arith.index_cast %parallel_loop3A_858 : i32 to index
      %parallel_loop3A_860 = tpu.vector_load %arg7[%parallel_loop3A_859] {strides = array<i32>} : memref<65536xf32, #tpu.memory_space<vmem>>, vector<16xf32>,
      %parallel_loop3A_861 = vector.shape_cast %parallel_loop3A_860 : vector<16xf32> to vector<16xf32>
      %parallel_loop3A_862 = vector.shape_cast %parallel_loop3A_856 : vector<16xf32> to vector<16xf32>
      tpu.vector_store %arg7[%parallel_loop3A_859], %parallel_loop3A_862 {strides = array<i32>} : memref<65536xf32, #tpu.memory_space<vmem>>, vector<16xf32>,
      %parallel_loop3A_863 = arith.select %parallel_loop3A_798, %get3A_83, %get3A_123 : vector<16xf32>
      %parallel_loop3A_864 = arith.select %parallel_loop3A_796, %get3A_43, %parallel_loop3A_863 : vector<16xf32>
      %parallel_loop3A_865 = arith.constant 112 : i32
      %parallel_loop3A_866 = arith.addi %parallel_loop3A_806, %parallel_loop3A_865 : i32
      %parallel_loop3A_867 = arith.index_cast %parallel_loop3A_866 : i32 to index
      %parallel_loop3A_868 = tpu.vector_load %arg7[%parallel_loop3A_867] {strides = array<i32>} : memref<65536xf32, #tpu.memory_space<vmem>>, vector<16xf32>,
      %parallel_loop3A_869 = vector.shape_cast %parallel_loop3A_868 : vector<16xf32> to vector<16xf32>
      %parallel_loop3A_870 = vector.shape_cast %parallel_loop3A_864 : vector<16xf32> to vector<16xf32>
      tpu.vector_store %arg7[%parallel_loop3A_867], %parallel_loop3A_870 {strides = array<i32>} : memref<65536xf32, #tpu.memory_space<vmem>>, vector<16xf32>,
      %parallel_loop3A_871 = vector.extract_strided_slice %parallel_loop3A_168 {offsets = [9], sizes = [1], strides = [1]} : vector<16xi32> to vector<1xi32>
      %parallel_loop3A_872 = vector.extract %parallel_loop3A_871[0] : i32 from vector<1xi32>
      %parallel_loop3A_873 = arith.constant 0 : i32
      %parallel_loop3A_874 = arith.cmpi eq, %parallel_loop3A_872, %parallel_loop3A_873 : i32
      %parallel_loop3A_875 = arith.constant 1 : i32
      %parallel_loop3A_876 = arith.cmpi eq, %parallel_loop3A_872, %parallel_loop3A_875 : i32
      %parallel_loop3A_877 = arith.constant 16 : i32
      %parallel_loop3A_878 = arith.muli %parallel_loop3A_161, %parallel_loop3A_877 : i32
      %parallel_loop3A_879 = arith.constant 256 : i32
      %parallel_loop3A_880 = arith.addi %parallel_loop3A_879, %parallel_loop3A_878 : i32
      %parallel_loop3A_881 = arith.constant 9 : i32
      %parallel_loop3A_882 = arith.addi %parallel_loop3A_880, %parallel_loop3A_881 : i32
      %parallel_loop3A_883 = arith.constant 128 : i32
      %parallel_loop3A_884 = arith.muli %parallel_loop3A_882, %parallel_loop3A_883 : i32
      %parallel_loop3A_885 = arith.select %parallel_loop3A_876, %get3A_48, %get3A_88 : vector<16xf32>
      %parallel_loop3A_886 = arith.select %parallel_loop3A_874, %get3A_8, %parallel_loop3A_885 : vector<16xf32>
      %parallel_loop3A_887 = arith.constant 0 : i32
      %parallel_loop3A_888 = arith.addi %parallel_loop3A_884, %parallel_loop3A_887 : i32
      %parallel_loop3A_889 = arith.index_cast %parallel_loop3A_888 : i32 to index
      %parallel_loop3A_890 = tpu.vector_load %arg7[%parallel_loop3A_889] {strides = array<i32>} : memref<65536xf32, #tpu.memory_space<vmem>>, vector<16xf32>,
      %parallel_loop3A_891 = vector.shape_cast %parallel_loop3A_890 : vector<16xf32> to vector<16xf32>
      %parallel_loop3A_892 = vector.shape_cast %parallel_loop3A_886 : vector<16xf32> to vector<16xf32>
      tpu.vector_store %arg7[%parallel_loop3A_889], %parallel_loop3A_892 {strides = array<i32>} : memref<65536xf32, #tpu.memory_space<vmem>>, vector<16xf32>,
      %parallel_loop3A_893 = arith.select %parallel_loop3A_876, %get3A_53, %get3A_93 : vector<16xf32>
      %parallel_loop3A_894 = arith.select %parallel_loop3A_874, %get3A_13, %parallel_loop3A_893 : vector<16xf32>
      %parallel_loop3A_895 = arith.constant 16 : i32
      %parallel_loop3A_896 = arith.addi %parallel_loop3A_884, %parallel_loop3A_895 : i32
      %parallel_loop3A_897 = arith.index_cast %parallel_loop3A_896 : i32 to index
      %parallel_loop3A_898 = tpu.vector_load %arg7[%parallel_loop3A_897] {strides = array<i32>} : memref<65536xf32, #tpu.memory_space<vmem>>, vector<16xf32>,
      %parallel_loop3A_899 = vector.shape_cast %parallel_loop3A_898 : vector<16xf32> to vector<16xf32>
      %parallel_loop3A_900 = vector.shape_cast %parallel_loop3A_894 : vector<16xf32> to vector<16xf32>
      tpu.vector_store %arg7[%parallel_loop3A_897], %parallel_loop3A_900 {strides = array<i32>} : memref<65536xf32, #tpu.memory_space<vmem>>, vector<16xf32>,
      %parallel_loop3A_901 = arith.select %parallel_loop3A_876, %get3A_58, %get3A_98 : vector<16xf32>
      %parallel_loop3A_902 = arith.select %parallel_loop3A_874, %get3A_18, %parallel_loop3A_901 : vector<16xf32>
      %parallel_loop3A_903 = arith.constant 32 : i32
      %parallel_loop3A_904 = arith.addi %parallel_loop3A_884, %parallel_loop3A_903 : i32
      %parallel_loop3A_905 = arith.index_cast %parallel_loop3A_904 : i32 to index
      %parallel_loop3A_906 = tpu.vector_load %arg7[%parallel_loop3A_905] {strides = array<i32>} : memref<65536xf32, #tpu.memory_space<vmem>>, vector<16xf32>,
      %parallel_loop3A_907 = vector.shape_cast %parallel_loop3A_906 : vector<16xf32> to vector<16xf32>
      %parallel_loop3A_908 = vector.shape_cast %parallel_loop3A_902 : vector<16xf32> to vector<16xf32>
      tpu.vector_store %arg7[%parallel_loop3A_905], %parallel_loop3A_908 {strides = array<i32>} : memref<65536xf32, #tpu.memory_space<vmem>>, vector<16xf32>,
      %parallel_loop3A_909 = arith.select %parallel_loop3A_876, %get3A_63, %get3A_103 : vector<16xf32>
      %parallel_loop3A_910 = arith.select %parallel_loop3A_874, %get3A_23, %parallel_loop3A_909 : vector<16xf32>
      %parallel_loop3A_911 = arith.constant 48 : i32
      %parallel_loop3A_912 = arith.addi %parallel_loop3A_884, %parallel_loop3A_911 : i32
      %parallel_loop3A_913 = arith.index_cast %parallel_loop3A_912 : i32 to index
      %parallel_loop3A_914 = tpu.vector_load %arg7[%parallel_loop3A_913] {strides = array<i32>} : memref<65536xf32, #tpu.memory_space<vmem>>, vector<16xf32>,
      %parallel_loop3A_915 = vector.shape_cast %parallel_loop3A_914 : vector<16xf32> to vector<16xf32>
      %parallel_loop3A_916 = vector.shape_cast %parallel_loop3A_910 : vector<16xf32> to vector<16xf32>
      tpu.vector_store %arg7[%parallel_loop3A_913], %parallel_loop3A_916 {strides = array<i32>} : memref<65536xf32, #tpu.memory_space<vmem>>, vector<16xf32>,
      %parallel_loop3A_917 = arith.select %parallel_loop3A_876, %get3A_68, %get3A_108 : vector<16xf32>
      %parallel_loop3A_918 = arith.select %parallel_loop3A_874, %get3A_28, %parallel_loop3A_917 : vector<16xf32>
      %parallel_loop3A_919 = arith.constant 64 : i32
      %parallel_loop3A_920 = arith.addi %parallel_loop3A_884, %parallel_loop3A_919 : i32
      %parallel_loop3A_921 = arith.index_cast %parallel_loop3A_920 : i32 to index
      %parallel_loop3A_922 = tpu.vector_load %arg7[%parallel_loop3A_921] {strides = array<i32>} : memref<65536xf32, #tpu.memory_space<vmem>>, vector<16xf32>,
      %parallel_loop3A_923 = vector.shape_cast %parallel_loop3A_922 : vector<16xf32> to vector<16xf32>
      %parallel_loop3A_924 = vector.shape_cast %parallel_loop3A_918 : vector<16xf32> to vector<16xf32>
      tpu.vector_store %arg7[%parallel_loop3A_921], %parallel_loop3A_924 {strides = array<i32>} : memref<65536xf32, #tpu.memory_space<vmem>>, vector<16xf32>,
      %parallel_loop3A_925 = arith.select %parallel_loop3A_876, %get3A_73, %get3A_113 : vector<16xf32>
      %parallel_loop3A_926 = arith.select %parallel_loop3A_874, %get3A_33, %parallel_loop3A_925 : vector<16xf32>
      %parallel_loop3A_927 = arith.constant 80 : i32
      %parallel_loop3A_928 = arith.addi %parallel_loop3A_884, %parallel_loop3A_927 : i32
      %parallel_loop3A_929 = arith.index_cast %parallel_loop3A_928 : i32 to index
      %parallel_loop3A_930 = tpu.vector_load %arg7[%parallel_loop3A_929] {strides = array<i32>} : memref<65536xf32, #tpu.memory_space<vmem>>, vector<16xf32>,
      %parallel_loop3A_931 = vector.shape_cast %parallel_loop3A_930 : vector<16xf32> to vector<16xf32>
      %parallel_loop3A_932 = vector.shape_cast %parallel_loop3A_926 : vector<16xf32> to vector<16xf32>
      tpu.vector_store %arg7[%parallel_loop3A_929], %parallel_loop3A_932 {strides = array<i32>} : memref<65536xf32, #tpu.memory_space<vmem>>, vector<16xf32>,
      %parallel_loop3A_933 = arith.select %parallel_loop3A_876, %get3A_78, %get3A_118 : vector<16xf32>
      %parallel_loop3A_934 = arith.select %parallel_loop3A_874, %get3A_38, %parallel_loop3A_933 : vector<16xf32>
      %parallel_loop3A_935 = arith.constant 96 : i32
      %parallel_loop3A_936 = arith.addi %parallel_loop3A_884, %parallel_loop3A_935 : i32
      %parallel_loop3A_937 = arith.index_cast %parallel_loop3A_936 : i32 to index
      %parallel_loop3A_938 = tpu.vector_load %arg7[%parallel_loop3A_937] {strides = array<i32>} : memref<65536xf32, #tpu.memory_space<vmem>>, vector<16xf32>,
      %parallel_loop3A_939 = vector.shape_cast %parallel_loop3A_938 : vector<16xf32> to vector<16xf32>
      %parallel_loop3A_940 = vector.shape_cast %parallel_loop3A_934 : vector<16xf32> to vector<16xf32>
      tpu.vector_store %arg7[%parallel_loop3A_937], %parallel_loop3A_940 {strides = array<i32>} : memref<65536xf32, #tpu.memory_space<vmem>>, vector<16xf32>,
      %parallel_loop3A_941 = arith.select %parallel_loop3A_876, %get3A_83, %get3A_123 : vector<16xf32>
      %parallel_loop3A_942 = arith.select %parallel_loop3A_874, %get3A_43, %parallel_loop3A_941 : vector<16xf32>
      %parallel_loop3A_943 = arith.constant 112 : i32
      %parallel_loop3A_944 = arith.addi %parallel_loop3A_884, %parallel_loop3A_943 : i32
      %parallel_loop3A_945 = arith.index_cast %parallel_loop3A_944 : i32 to index
      %parallel_loop3A_946 = tpu.vector_load %arg7[%parallel_loop3A_945] {strides = array<i32>} : memref<65536xf32, #tpu.memory_space<vmem>>, vector<16xf32>,
      %parallel_loop3A_947 = vector.shape_cast %parallel_loop3A_946 : vector<16xf32> to vector<16xf32>
      %parallel_loop3A_948 = vector.shape_cast %parallel_loop3A_942 : vector<16xf32> to vector<16xf32>
      tpu.vector_store %arg7[%parallel_loop3A_945], %parallel_loop3A_948 {strides = array<i32>} : memref<65536xf32, #tpu.memory_space<vmem>>, vector<16xf32>,
      %parallel_loop3A_949 = vector.extract_strided_slice %parallel_loop3A_168 {offsets = [10], sizes = [1], strides = [1]} : vector<16xi32> to vector<1xi32>
      %parallel_loop3A_950 = vector.extract %parallel_loop3A_949[0] : i32 from vector<1xi32>
      %parallel_loop3A_951 = arith.constant 0 : i32
      %parallel_loop3A_952 = arith.cmpi eq, %parallel_loop3A_950, %parallel_loop3A_951 : i32
      %parallel_loop3A_953 = arith.constant 1 : i32
      %parallel_loop3A_954 = arith.cmpi eq, %parallel_loop3A_950, %parallel_loop3A_953 : i32
      %parallel_loop3A_955 = arith.constant 16 : i32
      %parallel_loop3A_956 = arith.muli %parallel_loop3A_161, %parallel_loop3A_955 : i32
      %parallel_loop3A_957 = arith.constant 256 : i32
      %parallel_loop3A_958 = arith.addi %parallel_loop3A_957, %parallel_loop3A_956 : i32
      %parallel_loop3A_959 = arith.constant 10 : i32
      %parallel_loop3A_960 = arith.addi %parallel_loop3A_958, %parallel_loop3A_959 : i32
      %parallel_loop3A_961 = arith.constant 128 : i32
      %parallel_loop3A_962 = arith.muli %parallel_loop3A_960, %parallel_loop3A_961 : i32
      %parallel_loop3A_963 = arith.select %parallel_loop3A_954, %get3A_48, %get3A_88 : vector<16xf32>
      %parallel_loop3A_964 = arith.select %parallel_loop3A_952, %get3A_8, %parallel_loop3A_963 : vector<16xf32>
      %parallel_loop3A_965 = arith.constant 0 : i32
      %parallel_loop3A_966 = arith.addi %parallel_loop3A_962, %parallel_loop3A_965 : i32
      %parallel_loop3A_967 = arith.index_cast %parallel_loop3A_966 : i32 to index
      %parallel_loop3A_968 = tpu.vector_load %arg7[%parallel_loop3A_967] {strides = array<i32>} : memref<65536xf32, #tpu.memory_space<vmem>>, vector<16xf32>,
      %parallel_loop3A_969 = vector.shape_cast %parallel_loop3A_968 : vector<16xf32> to vector<16xf32>
      %parallel_loop3A_970 = vector.shape_cast %parallel_loop3A_964 : vector<16xf32> to vector<16xf32>
      tpu.vector_store %arg7[%parallel_loop3A_967], %parallel_loop3A_970 {strides = array<i32>} : memref<65536xf32, #tpu.memory_space<vmem>>, vector<16xf32>,
      %parallel_loop3A_971 = arith.select %parallel_loop3A_954, %get3A_53, %get3A_93 : vector<16xf32>
      %parallel_loop3A_972 = arith.select %parallel_loop3A_952, %get3A_13, %parallel_loop3A_971 : vector<16xf32>
      %parallel_loop3A_973 = arith.constant 16 : i32
      %parallel_loop3A_974 = arith.addi %parallel_loop3A_962, %parallel_loop3A_973 : i32
      %parallel_loop3A_975 = arith.index_cast %parallel_loop3A_974 : i32 to index
      %parallel_loop3A_976 = tpu.vector_load %arg7[%parallel_loop3A_975] {strides = array<i32>} : memref<65536xf32, #tpu.memory_space<vmem>>, vector<16xf32>,
      %parallel_loop3A_977 = vector.shape_cast %parallel_loop3A_976 : vector<16xf32> to vector<16xf32>
      %parallel_loop3A_978 = vector.shape_cast %parallel_loop3A_972 : vector<16xf32> to vector<16xf32>
      tpu.vector_store %arg7[%parallel_loop3A_975], %parallel_loop3A_978 {strides = array<i32>} : memref<65536xf32, #tpu.memory_space<vmem>>, vector<16xf32>,
      %parallel_loop3A_979 = arith.select %parallel_loop3A_954, %get3A_58, %get3A_98 : vector<16xf32>
      %parallel_loop3A_980 = arith.select %parallel_loop3A_952, %get3A_18, %parallel_loop3A_979 : vector<16xf32>
      %parallel_loop3A_981 = arith.constant 32 : i32
      %parallel_loop3A_982 = arith.addi %parallel_loop3A_962, %parallel_loop3A_981 : i32
      %parallel_loop3A_983 = arith.index_cast %parallel_loop3A_982 : i32 to index
      %parallel_loop3A_984 = tpu.vector_load %arg7[%parallel_loop3A_983] {strides = array<i32>} : memref<65536xf32, #tpu.memory_space<vmem>>, vector<16xf32>,
      %parallel_loop3A_985 = vector.shape_cast %parallel_loop3A_984 : vector<16xf32> to vector<16xf32>
      %parallel_loop3A_986 = vector.shape_cast %parallel_loop3A_980 : vector<16xf32> to vector<16xf32>
      tpu.vector_store %arg7[%parallel_loop3A_983], %parallel_loop3A_986 {strides = array<i32>} : memref<65536xf32, #tpu.memory_space<vmem>>, vector<16xf32>,
      %parallel_loop3A_987 = arith.select %parallel_loop3A_954, %get3A_63, %get3A_103 : vector<16xf32>
      %parallel_loop3A_988 = arith.select %parallel_loop3A_952, %get3A_23, %parallel_loop3A_987 : vector<16xf32>
      %parallel_loop3A_989 = arith.constant 48 : i32
      %parallel_loop3A_990 = arith.addi %parallel_loop3A_962, %parallel_loop3A_989 : i32
      %parallel_loop3A_991 = arith.index_cast %parallel_loop3A_990 : i32 to index
      %parallel_loop3A_992 = tpu.vector_load %arg7[%parallel_loop3A_991] {strides = array<i32>} : memref<65536xf32, #tpu.memory_space<vmem>>, vector<16xf32>,
      %parallel_loop3A_993 = vector.shape_cast %parallel_loop3A_992 : vector<16xf32> to vector<16xf32>
      %parallel_loop3A_994 = vector.shape_cast %parallel_loop3A_988 : vector<16xf32> to vector<16xf32>
      tpu.vector_store %arg7[%parallel_loop3A_991], %parallel_loop3A_994 {strides = array<i32>} : memref<65536xf32, #tpu.memory_space<vmem>>, vector<16xf32>,
      %parallel_loop3A_995 = arith.select %parallel_loop3A_954, %get3A_68, %get3A_108 : vector<16xf32>
      %parallel_loop3A_996 = arith.select %parallel_loop3A_952, %get3A_28, %parallel_loop3A_995 : vector<16xf32>
      %parallel_loop3A_997 = arith.constant 64 : i32
      %parallel_loop3A_998 = arith.addi %parallel_loop3A_962, %parallel_loop3A_997 : i32
      %parallel_loop3A_999 = arith.index_cast %parallel_loop3A_998 : i32 to index
      %parallel_loop3A_1000 = tpu.vector_load %arg7[%parallel_loop3A_999] {strides = array<i32>} : memref<65536xf32, #tpu.memory_space<vmem>>, vector<16xf32>,
      %parallel_loop3A_1001 = vector.shape_cast %parallel_loop3A_1000 : vector<16xf32> to vector<16xf32>
      %parallel_loop3A_1002 = vector.shape_cast %parallel_loop3A_996 : vector<16xf32> to vector<16xf32>
      tpu.vector_store %arg7[%parallel_loop3A_999], %parallel_loop3A_1002 {strides = array<i32>} : memref<65536xf32, #tpu.memory_space<vmem>>, vector<16xf32>,
      %parallel_loop3A_1003 = arith.select %parallel_loop3A_954, %get3A_73, %get3A_113 : vector<16xf32>
      %parallel_loop3A_1004 = arith.select %parallel_loop3A_952, %get3A_33, %parallel_loop3A_1003 : vector<16xf32>
      %parallel_loop3A_1005 = arith.constant 80 : i32
      %parallel_loop3A_1006 = arith.addi %parallel_loop3A_962, %parallel_loop3A_1005 : i32
      %parallel_loop3A_1007 = arith.index_cast %parallel_loop3A_1006 : i32 to index
      %parallel_loop3A_1008 = tpu.vector_load %arg7[%parallel_loop3A_1007] {strides = array<i32>} : memref<65536xf32, #tpu.memory_space<vmem>>, vector<16xf32>,
      %parallel_loop3A_1009 = vector.shape_cast %parallel_loop3A_1008 : vector<16xf32> to vector<16xf32>
      %parallel_loop3A_1010 = vector.shape_cast %parallel_loop3A_1004 : vector<16xf32> to vector<16xf32>
      tpu.vector_store %arg7[%parallel_loop3A_1007], %parallel_loop3A_1010 {strides = array<i32>} : memref<65536xf32, #tpu.memory_space<vmem>>, vector<16xf32>,
      %parallel_loop3A_1011 = arith.select %parallel_loop3A_954, %get3A_78, %get3A_118 : vector<16xf32>
      %parallel_loop3A_1012 = arith.select %parallel_loop3A_952, %get3A_38, %parallel_loop3A_1011 : vector<16xf32>
      %parallel_loop3A_1013 = arith.constant 96 : i32
      %parallel_loop3A_1014 = arith.addi %parallel_loop3A_962, %parallel_loop3A_1013 : i32
      %parallel_loop3A_1015 = arith.index_cast %parallel_loop3A_1014 : i32 to index
      %parallel_loop3A_1016 = tpu.vector_load %arg7[%parallel_loop3A_1015] {strides = array<i32>} : memref<65536xf32, #tpu.memory_space<vmem>>, vector<16xf32>,
      %parallel_loop3A_1017 = vector.shape_cast %parallel_loop3A_1016 : vector<16xf32> to vector<16xf32>
      %parallel_loop3A_1018 = vector.shape_cast %parallel_loop3A_1012 : vector<16xf32> to vector<16xf32>
      tpu.vector_store %arg7[%parallel_loop3A_1015], %parallel_loop3A_1018 {strides = array<i32>} : memref<65536xf32, #tpu.memory_space<vmem>>, vector<16xf32>,
      %parallel_loop3A_1019 = arith.select %parallel_loop3A_954, %get3A_83, %get3A_123 : vector<16xf32>
      %parallel_loop3A_1020 = arith.select %parallel_loop3A_952, %get3A_43, %parallel_loop3A_1019 : vector<16xf32>
      %parallel_loop3A_1021 = arith.constant 112 : i32
      %parallel_loop3A_1022 = arith.addi %parallel_loop3A_962, %parallel_loop3A_1021 : i32
      %parallel_loop3A_1023 = arith.index_cast %parallel_loop3A_1022 : i32 to index
      %parallel_loop3A_1024 = tpu.vector_load %arg7[%parallel_loop3A_1023] {strides = array<i32>} : memref<65536xf32, #tpu.memory_space<vmem>>, vector<16xf32>,
      %parallel_loop3A_1025 = vector.shape_cast %parallel_loop3A_1024 : vector<16xf32> to vector<16xf32>
      %parallel_loop3A_1026 = vector.shape_cast %parallel_loop3A_1020 : vector<16xf32> to vector<16xf32>
      tpu.vector_store %arg7[%parallel_loop3A_1023], %parallel_loop3A_1026 {strides = array<i32>} : memref<65536xf32, #tpu.memory_space<vmem>>, vector<16xf32>,
      %parallel_loop3A_1027 = vector.extract_strided_slice %parallel_loop3A_168 {offsets = [11], sizes = [1], strides = [1]} : vector<16xi32> to vector<1xi32>
      %parallel_loop3A_1028 = vector.extract %parallel_loop3A_1027[0] : i32 from vector<1xi32>
      %parallel_loop3A_1029 = arith.constant 0 : i32
      %parallel_loop3A_1030 = arith.cmpi eq, %parallel_loop3A_1028, %parallel_loop3A_1029 : i32
      %parallel_loop3A_1031 = arith.constant 1 : i32
      %parallel_loop3A_1032 = arith.cmpi eq, %parallel_loop3A_1028, %parallel_loop3A_1031 : i32
      %parallel_loop3A_1033 = arith.constant 16 : i32
      %parallel_loop3A_1034 = arith.muli %parallel_loop3A_161, %parallel_loop3A_1033 : i32
      %parallel_loop3A_1035 = arith.constant 256 : i32
      %parallel_loop3A_1036 = arith.addi %parallel_loop3A_1035, %parallel_loop3A_1034 : i32
      %parallel_loop3A_1037 = arith.constant 11 : i32
      %parallel_loop3A_1038 = arith.addi %parallel_loop3A_1036, %parallel_loop3A_1037 : i32
      %parallel_loop3A_1039 = arith.constant 128 : i32
      %parallel_loop3A_1040 = arith.muli %parallel_loop3A_1038, %parallel_loop3A_1039 : i32
      %parallel_loop3A_1041 = arith.select %parallel_loop3A_1032, %get3A_48, %get3A_88 : vector<16xf32>
      %parallel_loop3A_1042 = arith.select %parallel_loop3A_1030, %get3A_8, %parallel_loop3A_1041 : vector<16xf32>
      %parallel_loop3A_1043 = arith.constant 0 : i32
      %parallel_loop3A_1044 = arith.addi %parallel_loop3A_1040, %parallel_loop3A_1043 : i32
      %parallel_loop3A_1045 = arith.index_cast %parallel_loop3A_1044 : i32 to index
      %parallel_loop3A_1046 = tpu.vector_load %arg7[%parallel_loop3A_1045] {strides = array<i32>} : memref<65536xf32, #tpu.memory_space<vmem>>, vector<16xf32>,
      %parallel_loop3A_1047 = vector.shape_cast %parallel_loop3A_1046 : vector<16xf32> to vector<16xf32>
      %parallel_loop3A_1048 = vector.shape_cast %parallel_loop3A_1042 : vector<16xf32> to vector<16xf32>
      tpu.vector_store %arg7[%parallel_loop3A_1045], %parallel_loop3A_1048 {strides = array<i32>} : memref<65536xf32, #tpu.memory_space<vmem>>, vector<16xf32>,
      %parallel_loop3A_1049 = arith.select %parallel_loop3A_1032, %get3A_53, %get3A_93 : vector<16xf32>
      %parallel_loop3A_1050 = arith.select %parallel_loop3A_1030, %get3A_13, %parallel_loop3A_1049 : vector<16xf32>
      %parallel_loop3A_1051 = arith.constant 16 : i32
      %parallel_loop3A_1052 = arith.addi %parallel_loop3A_1040, %parallel_loop3A_1051 : i32
      %parallel_loop3A_1053 = arith.index_cast %parallel_loop3A_1052 : i32 to index
      %parallel_loop3A_1054 = tpu.vector_load %arg7[%parallel_loop3A_1053] {strides = array<i32>} : memref<65536xf32, #tpu.memory_space<vmem>>, vector<16xf32>,
      %parallel_loop3A_1055 = vector.shape_cast %parallel_loop3A_1054 : vector<16xf32> to vector<16xf32>
      %parallel_loop3A_1056 = vector.shape_cast %parallel_loop3A_1050 : vector<16xf32> to vector<16xf32>
      tpu.vector_store %arg7[%parallel_loop3A_1053], %parallel_loop3A_1056 {strides = array<i32>} : memref<65536xf32, #tpu.memory_space<vmem>>, vector<16xf32>,
      %parallel_loop3A_1057 = arith.select %parallel_loop3A_1032, %get3A_58, %get3A_98 : vector<16xf32>
      %parallel_loop3A_1058 = arith.select %parallel_loop3A_1030, %get3A_18, %parallel_loop3A_1057 : vector<16xf32>
      %parallel_loop3A_1059 = arith.constant 32 : i32
      %parallel_loop3A_1060 = arith.addi %parallel_loop3A_1040, %parallel_loop3A_1059 : i32
      %parallel_loop3A_1061 = arith.index_cast %parallel_loop3A_1060 : i32 to index
      %parallel_loop3A_1062 = tpu.vector_load %arg7[%parallel_loop3A_1061] {strides = array<i32>} : memref<65536xf32, #tpu.memory_space<vmem>>, vector<16xf32>,
      %parallel_loop3A_1063 = vector.shape_cast %parallel_loop3A_1062 : vector<16xf32> to vector<16xf32>
      %parallel_loop3A_1064 = vector.shape_cast %parallel_loop3A_1058 : vector<16xf32> to vector<16xf32>
      tpu.vector_store %arg7[%parallel_loop3A_1061], %parallel_loop3A_1064 {strides = array<i32>} : memref<65536xf32, #tpu.memory_space<vmem>>, vector<16xf32>,
      %parallel_loop3A_1065 = arith.select %parallel_loop3A_1032, %get3A_63, %get3A_103 : vector<16xf32>
      %parallel_loop3A_1066 = arith.select %parallel_loop3A_1030, %get3A_23, %parallel_loop3A_1065 : vector<16xf32>
      %parallel_loop3A_1067 = arith.constant 48 : i32
      %parallel_loop3A_1068 = arith.addi %parallel_loop3A_1040, %parallel_loop3A_1067 : i32
      %parallel_loop3A_1069 = arith.index_cast %parallel_loop3A_1068 : i32 to index
      %parallel_loop3A_1070 = tpu.vector_load %arg7[%parallel_loop3A_1069] {strides = array<i32>} : memref<65536xf32, #tpu.memory_space<vmem>>, vector<16xf32>,
      %parallel_loop3A_1071 = vector.shape_cast %parallel_loop3A_1070 : vector<16xf32> to vector<16xf32>
      %parallel_loop3A_1072 = vector.shape_cast %parallel_loop3A_1066 : vector<16xf32> to vector<16xf32>
      tpu.vector_store %arg7[%parallel_loop3A_1069], %parallel_loop3A_1072 {strides = array<i32>} : memref<65536xf32, #tpu.memory_space<vmem>>, vector<16xf32>,
      %parallel_loop3A_1073 = arith.select %parallel_loop3A_1032, %get3A_68, %get3A_108 : vector<16xf32>
      %parallel_loop3A_1074 = arith.select %parallel_loop3A_1030, %get3A_28, %parallel_loop3A_1073 : vector<16xf32>
      %parallel_loop3A_1075 = arith.constant 64 : i32
      %parallel_loop3A_1076 = arith.addi %parallel_loop3A_1040, %parallel_loop3A_1075 : i32
      %parallel_loop3A_1077 = arith.index_cast %parallel_loop3A_1076 : i32 to index
      %parallel_loop3A_1078 = tpu.vector_load %arg7[%parallel_loop3A_1077] {strides = array<i32>} : memref<65536xf32, #tpu.memory_space<vmem>>, vector<16xf32>,
      %parallel_loop3A_1079 = vector.shape_cast %parallel_loop3A_1078 : vector<16xf32> to vector<16xf32>
      %parallel_loop3A_1080 = vector.shape_cast %parallel_loop3A_1074 : vector<16xf32> to vector<16xf32>
      tpu.vector_store %arg7[%parallel_loop3A_1077], %parallel_loop3A_1080 {strides = array<i32>} : memref<65536xf32, #tpu.memory_space<vmem>>, vector<16xf32>,
      %parallel_loop3A_1081 = arith.select %parallel_loop3A_1032, %get3A_73, %get3A_113 : vector<16xf32>
      %parallel_loop3A_1082 = arith.select %parallel_loop3A_1030, %get3A_33, %parallel_loop3A_1081 : vector<16xf32>
      %parallel_loop3A_1083 = arith.constant 80 : i32
      %parallel_loop3A_1084 = arith.addi %parallel_loop3A_1040, %parallel_loop3A_1083 : i32
      %parallel_loop3A_1085 = arith.index_cast %parallel_loop3A_1084 : i32 to index
      %parallel_loop3A_1086 = tpu.vector_load %arg7[%parallel_loop3A_1085] {strides = array<i32>} : memref<65536xf32, #tpu.memory_space<vmem>>, vector<16xf32>,
      %parallel_loop3A_1087 = vector.shape_cast %parallel_loop3A_1086 : vector<16xf32> to vector<16xf32>
      %parallel_loop3A_1088 = vector.shape_cast %parallel_loop3A_1082 : vector<16xf32> to vector<16xf32>
      tpu.vector_store %arg7[%parallel_loop3A_1085], %parallel_loop3A_1088 {strides = array<i32>} : memref<65536xf32, #tpu.memory_space<vmem>>, vector<16xf32>,
      %parallel_loop3A_1089 = arith.select %parallel_loop3A_1032, %get3A_78, %get3A_118 : vector<16xf32>
      %parallel_loop3A_1090 = arith.select %parallel_loop3A_1030, %get3A_38, %parallel_loop3A_1089 : vector<16xf32>
      %parallel_loop3A_1091 = arith.constant 96 : i32
      %parallel_loop3A_1092 = arith.addi %parallel_loop3A_1040, %parallel_loop3A_1091 : i32
      %parallel_loop3A_1093 = arith.index_cast %parallel_loop3A_1092 : i32 to index
      %parallel_loop3A_1094 = tpu.vector_load %arg7[%parallel_loop3A_1093] {strides = array<i32>} : memref<65536xf32, #tpu.memory_space<vmem>>, vector<16xf32>,
      %parallel_loop3A_1095 = vector.shape_cast %parallel_loop3A_1094 : vector<16xf32> to vector<16xf32>
      %parallel_loop3A_1096 = vector.shape_cast %parallel_loop3A_1090 : vector<16xf32> to vector<16xf32>
      tpu.vector_store %arg7[%parallel_loop3A_1093], %parallel_loop3A_1096 {strides = array<i32>} : memref<65536xf32, #tpu.memory_space<vmem>>, vector<16xf32>,
      %parallel_loop3A_1097 = arith.select %parallel_loop3A_1032, %get3A_83, %get3A_123 : vector<16xf32>
      %parallel_loop3A_1098 = arith.select %parallel_loop3A_1030, %get3A_43, %parallel_loop3A_1097 : vector<16xf32>
      %parallel_loop3A_1099 = arith.constant 112 : i32
      %parallel_loop3A_1100 = arith.addi %parallel_loop3A_1040, %parallel_loop3A_1099 : i32
      %parallel_loop3A_1101 = arith.index_cast %parallel_loop3A_1100 : i32 to index
      %parallel_loop3A_1102 = tpu.vector_load %arg7[%parallel_loop3A_1101] {strides = array<i32>} : memref<65536xf32, #tpu.memory_space<vmem>>, vector<16xf32>,
      %parallel_loop3A_1103 = vector.shape_cast %parallel_loop3A_1102 : vector<16xf32> to vector<16xf32>
      %parallel_loop3A_1104 = vector.shape_cast %parallel_loop3A_1098 : vector<16xf32> to vector<16xf32>
      tpu.vector_store %arg7[%parallel_loop3A_1101], %parallel_loop3A_1104 {strides = array<i32>} : memref<65536xf32, #tpu.memory_space<vmem>>, vector<16xf32>,
      %parallel_loop3A_1105 = vector.extract_strided_slice %parallel_loop3A_168 {offsets = [12], sizes = [1], strides = [1]} : vector<16xi32> to vector<1xi32>
      %parallel_loop3A_1106 = vector.extract %parallel_loop3A_1105[0] : i32 from vector<1xi32>
      %parallel_loop3A_1107 = arith.constant 0 : i32
      %parallel_loop3A_1108 = arith.cmpi eq, %parallel_loop3A_1106, %parallel_loop3A_1107 : i32
      %parallel_loop3A_1109 = arith.constant 1 : i32
      %parallel_loop3A_1110 = arith.cmpi eq, %parallel_loop3A_1106, %parallel_loop3A_1109 : i32
      %parallel_loop3A_1111 = arith.constant 16 : i32
      %parallel_loop3A_1112 = arith.muli %parallel_loop3A_161, %parallel_loop3A_1111 : i32
      %parallel_loop3A_1113 = arith.constant 256 : i32
      %parallel_loop3A_1114 = arith.addi %parallel_loop3A_1113, %parallel_loop3A_1112 : i32
      %parallel_loop3A_1115 = arith.constant 12 : i32
      %parallel_loop3A_1116 = arith.addi %parallel_loop3A_1114, %parallel_loop3A_1115 : i32
      %parallel_loop3A_1117 = arith.constant 128 : i32
      %parallel_loop3A_1118 = arith.muli %parallel_loop3A_1116, %parallel_loop3A_1117 : i32
      %parallel_loop3A_1119 = arith.select %parallel_loop3A_1110, %get3A_48, %get3A_88 : vector<16xf32>
      %parallel_loop3A_1120 = arith.select %parallel_loop3A_1108, %get3A_8, %parallel_loop3A_1119 : vector<16xf32>
      %parallel_loop3A_1121 = arith.constant 0 : i32
      %parallel_loop3A_1122 = arith.addi %parallel_loop3A_1118, %parallel_loop3A_1121 : i32
      %parallel_loop3A_1123 = arith.index_cast %parallel_loop3A_1122 : i32 to index
      %parallel_loop3A_1124 = tpu.vector_load %arg7[%parallel_loop3A_1123] {strides = array<i32>} : memref<65536xf32, #tpu.memory_space<vmem>>, vector<16xf32>,
      %parallel_loop3A_1125 = vector.shape_cast %parallel_loop3A_1124 : vector<16xf32> to vector<16xf32>
      %parallel_loop3A_1126 = vector.shape_cast %parallel_loop3A_1120 : vector<16xf32> to vector<16xf32>
      tpu.vector_store %arg7[%parallel_loop3A_1123], %parallel_loop3A_1126 {strides = array<i32>} : memref<65536xf32, #tpu.memory_space<vmem>>, vector<16xf32>,
      %parallel_loop3A_1127 = arith.select %parallel_loop3A_1110, %get3A_53, %get3A_93 : vector<16xf32>
      %parallel_loop3A_1128 = arith.select %parallel_loop3A_1108, %get3A_13, %parallel_loop3A_1127 : vector<16xf32>
      %parallel_loop3A_1129 = arith.constant 16 : i32
      %parallel_loop3A_1130 = arith.addi %parallel_loop3A_1118, %parallel_loop3A_1129 : i32
      %parallel_loop3A_1131 = arith.index_cast %parallel_loop3A_1130 : i32 to index
      %parallel_loop3A_1132 = tpu.vector_load %arg7[%parallel_loop3A_1131] {strides = array<i32>} : memref<65536xf32, #tpu.memory_space<vmem>>, vector<16xf32>,
      %parallel_loop3A_1133 = vector.shape_cast %parallel_loop3A_1132 : vector<16xf32> to vector<16xf32>
      %parallel_loop3A_1134 = vector.shape_cast %parallel_loop3A_1128 : vector<16xf32> to vector<16xf32>
      tpu.vector_store %arg7[%parallel_loop3A_1131], %parallel_loop3A_1134 {strides = array<i32>} : memref<65536xf32, #tpu.memory_space<vmem>>, vector<16xf32>,
      %parallel_loop3A_1135 = arith.select %parallel_loop3A_1110, %get3A_58, %get3A_98 : vector<16xf32>
      %parallel_loop3A_1136 = arith.select %parallel_loop3A_1108, %get3A_18, %parallel_loop3A_1135 : vector<16xf32>
      %parallel_loop3A_1137 = arith.constant 32 : i32
      %parallel_loop3A_1138 = arith.addi %parallel_loop3A_1118, %parallel_loop3A_1137 : i32
      %parallel_loop3A_1139 = arith.index_cast %parallel_loop3A_1138 : i32 to index
      %parallel_loop3A_1140 = tpu.vector_load %arg7[%parallel_loop3A_1139] {strides = array<i32>} : memref<65536xf32, #tpu.memory_space<vmem>>, vector<16xf32>,
      %parallel_loop3A_1141 = vector.shape_cast %parallel_loop3A_1140 : vector<16xf32> to vector<16xf32>
      %parallel_loop3A_1142 = vector.shape_cast %parallel_loop3A_1136 : vector<16xf32> to vector<16xf32>
      tpu.vector_store %arg7[%parallel_loop3A_1139], %parallel_loop3A_1142 {strides = array<i32>} : memref<65536xf32, #tpu.memory_space<vmem>>, vector<16xf32>,
      %parallel_loop3A_1143 = arith.select %parallel_loop3A_1110, %get3A_63, %get3A_103 : vector<16xf32>
      %parallel_loop3A_1144 = arith.select %parallel_loop3A_1108, %get3A_23, %parallel_loop3A_1143 : vector<16xf32>
      %parallel_loop3A_1145 = arith.constant 48 : i32
      %parallel_loop3A_1146 = arith.addi %parallel_loop3A_1118, %parallel_loop3A_1145 : i32
      %parallel_loop3A_1147 = arith.index_cast %parallel_loop3A_1146 : i32 to index
      %parallel_loop3A_1148 = tpu.vector_load %arg7[%parallel_loop3A_1147] {strides = array<i32>} : memref<65536xf32, #tpu.memory_space<vmem>>, vector<16xf32>,
      %parallel_loop3A_1149 = vector.shape_cast %parallel_loop3A_1148 : vector<16xf32> to vector<16xf32>
      %parallel_loop3A_1150 = vector.shape_cast %parallel_loop3A_1144 : vector<16xf32> to vector<16xf32>
      tpu.vector_store %arg7[%parallel_loop3A_1147], %parallel_loop3A_1150 {strides = array<i32>} : memref<65536xf32, #tpu.memory_space<vmem>>, vector<16xf32>,
      %parallel_loop3A_1151 = arith.select %parallel_loop3A_1110, %get3A_68, %get3A_108 : vector<16xf32>
      %parallel_loop3A_1152 = arith.select %parallel_loop3A_1108, %get3A_28, %parallel_loop3A_1151 : vector<16xf32>
      %parallel_loop3A_1153 = arith.constant 64 : i32
      %parallel_loop3A_1154 = arith.addi %parallel_loop3A_1118, %parallel_loop3A_1153 : i32
      %parallel_loop3A_1155 = arith.index_cast %parallel_loop3A_1154 : i32 to index
      %parallel_loop3A_1156 = tpu.vector_load %arg7[%parallel_loop3A_1155] {strides = array<i32>} : memref<65536xf32, #tpu.memory_space<vmem>>, vector<16xf32>,
      %parallel_loop3A_1157 = vector.shape_cast %parallel_loop3A_1156 : vector<16xf32> to vector<16xf32>
      %parallel_loop3A_1158 = vector.shape_cast %parallel_loop3A_1152 : vector<16xf32> to vector<16xf32>
      tpu.vector_store %arg7[%parallel_loop3A_1155], %parallel_loop3A_1158 {strides = array<i32>} : memref<65536xf32, #tpu.memory_space<vmem>>, vector<16xf32>,
      %parallel_loop3A_1159 = arith.select %parallel_loop3A_1110, %get3A_73, %get3A_113 : vector<16xf32>
      %parallel_loop3A_1160 = arith.select %parallel_loop3A_1108, %get3A_33, %parallel_loop3A_1159 : vector<16xf32>
      %parallel_loop3A_1161 = arith.constant 80 : i32
      %parallel_loop3A_1162 = arith.addi %parallel_loop3A_1118, %parallel_loop3A_1161 : i32
      %parallel_loop3A_1163 = arith.index_cast %parallel_loop3A_1162 : i32 to index
      %parallel_loop3A_1164 = tpu.vector_load %arg7[%parallel_loop3A_1163] {strides = array<i32>} : memref<65536xf32, #tpu.memory_space<vmem>>, vector<16xf32>,
      %parallel_loop3A_1165 = vector.shape_cast %parallel_loop3A_1164 : vector<16xf32> to vector<16xf32>
      %parallel_loop3A_1166 = vector.shape_cast %parallel_loop3A_1160 : vector<16xf32> to vector<16xf32>
      tpu.vector_store %arg7[%parallel_loop3A_1163], %parallel_loop3A_1166 {strides = array<i32>} : memref<65536xf32, #tpu.memory_space<vmem>>, vector<16xf32>,
      %parallel_loop3A_1167 = arith.select %parallel_loop3A_1110, %get3A_78, %get3A_118 : vector<16xf32>
      %parallel_loop3A_1168 = arith.select %parallel_loop3A_1108, %get3A_38, %parallel_loop3A_1167 : vector<16xf32>
      %parallel_loop3A_1169 = arith.constant 96 : i32
      %parallel_loop3A_1170 = arith.addi %parallel_loop3A_1118, %parallel_loop3A_1169 : i32
      %parallel_loop3A_1171 = arith.index_cast %parallel_loop3A_1170 : i32 to index
      %parallel_loop3A_1172 = tpu.vector_load %arg7[%parallel_loop3A_1171] {strides = array<i32>} : memref<65536xf32, #tpu.memory_space<vmem>>, vector<16xf32>,
      %parallel_loop3A_1173 = vector.shape_cast %parallel_loop3A_1172 : vector<16xf32> to vector<16xf32>
      %parallel_loop3A_1174 = vector.shape_cast %parallel_loop3A_1168 : vector<16xf32> to vector<16xf32>
      tpu.vector_store %arg7[%parallel_loop3A_1171], %parallel_loop3A_1174 {strides = array<i32>} : memref<65536xf32, #tpu.memory_space<vmem>>, vector<16xf32>,
      %parallel_loop3A_1175 = arith.select %parallel_loop3A_1110, %get3A_83, %get3A_123 : vector<16xf32>
      %parallel_loop3A_1176 = arith.select %parallel_loop3A_1108, %get3A_43, %parallel_loop3A_1175 : vector<16xf32>
      %parallel_loop3A_1177 = arith.constant 112 : i32
      %parallel_loop3A_1178 = arith.addi %parallel_loop3A_1118, %parallel_loop3A_1177 : i32
      %parallel_loop3A_1179 = arith.index_cast %parallel_loop3A_1178 : i32 to index
      %parallel_loop3A_1180 = tpu.vector_load %arg7[%parallel_loop3A_1179] {strides = array<i32>} : memref<65536xf32, #tpu.memory_space<vmem>>, vector<16xf32>,
      %parallel_loop3A_1181 = vector.shape_cast %parallel_loop3A_1180 : vector<16xf32> to vector<16xf32>
      %parallel_loop3A_1182 = vector.shape_cast %parallel_loop3A_1176 : vector<16xf32> to vector<16xf32>
      tpu.vector_store %arg7[%parallel_loop3A_1179], %parallel_loop3A_1182 {strides = array<i32>} : memref<65536xf32, #tpu.memory_space<vmem>>, vector<16xf32>,
      %parallel_loop3A_1183 = vector.extract_strided_slice %parallel_loop3A_168 {offsets = [13], sizes = [1], strides = [1]} : vector<16xi32> to vector<1xi32>
      %parallel_loop3A_1184 = vector.extract %parallel_loop3A_1183[0] : i32 from vector<1xi32>
      %parallel_loop3A_1185 = arith.constant 0 : i32
      %parallel_loop3A_1186 = arith.cmpi eq, %parallel_loop3A_1184, %parallel_loop3A_1185 : i32
      %parallel_loop3A_1187 = arith.constant 1 : i32
      %parallel_loop3A_1188 = arith.cmpi eq, %parallel_loop3A_1184, %parallel_loop3A_1187 : i32
      %parallel_loop3A_1189 = arith.constant 16 : i32
      %parallel_loop3A_1190 = arith.muli %parallel_loop3A_161, %parallel_loop3A_1189 : i32
      %parallel_loop3A_1191 = arith.constant 256 : i32
      %parallel_loop3A_1192 = arith.addi %parallel_loop3A_1191, %parallel_loop3A_1190 : i32
      %parallel_loop3A_1193 = arith.constant 13 : i32
      %parallel_loop3A_1194 = arith.addi %parallel_loop3A_1192, %parallel_loop3A_1193 : i32
      %parallel_loop3A_1195 = arith.constant 128 : i32
      %parallel_loop3A_1196 = arith.muli %parallel_loop3A_1194, %parallel_loop3A_1195 : i32
      %parallel_loop3A_1197 = arith.select %parallel_loop3A_1188, %get3A_48, %get3A_88 : vector<16xf32>
      %parallel_loop3A_1198 = arith.select %parallel_loop3A_1186, %get3A_8, %parallel_loop3A_1197 : vector<16xf32>
      %parallel_loop3A_1199 = arith.constant 0 : i32
      %parallel_loop3A_1200 = arith.addi %parallel_loop3A_1196, %parallel_loop3A_1199 : i32
      %parallel_loop3A_1201 = arith.index_cast %parallel_loop3A_1200 : i32 to index
      %parallel_loop3A_1202 = tpu.vector_load %arg7[%parallel_loop3A_1201] {strides = array<i32>} : memref<65536xf32, #tpu.memory_space<vmem>>, vector<16xf32>,
      %parallel_loop3A_1203 = vector.shape_cast %parallel_loop3A_1202 : vector<16xf32> to vector<16xf32>
      %parallel_loop3A_1204 = vector.shape_cast %parallel_loop3A_1198 : vector<16xf32> to vector<16xf32>
      tpu.vector_store %arg7[%parallel_loop3A_1201], %parallel_loop3A_1204 {strides = array<i32>} : memref<65536xf32, #tpu.memory_space<vmem>>, vector<16xf32>,
      %parallel_loop3A_1205 = arith.select %parallel_loop3A_1188, %get3A_53, %get3A_93 : vector<16xf32>
      %parallel_loop3A_1206 = arith.select %parallel_loop3A_1186, %get3A_13, %parallel_loop3A_1205 : vector<16xf32>
      %parallel_loop3A_1207 = arith.constant 16 : i32
      %parallel_loop3A_1208 = arith.addi %parallel_loop3A_1196, %parallel_loop3A_1207 : i32
      %parallel_loop3A_1209 = arith.index_cast %parallel_loop3A_1208 : i32 to index
      %parallel_loop3A_1210 = tpu.vector_load %arg7[%parallel_loop3A_1209] {strides = array<i32>} : memref<65536xf32, #tpu.memory_space<vmem>>, vector<16xf32>,
      %parallel_loop3A_1211 = vector.shape_cast %parallel_loop3A_1210 : vector<16xf32> to vector<16xf32>
      %parallel_loop3A_1212 = vector.shape_cast %parallel_loop3A_1206 : vector<16xf32> to vector<16xf32>
      tpu.vector_store %arg7[%parallel_loop3A_1209], %parallel_loop3A_1212 {strides = array<i32>} : memref<65536xf32, #tpu.memory_space<vmem>>, vector<16xf32>,
      %parallel_loop3A_1213 = arith.select %parallel_loop3A_1188, %get3A_58, %get3A_98 : vector<16xf32>
      %parallel_loop3A_1214 = arith.select %parallel_loop3A_1186, %get3A_18, %parallel_loop3A_1213 : vector<16xf32>
      %parallel_loop3A_1215 = arith.constant 32 : i32
      %parallel_loop3A_1216 = arith.addi %parallel_loop3A_1196, %parallel_loop3A_1215 : i32
      %parallel_loop3A_1217 = arith.index_cast %parallel_loop3A_1216 : i32 to index
      %parallel_loop3A_1218 = tpu.vector_load %arg7[%parallel_loop3A_1217] {strides = array<i32>} : memref<65536xf32, #tpu.memory_space<vmem>>, vector<16xf32>,
      %parallel_loop3A_1219 = vector.shape_cast %parallel_loop3A_1218 : vector<16xf32> to vector<16xf32>
      %parallel_loop3A_1220 = vector.shape_cast %parallel_loop3A_1214 : vector<16xf32> to vector<16xf32>
      tpu.vector_store %arg7[%parallel_loop3A_1217], %parallel_loop3A_1220 {strides = array<i32>} : memref<65536xf32, #tpu.memory_space<vmem>>, vector<16xf32>,
      %parallel_loop3A_1221 = arith.select %parallel_loop3A_1188, %get3A_63, %get3A_103 : vector<16xf32>
      %parallel_loop3A_1222 = arith.select %parallel_loop3A_1186, %get3A_23, %parallel_loop3A_1221 : vector<16xf32>
      %parallel_loop3A_1223 = arith.constant 48 : i32
      %parallel_loop3A_1224 = arith.addi %parallel_loop3A_1196, %parallel_loop3A_1223 : i32
      %parallel_loop3A_1225 = arith.index_cast %parallel_loop3A_1224 : i32 to index
      %parallel_loop3A_1226 = tpu.vector_load %arg7[%parallel_loop3A_1225] {strides = array<i32>} : memref<65536xf32, #tpu.memory_space<vmem>>, vector<16xf32>,
      %parallel_loop3A_1227 = vector.shape_cast %parallel_loop3A_1226 : vector<16xf32> to vector<16xf32>
      %parallel_loop3A_1228 = vector.shape_cast %parallel_loop3A_1222 : vector<16xf32> to vector<16xf32>
      tpu.vector_store %arg7[%parallel_loop3A_1225], %parallel_loop3A_1228 {strides = array<i32>} : memref<65536xf32, #tpu.memory_space<vmem>>, vector<16xf32>,
      %parallel_loop3A_1229 = arith.select %parallel_loop3A_1188, %get3A_68, %get3A_108 : vector<16xf32>
      %parallel_loop3A_1230 = arith.select %parallel_loop3A_1186, %get3A_28, %parallel_loop3A_1229 : vector<16xf32>
      %parallel_loop3A_1231 = arith.constant 64 : i32
      %parallel_loop3A_1232 = arith.addi %parallel_loop3A_1196, %parallel_loop3A_1231 : i32
      %parallel_loop3A_1233 = arith.index_cast %parallel_loop3A_1232 : i32 to index
      %parallel_loop3A_1234 = tpu.vector_load %arg7[%parallel_loop3A_1233] {strides = array<i32>} : memref<65536xf32, #tpu.memory_space<vmem>>, vector<16xf32>,
      %parallel_loop3A_1235 = vector.shape_cast %parallel_loop3A_1234 : vector<16xf32> to vector<16xf32>
      %parallel_loop3A_1236 = vector.shape_cast %parallel_loop3A_1230 : vector<16xf32> to vector<16xf32>
      tpu.vector_store %arg7[%parallel_loop3A_1233], %parallel_loop3A_1236 {strides = array<i32>} : memref<65536xf32, #tpu.memory_space<vmem>>, vector<16xf32>,
      %parallel_loop3A_1237 = arith.select %parallel_loop3A_1188, %get3A_73, %get3A_113 : vector<16xf32>
      %parallel_loop3A_1238 = arith.select %parallel_loop3A_1186, %get3A_33, %parallel_loop3A_1237 : vector<16xf32>
      %parallel_loop3A_1239 = arith.constant 80 : i32
      %parallel_loop3A_1240 = arith.addi %parallel_loop3A_1196, %parallel_loop3A_1239 : i32
      %parallel_loop3A_1241 = arith.index_cast %parallel_loop3A_1240 : i32 to index
      %parallel_loop3A_1242 = tpu.vector_load %arg7[%parallel_loop3A_1241] {strides = array<i32>} : memref<65536xf32, #tpu.memory_space<vmem>>, vector<16xf32>,
      %parallel_loop3A_1243 = vector.shape_cast %parallel_loop3A_1242 : vector<16xf32> to vector<16xf32>
      %parallel_loop3A_1244 = vector.shape_cast %parallel_loop3A_1238 : vector<16xf32> to vector<16xf32>
      tpu.vector_store %arg7[%parallel_loop3A_1241], %parallel_loop3A_1244 {strides = array<i32>} : memref<65536xf32, #tpu.memory_space<vmem>>, vector<16xf32>,
      %parallel_loop3A_1245 = arith.select %parallel_loop3A_1188, %get3A_78, %get3A_118 : vector<16xf32>
      %parallel_loop3A_1246 = arith.select %parallel_loop3A_1186, %get3A_38, %parallel_loop3A_1245 : vector<16xf32>
      %parallel_loop3A_1247 = arith.constant 96 : i32
      %parallel_loop3A_1248 = arith.addi %parallel_loop3A_1196, %parallel_loop3A_1247 : i32
      %parallel_loop3A_1249 = arith.index_cast %parallel_loop3A_1248 : i32 to index
      %parallel_loop3A_1250 = tpu.vector_load %arg7[%parallel_loop3A_1249] {strides = array<i32>} : memref<65536xf32, #tpu.memory_space<vmem>>, vector<16xf32>,
      %parallel_loop3A_1251 = vector.shape_cast %parallel_loop3A_1250 : vector<16xf32> to vector<16xf32>
      %parallel_loop3A_1252 = vector.shape_cast %parallel_loop3A_1246 : vector<16xf32> to vector<16xf32>
      tpu.vector_store %arg7[%parallel_loop3A_1249], %parallel_loop3A_1252 {strides = array<i32>} : memref<65536xf32, #tpu.memory_space<vmem>>, vector<16xf32>,
      %parallel_loop3A_1253 = arith.select %parallel_loop3A_1188, %get3A_83, %get3A_123 : vector<16xf32>
      %parallel_loop3A_1254 = arith.select %parallel_loop3A_1186, %get3A_43, %parallel_loop3A_1253 : vector<16xf32>
      %parallel_loop3A_1255 = arith.constant 112 : i32
      %parallel_loop3A_1256 = arith.addi %parallel_loop3A_1196, %parallel_loop3A_1255 : i32
      %parallel_loop3A_1257 = arith.index_cast %parallel_loop3A_1256 : i32 to index
      %parallel_loop3A_1258 = tpu.vector_load %arg7[%parallel_loop3A_1257] {strides = array<i32>} : memref<65536xf32, #tpu.memory_space<vmem>>, vector<16xf32>,
      %parallel_loop3A_1259 = vector.shape_cast %parallel_loop3A_1258 : vector<16xf32> to vector<16xf32>
      %parallel_loop3A_1260 = vector.shape_cast %parallel_loop3A_1254 : vector<16xf32> to vector<16xf32>
      tpu.vector_store %arg7[%parallel_loop3A_1257], %parallel_loop3A_1260 {strides = array<i32>} : memref<65536xf32, #tpu.memory_space<vmem>>, vector<16xf32>,
      %parallel_loop3A_1261 = vector.extract_strided_slice %parallel_loop3A_168 {offsets = [14], sizes = [1], strides = [1]} : vector<16xi32> to vector<1xi32>
      %parallel_loop3A_1262 = vector.extract %parallel_loop3A_1261[0] : i32 from vector<1xi32>
      %parallel_loop3A_1263 = arith.constant 0 : i32
      %parallel_loop3A_1264 = arith.cmpi eq, %parallel_loop3A_1262, %parallel_loop3A_1263 : i32
      %parallel_loop3A_1265 = arith.constant 1 : i32
      %parallel_loop3A_1266 = arith.cmpi eq, %parallel_loop3A_1262, %parallel_loop3A_1265 : i32
      %parallel_loop3A_1267 = arith.constant 16 : i32
      %parallel_loop3A_1268 = arith.muli %parallel_loop3A_161, %parallel_loop3A_1267 : i32
      %parallel_loop3A_1269 = arith.constant 256 : i32
      %parallel_loop3A_1270 = arith.addi %parallel_loop3A_1269, %parallel_loop3A_1268 : i32
      %parallel_loop3A_1271 = arith.constant 14 : i32
      %parallel_loop3A_1272 = arith.addi %parallel_loop3A_1270, %parallel_loop3A_1271 : i32
      %parallel_loop3A_1273 = arith.constant 128 : i32
      %parallel_loop3A_1274 = arith.muli %parallel_loop3A_1272, %parallel_loop3A_1273 : i32
      %parallel_loop3A_1275 = arith.select %parallel_loop3A_1266, %get3A_48, %get3A_88 : vector<16xf32>
      %parallel_loop3A_1276 = arith.select %parallel_loop3A_1264, %get3A_8, %parallel_loop3A_1275 : vector<16xf32>
      %parallel_loop3A_1277 = arith.constant 0 : i32
      %parallel_loop3A_1278 = arith.addi %parallel_loop3A_1274, %parallel_loop3A_1277 : i32
      %parallel_loop3A_1279 = arith.index_cast %parallel_loop3A_1278 : i32 to index
      %parallel_loop3A_1280 = tpu.vector_load %arg7[%parallel_loop3A_1279] {strides = array<i32>} : memref<65536xf32, #tpu.memory_space<vmem>>, vector<16xf32>,
      %parallel_loop3A_1281 = vector.shape_cast %parallel_loop3A_1280 : vector<16xf32> to vector<16xf32>
      %parallel_loop3A_1282 = vector.shape_cast %parallel_loop3A_1276 : vector<16xf32> to vector<16xf32>
      tpu.vector_store %arg7[%parallel_loop3A_1279], %parallel_loop3A_1282 {strides = array<i32>} : memref<65536xf32, #tpu.memory_space<vmem>>, vector<16xf32>,
      %parallel_loop3A_1283 = arith.select %parallel_loop3A_1266, %get3A_53, %get3A_93 : vector<16xf32>
      %parallel_loop3A_1284 = arith.select %parallel_loop3A_1264, %get3A_13, %parallel_loop3A_1283 : vector<16xf32>
      %parallel_loop3A_1285 = arith.constant 16 : i32
      %parallel_loop3A_1286 = arith.addi %parallel_loop3A_1274, %parallel_loop3A_1285 : i32
      %parallel_loop3A_1287 = arith.index_cast %parallel_loop3A_1286 : i32 to index
      %parallel_loop3A_1288 = tpu.vector_load %arg7[%parallel_loop3A_1287] {strides = array<i32>} : memref<65536xf32, #tpu.memory_space<vmem>>, vector<16xf32>,
      %parallel_loop3A_1289 = vector.shape_cast %parallel_loop3A_1288 : vector<16xf32> to vector<16xf32>
      %parallel_loop3A_1290 = vector.shape_cast %parallel_loop3A_1284 : vector<16xf32> to vector<16xf32>
      tpu.vector_store %arg7[%parallel_loop3A_1287], %parallel_loop3A_1290 {strides = array<i32>} : memref<65536xf32, #tpu.memory_space<vmem>>, vector<16xf32>,
      %parallel_loop3A_1291 = arith.select %parallel_loop3A_1266, %get3A_58, %get3A_98 : vector<16xf32>
      %parallel_loop3A_1292 = arith.select %parallel_loop3A_1264, %get3A_18, %parallel_loop3A_1291 : vector<16xf32>
      %parallel_loop3A_1293 = arith.constant 32 : i32
      %parallel_loop3A_1294 = arith.addi %parallel_loop3A_1274, %parallel_loop3A_1293 : i32
      %parallel_loop3A_1295 = arith.index_cast %parallel_loop3A_1294 : i32 to index
      %parallel_loop3A_1296 = tpu.vector_load %arg7[%parallel_loop3A_1295] {strides = array<i32>} : memref<65536xf32, #tpu.memory_space<vmem>>, vector<16xf32>,
      %parallel_loop3A_1297 = vector.shape_cast %parallel_loop3A_1296 : vector<16xf32> to vector<16xf32>
      %parallel_loop3A_1298 = vector.shape_cast %parallel_loop3A_1292 : vector<16xf32> to vector<16xf32>
      tpu.vector_store %arg7[%parallel_loop3A_1295], %parallel_loop3A_1298 {strides = array<i32>} : memref<65536xf32, #tpu.memory_space<vmem>>, vector<16xf32>,
      %parallel_loop3A_1299 = arith.select %parallel_loop3A_1266, %get3A_63, %get3A_103 : vector<16xf32>
      %parallel_loop3A_1300 = arith.select %parallel_loop3A_1264, %get3A_23, %parallel_loop3A_1299 : vector<16xf32>
      %parallel_loop3A_1301 = arith.constant 48 : i32
      %parallel_loop3A_1302 = arith.addi %parallel_loop3A_1274, %parallel_loop3A_1301 : i32
      %parallel_loop3A_1303 = arith.index_cast %parallel_loop3A_1302 : i32 to index
      %parallel_loop3A_1304 = tpu.vector_load %arg7[%parallel_loop3A_1303] {strides = array<i32>} : memref<65536xf32, #tpu.memory_space<vmem>>, vector<16xf32>,
      %parallel_loop3A_1305 = vector.shape_cast %parallel_loop3A_1304 : vector<16xf32> to vector<16xf32>
      %parallel_loop3A_1306 = vector.shape_cast %parallel_loop3A_1300 : vector<16xf32> to vector<16xf32>
      tpu.vector_store %arg7[%parallel_loop3A_1303], %parallel_loop3A_1306 {strides = array<i32>} : memref<65536xf32, #tpu.memory_space<vmem>>, vector<16xf32>,
      %parallel_loop3A_1307 = arith.select %parallel_loop3A_1266, %get3A_68, %get3A_108 : vector<16xf32>
      %parallel_loop3A_1308 = arith.select %parallel_loop3A_1264, %get3A_28, %parallel_loop3A_1307 : vector<16xf32>
      %parallel_loop3A_1309 = arith.constant 64 : i32
      %parallel_loop3A_1310 = arith.addi %parallel_loop3A_1274, %parallel_loop3A_1309 : i32
      %parallel_loop3A_1311 = arith.index_cast %parallel_loop3A_1310 : i32 to index
      %parallel_loop3A_1312 = tpu.vector_load %arg7[%parallel_loop3A_1311] {strides = array<i32>} : memref<65536xf32, #tpu.memory_space<vmem>>, vector<16xf32>,
      %parallel_loop3A_1313 = vector.shape_cast %parallel_loop3A_1312 : vector<16xf32> to vector<16xf32>
      %parallel_loop3A_1314 = vector.shape_cast %parallel_loop3A_1308 : vector<16xf32> to vector<16xf32>
      tpu.vector_store %arg7[%parallel_loop3A_1311], %parallel_loop3A_1314 {strides = array<i32>} : memref<65536xf32, #tpu.memory_space<vmem>>, vector<16xf32>,
      %parallel_loop3A_1315 = arith.select %parallel_loop3A_1266, %get3A_73, %get3A_113 : vector<16xf32>
      %parallel_loop3A_1316 = arith.select %parallel_loop3A_1264, %get3A_33, %parallel_loop3A_1315 : vector<16xf32>
      %parallel_loop3A_1317 = arith.constant 80 : i32
      %parallel_loop3A_1318 = arith.addi %parallel_loop3A_1274, %parallel_loop3A_1317 : i32
      %parallel_loop3A_1319 = arith.index_cast %parallel_loop3A_1318 : i32 to index
      %parallel_loop3A_1320 = tpu.vector_load %arg7[%parallel_loop3A_1319] {strides = array<i32>} : memref<65536xf32, #tpu.memory_space<vmem>>, vector<16xf32>,
      %parallel_loop3A_1321 = vector.shape_cast %parallel_loop3A_1320 : vector<16xf32> to vector<16xf32>
      %parallel_loop3A_1322 = vector.shape_cast %parallel_loop3A_1316 : vector<16xf32> to vector<16xf32>
      tpu.vector_store %arg7[%parallel_loop3A_1319], %parallel_loop3A_1322 {strides = array<i32>} : memref<65536xf32, #tpu.memory_space<vmem>>, vector<16xf32>,
      %parallel_loop3A_1323 = arith.select %parallel_loop3A_1266, %get3A_78, %get3A_118 : vector<16xf32>
      %parallel_loop3A_1324 = arith.select %parallel_loop3A_1264, %get3A_38, %parallel_loop3A_1323 : vector<16xf32>
      %parallel_loop3A_1325 = arith.constant 96 : i32
      %parallel_loop3A_1326 = arith.addi %parallel_loop3A_1274, %parallel_loop3A_1325 : i32
      %parallel_loop3A_1327 = arith.index_cast %parallel_loop3A_1326 : i32 to index
      %parallel_loop3A_1328 = tpu.vector_load %arg7[%parallel_loop3A_1327] {strides = array<i32>} : memref<65536xf32, #tpu.memory_space<vmem>>, vector<16xf32>,
      %parallel_loop3A_1329 = vector.shape_cast %parallel_loop3A_1328 : vector<16xf32> to vector<16xf32>
      %parallel_loop3A_1330 = vector.shape_cast %parallel_loop3A_1324 : vector<16xf32> to vector<16xf32>
      tpu.vector_store %arg7[%parallel_loop3A_1327], %parallel_loop3A_1330 {strides = array<i32>} : memref<65536xf32, #tpu.memory_space<vmem>>, vector<16xf32>,
      %parallel_loop3A_1331 = arith.select %parallel_loop3A_1266, %get3A_83, %get3A_123 : vector<16xf32>
      %parallel_loop3A_1332 = arith.select %parallel_loop3A_1264, %get3A_43, %parallel_loop3A_1331 : vector<16xf32>
      %parallel_loop3A_1333 = arith.constant 112 : i32
      %parallel_loop3A_1334 = arith.addi %parallel_loop3A_1274, %parallel_loop3A_1333 : i32
      %parallel_loop3A_1335 = arith.index_cast %parallel_loop3A_1334 : i32 to index
      %parallel_loop3A_1336 = tpu.vector_load %arg7[%parallel_loop3A_1335] {strides = array<i32>} : memref<65536xf32, #tpu.memory_space<vmem>>, vector<16xf32>,
      %parallel_loop3A_1337 = vector.shape_cast %parallel_loop3A_1336 : vector<16xf32> to vector<16xf32>
      %parallel_loop3A_1338 = vector.shape_cast %parallel_loop3A_1332 : vector<16xf32> to vector<16xf32>
      tpu.vector_store %arg7[%parallel_loop3A_1335], %parallel_loop3A_1338 {strides = array<i32>} : memref<65536xf32, #tpu.memory_space<vmem>>, vector<16xf32>,
      %parallel_loop3A_1339 = vector.extract_strided_slice %parallel_loop3A_168 {offsets = [15], sizes = [1], strides = [1]} : vector<16xi32> to vector<1xi32>
      %parallel_loop3A_1340 = vector.extract %parallel_loop3A_1339[0] : i32 from vector<1xi32>
      %parallel_loop3A_1341 = arith.constant 0 : i32
      %parallel_loop3A_1342 = arith.cmpi eq, %parallel_loop3A_1340, %parallel_loop3A_1341 : i32
      %parallel_loop3A_1343 = arith.constant 1 : i32
      %parallel_loop3A_1344 = arith.cmpi eq, %parallel_loop3A_1340, %parallel_loop3A_1343 : i32
      %parallel_loop3A_1345 = arith.constant 16 : i32
      %parallel_loop3A_1346 = arith.muli %parallel_loop3A_161, %parallel_loop3A_1345 : i32
      %parallel_loop3A_1347 = arith.constant 256 : i32
      %parallel_loop3A_1348 = arith.addi %parallel_loop3A_1347, %parallel_loop3A_1346 : i32
      %parallel_loop3A_1349 = arith.constant 15 : i32
      %parallel_loop3A_1350 = arith.addi %parallel_loop3A_1348, %parallel_loop3A_1349 : i32
      %parallel_loop3A_1351 = arith.constant 128 : i32
      %parallel_loop3A_1352 = arith.muli %parallel_loop3A_1350, %parallel_loop3A_1351 : i32
      %parallel_loop3A_1353 = arith.select %parallel_loop3A_1344, %get3A_48, %get3A_88 : vector<16xf32>
      %parallel_loop3A_1354 = arith.select %parallel_loop3A_1342, %get3A_8, %parallel_loop3A_1353 : vector<16xf32>
      %parallel_loop3A_1355 = arith.constant 0 : i32
      %parallel_loop3A_1356 = arith.addi %parallel_loop3A_1352, %parallel_loop3A_1355 : i32
      %parallel_loop3A_1357 = arith.index_cast %parallel_loop3A_1356 : i32 to index
      %parallel_loop3A_1358 = tpu.vector_load %arg7[%parallel_loop3A_1357] {strides = array<i32>} : memref<65536xf32, #tpu.memory_space<vmem>>, vector<16xf32>,
      %parallel_loop3A_1359 = vector.shape_cast %parallel_loop3A_1358 : vector<16xf32> to vector<16xf32>
      %parallel_loop3A_1360 = vector.shape_cast %parallel_loop3A_1354 : vector<16xf32> to vector<16xf32>
      tpu.vector_store %arg7[%parallel_loop3A_1357], %parallel_loop3A_1360 {strides = array<i32>} : memref<65536xf32, #tpu.memory_space<vmem>>, vector<16xf32>,
      %parallel_loop3A_1361 = arith.select %parallel_loop3A_1344, %get3A_53, %get3A_93 : vector<16xf32>
      %parallel_loop3A_1362 = arith.select %parallel_loop3A_1342, %get3A_13, %parallel_loop3A_1361 : vector<16xf32>
      %parallel_loop3A_1363 = arith.constant 16 : i32
      %parallel_loop3A_1364 = arith.addi %parallel_loop3A_1352, %parallel_loop3A_1363 : i32
      %parallel_loop3A_1365 = arith.index_cast %parallel_loop3A_1364 : i32 to index
      %parallel_loop3A_1366 = tpu.vector_load %arg7[%parallel_loop3A_1365] {strides = array<i32>} : memref<65536xf32, #tpu.memory_space<vmem>>, vector<16xf32>,
      %parallel_loop3A_1367 = vector.shape_cast %parallel_loop3A_1366 : vector<16xf32> to vector<16xf32>
      %parallel_loop3A_1368 = vector.shape_cast %parallel_loop3A_1362 : vector<16xf32> to vector<16xf32>
      tpu.vector_store %arg7[%parallel_loop3A_1365], %parallel_loop3A_1368 {strides = array<i32>} : memref<65536xf32, #tpu.memory_space<vmem>>, vector<16xf32>,
      %parallel_loop3A_1369 = arith.select %parallel_loop3A_1344, %get3A_58, %get3A_98 : vector<16xf32>
      %parallel_loop3A_1370 = arith.select %parallel_loop3A_1342, %get3A_18, %parallel_loop3A_1369 : vector<16xf32>
      %parallel_loop3A_1371 = arith.constant 32 : i32
      %parallel_loop3A_1372 = arith.addi %parallel_loop3A_1352, %parallel_loop3A_1371 : i32
      %parallel_loop3A_1373 = arith.index_cast %parallel_loop3A_1372 : i32 to index
      %parallel_loop3A_1374 = tpu.vector_load %arg7[%parallel_loop3A_1373] {strides = array<i32>} : memref<65536xf32, #tpu.memory_space<vmem>>, vector<16xf32>,
      %parallel_loop3A_1375 = vector.shape_cast %parallel_loop3A_1374 : vector<16xf32> to vector<16xf32>
      %parallel_loop3A_1376 = vector.shape_cast %parallel_loop3A_1370 : vector<16xf32> to vector<16xf32>
      tpu.vector_store %arg7[%parallel_loop3A_1373], %parallel_loop3A_1376 {strides = array<i32>} : memref<65536xf32, #tpu.memory_space<vmem>>, vector<16xf32>,
      %parallel_loop3A_1377 = arith.select %parallel_loop3A_1344, %get3A_63, %get3A_103 : vector<16xf32>
      %parallel_loop3A_1378 = arith.select %parallel_loop3A_1342, %get3A_23, %parallel_loop3A_1377 : vector<16xf32>
      %parallel_loop3A_1379 = arith.constant 48 : i32
      %parallel_loop3A_1380 = arith.addi %parallel_loop3A_1352, %parallel_loop3A_1379 : i32
      %parallel_loop3A_1381 = arith.index_cast %parallel_loop3A_1380 : i32 to index
      %parallel_loop3A_1382 = tpu.vector_load %arg7[%parallel_loop3A_1381] {strides = array<i32>} : memref<65536xf32, #tpu.memory_space<vmem>>, vector<16xf32>,
      %parallel_loop3A_1383 = vector.shape_cast %parallel_loop3A_1382 : vector<16xf32> to vector<16xf32>
      %parallel_loop3A_1384 = vector.shape_cast %parallel_loop3A_1378 : vector<16xf32> to vector<16xf32>
      tpu.vector_store %arg7[%parallel_loop3A_1381], %parallel_loop3A_1384 {strides = array<i32>} : memref<65536xf32, #tpu.memory_space<vmem>>, vector<16xf32>,
      %parallel_loop3A_1385 = arith.select %parallel_loop3A_1344, %get3A_68, %get3A_108 : vector<16xf32>
      %parallel_loop3A_1386 = arith.select %parallel_loop3A_1342, %get3A_28, %parallel_loop3A_1385 : vector<16xf32>
      %parallel_loop3A_1387 = arith.constant 64 : i32
      %parallel_loop3A_1388 = arith.addi %parallel_loop3A_1352, %parallel_loop3A_1387 : i32
      %parallel_loop3A_1389 = arith.index_cast %parallel_loop3A_1388 : i32 to index
      %parallel_loop3A_1390 = tpu.vector_load %arg7[%parallel_loop3A_1389] {strides = array<i32>} : memref<65536xf32, #tpu.memory_space<vmem>>, vector<16xf32>,
      %parallel_loop3A_1391 = vector.shape_cast %parallel_loop3A_1390 : vector<16xf32> to vector<16xf32>
      %parallel_loop3A_1392 = vector.shape_cast %parallel_loop3A_1386 : vector<16xf32> to vector<16xf32>
      tpu.vector_store %arg7[%parallel_loop3A_1389], %parallel_loop3A_1392 {strides = array<i32>} : memref<65536xf32, #tpu.memory_space<vmem>>, vector<16xf32>,
      %parallel_loop3A_1393 = arith.select %parallel_loop3A_1344, %get3A_73, %get3A_113 : vector<16xf32>
      %parallel_loop3A_1394 = arith.select %parallel_loop3A_1342, %get3A_33, %parallel_loop3A_1393 : vector<16xf32>
      %parallel_loop3A_1395 = arith.constant 80 : i32
      %parallel_loop3A_1396 = arith.addi %parallel_loop3A_1352, %parallel_loop3A_1395 : i32
      %parallel_loop3A_1397 = arith.index_cast %parallel_loop3A_1396 : i32 to index
      %parallel_loop3A_1398 = tpu.vector_load %arg7[%parallel_loop3A_1397] {strides = array<i32>} : memref<65536xf32, #tpu.memory_space<vmem>>, vector<16xf32>,
      %parallel_loop3A_1399 = vector.shape_cast %parallel_loop3A_1398 : vector<16xf32> to vector<16xf32>
      %parallel_loop3A_1400 = vector.shape_cast %parallel_loop3A_1394 : vector<16xf32> to vector<16xf32>
      tpu.vector_store %arg7[%parallel_loop3A_1397], %parallel_loop3A_1400 {strides = array<i32>} : memref<65536xf32, #tpu.memory_space<vmem>>, vector<16xf32>,
      %parallel_loop3A_1401 = arith.select %parallel_loop3A_1344, %get3A_78, %get3A_118 : vector<16xf32>
      %parallel_loop3A_1402 = arith.select %parallel_loop3A_1342, %get3A_38, %parallel_loop3A_1401 : vector<16xf32>
      %parallel_loop3A_1403 = arith.constant 96 : i32
      %parallel_loop3A_1404 = arith.addi %parallel_loop3A_1352, %parallel_loop3A_1403 : i32
      %parallel_loop3A_1405 = arith.index_cast %parallel_loop3A_1404 : i32 to index
      %parallel_loop3A_1406 = tpu.vector_load %arg7[%parallel_loop3A_1405] {strides = array<i32>} : memref<65536xf32, #tpu.memory_space<vmem>>, vector<16xf32>,
      %parallel_loop3A_1407 = vector.shape_cast %parallel_loop3A_1406 : vector<16xf32> to vector<16xf32>
      %parallel_loop3A_1408 = vector.shape_cast %parallel_loop3A_1402 : vector<16xf32> to vector<16xf32>
      tpu.vector_store %arg7[%parallel_loop3A_1405], %parallel_loop3A_1408 {strides = array<i32>} : memref<65536xf32, #tpu.memory_space<vmem>>, vector<16xf32>,
      %parallel_loop3A_1409 = arith.select %parallel_loop3A_1344, %get3A_83, %get3A_123 : vector<16xf32>
      %parallel_loop3A_1410 = arith.select %parallel_loop3A_1342, %get3A_43, %parallel_loop3A_1409 : vector<16xf32>
      %parallel_loop3A_1411 = arith.constant 112 : i32
      %parallel_loop3A_1412 = arith.addi %parallel_loop3A_1352, %parallel_loop3A_1411 : i32
      %parallel_loop3A_1413 = arith.index_cast %parallel_loop3A_1412 : i32 to index
      %parallel_loop3A_1414 = tpu.vector_load %arg7[%parallel_loop3A_1413] {strides = array<i32>} : memref<65536xf32, #tpu.memory_space<vmem>>, vector<16xf32>,
      %parallel_loop3A_1415 = vector.shape_cast %parallel_loop3A_1414 : vector<16xf32> to vector<16xf32>
      %parallel_loop3A_1416 = vector.shape_cast %parallel_loop3A_1410 : vector<16xf32> to vector<16xf32>
      tpu.vector_store %arg7[%parallel_loop3A_1413], %parallel_loop3A_1416 {strides = array<i32>} : memref<65536xf32, #tpu.memory_space<vmem>>, vector<16xf32>,
    } {sc.loop_unroll_factor = 2 : i64, sc.parallel_access}
    %add3A_139 = arith.constant 256 : i32
    %add3A_140 = arith.addi %mul3A_2, %add3A_139 : i32
    %mul3A_141 = arith.constant 128 : i32
    %mul3A_142 = arith.muli %add3A_140, %mul3A_141 : i32
    %dma_start3A_143 = arith.constant 32768 : i32
    %dma_start3A_144 = tpu.memref_slice %arg7[%dma_start3A_143] : memref<65536xf32, #tpu.memory_space<vmem>> -> memref<32768xf32, #tpu.memory_space<vmem>>
    %dma_start3A_145 = tpu.memref_slice %arg4[%mul3A_142] : memref<2097152xf32, #tpu.memory_space<hbm>> -> memref<32768xf32, #tpu.memory_space<hbm>>
    %dma_start3A_146 = tpu.memref_slice %arg4[%mul3A_142] : memref<2097152xf32, #tpu.memory_space<hbm>> -> memref<32768xf32, #tpu.memory_space<hbm>>
    %dma_start3A_147 = arith.constant 32768 : i32
    %dma_start3A_148 = tpu.memref_slice %arg7[%dma_start3A_147] : memref<65536xf32, #tpu.memory_space<vmem>> -> memref<32768xf32, #tpu.memory_space<vmem>>
    tpu.enqueue_dma source(%dma_start3A_148 : memref<32768xf32, #tpu.memory_space<vmem>>) target(%dma_start3A_146 : memref<32768xf32, #tpu.memory_space<hbm>>) target_semaphore(%arg8 : memref<!tpu.dma_semaphore, #tpu.memory_space<semaphore_mem>>)
    %dma_wait3A_149 = arith.constant 0 : i32
    %dma_wait3A_150 = tpu.memref_slice %arg7[%dma_wait3A_149] : memref<65536xf32, #tpu.memory_space<vmem>> -> memref<32768xf32, #tpu.memory_space<vmem>>
    %dma_wait3A_151 = tpu.memref_slice %arg4[%mul3A_129] : memref<2097152xf32, #tpu.memory_space<hbm>> -> memref<32768xf32, #tpu.memory_space<hbm>>
    %dma_wait3A_152 = tpu.memref_slice %arg4[%mul3A_129] : memref<2097152xf32, #tpu.memory_space<hbm>> -> memref<32768xf32, #tpu.memory_space<hbm>>
    %dma_wait3A_153 = arith.constant 0 : i32
    %dma_wait3A_154 = tpu.memref_slice %arg7[%dma_wait3A_153] : memref<65536xf32, #tpu.memory_space<vmem>> -> memref<32768xf32, #tpu.memory_space<vmem>>
    tpu.wait_dma2 semaphore(%arg8 : memref<!tpu.dma_semaphore, #tpu.memory_space<semaphore_mem>>) src(%dma_wait3A_154 : memref<32768xf32, #tpu.memory_space<vmem>>) dst(%dma_wait3A_152 : memref<32768xf32, #tpu.memory_space<hbm>>)
    %dma_wait3A_155 = arith.constant 32768 : i32
    %dma_wait3A_156 = tpu.memref_slice %arg7[%dma_wait3A_155] : memref<65536xf32, #tpu.memory_space<vmem>> -> memref<32768xf32, #tpu.memory_space<vmem>>
    %dma_wait3A_157 = tpu.memref_slice %arg4[%mul3A_142] : memref<2097152xf32, #tpu.memory_space<hbm>> -> memref<32768xf32, #tpu.memory_space<hbm>>
    %dma_wait3A_158 = tpu.memref_slice %arg4[%mul3A_142] : memref<2097152xf32, #tpu.memory_space<hbm>> -> memref<32768xf32, #tpu.memory_space<hbm>>
    %dma_wait3A_159 = arith.constant 32768 : i32
    %dma_wait3A_160 = tpu.memref_slice %arg7[%dma_wait3A_159] : memref<65536xf32, #tpu.memory_space<vmem>> -> memref<32768xf32, #tpu.memory_space<vmem>>
    tpu.wait_dma2 semaphore(%arg8 : memref<!tpu.dma_semaphore, #tpu.memory_space<semaphore_mem>>) src(%dma_wait3A_160 : memref<32768xf32, #tpu.memory_space<vmem>>) dst(%dma_wait3A_158 : memref<32768xf32, #tpu.memory_space<hbm>>)
    return
  }
}

</mosaic_0001>

<sc_bundles>
// kernel: wrapper.3.cloned.1.call-start
scs
__scs_entry_jumppad:
0x0: {  	(pc) =	sbr.rel $0x88, $3  }
0x1: {  	(tag) =	ssettag $0x0;
	lr =	simm.s32 $0x1  }
0x2: {  	[smem:$0x3F9F] =	sst lr;
	_ =	strace $0xD0000000  }
0x3: {  	_ = 	snop  }
0x4: {  	_ = 	snop  }
0x5: {  	_ = 	snop  }
0x6: {  	_ = 	snop  }
0x7: {  	_ = 	snop  }
__scs_overlays_trampoline_lowered:
0x8: {  	[smem:$0x3FAE] =	sst s0  }
0x9: {  	[smem:$0x3FAF] =	sst s1  }
0xa: {  	[smem:$0x3FB0] =	sst s2  }
0xb: {  	[smem:$0x3FB1] =	sst s3  }
0xc: {  	[smem:$0x3FB2] =	sst s4  }
0xd: {  	[smem:$0x3FB3] =	sst s5  }
0xe: {  	[smem:$0x3FB4] =	sst s6  }
0xf: {  	[smem:$0x3FB5] =	sst s7  }
0x10: {  	[smem:$0x3FB6] =	sst s8  }
0x11: {  	[smem:$0x3FB7] =	sst s9;
	s0 =	simm.s32 @!p0 $0x0  }
0x12: {  	s1 =	sld [smem:$0x3F9D];
	s0 =	simm.s32 @p0 $0x1  }
0x13: {  	[smem:$0x3FB8] =	sst s0;
	s0 =	simm.s32 @!p1 $0x0  }
0x14: {  	s2 =	sld [smem:$0x3F9C];
	s0 =	simm.s32 @p1 $0x1  }
0x15: {  	[smem:$0x3FB9] =	sst s0;
	s0 =	simm.s32 @!p2 $0x0  }
0x16: {  	s3 =	sld [smem:$0x3FDB];
	s0 =	simm.s32 @p2 $0x1  }
0x17: {  	s4 =	simm.s32 $0x1BF5;
	[smem:$0x3FBB] =	sst s0  }
0x18: {  	s0 =	sld [smem:$0x3F9E];
	_ =	swait.ge [sflag:s4], $0x0  }
0x19: {  	s7 =	sld [smem:$0x3F9F]  }
0x1a: {  	s8 =	sadd.s32 $0xFFFFE003, lr  }
0x1b: {  	s9 =	sadd.s32 $0xFFFFFEF7, lr;
	s5 =	simm.s32 $0xFFFFFFFF;
	p2 =	slt.u32 s8, $0xFFFFF086  }
0x1c: {  	p1 =	slt.u32 s9, $0xF7A;
	s5 =	simm.s32 @!p2 $0x0  }
0x1d: {  	s5 =	simm.s32 @p1 $0x1;
	p0 =	seq.s32 s7, s2  }
0x1e: {  	s7 =	smul.u32 @!p0 $0xF7A, s2;
	p2 =	seq.s32 @!p0 s5, $0x0  }
0x1f: {  	s9 =	smul.u32 $0xF7A, s1;
	s8 =	simm.s32 @!p0 $0x1BF5;
	p2 =	por !p2, p0  }
0x20: {  	[sflag:s8] =	ssyncset.s32 @!p0 $0xFFFFF086;
	s6 =	sadd.s32 @!p0 s3, s7;
	s7 =	simm.s32 @!p0 $0x108  }
0x21: {  	s3 =	sadd.s32 s3, s9;
	s6 =	sadd.s32 @!p0 $0x88, s6;
	s7 =	simm.s32 @p2 $0x1082  }
0x22: {  	[simem:s7], [sflag:s8] =	dma.local @!p0 [hbm:s6], $0xF7A  }
0x23: {  	s9 =	sor.u32 $0xD0000000, s2;
	s6 =	simm.s32 $0x108;
	_ =	swait.ge @!p0 [sflag:s8], $0x0  }
0x24: {  	s3 =	sadd.s32 $0x88, s3;
	s6 =	simm.s32 @!p1 $0x1082;
	[sflag:s4] =	ssyncset.s32 $0xFFFFF086  }
0x25: {  	[simem:s6], [sflag:s4] =	dma.local [hbm:s3], $0xF7A  }
0x26: {  	[smem:$0x3F9F] =	sst s1;
	(tag) =	ssettag s2;
	_ =	strace s9  }
0x27: {  	s1 =	sld [smem:$0x3FAF]  }
0x28: {  	s2 =	sld [smem:$0x3FB0]  }
0x29: {  	s4 =	sld [smem:$0x3FB2]  }
0x2a: {  	p0 =	seq.s32 s5, $0x0;
	s5 =	sld [smem:$0x3FB3]  }
0x2b: {  	s6 =	sld [smem:$0x3FB4]  }
0x2c: {  	s7 =	sld [smem:$0x3FB5]  }
0x2d: {  	s3 =	simm.s32 $0x108;
	s8 =	sld [smem:$0x3FB6]  }
0x2e: {  	s3 =	simm.s32 @!p0 $0x1082;
	s9 =	sld [smem:$0x3FB7]  }
0x2f: {  	lr =	sadd.s32 s0, s3;
	s0 =	sld [smem:$0x3FAE]  }
0x30: {  	s3 =	sld [smem:$0x3FB1]  }
0x31: {  	[smem:$0x3FBA] =	sst s10  }
0x32: {  	s10 =	sld [smem:$0x3FB8];
	_ =	sdelay $0x3  }
0x33: {  	p0 =	seq.s32 s10, $0x1;
	s10 =	sld [smem:$0x3FBA];
	_ =	sdelay $0x3  }
0x34: {  	[smem:$0x3FBA] =	sst s10  }
0x35: {  	s10 =	sld [smem:$0x3FB9];
	_ =	sdelay $0x3  }
0x36: {  	p1 =	seq.s32 s10, $0x1;
	s10 =	sld [smem:$0x3FBA];
	_ =	sdelay $0x3  }
0x37: {  	[smem:$0x3FBA] =	sst s10  }
0x38: {  	s10 =	sld [smem:$0x3FBB]  }
0x39: {  	_ = 	snop;
	(pc) =	sbr.ind lr, $3  }
0x3a: {  	_ = 	snop  }
0x3b: {  	_ = 	snop  }
0x3c: {  	p2 =	seq.s32 s10, $0x1;
	s10 =	sld [smem:$0x3FBA]  }
0x3d: {  	_ =	shalt  }
0x3e: {  	_ =	shalt  }
0x3f: {  	_ =	shalt  }
0x40: {  	_ =	shalt  }
0x41: {  	_ =	shalt  }
0x42: {  	_ =	shalt  }
0x43: {  	_ =	shalt  }
0x44: {  	_ =	shalt  }
0x45: {  	_ =	shalt  }
0x46: {  	_ =	shalt  }
0x47: {  	_ =	shalt  }
0x48: {  	_ =	shalt  }
0x49: {  	_ =	shalt  }
0x4a: {  	_ =	shalt  }
0x4b: {  	_ =	shalt  }
0x4c: {  	_ =	shalt  }
0x4d: {  	_ =	shalt  }
0x4e: {  	_ =	shalt  }
0x4f: {  	_ =	shalt  }
0x50: {  	_ =	shalt  }
0x51: {  	_ =	shalt  }
0x52: {  	_ =	shalt  }
0x53: {  	_ =	shalt  }
0x54: {  	_ =	shalt  }
0x55: {  	_ =	shalt  }
0x56: {  	_ =	shalt  }
0x57: {  	_ =	shalt  }
0x58: {  	_ =	shalt  }
0x59: {  	_ =	shalt  }
0x5a: {  	_ =	shalt  }
0x5b: {  	_ =	shalt  }
0x5c: {  	_ =	shalt  }
0x5d: {  	_ =	shalt  }
0x5e: {  	_ =	shalt  }
0x5f: {  	_ =	shalt  }
0x60: {  	_ =	shalt  }
0x61: {  	_ =	shalt  }
0x62: {  	_ =	shalt  }
0x63: {  	_ =	shalt  }
0x64: {  	_ =	shalt  }
0x65: {  	_ =	shalt  }
0x66: {  	_ =	shalt  }
0x67: {  	_ =	shalt  }
0x68: {  	_ =	shalt  }
0x69: {  	_ =	shalt  }
0x6a: {  	_ =	shalt  }
0x6b: {  	_ =	shalt  }
0x6c: {  	_ =	shalt  }
0x6d: {  	_ =	shalt  }
0x6e: {  	_ =	shalt  }
0x6f: {  	_ =	shalt  }
0x70: {  	_ =	shalt  }
0x71: {  	_ =	shalt  }
0x72: {  	_ =	shalt  }
0x73: {  	_ =	shalt  }
0x74: {  	_ =	shalt  }
0x75: {  	_ =	shalt  }
0x76: {  	_ =	shalt  }
0x77: {  	_ =	shalt  }
0x78: {  	_ =	shalt  }
0x79: {  	_ =	shalt  }
0x7a: {  	_ =	shalt  }
0x7b: {  	_ =	shalt  }
0x7c: {  	_ =	shalt  }
0x7d: {  	_ =	shalt  }
0x7e: {  	_ =	shalt  }
0x7f: {  	_ =	shalt  }
0x80: {  	_ =	shalt  }
0x81: {  	_ =	shalt  }
0x82: {  	_ =	shalt  }
0x83: {  	_ =	shalt  }
0x84: {  	_ =	shalt  }
0x85: {  	_ =	shalt  }
0x86: {  	_ =	shalt  }
0x87: {  	_ =	shalt  }
.Lfunc_end0:
.L_simem_size_0:
called_computation_lowered:
.L_overlay_start_0:
0x88: {  	s2 =	sld [smem:$0x3FD9]  }
0x89: {  	s3 =	sld [smem:$0x3FFE];
	_ =	sdelay $0x1  }
0x8a: {  	s1 =	srdreg.scid  }
0x8b: {  	s0 =	sand.u32 $0x1, s1  }
0x8c: {  	s18 =	sshll.u32 s0, $0xA;
	s2 =	sadd.s32 s3, s2  }
0x8d: {  	s2 =	sadd.s32 s2, s18  }
0x8e: {  	[smem:$0x3FC6] =	sst s2  }
0x8f: {  	_ = 	snop  }
0x90: {  	s2 =	sld [smem:$0x3FC9]  }
0x91: {  	s19 =	sld [smem:$0x3FC8]  }
0x92: {  	s4 =	sld [smem:$0x3FD0];
	(tm) =	ssettm $0x1  }
0x93: {  	s5 =	sld [smem:$0x3FFB];
	_ =	sdelay $0x3  }
0x94: {  	_ =	strace s5  }
0x95: {  	s5 =	sld [smem:$0x3FFC];
	_ =	sdelay $0x3  }
0x96: {  	_ =	strace s5  }
0x97: {  	s5 =	sld [smem:$0x3FFD];
	_ =	sdelay $0x3  }
0x98: {  	_ =	strace s5  }
0x99: {  	_ =	strace $0x8FFFFFFF  }
0x9a: {  	s20 =	sld [smem:$0x3FDB];
	_ =	sdelay $0x1  }
0x9b: {  	s6 =	simm.s32 $_scs_section_size  }
0x9c: {  	s7 =	simm.s32 $_size__tile_overlayer_lowered;
	s8 =	simm.s32 $_tile_overlayer_lowered  }
0x9d: {  	s23 =	simm.s32 $0x1BFF;
	s22 =	sshll.u32 s8, $0x1;
	s5 =	sadd.s32 s6, s20  }
0x9e: {  	s9 =	simm.s32 $0x0;
	s21 =	sshll.u32 s7, $0x1;
	s7 =	sadd.s32 s22, s5  }
0x9f: {  	[timem:s9], [sflag:s23] =	dma.local [hbm:s7], s21  }
0xa0: {  	_ =	swait.ge [sflag:s23], s21  }
0xa1: {  	s6 =	ssub.s32 $0x0, s21;
	[sflag:s23] =	ssyncset.done $0x0  }
0xa2: {  	[sflag:s23] =	ssyncadd.s32 s6;
	_ =	sdelay $0x1  }
0xa3: {  	s24 =	simm.s32 $0x1B8B  }
0xa4: {  	_ =	swait.ge [sflag:s24], $0x1  }
0xa5: {  	[sflag:s24] =	ssyncset.done $0x0  }
0xa6: {  	s25 =	simm.s32 $0x1B8E;
	[sflag:s24] =	ssyncadd.s32 $0xFFFFFFFF  }
0xa7: {  	s26 =	simm.s32 $execute0_lowered;
	[smem:$0x3FD2] =	sst s25  }
0xa8: {  	s6 =	sshll.u32 s26, $0x1;
	_ =	strace $0x80000046;
	[dreg:$0x1] =	wrdreg $0xFFFFFFFF  }
0xa9: {  	s28 =	simm.s32 $_size_execute0_lowered;
	s5 =	sadd.s32 s5, s6;
	[dreg:$0x0] =	wrdreg $0x0  }
0xaa: {  	s6 =	sshll.u32 s28, $0x1;
	[dreg:$0x2] =	wrdreg s5  }
0xab: {  	[dreg:$0x3] =	wrdreg s6  }
0xac: {  	[dreg:$0x4] =	wrdreg $0xC0  }
0xad: {  	_ =	task [dreg:s9], $0x5FFFF  }
0xae: {  	[dreg:$0x1] =	wrdreg $0xFFFFFFFF  }
0xaf: {  	[dreg:$0x0] =	wrdreg $0x60  }
0xb0: {  	[dreg:$0x2] =	wrdreg s2  }
0xb1: {  	[dreg:$0x3] =	wrdreg s19  }
0xb2: {  	[dreg:$0x4] =	wrdreg s4  }
0xb3: {  	[dreg:$0x5] =	wrdreg $0x9  }
0xb4: {  	_ =	task.clear_ibuf [dreg:s9], $0x6FFFF;
	_ =	strace $0x90000046  }
0xb5: {  	s29 =	simm.s32 $0x9;
	_ =	strace $0x80000048  }
0xb6: {  	_ =	swait.ge [sflag:s29], $0x1  }
0xb7: {  	[sflag:s29] =	ssyncadd.s32 $0xFFFFFFFF  }
0xb8: {  	_ =	strace $0x90000048  }
0xb9: {  	_ =	sfence  }
0xba: {  	s30 =	sld [smem:$0x0];
	_ =	sdelay $0x2  }
0xbb: {  	s31 =	sshll.u32 s1, $0xD;
	s1 =	sshrl.u32 s1, $0x2  }
0xbc: {  	s3 =	sand.u32 $0x4000, s31;
	s1 =	sadd.s32 s1, s30  }
0xbd: {  	s0 =	sor.u32 s3, s0;
	s1 =	sshll.u32 s1, $0x11  }
0xbe: {  	s0 =	sor.u32 s1, s0  }
0xbf: {  	s0 =	sadd.s32 $0x8F2B, s0  }
0xc0: {  	[sflag:s0] =	ssyncadd.remote.s32 $0x1  }
0xc1: {  	_ =	sfence.sel $0xFFFF  }
0xc2: {  	[dreg:$0x0] =	wrdreg $0xFFFFFFFF;
	(pc) =	sbr.abs _section_cstart, $3  }
0xc3: {  	[dreg:$0x1] =	wrdreg $0xFFFFFFFF  }
0xc4: {  	_ =	task.clear_ibuf [dreg:s9], $0x2FFFF;
	_ =	strace $0x9FFFFFFF  }
0xc5: {  	(tm) =	ssettm $0x7FFFFFFF  }
tec
execute0_lowered:
.L_overlay_start_1:
0x0: {  	(tag) =	ssettag $0x1  }
0x1: {  	s5 =	rddreg [dreg:$0x0]  }
0x2: {  	s2 =	rddreg [dreg:$0x1]  }
0x3: {  	s4 =	rddreg [dreg:$0x2]  }
0x4: {  	s0 =	rddreg [dreg:$0x3];
	s6 =	srdreg.scid  }
0x5: {  	s1 =	stileid.u32;
	s3 =	simm.s32 $0x0;
	s10 =	simm.s32 $0x400  }
0x6: {  	s11 =	simm.s32 $0x8400;
	s6 =	sand.u32 $0x1, s6;
	s7 =	sshll.u32 s1, $0x1  }
0x7: {  	s12 =	simm.s32 $0x0;
	[smem:$0x7FF] =	sst s3;
	s7 =	sor.u32 s6, s7  }
0x8: {  	_ =	strace $0x80000047;
	s6 =	ssub.s32 $0x2, s6;
	s8 =	sshll.u32 s7, $0xD  }
0x9: {  	s9 =	sshrl.u32 s6, $0x1;
	s7 =	sshll.u32 s7, $0x6;
	s4 =	sadd.s32 s4, s8  }
0xa: {  	s31 =	ssub.s32 s6, s9;
	s5 =	sadd.s32 s5, s7;
	s8 =	simm.s32 $0x200  }
0xb: {  	s9 =	simm.s32 $0x1;
	s6 =	sadd.s32 $0x1000, s4;
	s7 =	smax.u32 s31, $0x1  }
.LBB2_1:
0xc: {  	[tilespmem:s3], [sflag:$0x1] =	stream.linear.gather [hbm4b:s5+s3], $0x200, $0x38;
	[tilespmem:$0x10400] =	vst v63  }
0xd: {  	_ = 	snop  }
0xe: {  	[tilespmem:s8], [sflag:$0x1] =	stream.linear.gather [hbm4b:s2+s3], $0x180, $0x38;
	[tilespmem:$0x10400] =	vst v63  }
0xf: {  	_ =	swait.ge [sflag:s9], $0x200  }
0x10: {  	[sflag:s9] =	ssyncset.done $0x0  }
0x11: {  	[sflag:s9] =	ssyncadd.s32 $0xFFFFFE00  }
0x12: {  	_ =	swait.ge [sflag:s9], $0x180  }
0x13: {  	[sflag:s9] =	ssyncset.done $0x0  }
0x14: {  	[sflag:s9] =	ssyncadd.s32 $0xFFFFFE80  }
0x15: {  	v0 =	vld [tilespmem:$0x200]  }
0x16: {  	v1 =	vld [tilespmem:$0x210]  }
0x17: {  	v2 =	vld [tilespmem:$0x220]  }
0x18: {  	v3 =	vld [tilespmem:$0x230]  }
0x19: {  	v4 =	vld [tilespmem:$0x240]  }
0x1a: {  	v5 =	vld [tilespmem:$0x250]  }
0x1b: {  	v6 =	vld [tilespmem:$0x260]  }
0x1c: {  	v7 =	vld [tilespmem:$0x270]  }
0x1d: {  	v8 =	vld [tilespmem:$0x280]  }
0x1e: {  	v9 =	vld [tilespmem:$0x290]  }
0x1f: {  	v10 =	vld [tilespmem:$0x2A0]  }
0x20: {  	v11 =	vld [tilespmem:$0x2B0]  }
0x21: {  	v12 =	vld [tilespmem:$0x2C0]  }
0x22: {  	v13 =	vld [tilespmem:$0x2D0]  }
0x23: {  	v14 =	vld [tilespmem:$0x2E0]  }
0x24: {  	v15 =	vld [tilespmem:$0x2F0]  }
0x25: {  	v16 =	vld [tilespmem:$0x300]  }
0x26: {  	v17 =	vld [tilespmem:$0x310]  }
0x27: {  	v18 =	vld [tilespmem:$0x320]  }
0x28: {  	v19 =	vld [tilespmem:$0x330]  }
0x29: {  	v20 =	vld [tilespmem:$0x340]  }
0x2a: {  	v21 =	vld [tilespmem:$0x350]  }
0x2b: {  	v22 =	vld [tilespmem:$0x360]  }
0x2c: {  	s13 =	simm.s32 $0x0;
	v23 =	vld [tilespmem:$0x370]  }
.LBB2_2:
0x2d: {  	s14 =	sshll.u32 s13, $0x4  }
0x2e: {  	s14 =	sand.u32 $0x3FFFFFF0, s14  }
0x2f: {  	v24 =	vld [tilespmem:s14+$0x0];
	_ =	sdelay $0x4  }
0x30: {  	(v2sf) =	vpush v24, $0x0;
	_ =	sdelay $0x7  }
0x31: {  	(v2sf) =	vpush v24, $0x1;
	_ =	sdelay $0x6  }
0x32: {  	s29 =	spop (v2sf)  }
0x33: {  	(v2sf) =	vpush v24, $0x2;
	p1 =	seq.s32 s29, $0x1  }
0x34: {  	s30 =	sshll.u32 s13, $0xB;
	p0 =	seq.s32 s29, $0x0;
	v25 =	vpsel p1, v8, v16  }
0x35: {  	s14 =	sand.u32 $0x3FFFF800, s30;
	v26 =	vpsel p1, v9, v17;
	v25 =	vpsel p0, v0, v25  }
0x36: {  	v28 =	vpsel p1, v10, v18;
	v63 =	vpsel p0, v1, v26;
	[tilespmem:s14+$0x400] =	vst v25  }
0x37: {  	v30 =	vpsel p1, v11, v19;
	v29 =	vpsel p0, v2, v28;
	[tilespmem:s14+$0x410] =	vst v63  }
0x38: {  	v32 =	vpsel p1, v12, v20;
	v31 =	vpsel p0, v3, v30;
	[tilespmem:s14+$0x420] =	vst v29  }
0x39: {  	v34 =	vpsel p1, v13, v21;
	v33 =	vpsel p0, v4, v32;
	[tilespmem:s14+$0x430] =	vst v31  }
0x3a: {  	s15 =	spop (v2sf);
	v36 =	vpsel p1, v14, v22;
	v35 =	vpsel p0, v5, v34;
	[tilespmem:s14+$0x440] =	vst v33  }
0x3b: {  	(v2sf) =	vpush v24, $0x3;
	v38 =	vpsel p1, v15, v23;
	p2 =	seq.s32 s15, $0x1;
	v37 =	vpsel p0, v6, v36;
	[tilespmem:s14+$0x450] =	vst v35  }
0x3c: {  	p3 =	seq.s32 s15, $0x0;
	v39 =	vpsel p0, v7, v38;
	v40 =	vpsel p2, v8, v16;
	[tilespmem:s14+$0x460] =	vst v37  }
0x3d: {  	v42 =	vpsel p2, v9, v17;
	[tilespmem:s14+$0x470] =	vst v39;
	v41 =	vpsel p3, v0, v40  }
0x3e: {  	v44 =	vpsel p2, v10, v18;
	v43 =	vpsel p3, v1, v42;
	[tilespmem:s14+$0x480] =	vst v41  }
0x3f: {  	v46 =	vpsel p2, v11, v19;
	v45 =	vpsel p3, v2, v44;
	[tilespmem:s14+$0x490] =	vst v43  }
0x40: {  	v48 =	vpsel p2, v12, v20;
	v47 =	vpsel p3, v3, v46;
	[tilespmem:s14+$0x4A0] =	vst v45  }
0x41: {  	v50 =	vpsel p2, v13, v21;
	v49 =	vpsel p3, v4, v48;
	[tilespmem:s14+$0x4B0] =	vst v47  }
0x42: {  	v52 =	vpsel p2, v14, v22;
	v51 =	vpsel p3, v5, v50;
	[tilespmem:s14+$0x4C0] =	vst v49;
	s31 =	spop (v2sf)  }
0x43: {  	v54 =	vpsel p2, v15, v23;
	v53 =	vpsel p3, v6, v52;
	[tilespmem:s14+$0x4D0] =	vst v51;
	(v2sf) =	vpush v24, $0x4;
	p4 =	seq.s32 s31, $0x1  }
0x44: {  	v55 =	vpsel p3, v7, v54;
	[tilespmem:s14+$0x4E0] =	vst v53;
	p5 =	seq.s32 s31, $0x0;
	v56 =	vpsel p4, v8, v16  }
0x45: {  	[tilespmem:s14+$0x4F0] =	vst v55;
	v58 =	vpsel p4, v9, v17;
	v57 =	vpsel p5, v0, v56  }
0x46: {  	v60 =	vpsel p4, v10, v18;
	v59 =	vpsel p5, v1, v58;
	[tilespmem:s14+$0x500] =	vst v57  }
0x47: {  	v62 =	vpsel p4, v11, v19;
	v61 =	vpsel p5, v2, v60;
	[tilespmem:s14+$0x510] =	vst v59  }
0x48: {  	v28 =	vpsel p4, v12, v20;
	v63 =	vpsel p5, v3, v62;
	[tilespmem:s14+$0x520] =	vst v61  }
0x49: {  	v30 =	vpsel p4, v13, v21;
	v29 =	vpsel p5, v4, v28;
	[tilespmem:s14+$0x530] =	vst v63  }
0x4a: {  	s16 =	spop (v2sf);
	v32 =	vpsel p4, v14, v22;
	v31 =	vpsel p5, v5, v30;
	[tilespmem:s14+$0x540] =	vst v29  }
0x4b: {  	(v2sf) =	vpush v24, $0x5;
	v34 =	vpsel p4, v15, v23;
	p6 =	seq.s32 s16, $0x1;
	v33 =	vpsel p5, v6, v32;
	[tilespmem:s14+$0x550] =	vst v31  }
0x4c: {  	p2 =	seq.s32 s16, $0x0;
	v35 =	vpsel p5, v7, v34;
	v36 =	vpsel p6, v8, v16;
	[tilespmem:s14+$0x560] =	vst v33  }
0x4d: {  	v38 =	vpsel p6, v9, v17;
	[tilespmem:s14+$0x570] =	vst v35;
	v37 =	vpsel p2, v0, v36  }
0x4e: {  	v40 =	vpsel p6, v10, v18;
	v39 =	vpsel p2, v1, v38;
	[tilespmem:s14+$0x580] =	vst v37  }
0x4f: {  	v42 =	vpsel p6, v11, v19;
	v41 =	vpsel p2, v2, v40;
	[tilespmem:s14+$0x590] =	vst v39  }
0x50: {  	v44 =	vpsel p6, v12, v20;
	v43 =	vpsel p2, v3, v42;
	[tilespmem:s14+$0x5A0] =	vst v41  }
0x51: {  	v46 =	vpsel p6, v13, v21;
	v45 =	vpsel p2, v4, v44;
	[tilespmem:s14+$0x5B0] =	vst v43  }
0x52: {  	v48 =	vpsel p6, v14, v22;
	v47 =	vpsel p2, v5, v46;
	[tilespmem:s14+$0x5C0] =	vst v45;
	s17 =	spop (v2sf)  }
0x53: {  	v50 =	vpsel p6, v15, v23;
	v49 =	vpsel p2, v6, v48;
	[tilespmem:s14+$0x5D0] =	vst v47;
	(v2sf) =	vpush v24, $0x6;
	p3 =	seq.s32 s17, $0x1  }
0x54: {  	v51 =	vpsel p2, v7, v50;
	[tilespmem:s14+$0x5E0] =	vst v49;
	p4 =	seq.s32 s17, $0x0;
	v52 =	vpsel p3, v8, v16  }
0x55: {  	[tilespmem:s14+$0x5F0] =	vst v51;
	v54 =	vpsel p3, v9, v17;
	v53 =	vpsel p4, v0, v52  }
0x56: {  	v56 =	vpsel p3, v10, v18;
	v55 =	vpsel p4, v1, v54;
	[tilespmem:s14+$0x600] =	vst v53  }
0x57: {  	v58 =	vpsel p3, v11, v19;
	v57 =	vpsel p4, v2, v56;
	[tilespmem:s14+$0x610] =	vst v55  }
0x58: {  	v60 =	vpsel p3, v12, v20;
	v59 =	vpsel p4, v3, v58;
	[tilespmem:s14+$0x620] =	vst v57  }
0x59: {  	v62 =	vpsel p3, v13, v21;
	v61 =	vpsel p4, v4, v60;
	[tilespmem:s14+$0x630] =	vst v59  }
0x5a: {  	s18 =	spop (v2sf);
	v28 =	vpsel p3, v14, v22;
	v63 =	vpsel p4, v5, v62;
	[tilespmem:s14+$0x640] =	vst v61  }
0x5b: {  	(v2sf) =	vpush v24, $0x7;
	v30 =	vpsel p3, v15, v23;
	p5 =	seq.s32 s18, $0x1;
	v29 =	vpsel p4, v6, v28;
	[tilespmem:s14+$0x650] =	vst v63  }
0x5c: {  	p6 =	seq.s32 s18, $0x0;
	v31 =	vpsel p4, v7, v30;
	v32 =	vpsel p5, v8, v16;
	[tilespmem:s14+$0x660] =	vst v29  }
0x5d: {  	v34 =	vpsel p5, v9, v17;
	[tilespmem:s14+$0x670] =	vst v31;
	v33 =	vpsel p6, v0, v32  }
0x5e: {  	v36 =	vpsel p5, v10, v18;
	v35 =	vpsel p6, v1, v34;
	[tilespmem:s14+$0x680] =	vst v33  }
0x5f: {  	v38 =	vpsel p5, v11, v19;
	v37 =	vpsel p6, v2, v36;
	[tilespmem:s14+$0x690] =	vst v35  }
0x60: {  	v40 =	vpsel p5, v12, v20;
	v39 =	vpsel p6, v3, v38;
	[tilespmem:s14+$0x6A0] =	vst v37  }
0x61: {  	v42 =	vpsel p5, v13, v21;
	v41 =	vpsel p6, v4, v40;
	[tilespmem:s14+$0x6B0] =	vst v39  }
0x62: {  	v44 =	vpsel p5, v14, v22;
	v43 =	vpsel p6, v5, v42;
	[tilespmem:s14+$0x6C0] =	vst v41;
	s19 =	spop (v2sf)  }
0x63: {  	v46 =	vpsel p5, v15, v23;
	v45 =	vpsel p6, v6, v44;
	[tilespmem:s14+$0x6D0] =	vst v43;
	(v2sf) =	vpush v24, $0x8;
	p2 =	seq.s32 s19, $0x1  }
0x64: {  	v47 =	vpsel p6, v7, v46;
	[tilespmem:s14+$0x6E0] =	vst v45;
	p3 =	seq.s32 s19, $0x0;
	v48 =	vpsel p2, v8, v16  }
0x65: {  	[tilespmem:s14+$0x6F0] =	vst v47;
	v50 =	vpsel p2, v9, v17;
	v49 =	vpsel p3, v0, v48  }
0x66: {  	v52 =	vpsel p2, v10, v18;
	v51 =	vpsel p3, v1, v50;
	[tilespmem:s14+$0x700] =	vst v49  }
0x67: {  	v54 =	vpsel p2, v11, v19;
	v53 =	vpsel p3, v2, v52;
	[tilespmem:s14+$0x710] =	vst v51  }
0x68: {  	v56 =	vpsel p2, v12, v20;
	v55 =	vpsel p3, v3, v54;
	[tilespmem:s14+$0x720] =	vst v53  }
0x69: {  	v58 =	vpsel p2, v13, v21;
	v57 =	vpsel p3, v4, v56;
	[tilespmem:s14+$0x730] =	vst v55  }
0x6a: {  	s20 =	spop (v2sf);
	v60 =	vpsel p2, v14, v22;
	v59 =	vpsel p3, v5, v58;
	[tilespmem:s14+$0x740] =	vst v57  }
0x6b: {  	(v2sf) =	vpush v24, $0x9;
	v62 =	vpsel p2, v15, v23;
	p4 =	seq.s32 s20, $0x1;
	v61 =	vpsel p3, v6, v60;
	[tilespmem:s14+$0x750] =	vst v59  }
0x6c: {  	p5 =	seq.s32 s20, $0x0;
	v63 =	vpsel p3, v7, v62;
	v28 =	vpsel p4, v8, v16;
	[tilespmem:s14+$0x760] =	vst v61  }
0x6d: {  	v30 =	vpsel p4, v9, v17;
	[tilespmem:s14+$0x770] =	vst v63;
	v29 =	vpsel p5, v0, v28  }
0x6e: {  	v32 =	vpsel p4, v10, v18;
	v31 =	vpsel p5, v1, v30;
	[tilespmem:s14+$0x780] =	vst v29  }
0x6f: {  	v34 =	vpsel p4, v11, v19;
	v33 =	vpsel p5, v2, v32;
	[tilespmem:s14+$0x790] =	vst v31  }
0x70: {  	v36 =	vpsel p4, v12, v20;
	v35 =	vpsel p5, v3, v34;
	[tilespmem:s14+$0x7A0] =	vst v33  }
0x71: {  	v38 =	vpsel p4, v13, v21;
	v37 =	vpsel p5, v4, v36;
	[tilespmem:s14+$0x7B0] =	vst v35  }
0x72: {  	v40 =	vpsel p4, v14, v22;
	v39 =	vpsel p5, v5, v38;
	[tilespmem:s14+$0x7C0] =	vst v37;
	s21 =	spop (v2sf)  }
0x73: {  	v42 =	vpsel p4, v15, v23;
	v41 =	vpsel p5, v6, v40;
	[tilespmem:s14+$0x7D0] =	vst v39;
	(v2sf) =	vpush v24, $0xA;
	p6 =	seq.s32 s21, $0x1  }
0x74: {  	v43 =	vpsel p5, v7, v42;
	[tilespmem:s14+$0x7E0] =	vst v41;
	p2 =	seq.s32 s21, $0x0;
	v44 =	vpsel p6, v8, v16  }
0x75: {  	[tilespmem:s14+$0x7F0] =	vst v43;
	v46 =	vpsel p6, v9, v17;
	v45 =	vpsel p2, v0, v44  }
0x76: {  	v48 =	vpsel p6, v10, v18;
	v47 =	vpsel p2, v1, v46;
	[tilespmem:s14+$0x800] =	vst v45  }
0x77: {  	v50 =	vpsel p6, v11, v19;
	v49 =	vpsel p2, v2, v48;
	[tilespmem:s14+$0x810] =	vst v47  }
0x78: {  	v52 =	vpsel p6, v12, v20;
	v51 =	vpsel p2, v3, v50;
	[tilespmem:s14+$0x820] =	vst v49  }
0x79: {  	v54 =	vpsel p6, v13, v21;
	v53 =	vpsel p2, v4, v52;
	[tilespmem:s14+$0x830] =	vst v51  }
0x7a: {  	s22 =	spop (v2sf);
	v56 =	vpsel p6, v14, v22;
	v55 =	vpsel p2, v5, v54;
	[tilespmem:s14+$0x840] =	vst v53  }
0x7b: {  	(v2sf) =	vpush v24, $0xB;
	v58 =	vpsel p6, v15, v23;
	p3 =	seq.s32 s22, $0x1;
	v57 =	vpsel p2, v6, v56;
	[tilespmem:s14+$0x850] =	vst v55  }
0x7c: {  	p4 =	seq.s32 s22, $0x0;
	v59 =	vpsel p2, v7, v58;
	v60 =	vpsel p3, v8, v16;
	[tilespmem:s14+$0x860] =	vst v57  }
0x7d: {  	v62 =	vpsel p3, v9, v17;
	[tilespmem:s14+$0x870] =	vst v59;
	v61 =	vpsel p4, v0, v60  }
0x7e: {  	v28 =	vpsel p3, v10, v18;
	v63 =	vpsel p4, v1, v62;
	[tilespmem:s14+$0x880] =	vst v61  }
0x7f: {  	v30 =	vpsel p3, v11, v19;
	v29 =	vpsel p4, v2, v28;
	[tilespmem:s14+$0x890] =	vst v63  }
0x80: {  	v32 =	vpsel p3, v12, v20;
	v31 =	vpsel p4, v3, v30;
	[tilespmem:s14+$0x8A0] =	vst v29  }
0x81: {  	v34 =	vpsel p3, v13, v21;
	v33 =	vpsel p4, v4, v32;
	[tilespmem:s14+$0x8B0] =	vst v31  }
0x82: {  	v36 =	vpsel p3, v14, v22;
	v35 =	vpsel p4, v5, v34;
	[tilespmem:s14+$0x8C0] =	vst v33;
	s23 =	spop (v2sf)  }
0x83: {  	v38 =	vpsel p3, v15, v23;
	v37 =	vpsel p4, v6, v36;
	[tilespmem:s14+$0x8D0] =	vst v35;
	(v2sf) =	vpush v24, $0xC;
	p5 =	seq.s32 s23, $0x1  }
0x84: {  	v39 =	vpsel p4, v7, v38;
	[tilespmem:s14+$0x8E0] =	vst v37;
	p6 =	seq.s32 s23, $0x0;
	v40 =	vpsel p5, v8, v16  }
0x85: {  	[tilespmem:s14+$0x8F0] =	vst v39;
	v42 =	vpsel p5, v9, v17;
	v41 =	vpsel p6, v0, v40  }
0x86: {  	v44 =	vpsel p5, v10, v18;
	v43 =	vpsel p6, v1, v42;
	[tilespmem:s14+$0x900] =	vst v41  }
0x87: {  	v46 =	vpsel p5, v11, v19;
	v45 =	vpsel p6, v2, v44;
	[tilespmem:s14+$0x910] =	vst v43  }
0x88: {  	v48 =	vpsel p5, v12, v20;
	v47 =	vpsel p6, v3, v46;
	[tilespmem:s14+$0x920] =	vst v45  }
0x89: {  	v50 =	vpsel p5, v13, v21;
	v49 =	vpsel p6, v4, v48;
	[tilespmem:s14+$0x930] =	vst v47  }
0x8a: {  	s24 =	spop (v2sf);
	v52 =	vpsel p5, v14, v22;
	v51 =	vpsel p6, v5, v50;
	[tilespmem:s14+$0x940] =	vst v49  }
0x8b: {  	(v2sf) =	vpush v24, $0xD;
	v54 =	vpsel p5, v15, v23;
	p2 =	seq.s32 s24, $0x1;
	v53 =	vpsel p6, v6, v52;
	[tilespmem:s14+$0x950] =	vst v51  }
0x8c: {  	p3 =	seq.s32 s24, $0x0;
	v55 =	vpsel p6, v7, v54;
	v56 =	vpsel p2, v8, v16;
	[tilespmem:s14+$0x960] =	vst v53  }
0x8d: {  	v58 =	vpsel p2, v9, v17;
	[tilespmem:s14+$0x970] =	vst v55;
	v57 =	vpsel p3, v0, v56  }
0x8e: {  	v60 =	vpsel p2, v10, v18;
	v59 =	vpsel p3, v1, v58;
	[tilespmem:s14+$0x980] =	vst v57  }
0x8f: {  	v62 =	vpsel p2, v11, v19;
	v61 =	vpsel p3, v2, v60;
	[tilespmem:s14+$0x990] =	vst v59  }
0x90: {  	v28 =	vpsel p2, v12, v20;
	v63 =	vpsel p3, v3, v62;
	[tilespmem:s14+$0x9A0] =	vst v61  }
0x91: {  	v30 =	vpsel p2, v13, v21;
	v29 =	vpsel p3, v4, v28;
	[tilespmem:s14+$0x9B0] =	vst v63  }
0x92: {  	v32 =	vpsel p2, v14, v22;
	v31 =	vpsel p3, v5, v30;
	[tilespmem:s14+$0x9C0] =	vst v29;
	s25 =	spop (v2sf)  }
0x93: {  	v34 =	vpsel p2, v15, v23;
	v33 =	vpsel p3, v6, v32;
	[tilespmem:s14+$0x9D0] =	vst v31;
	(v2sf) =	vpush v24, $0xE;
	p2 =	seq.s32 s25, $0x1  }
0x94: {  	v35 =	vpsel p3, v7, v34;
	[tilespmem:s14+$0x9E0] =	vst v33;
	p4 =	seq.s32 s25, $0x0;
	v36 =	vpsel p2, v8, v16  }
0x95: {  	[tilespmem:s14+$0x9F0] =	vst v35;
	v38 =	vpsel p2, v9, v17;
	v37 =	vpsel p4, v0, v36  }
0x96: {  	v40 =	vpsel p2, v10, v18;
	v39 =	vpsel p4, v1, v38;
	[tilespmem:s14+$0xA00] =	vst v37  }
0x97: {  	v42 =	vpsel p2, v11, v19;
	v41 =	vpsel p4, v2, v40;
	[tilespmem:s14+$0xA10] =	vst v39  }
0x98: {  	v44 =	vpsel p2, v12, v20;
	v43 =	vpsel p4, v3, v42;
	[tilespmem:s14+$0xA20] =	vst v41  }
0x99: {  	v46 =	vpsel p2, v13, v21;
	v45 =	vpsel p4, v4, v44;
	[tilespmem:s14+$0xA30] =	vst v43  }
0x9a: {  	s16 =	spop (v2sf);
	v48 =	vpsel p2, v14, v22;
	v47 =	vpsel p4, v5, v46;
	[tilespmem:s14+$0xA40] =	vst v45  }
0x9b: {  	s26 =	sor.u32 $0x1, s13;
	(v2sf) =	vpush v24, $0xF;
	v50 =	vpsel p2, v15, v23;
	p5 =	seq.s32 s16, $0x1;
	v49 =	vpsel p4, v6, v48;
	[tilespmem:s14+$0xA50] =	vst v47  }
0x9c: {  	s28 =	sshll.u32 s26, $0x4;
	p6 =	seq.s32 s16, $0x0;
	v51 =	vpsel p4, v7, v50;
	v52 =	vpsel p5, v8, v16;
	[tilespmem:s14+$0xA60] =	vst v49  }
0x9d: {  	s16 =	sand.u32 $0x3FFFFFF0, s28;
	v54 =	vpsel p5, v9, v17;
	[tilespmem:s14+$0xA70] =	vst v51;
	v53 =	vpsel p6, v0, v52  }
0x9e: {  	v55 =	vpsel p5, v10, v18;
	v24 =	vld [tilespmem:s16+$0x0];
	v25 =	vpsel p6, v1, v54;
	[tilespmem:s14+$0xA80] =	vst v53  }
0x9f: {  	v57 =	vpsel p5, v11, v19;
	v56 =	vpsel p6, v2, v55;
	[tilespmem:s14+$0xA90] =	vst v25  }
0xa0: {  	v59 =	vpsel p5, v12, v20;
	v58 =	vpsel p6, v3, v57;
	[tilespmem:s14+$0xAA0] =	vst v56  }
0xa1: {  	v61 =	vpsel p5, v13, v21;
	v60 =	vpsel p6, v4, v59;
	[tilespmem:s14+$0xAB0] =	vst v58  }
0xa2: {  	v63 =	vpsel p5, v14, v22;
	v62 =	vpsel p6, v5, v61;
	[tilespmem:s14+$0xAC0] =	vst v60;
	s29 =	spop (v2sf)  }
0xa3: {  	v29 =	vpsel p5, v15, v23;
	v28 =	vpsel p6, v6, v63;
	[tilespmem:s14+$0xAD0] =	vst v62;
	(v2sf) =	vpush v24, $0x0;
	p0 =	seq.s32 s29, $0x1  }
0xa4: {  	v30 =	vpsel p6, v7, v29;
	[tilespmem:s14+$0xAE0] =	vst v28;
	p1 =	seq.s32 s29, $0x0;
	v31 =	vpsel p0, v8, v16  }
0xa5: {  	[tilespmem:s14+$0xAF0] =	vst v30;
	v33 =	vpsel p0, v9, v17;
	v32 =	vpsel p1, v0, v31  }
0xa6: {  	v35 =	vpsel p0, v10, v18;
	v34 =	vpsel p1, v1, v33;
	[tilespmem:s14+$0xB00] =	vst v32  }
0xa7: {  	v37 =	vpsel p0, v11, v19;
	v36 =	vpsel p1, v2, v35;
	[tilespmem:s14+$0xB10] =	vst v34  }
0xa8: {  	v39 =	vpsel p0, v12, v20;
	v38 =	vpsel p1, v3, v37;
	[tilespmem:s14+$0xB20] =	vst v36  }
0xa9: {  	v41 =	vpsel p0, v13, v21;
	v40 =	vpsel p1, v4, v39;
	[tilespmem:s14+$0xB30] =	vst v38  }
0xaa: {  	s30 =	spop (v2sf);
	v43 =	vpsel p0, v14, v22;
	v42 =	vpsel p1, v5, v41;
	[tilespmem:s14+$0xB40] =	vst v40  }
0xab: {  	(v2sf) =	vpush v24, $0x1;
	v45 =	vpsel p0, v15, v23;
	p3 =	seq.s32 s30, $0x1;
	v44 =	vpsel p1, v6, v43;
	[tilespmem:s14+$0xB50] =	vst v42  }
0xac: {  	p4 =	seq.s32 s30, $0x0;
	v46 =	vpsel p1, v7, v45;
	v47 =	vpsel p3, v8, v16;
	[tilespmem:s14+$0xB60] =	vst v44  }
0xad: {  	v49 =	vpsel p3, v9, v17;
	[tilespmem:s14+$0xB70] =	vst v46;
	v48 =	vpsel p4, v0, v47  }
0xae: {  	v51 =	vpsel p3, v10, v18;
	v50 =	vpsel p4, v1, v49;
	[tilespmem:s14+$0xB80] =	vst v48  }
0xaf: {  	v53 =	vpsel p3, v11, v19;
	v52 =	vpsel p4, v2, v51;
	[tilespmem:s14+$0xB90] =	vst v50  }
0xb0: {  	v55 =	vpsel p3, v12, v20;
	v54 =	vpsel p4, v3, v53;
	[tilespmem:s14+$0xBA0] =	vst v52  }
0xb1: {  	v57 =	vpsel p3, v13, v21;
	v56 =	vpsel p4, v4, v55;
	[tilespmem:s14+$0xBB0] =	vst v54  }
0xb2: {  	v59 =	vpsel p3, v14, v22;
	v58 =	vpsel p4, v5, v57;
	[tilespmem:s14+$0xBC0] =	vst v56;
	s31 =	spop (v2sf)  }
0xb3: {  	v61 =	vpsel p3, v15, v23;
	v60 =	vpsel p4, v6, v59;
	[tilespmem:s14+$0xBD0] =	vst v58;
	(v2sf) =	vpush v24, $0x2;
	p5 =	seq.s32 s31, $0x1  }
0xb4: {  	s15 =	sshll.u32 s26, $0xB;
	v26 =	vpsel p4, v7, v61;
	[tilespmem:s14+$0xBE0] =	vst v60;
	p6 =	seq.s32 s31, $0x0;
	v62 =	vpsel p5, v8, v16  }
0xb5: {  	[tilespmem:s14+$0xBF0] =	vst v26;
	s14 =	sand.u32 $0x3FFFF800, s15;
	v63 =	vpsel p5, v9, v17;
	v25 =	vpsel p6, v0, v62  }
0xb6: {  	v29 =	vpsel p5, v10, v18;
	v28 =	vpsel p6, v1, v63;
	[tilespmem:s14+$0x400] =	vst v25  }
0xb7: {  	v31 =	vpsel p5, v11, v19;
	v30 =	vpsel p6, v2, v29;
	[tilespmem:s14+$0x410] =	vst v28  }
0xb8: {  	v33 =	vpsel p5, v12, v20;
	v32 =	vpsel p6, v3, v31;
	[tilespmem:s14+$0x420] =	vst v30  }
0xb9: {  	v35 =	vpsel p5, v13, v21;
	v34 =	vpsel p6, v4, v33;
	[tilespmem:s14+$0x430] =	vst v32  }
0xba: {  	s16 =	spop (v2sf);
	v37 =	vpsel p5, v14, v22;
	v36 =	vpsel p6, v5, v35;
	[tilespmem:s14+$0x440] =	vst v34  }
0xbb: {  	(v2sf) =	vpush v24, $0x3;
	v39 =	vpsel p5, v15, v23;
	p3 =	seq.s32 s16, $0x1;
	v38 =	vpsel p6, v6, v37;
	[tilespmem:s14+$0x450] =	vst v36  }
0xbc: {  	p4 =	seq.s32 s16, $0x0;
	v40 =	vpsel p6, v7, v39;
	v41 =	vpsel p3, v8, v16;
	[tilespmem:s14+$0x460] =	vst v38  }
0xbd: {  	v43 =	vpsel p3, v9, v17;
	[tilespmem:s14+$0x470] =	vst v40;
	v42 =	vpsel p4, v0, v41  }
0xbe: {  	v45 =	vpsel p3, v10, v18;
	v44 =	vpsel p4, v1, v43;
	[tilespmem:s14+$0x480] =	vst v42  }
0xbf: {  	v47 =	vpsel p3, v11, v19;
	v46 =	vpsel p4, v2, v45;
	[tilespmem:s14+$0x490] =	vst v44  }
0xc0: {  	v49 =	vpsel p3, v12, v20;
	v48 =	vpsel p4, v3, v47;
	[tilespmem:s14+$0x4A0] =	vst v46  }
0xc1: {  	v51 =	vpsel p3, v13, v21;
	v50 =	vpsel p4, v4, v49;
	[tilespmem:s14+$0x4B0] =	vst v48  }
0xc2: {  	v53 =	vpsel p3, v14, v22;
	v52 =	vpsel p4, v5, v51;
	[tilespmem:s14+$0x4C0] =	vst v50;
	s17 =	spop (v2sf)  }
0xc3: {  	v55 =	vpsel p3, v15, v23;
	v54 =	vpsel p4, v6, v53;
	[tilespmem:s14+$0x4D0] =	vst v52;
	(v2sf) =	vpush v24, $0x4;
	p5 =	seq.s32 s17, $0x1  }
0xc4: {  	v56 =	vpsel p4, v7, v55;
	[tilespmem:s14+$0x4E0] =	vst v54;
	p6 =	seq.s32 s17, $0x0;
	v57 =	vpsel p5, v8, v16  }
0xc5: {  	[tilespmem:s14+$0x4F0] =	vst v56;
	v59 =	vpsel p5, v9, v17;
	v58 =	vpsel p6, v0, v57  }
0xc6: {  	v61 =	vpsel p5, v10, v18;
	v60 =	vpsel p6, v1, v59;
	[tilespmem:s14+$0x500] =	vst v58  }
0xc7: {  	v63 =	vpsel p5, v11, v19;
	v62 =	vpsel p6, v2, v61;
	[tilespmem:s14+$0x510] =	vst v60  }
0xc8: {  	v29 =	vpsel p5, v12, v20;
	v28 =	vpsel p6, v3, v63;
	[tilespmem:s14+$0x520] =	vst v62  }
0xc9: {  	v31 =	vpsel p5, v13, v21;
	v30 =	vpsel p6, v4, v29;
	[tilespmem:s14+$0x530] =	vst v28  }
0xca: {  	s18 =	spop (v2sf);
	v33 =	vpsel p5, v14, v22;
	v32 =	vpsel p6, v5, v31;
	[tilespmem:s14+$0x540] =	vst v30  }
0xcb: {  	(v2sf) =	vpush v24, $0x5;
	v35 =	vpsel p5, v15, v23;
	p2 =	seq.s32 s18, $0x1;
	v34 =	vpsel p6, v6, v33;
	[tilespmem:s14+$0x550] =	vst v32  }
0xcc: {  	p3 =	seq.s32 s18, $0x0;
	v36 =	vpsel p6, v7, v35;
	v37 =	vpsel p2, v8, v16;
	[tilespmem:s14+$0x560] =	vst v34  }
0xcd: {  	v39 =	vpsel p2, v9, v17;
	[tilespmem:s14+$0x570] =	vst v36;
	v38 =	vpsel p3, v0, v37  }
0xce: {  	v41 =	vpsel p2, v10, v18;
	v40 =	vpsel p3, v1, v39;
	[tilespmem:s14+$0x580] =	vst v38  }
0xcf: {  	v43 =	vpsel p2, v11, v19;
	v42 =	vpsel p3, v2, v41;
	[tilespmem:s14+$0x590] =	vst v40  }
0xd0: {  	v45 =	vpsel p2, v12, v20;
	v44 =	vpsel p3, v3, v43;
	[tilespmem:s14+$0x5A0] =	vst v42  }
0xd1: {  	v47 =	vpsel p2, v13, v21;
	v46 =	vpsel p3, v4, v45;
	[tilespmem:s14+$0x5B0] =	vst v44  }
0xd2: {  	v49 =	vpsel p2, v14, v22;
	v48 =	vpsel p3, v5, v47;
	[tilespmem:s14+$0x5C0] =	vst v46;
	s19 =	spop (v2sf)  }
0xd3: {  	v51 =	vpsel p2, v15, v23;
	v50 =	vpsel p3, v6, v49;
	[tilespmem:s14+$0x5D0] =	vst v48;
	(v2sf) =	vpush v24, $0x6;
	p4 =	seq.s32 s19, $0x1  }
0xd4: {  	v52 =	vpsel p3, v7, v51;
	[tilespmem:s14+$0x5E0] =	vst v50;
	p5 =	seq.s32 s19, $0x0;
	v53 =	vpsel p4, v8, v16  }
0xd5: {  	[tilespmem:s14+$0x5F0] =	vst v52;
	v55 =	vpsel p4, v9, v17;
	v54 =	vpsel p5, v0, v53  }
0xd6: {  	v57 =	vpsel p4, v10, v18;
	v56 =	vpsel p5, v1, v55;
	[tilespmem:s14+$0x600] =	vst v54  }
0xd7: {  	v59 =	vpsel p4, v11, v19;
	v58 =	vpsel p5, v2, v57;
	[tilespmem:s14+$0x610] =	vst v56  }
0xd8: {  	v61 =	vpsel p4, v12, v20;
	v60 =	vpsel p5, v3, v59;
	[tilespmem:s14+$0x620] =	vst v58  }
0xd9: {  	v63 =	vpsel p4, v13, v21;
	v62 =	vpsel p5, v4, v61;
	[tilespmem:s14+$0x630] =	vst v60  }
0xda: {  	s20 =	spop (v2sf);
	v29 =	vpsel p4, v14, v22;
	v28 =	vpsel p5, v5, v63;
	[tilespmem:s14+$0x640] =	vst v62  }
0xdb: {  	(v2sf) =	vpush v24, $0x7;
	v31 =	vpsel p4, v15, v23;
	p6 =	seq.s32 s20, $0x1;
	v30 =	vpsel p5, v6, v29;
	[tilespmem:s14+$0x650] =	vst v28  }
0xdc: {  	p2 =	seq.s32 s20, $0x0;
	v32 =	vpsel p5, v7, v31;
	v33 =	vpsel p6, v8, v16;
	[tilespmem:s14+$0x660] =	vst v30  }
0xdd: {  	v35 =	vpsel p6, v9, v17;
	[tilespmem:s14+$0x670] =	vst v32;
	v34 =	vpsel p2, v0, v33  }
0xde: {  	v37 =	vpsel p6, v10, v18;
	v36 =	vpsel p2, v1, v35;
	[tilespmem:s14+$0x680] =	vst v34  }
0xdf: {  	v39 =	vpsel p6, v11, v19;
	v38 =	vpsel p2, v2, v37;
	[tilespmem:s14+$0x690] =	vst v36  }
0xe0: {  	v41 =	vpsel p6, v12, v20;
	v40 =	vpsel p2, v3, v39;
	[tilespmem:s14+$0x6A0] =	vst v38  }
0xe1: {  	v43 =	vpsel p6, v13, v21;
	v42 =	vpsel p2, v4, v41;
	[tilespmem:s14+$0x6B0] =	vst v40  }
0xe2: {  	v45 =	vpsel p6, v14, v22;
	v44 =	vpsel p2, v5, v43;
	[tilespmem:s14+$0x6C0] =	vst v42;
	s21 =	spop (v2sf)  }
0xe3: {  	v47 =	vpsel p6, v15, v23;
	v46 =	vpsel p2, v6, v45;
	[tilespmem:s14+$0x6D0] =	vst v44;
	(v2sf) =	vpush v24, $0x8;
	p3 =	seq.s32 s21, $0x1  }
0xe4: {  	v48 =	vpsel p2, v7, v47;
	[tilespmem:s14+$0x6E0] =	vst v46;
	p4 =	seq.s32 s21, $0x0;
	v49 =	vpsel p3, v8, v16  }
0xe5: {  	[tilespmem:s14+$0x6F0] =	vst v48;
	v51 =	vpsel p3, v9, v17;
	v50 =	vpsel p4, v0, v49  }
0xe6: {  	v53 =	vpsel p3, v10, v18;
	v52 =	vpsel p4, v1, v51;
	[tilespmem:s14+$0x700] =	vst v50  }
0xe7: {  	v55 =	vpsel p3, v11, v19;
	v54 =	vpsel p4, v2, v53;
	[tilespmem:s14+$0x710] =	vst v52  }
0xe8: {  	v57 =	vpsel p3, v12, v20;
	v56 =	vpsel p4, v3, v55;
	[tilespmem:s14+$0x720] =	vst v54  }
0xe9: {  	v59 =	vpsel p3, v13, v21;
	v58 =	vpsel p4, v4, v57;
	[tilespmem:s14+$0x730] =	vst v56  }
0xea: {  	s22 =	spop (v2sf);
	v61 =	vpsel p3, v14, v22;
	v60 =	vpsel p4, v5, v59;
	[tilespmem:s14+$0x740] =	vst v58  }
0xeb: {  	(v2sf) =	vpush v24, $0x9;
	v63 =	vpsel p3, v15, v23;
	p5 =	seq.s32 s22, $0x1;
	v62 =	vpsel p4, v6, v61;
	[tilespmem:s14+$0x750] =	vst v60  }
0xec: {  	p6 =	seq.s32 s22, $0x0;
	v28 =	vpsel p4, v7, v63;
	v29 =	vpsel p5, v8, v16;
	[tilespmem:s14+$0x760] =	vst v62  }
0xed: {  	v31 =	vpsel p5, v9, v17;
	[tilespmem:s14+$0x770] =	vst v28;
	v30 =	vpsel p6, v0, v29  }
0xee: {  	v33 =	vpsel p5, v10, v18;
	v32 =	vpsel p6, v1, v31;
	[tilespmem:s14+$0x780] =	vst v30  }
0xef: {  	v35 =	vpsel p5, v11, v19;
	v34 =	vpsel p6, v2, v33;
	[tilespmem:s14+$0x790] =	vst v32  }
0xf0: {  	v37 =	vpsel p5, v12, v20;
	v36 =	vpsel p6, v3, v35;
	[tilespmem:s14+$0x7A0] =	vst v34  }
0xf1: {  	v39 =	vpsel p5, v13, v21;
	v38 =	vpsel p6, v4, v37;
	[tilespmem:s14+$0x7B0] =	vst v36  }
0xf2: {  	v41 =	vpsel p5, v14, v22;
	v40 =	vpsel p6, v5, v39;
	[tilespmem:s14+$0x7C0] =	vst v38;
	s23 =	spop (v2sf)  }
0xf3: {  	v43 =	vpsel p5, v15, v23;
	v42 =	vpsel p6, v6, v41;
	[tilespmem:s14+$0x7D0] =	vst v40;
	(v2sf) =	vpush v24, $0xA;
	p2 =	seq.s32 s23, $0x1  }
0xf4: {  	v44 =	vpsel p6, v7, v43;
	[tilespmem:s14+$0x7E0] =	vst v42;
	p3 =	seq.s32 s23, $0x0;
	v45 =	vpsel p2, v8, v16  }
0xf5: {  	[tilespmem:s14+$0x7F0] =	vst v44;
	v47 =	vpsel p2, v9, v17;
	v46 =	vpsel p3, v0, v45  }
0xf6: {  	v49 =	vpsel p2, v10, v18;
	v48 =	vpsel p3, v1, v47;
	[tilespmem:s14+$0x800] =	vst v46  }
0xf7: {  	v51 =	vpsel p2, v11, v19;
	v50 =	vpsel p3, v2, v49;
	[tilespmem:s14+$0x810] =	vst v48  }
0xf8: {  	v53 =	vpsel p2, v12, v20;
	v52 =	vpsel p3, v3, v51;
	[tilespmem:s14+$0x820] =	vst v50  }
0xf9: {  	v55 =	vpsel p2, v13, v21;
	v54 =	vpsel p3, v4, v53;
	[tilespmem:s14+$0x830] =	vst v52  }
0xfa: {  	s24 =	spop (v2sf);
	v57 =	vpsel p2, v14, v22;
	v56 =	vpsel p3, v5, v55;
	[tilespmem:s14+$0x840] =	vst v54  }
0xfb: {  	(v2sf) =	vpush v24, $0xB;
	v59 =	vpsel p2, v15, v23;
	p4 =	seq.s32 s24, $0x1;
	v58 =	vpsel p3, v6, v57;
	[tilespmem:s14+$0x850] =	vst v56  }
0xfc: {  	p5 =	seq.s32 s24, $0x0;
	v60 =	vpsel p3, v7, v59;
	v61 =	vpsel p4, v8, v16;
	[tilespmem:s14+$0x860] =	vst v58  }
0xfd: {  	v63 =	vpsel p4, v9, v17;
	[tilespmem:s14+$0x870] =	vst v60;
	v62 =	vpsel p5, v0, v61  }
0xfe: {  	v29 =	vpsel p4, v10, v18;
	v28 =	vpsel p5, v1, v63;
	[tilespmem:s14+$0x880] =	vst v62  }
0xff: {  	v31 =	vpsel p4, v11, v19;
	v30 =	vpsel p5, v2, v29;
	[tilespmem:s14+$0x890] =	vst v28  }
0x100: {  	v33 =	vpsel p4, v12, v20;
	v32 =	vpsel p5, v3, v31;
	[tilespmem:s14+$0x8A0] =	vst v30  }
0x101: {  	v35 =	vpsel p4, v13, v21;
	v34 =	vpsel p5, v4, v33;
	[tilespmem:s14+$0x8B0] =	vst v32  }
0x102: {  	v37 =	vpsel p4, v14, v22;
	v36 =	vpsel p5, v5, v35;
	[tilespmem:s14+$0x8C0] =	vst v34;
	s25 =	spop (v2sf)  }
0x103: {  	v39 =	vpsel p4, v15, v23;
	v38 =	vpsel p5, v6, v37;
	[tilespmem:s14+$0x8D0] =	vst v36;
	(v2sf) =	vpush v24, $0xC;
	p6 =	seq.s32 s25, $0x1  }
0x104: {  	v40 =	vpsel p5, v7, v39;
	[tilespmem:s14+$0x8E0] =	vst v38;
	p2 =	seq.s32 s25, $0x0;
	v41 =	vpsel p6, v8, v16  }
0x105: {  	[tilespmem:s14+$0x8F0] =	vst v40;
	v43 =	vpsel p6, v9, v17;
	v42 =	vpsel p2, v0, v41  }
0x106: {  	v45 =	vpsel p6, v10, v18;
	v44 =	vpsel p2, v1, v43;
	[tilespmem:s14+$0x900] =	vst v42  }
0x107: {  	v47 =	vpsel p6, v11, v19;
	v46 =	vpsel p2, v2, v45;
	[tilespmem:s14+$0x910] =	vst v44  }
0x108: {  	v49 =	vpsel p6, v12, v20;
	v48 =	vpsel p2, v3, v47;
	[tilespmem:s14+$0x920] =	vst v46  }
0x109: {  	v51 =	vpsel p6, v13, v21;
	v50 =	vpsel p2, v4, v49;
	[tilespmem:s14+$0x930] =	vst v48  }
0x10a: {  	s26 =	spop (v2sf);
	v53 =	vpsel p6, v14, v22;
	v52 =	vpsel p2, v5, v51;
	[tilespmem:s14+$0x940] =	vst v50  }
0x10b: {  	(v2sf) =	vpush v24, $0xD;
	v55 =	vpsel p6, v15, v23;
	p3 =	seq.s32 s26, $0x1;
	v54 =	vpsel p2, v6, v53;
	[tilespmem:s14+$0x950] =	vst v52  }
0x10c: {  	p4 =	seq.s32 s26, $0x0;
	v56 =	vpsel p2, v7, v55;
	v57 =	vpsel p3, v8, v16;
	[tilespmem:s14+$0x960] =	vst v54  }
0x10d: {  	v59 =	vpsel p3, v9, v17;
	[tilespmem:s14+$0x970] =	vst v56;
	v58 =	vpsel p4, v0, v57  }
0x10e: {  	v61 =	vpsel p3, v10, v18;
	v60 =	vpsel p4, v1, v59;
	[tilespmem:s14+$0x980] =	vst v58  }
0x10f: {  	v63 =	vpsel p3, v11, v19;
	v62 =	vpsel p4, v2, v61;
	[tilespmem:s14+$0x990] =	vst v60  }
0x110: {  	v29 =	vpsel p3, v12, v20;
	v28 =	vpsel p4, v3, v63;
	[tilespmem:s14+$0x9A0] =	vst v62  }
0x111: {  	v31 =	vpsel p3, v13, v21;
	v30 =	vpsel p4, v4, v29;
	[tilespmem:s14+$0x9B0] =	vst v28  }
0x112: {  	v33 =	vpsel p3, v14, v22;
	v32 =	vpsel p4, v5, v31;
	[tilespmem:s14+$0x9C0] =	vst v30;
	s28 =	spop (v2sf)  }
0x113: {  	v35 =	vpsel p3, v15, v23;
	v34 =	vpsel p4, v6, v33;
	[tilespmem:s14+$0x9D0] =	vst v32;
	(v2sf) =	vpush v24, $0xE;
	p5 =	seq.s32 s28, $0x1  }
0x114: {  	v36 =	vpsel p4, v7, v35;
	[tilespmem:s14+$0x9E0] =	vst v34;
	p6 =	seq.s32 s28, $0x0;
	v37 =	vpsel p5, v8, v16  }
0x115: {  	[tilespmem:s14+$0x9F0] =	vst v36;
	v39 =	vpsel p5, v9, v17;
	v38 =	vpsel p6, v0, v37  }
0x116: {  	v41 =	vpsel p5, v10, v18;
	v40 =	vpsel p6, v1, v39;
	[tilespmem:s14+$0xA00] =	vst v38  }
0x117: {  	v43 =	vpsel p5, v11, v19;
	v42 =	vpsel p6, v2, v41;
	[tilespmem:s14+$0xA10] =	vst v40  }
0x118: {  	v45 =	vpsel p5, v12, v20;
	v44 =	vpsel p6, v3, v43;
	[tilespmem:s14+$0xA20] =	vst v42  }
0x119: {  	v47 =	vpsel p5, v13, v21;
	v46 =	vpsel p6, v4, v45;
	[tilespmem:s14+$0xA30] =	vst v44  }
0x11a: {  	s29 =	spop (v2sf);
	v49 =	vpsel p5, v14, v22;
	v48 =	vpsel p6, v5, v47;
	[tilespmem:s14+$0xA40] =	vst v46  }
0x11b: {  	(v2sf) =	vpush v24, $0xF;
	v51 =	vpsel p5, v15, v23;
	p0 =	seq.s32 s29, $0x1;
	v50 =	vpsel p6, v6, v49;
	[tilespmem:s14+$0xA50] =	vst v48  }
0x11c: {  	p1 =	seq.s32 s29, $0x0;
	v24 =	vpsel p6, v7, v51;
	v52 =	vpsel p0, v8, v16;
	[tilespmem:s14+$0xA60] =	vst v50  }
0x11d: {  	v54 =	vpsel p0, v9, v17;
	[tilespmem:s14+$0xA70] =	vst v24;
	v53 =	vpsel p1, v0, v52  }
0x11e: {  	v56 =	vpsel p0, v10, v18;
	v55 =	vpsel p1, v1, v54;
	[tilespmem:s14+$0xA80] =	vst v53  }
0x11f: {  	v58 =	vpsel p0, v11, v19;
	v57 =	vpsel p1, v2, v56;
	[tilespmem:s14+$0xA90] =	vst v55  }
0x120: {  	v60 =	vpsel p0, v12, v20;
	v59 =	vpsel p1, v3, v58;
	[tilespmem:s14+$0xAA0] =	vst v57  }
0x121: {  	v62 =	vpsel p0, v13, v21;
	v61 =	vpsel p1, v4, v60;
	[tilespmem:s14+$0xAB0] =	vst v59  }
0x122: {  	v28 =	vpsel p0, v14, v22;
	v63 =	vpsel p1, v5, v62;
	[tilespmem:s14+$0xAC0] =	vst v61;
	s30 =	spop (v2sf)  }
0x123: {  	v30 =	vpsel p0, v15, v23;
	v29 =	vpsel p1, v6, v28;
	[tilespmem:s14+$0xAD0] =	vst v63;
	p3 =	seq.s32 s30, $0x1  }
0x124: {  	v31 =	vpsel p1, v7, v30;
	[tilespmem:s14+$0xAE0] =	vst v29;
	p4 =	seq.s32 s30, $0x0;
	v32 =	vpsel p3, v8, v16  }
0x125: {  	[tilespmem:s14+$0xAF0] =	vst v31;
	v34 =	vpsel p3, v9, v17;
	v33 =	vpsel p4, v0, v32  }
0x126: {  	v36 =	vpsel p3, v10, v18;
	v35 =	vpsel p4, v1, v34;
	[tilespmem:s14+$0xB00] =	vst v33  }
0x127: {  	v38 =	vpsel p3, v11, v19;
	v37 =	vpsel p4, v2, v36;
	[tilespmem:s14+$0xB10] =	vst v35  }
0x128: {  	v40 =	vpsel p3, v12, v20;
	v39 =	vpsel p4, v3, v38;
	[tilespmem:s14+$0xB20] =	vst v37  }
0x129: {  	v42 =	vpsel p3, v13, v21;
	v41 =	vpsel p4, v4, v40;
	[tilespmem:s14+$0xB30] =	vst v39  }
0x12a: {  	s31 =	spop (v2sf);
	v44 =	vpsel p3, v14, v22;
	v43 =	vpsel p4, v5, v42;
	[tilespmem:s14+$0xB40] =	vst v41  }
0x12b: {  	v46 =	vpsel p3, v15, v23;
	p5 =	seq.s32 s31, $0x1;
	v45 =	vpsel p4, v6, v44;
	[tilespmem:s14+$0xB50] =	vst v43  }
0x12c: {  	p6 =	seq.s32 s31, $0x0;
	v47 =	vpsel p4, v7, v46;
	v48 =	vpsel p5, v8, v16;
	[tilespmem:s14+$0xB60] =	vst v45  }
0x12d: {  	v50 =	vpsel p5, v9, v17;
	[tilespmem:s14+$0xB70] =	vst v47;
	v49 =	vpsel p6, v0, v48  }
0x12e: {  	v52 =	vpsel p5, v10, v18;
	v51 =	vpsel p6, v1, v50;
	[tilespmem:s14+$0xB80] =	vst v49  }
0x12f: {  	v54 =	vpsel p5, v11, v19;
	v53 =	vpsel p6, v2, v52;
	[tilespmem:s14+$0xB90] =	vst v51  }
0x130: {  	p1 =	slt.u32 s13, $0xE;
	v56 =	vpsel p5, v12, v20;
	v55 =	vpsel p6, v3, v54;
	[tilespmem:s14+$0xBA0] =	vst v53  }
.Ltmp0:
0x131: {  	v58 =	vpsel p5, v13, v21;
	v57 =	vpsel p6, v4, v56;
	[tilespmem:s14+$0xBB0] =	vst v55;
	(pc) =	sbr.rel @p1 .LBB2_2-.Ltmp0, $4  }
0x132: {  	v60 =	vpsel p5, v14, v22;
	v59 =	vpsel p6, v5, v58;
	[tilespmem:s14+$0xBC0] =	vst v57  }
0x133: {  	v62 =	vpsel p5, v15, v23;
	v61 =	vpsel p6, v6, v60;
	[tilespmem:s14+$0xBD0] =	vst v59  }
0x134: {  	v63 =	vpsel p6, v7, v62;
	[tilespmem:s14+$0xBE0] =	vst v61  }
0x135: {  	s13 =	sadd.s32 $0x2, s13;
	[tilespmem:s14+$0xBF0] =	vst v63  }
0x136: {  	s13 =	simm.s32 $0x0  }
0x137: {  	[hbm4b:s4+s13] =	stream.linear.scatter [tilespmem:s10], [sflag:$0x1], $0x8000, $0x38;
	[tilespmem:$0x10400] =	vst v63  }
.LBB2_4:
0x138: {  	s15 =	sshll.u32 s13, $0x4  }
0x139: {  	s14 =	sor.u32 $0x100, s15  }
0x13a: {  	s16 =	sand.u32 $0x1E0, s14  }
0x13b: {  	v24 =	vld [tilespmem:s16+$0x0];
	_ =	sdelay $0x4  }
0x13c: {  	(v2sf) =	vpush v24, $0x0;
	_ =	sdelay $0x7  }
0x13d: {  	(v2sf) =	vpush v24, $0x1;
	_ =	sdelay $0x6  }
0x13e: {  	s26 =	spop (v2sf)  }
0x13f: {  	(v2sf) =	vpush v24, $0x2;
	p1 =	seq.s32 s26, $0x1  }
0x140: {  	s14 =	sshll.u32 s14, $0x7;
	p0 =	seq.s32 s26, $0x0;
	v25 =	vpsel p1, v8, v16  }
0x141: {  	s14 =	sand.u32 $0x3FFFF800, s14;
	v26 =	vpsel p1, v9, v17;
	v25 =	vpsel p0, v0, v25  }
0x142: {  	v62 =	vpsel p1, v10, v18;
	v61 =	vpsel p0, v1, v26;
	[tilespmem:s14+$0x400] =	vst v25  }
0x143: {  	v28 =	vpsel p1, v11, v19;
	v63 =	vpsel p0, v2, v62;
	[tilespmem:s14+$0x410] =	vst v61  }
0x144: {  	v30 =	vpsel p1, v12, v20;
	v29 =	vpsel p0, v3, v28;
	[tilespmem:s14+$0x420] =	vst v63  }
0x145: {  	v32 =	vpsel p1, v13, v21;
	v31 =	vpsel p0, v4, v30;
	[tilespmem:s14+$0x430] =	vst v29  }
0x146: {  	s28 =	spop (v2sf);
	v34 =	vpsel p1, v14, v22;
	v33 =	vpsel p0, v5, v32;
	[tilespmem:s14+$0x440] =	vst v31  }
0x147: {  	(v2sf) =	vpush v24, $0x3;
	v36 =	vpsel p1, v15, v23;
	p2 =	seq.s32 s28, $0x1;
	v35 =	vpsel p0, v6, v34;
	[tilespmem:s14+$0x450] =	vst v33  }
0x148: {  	s29 =	sshll.u32 s13, $0xB;
	p3 =	seq.s32 s28, $0x0;
	v37 =	vpsel p0, v7, v36;
	v38 =	vpsel p2, v8, v16;
	[tilespmem:s14+$0x460] =	vst v35  }
0x149: {  	v40 =	vpsel p2, v9, v17;
	[tilespmem:s14+$0x470] =	vst v37;
	v39 =	vpsel p3, v0, v38;
	s14 =	sand.u32 $0x3FFFF800, s29  }
0x14a: {  	v42 =	vpsel p2, v10, v18;
	v41 =	vpsel p3, v1, v40;
	[tilespmem:s14+$0x8480] =	vst v39  }
0x14b: {  	v44 =	vpsel p2, v11, v19;
	v43 =	vpsel p3, v2, v42;
	[tilespmem:s14+$0x8490] =	vst v41  }
0x14c: {  	v46 =	vpsel p2, v12, v20;
	v45 =	vpsel p3, v3, v44;
	[tilespmem:s14+$0x84A0] =	vst v43  }
0x14d: {  	v48 =	vpsel p2, v13, v21;
	v47 =	vpsel p3, v4, v46;
	[tilespmem:s14+$0x84B0] =	vst v45  }
0x14e: {  	v50 =	vpsel p2, v14, v22;
	v49 =	vpsel p3, v5, v48;
	[tilespmem:s14+$0x84C0] =	vst v47;
	s30 =	spop (v2sf)  }
0x14f: {  	v52 =	vpsel p2, v15, v23;
	v51 =	vpsel p3, v6, v50;
	[tilespmem:s14+$0x84D0] =	vst v49;
	(v2sf) =	vpush v24, $0x4;
	p4 =	seq.s32 s30, $0x1  }
0x150: {  	v53 =	vpsel p3, v7, v52;
	[tilespmem:s14+$0x84E0] =	vst v51;
	p5 =	seq.s32 s30, $0x0;
	v54 =	vpsel p4, v8, v16  }
0x151: {  	[tilespmem:s14+$0x84F0] =	vst v53;
	v56 =	vpsel p4, v9, v17;
	v55 =	vpsel p5, v0, v54  }
0x152: {  	v58 =	vpsel p4, v10, v18;
	v57 =	vpsel p5, v1, v56;
	[tilespmem:s14+$0x8500] =	vst v55  }
0x153: {  	v60 =	vpsel p4, v11, v19;
	v59 =	vpsel p5, v2, v58;
	[tilespmem:s14+$0x8510] =	vst v57  }
0x154: {  	v62 =	vpsel p4, v12, v20;
	v61 =	vpsel p5, v3, v60;
	[tilespmem:s14+$0x8520] =	vst v59  }
0x155: {  	v28 =	vpsel p4, v13, v21;
	v63 =	vpsel p5, v4, v62;
	[tilespmem:s14+$0x8530] =	vst v61  }
0x156: {  	s31 =	spop (v2sf);
	v30 =	vpsel p4, v14, v22;
	v29 =	vpsel p5, v5, v28;
	[tilespmem:s14+$0x8540] =	vst v63  }
0x157: {  	(v2sf) =	vpush v24, $0x5;
	v32 =	vpsel p4, v15, v23;
	p6 =	seq.s32 s31, $0x1;
	v31 =	vpsel p5, v6, v30;
	[tilespmem:s14+$0x8550] =	vst v29  }
0x158: {  	p2 =	seq.s32 s31, $0x0;
	v33 =	vpsel p5, v7, v32;
	v34 =	vpsel p6, v8, v16;
	[tilespmem:s14+$0x8560] =	vst v31  }
0x159: {  	v36 =	vpsel p6, v9, v17;
	[tilespmem:s14+$0x8570] =	vst v33;
	v35 =	vpsel p2, v0, v34  }
0x15a: {  	v38 =	vpsel p6, v10, v18;
	v37 =	vpsel p2, v1, v36;
	[tilespmem:s14+$0x8580] =	vst v35  }
0x15b: {  	v40 =	vpsel p6, v11, v19;
	v39 =	vpsel p2, v2, v38;
	[tilespmem:s14+$0x8590] =	vst v37  }
0x15c: {  	v42 =	vpsel p6, v12, v20;
	v41 =	vpsel p2, v3, v40;
	[tilespmem:s14+$0x85A0] =	vst v39  }
0x15d: {  	v44 =	vpsel p6, v13, v21;
	v43 =	vpsel p2, v4, v42;
	[tilespmem:s14+$0x85B0] =	vst v41  }
0x15e: {  	v46 =	vpsel p6, v14, v22;
	v45 =	vpsel p2, v5, v44;
	[tilespmem:s14+$0x85C0] =	vst v43;
	s17 =	spop (v2sf)  }
0x15f: {  	v48 =	vpsel p6, v15, v23;
	v47 =	vpsel p2, v6, v46;
	[tilespmem:s14+$0x85D0] =	vst v45;
	(v2sf) =	vpush v24, $0x6;
	p3 =	seq.s32 s17, $0x1  }
0x160: {  	v49 =	vpsel p2, v7, v48;
	[tilespmem:s14+$0x85E0] =	vst v47;
	p4 =	seq.s32 s17, $0x0;
	v50 =	vpsel p3, v8, v16  }
0x161: {  	[tilespmem:s14+$0x85F0] =	vst v49;
	v52 =	vpsel p3, v9, v17;
	v51 =	vpsel p4, v0, v50  }
0x162: {  	v54 =	vpsel p3, v10, v18;
	v53 =	vpsel p4, v1, v52;
	[tilespmem:s14+$0x8600] =	vst v51  }
0x163: {  	v56 =	vpsel p3, v11, v19;
	v55 =	vpsel p4, v2, v54;
	[tilespmem:s14+$0x8610] =	vst v53  }
0x164: {  	v58 =	vpsel p3, v12, v20;
	v57 =	vpsel p4, v3, v56;
	[tilespmem:s14+$0x8620] =	vst v55  }
0x165: {  	v60 =	vpsel p3, v13, v21;
	v59 =	vpsel p4, v4, v58;
	[tilespmem:s14+$0x8630] =	vst v57  }
0x166: {  	s18 =	spop (v2sf);
	v62 =	vpsel p3, v14, v22;
	v61 =	vpsel p4, v5, v60;
	[tilespmem:s14+$0x8640] =	vst v59  }
0x167: {  	(v2sf) =	vpush v24, $0x7;
	v28 =	vpsel p3, v15, v23;
	p5 =	seq.s32 s18, $0x1;
	v63 =	vpsel p4, v6, v62;
	[tilespmem:s14+$0x8650] =	vst v61  }
0x168: {  	p6 =	seq.s32 s18, $0x0;
	v29 =	vpsel p4, v7, v28;
	v30 =	vpsel p5, v8, v16;
	[tilespmem:s14+$0x8660] =	vst v63  }
0x169: {  	v32 =	vpsel p5, v9, v17;
	[tilespmem:s14+$0x8670] =	vst v29;
	v31 =	vpsel p6, v0, v30  }
0x16a: {  	v34 =	vpsel p5, v10, v18;
	v33 =	vpsel p6, v1, v32;
	[tilespmem:s14+$0x8680] =	vst v31  }
0x16b: {  	v36 =	vpsel p5, v11, v19;
	v35 =	vpsel p6, v2, v34;
	[tilespmem:s14+$0x8690] =	vst v33  }
0x16c: {  	v38 =	vpsel p5, v12, v20;
	v37 =	vpsel p6, v3, v36;
	[tilespmem:s14+$0x86A0] =	vst v35  }
0x16d: {  	v40 =	vpsel p5, v13, v21;
	v39 =	vpsel p6, v4, v38;
	[tilespmem:s14+$0x86B0] =	vst v37  }
0x16e: {  	v42 =	vpsel p5, v14, v22;
	v41 =	vpsel p6, v5, v40;
	[tilespmem:s14+$0x86C0] =	vst v39;
	s19 =	spop (v2sf)  }
0x16f: {  	v44 =	vpsel p5, v15, v23;
	v43 =	vpsel p6, v6, v42;
	[tilespmem:s14+$0x86D0] =	vst v41;
	(v2sf) =	vpush v24, $0x8;
	p2 =	seq.s32 s19, $0x1  }
0x170: {  	v45 =	vpsel p6, v7, v44;
	[tilespmem:s14+$0x86E0] =	vst v43;
	p3 =	seq.s32 s19, $0x0;
	v46 =	vpsel p2, v8, v16  }
0x171: {  	[tilespmem:s14+$0x86F0] =	vst v45;
	v48 =	vpsel p2, v9, v17;
	v47 =	vpsel p3, v0, v46  }
0x172: {  	v50 =	vpsel p2, v10, v18;
	v49 =	vpsel p3, v1, v48;
	[tilespmem:s14+$0x8700] =	vst v47  }
0x173: {  	v52 =	vpsel p2, v11, v19;
	v51 =	vpsel p3, v2, v50;
	[tilespmem:s14+$0x8710] =	vst v49  }
0x174: {  	v54 =	vpsel p2, v12, v20;
	v53 =	vpsel p3, v3, v52;
	[tilespmem:s14+$0x8720] =	vst v51  }
0x175: {  	v56 =	vpsel p2, v13, v21;
	v55 =	vpsel p3, v4, v54;
	[tilespmem:s14+$0x8730] =	vst v53  }
0x176: {  	s20 =	spop (v2sf);
	v58 =	vpsel p2, v14, v22;
	v57 =	vpsel p3, v5, v56;
	[tilespmem:s14+$0x8740] =	vst v55  }
0x177: {  	(v2sf) =	vpush v24, $0x9;
	v60 =	vpsel p2, v15, v23;
	p4 =	seq.s32 s20, $0x1;
	v59 =	vpsel p3, v6, v58;
	[tilespmem:s14+$0x8750] =	vst v57  }
0x178: {  	p5 =	seq.s32 s20, $0x0;
	v61 =	vpsel p3, v7, v60;
	v62 =	vpsel p4, v8, v16;
	[tilespmem:s14+$0x8760] =	vst v59  }
0x179: {  	v28 =	vpsel p4, v9, v17;
	[tilespmem:s14+$0x8770] =	vst v61;
	v63 =	vpsel p5, v0, v62  }
0x17a: {  	v30 =	vpsel p4, v10, v18;
	v29 =	vpsel p5, v1, v28;
	[tilespmem:s14+$0x8780] =	vst v63  }
0x17b: {  	v32 =	vpsel p4, v11, v19;
	v31 =	vpsel p5, v2, v30;
	[tilespmem:s14+$0x8790] =	vst v29  }
0x17c: {  	v34 =	vpsel p4, v12, v20;
	v33 =	vpsel p5, v3, v32;
	[tilespmem:s14+$0x87A0] =	vst v31  }
0x17d: {  	v36 =	vpsel p4, v13, v21;
	v35 =	vpsel p5, v4, v34;
	[tilespmem:s14+$0x87B0] =	vst v33  }
0x17e: {  	v38 =	vpsel p4, v14, v22;
	v37 =	vpsel p5, v5, v36;
	[tilespmem:s14+$0x87C0] =	vst v35;
	s21 =	spop (v2sf)  }
0x17f: {  	v40 =	vpsel p4, v15, v23;
	v39 =	vpsel p5, v6, v38;
	[tilespmem:s14+$0x87D0] =	vst v37;
	(v2sf) =	vpush v24, $0xA;
	p6 =	seq.s32 s21, $0x1  }
0x180: {  	v41 =	vpsel p5, v7, v40;
	[tilespmem:s14+$0x87E0] =	vst v39;
	p2 =	seq.s32 s21, $0x0;
	v42 =	vpsel p6, v8, v16  }
0x181: {  	[tilespmem:s14+$0x87F0] =	vst v41;
	v44 =	vpsel p6, v9, v17;
	v43 =	vpsel p2, v0, v42  }
0x182: {  	v46 =	vpsel p6, v10, v18;
	v45 =	vpsel p2, v1, v44;
	[tilespmem:s14+$0x8800] =	vst v43  }
0x183: {  	v48 =	vpsel p6, v11, v19;
	v47 =	vpsel p2, v2, v46;
	[tilespmem:s14+$0x8810] =	vst v45  }
0x184: {  	v50 =	vpsel p6, v12, v20;
	v49 =	vpsel p2, v3, v48;
	[tilespmem:s14+$0x8820] =	vst v47  }
0x185: {  	v52 =	vpsel p6, v13, v21;
	v51 =	vpsel p2, v4, v50;
	[tilespmem:s14+$0x8830] =	vst v49  }
0x186: {  	s22 =	spop (v2sf);
	v54 =	vpsel p6, v14, v22;
	v53 =	vpsel p2, v5, v52;
	[tilespmem:s14+$0x8840] =	vst v51  }
0x187: {  	(v2sf) =	vpush v24, $0xB;
	v56 =	vpsel p6, v15, v23;
	p3 =	seq.s32 s22, $0x1;
	v55 =	vpsel p2, v6, v54;
	[tilespmem:s14+$0x8850] =	vst v53  }
0x188: {  	p4 =	seq.s32 s22, $0x0;
	v57 =	vpsel p2, v7, v56;
	v58 =	vpsel p3, v8, v16;
	[tilespmem:s14+$0x8860] =	vst v55  }
0x189: {  	v60 =	vpsel p3, v9, v17;
	[tilespmem:s14+$0x8870] =	vst v57;
	v59 =	vpsel p4, v0, v58  }
0x18a: {  	v62 =	vpsel p3, v10, v18;
	v61 =	vpsel p4, v1, v60;
	[tilespmem:s14+$0x8880] =	vst v59  }
0x18b: {  	v28 =	vpsel p3, v11, v19;
	v63 =	vpsel p4, v2, v62;
	[tilespmem:s14+$0x8890] =	vst v61  }
0x18c: {  	v30 =	vpsel p3, v12, v20;
	v29 =	vpsel p4, v3, v28;
	[tilespmem:s14+$0x88A0] =	vst v63  }
0x18d: {  	v32 =	vpsel p3, v13, v21;
	v31 =	vpsel p4, v4, v30;
	[tilespmem:s14+$0x88B0] =	vst v29  }
0x18e: {  	v34 =	vpsel p3, v14, v22;
	v33 =	vpsel p4, v5, v32;
	[tilespmem:s14+$0x88C0] =	vst v31;
	s23 =	spop (v2sf)  }
0x18f: {  	v36 =	vpsel p3, v15, v23;
	v35 =	vpsel p4, v6, v34;
	[tilespmem:s14+$0x88D0] =	vst v33;
	(v2sf) =	vpush v24, $0xC;
	p5 =	seq.s32 s23, $0x1  }
0x190: {  	v37 =	vpsel p4, v7, v36;
	[tilespmem:s14+$0x88E0] =	vst v35;
	p6 =	seq.s32 s23, $0x0;
	v38 =	vpsel p5, v8, v16  }
0x191: {  	[tilespmem:s14+$0x88F0] =	vst v37;
	v40 =	vpsel p5, v9, v17;
	v39 =	vpsel p6, v0, v38  }
0x192: {  	v42 =	vpsel p5, v10, v18;
	v41 =	vpsel p6, v1, v40;
	[tilespmem:s14+$0x8900] =	vst v39  }
0x193: {  	v44 =	vpsel p5, v11, v19;
	v43 =	vpsel p6, v2, v42;
	[tilespmem:s14+$0x8910] =	vst v41  }
0x194: {  	v46 =	vpsel p5, v12, v20;
	v45 =	vpsel p6, v3, v44;
	[tilespmem:s14+$0x8920] =	vst v43  }
0x195: {  	v48 =	vpsel p5, v13, v21;
	v47 =	vpsel p6, v4, v46;
	[tilespmem:s14+$0x8930] =	vst v45  }
0x196: {  	s24 =	spop (v2sf);
	v50 =	vpsel p5, v14, v22;
	v49 =	vpsel p6, v5, v48;
	[tilespmem:s14+$0x8940] =	vst v47  }
0x197: {  	(v2sf) =	vpush v24, $0xD;
	v52 =	vpsel p5, v15, v23;
	p2 =	seq.s32 s24, $0x1;
	v51 =	vpsel p6, v6, v50;
	[tilespmem:s14+$0x8950] =	vst v49  }
0x198: {  	p3 =	seq.s32 s24, $0x0;
	v53 =	vpsel p6, v7, v52;
	v54 =	vpsel p2, v8, v16;
	[tilespmem:s14+$0x8960] =	vst v51  }
0x199: {  	v56 =	vpsel p2, v9, v17;
	[tilespmem:s14+$0x8970] =	vst v53;
	v55 =	vpsel p3, v0, v54  }
0x19a: {  	v58 =	vpsel p2, v10, v18;
	v57 =	vpsel p3, v1, v56;
	[tilespmem:s14+$0x8980] =	vst v55  }
0x19b: {  	v60 =	vpsel p2, v11, v19;
	v59 =	vpsel p3, v2, v58;
	[tilespmem:s14+$0x8990] =	vst v57  }
0x19c: {  	v62 =	vpsel p2, v12, v20;
	v61 =	vpsel p3, v3, v60;
	[tilespmem:s14+$0x89A0] =	vst v59  }
0x19d: {  	v28 =	vpsel p2, v13, v21;
	v63 =	vpsel p3, v4, v62;
	[tilespmem:s14+$0x89B0] =	vst v61  }
0x19e: {  	v30 =	vpsel p2, v14, v22;
	v29 =	vpsel p3, v5, v28;
	[tilespmem:s14+$0x89C0] =	vst v63;
	s25 =	spop (v2sf)  }
0x19f: {  	v32 =	vpsel p2, v15, v23;
	v31 =	vpsel p3, v6, v30;
	[tilespmem:s14+$0x89D0] =	vst v29;
	(v2sf) =	vpush v24, $0xE;
	p4 =	seq.s32 s25, $0x1  }
0x1a0: {  	v33 =	vpsel p3, v7, v32;
	[tilespmem:s14+$0x89E0] =	vst v31;
	p5 =	seq.s32 s25, $0x0;
	v34 =	vpsel p4, v8, v16  }
0x1a1: {  	[tilespmem:s14+$0x89F0] =	vst v33;
	v36 =	vpsel p4, v9, v17;
	v35 =	vpsel p5, v0, v34  }
0x1a2: {  	v38 =	vpsel p4, v10, v18;
	v37 =	vpsel p5, v1, v36;
	[tilespmem:s14+$0x8A00] =	vst v35  }
0x1a3: {  	v40 =	vpsel p4, v11, v19;
	v39 =	vpsel p5, v2, v38;
	[tilespmem:s14+$0x8A10] =	vst v37  }
0x1a4: {  	v42 =	vpsel p4, v12, v20;
	v41 =	vpsel p5, v3, v40;
	[tilespmem:s14+$0x8A20] =	vst v39  }
0x1a5: {  	v44 =	vpsel p4, v13, v21;
	v43 =	vpsel p5, v4, v42;
	[tilespmem:s14+$0x8A30] =	vst v41  }
0x1a6: {  	s26 =	spop (v2sf);
	v46 =	vpsel p4, v14, v22;
	v45 =	vpsel p5, v5, v44;
	[tilespmem:s14+$0x8A40] =	vst v43  }
0x1a7: {  	(v2sf) =	vpush v24, $0xF;
	v48 =	vpsel p4, v15, v23;
	p6 =	seq.s32 s26, $0x1;
	v47 =	vpsel p5, v6, v46;
	[tilespmem:s14+$0x8A50] =	vst v45  }
0x1a8: {  	p2 =	seq.s32 s26, $0x0;
	v49 =	vpsel p5, v7, v48;
	v50 =	vpsel p6, v8, v16;
	[tilespmem:s14+$0x8A60] =	vst v47  }
0x1a9: {  	s15 =	sor.u32 $0x110, s15;
	v52 =	vpsel p6, v9, v17;
	[tilespmem:s14+$0x8A70] =	vst v49;
	v51 =	vpsel p2, v0, v50  }
0x1aa: {  	v24 =	vld [tilespmem:s15+$0x0];
	v53 =	vpsel p6, v10, v18;
	v25 =	vpsel p2, v1, v52;
	[tilespmem:s14+$0x8A80] =	vst v51  }
0x1ab: {  	v55 =	vpsel p6, v11, v19;
	v54 =	vpsel p2, v2, v53;
	[tilespmem:s14+$0x8A90] =	vst v25  }
0x1ac: {  	v57 =	vpsel p6, v12, v20;
	v56 =	vpsel p2, v3, v55;
	[tilespmem:s14+$0x8AA0] =	vst v54  }
0x1ad: {  	v59 =	vpsel p6, v13, v21;
	v58 =	vpsel p2, v4, v57;
	[tilespmem:s14+$0x8AB0] =	vst v56  }
0x1ae: {  	v61 =	vpsel p6, v14, v22;
	v60 =	vpsel p2, v5, v59;
	[tilespmem:s14+$0x8AC0] =	vst v58;
	s28 =	spop (v2sf)  }
0x1af: {  	v63 =	vpsel p6, v15, v23;
	v62 =	vpsel p2, v6, v61;
	[tilespmem:s14+$0x8AD0] =	vst v60;
	(v2sf) =	vpush v24, $0x0;
	p3 =	seq.s32 s28, $0x1  }
0x1b0: {  	v28 =	vpsel p2, v7, v63;
	[tilespmem:s14+$0x8AE0] =	vst v62;
	p4 =	seq.s32 s28, $0x0;
	v29 =	vpsel p3, v8, v16  }
0x1b1: {  	[tilespmem:s14+$0x8AF0] =	vst v28;
	v31 =	vpsel p3, v9, v17;
	v30 =	vpsel p4, v0, v29  }
0x1b2: {  	v33 =	vpsel p3, v10, v18;
	v32 =	vpsel p4, v1, v31;
	[tilespmem:s14+$0x8B00] =	vst v30  }
0x1b3: {  	v35 =	vpsel p3, v11, v19;
	v34 =	vpsel p4, v2, v33;
	[tilespmem:s14+$0x8B10] =	vst v32  }
0x1b4: {  	v37 =	vpsel p3, v12, v20;
	v36 =	vpsel p4, v3, v35;
	[tilespmem:s14+$0x8B20] =	vst v34  }
0x1b5: {  	v39 =	vpsel p3, v13, v21;
	v38 =	vpsel p4, v4, v37;
	[tilespmem:s14+$0x8B30] =	vst v36  }
0x1b6: {  	s29 =	spop (v2sf);
	v41 =	vpsel p3, v14, v22;
	v40 =	vpsel p4, v5, v39;
	[tilespmem:s14+$0x8B40] =	vst v38  }
0x1b7: {  	(v2sf) =	vpush v24, $0x1;
	v43 =	vpsel p3, v15, v23;
	p5 =	seq.s32 s29, $0x1;
	v42 =	vpsel p4, v6, v41;
	[tilespmem:s14+$0x8B50] =	vst v40  }
0x1b8: {  	p6 =	seq.s32 s29, $0x0;
	v44 =	vpsel p4, v7, v43;
	v45 =	vpsel p5, v8, v16;
	[tilespmem:s14+$0x8B60] =	vst v42  }
0x1b9: {  	v47 =	vpsel p5, v9, v17;
	[tilespmem:s14+$0x8B70] =	vst v44;
	v46 =	vpsel p6, v0, v45  }
0x1ba: {  	v49 =	vpsel p5, v10, v18;
	v48 =	vpsel p6, v1, v47;
	[tilespmem:s14+$0x8B80] =	vst v46  }
0x1bb: {  	v51 =	vpsel p5, v11, v19;
	v50 =	vpsel p6, v2, v49;
	[tilespmem:s14+$0x8B90] =	vst v48  }
0x1bc: {  	v53 =	vpsel p5, v12, v20;
	v52 =	vpsel p6, v3, v51;
	[tilespmem:s14+$0x8BA0] =	vst v50  }
0x1bd: {  	v55 =	vpsel p5, v13, v21;
	v54 =	vpsel p6, v4, v53;
	[tilespmem:s14+$0x8BB0] =	vst v52  }
0x1be: {  	v57 =	vpsel p5, v14, v22;
	v56 =	vpsel p6, v5, v55;
	[tilespmem:s14+$0x8BC0] =	vst v54;
	s30 =	spop (v2sf)  }
0x1bf: {  	v59 =	vpsel p5, v15, v23;
	v58 =	vpsel p6, v6, v57;
	[tilespmem:s14+$0x8BD0] =	vst v56;
	(v2sf) =	vpush v24, $0x2;
	p2 =	seq.s32 s30, $0x1  }
0x1c0: {  	s15 =	sshll.u32 s15, $0x7;
	v60 =	vpsel p6, v7, v59;
	[tilespmem:s14+$0x8BE0] =	vst v58;
	p3 =	seq.s32 s30, $0x0;
	v61 =	vpsel p2, v8, v16  }
0x1c1: {  	s15 =	sand.u32 $0x3FFFF800, s15;
	[tilespmem:s14+$0x8BF0] =	vst v60;
	v63 =	vpsel p2, v9, v17;
	v62 =	vpsel p3, v0, v61  }
0x1c2: {  	v29 =	vpsel p2, v10, v18;
	v28 =	vpsel p3, v1, v63;
	[tilespmem:s15+$0x400] =	vst v62  }
0x1c3: {  	v31 =	vpsel p2, v11, v19;
	v30 =	vpsel p3, v2, v29;
	[tilespmem:s15+$0x410] =	vst v28  }
0x1c4: {  	v33 =	vpsel p2, v12, v20;
	v32 =	vpsel p3, v3, v31;
	[tilespmem:s15+$0x420] =	vst v30  }
0x1c5: {  	v35 =	vpsel p2, v13, v21;
	v34 =	vpsel p3, v4, v33;
	[tilespmem:s15+$0x430] =	vst v32  }
0x1c6: {  	s31 =	spop (v2sf);
	v37 =	vpsel p2, v14, v22;
	v36 =	vpsel p3, v5, v35;
	[tilespmem:s15+$0x440] =	vst v34  }
0x1c7: {  	(v2sf) =	vpush v24, $0x3;
	v39 =	vpsel p2, v15, v23;
	p4 =	seq.s32 s31, $0x1;
	v38 =	vpsel p3, v6, v37;
	[tilespmem:s15+$0x450] =	vst v36  }
0x1c8: {  	p5 =	seq.s32 s31, $0x0;
	v40 =	vpsel p3, v7, v39;
	v41 =	vpsel p4, v8, v16;
	[tilespmem:s15+$0x460] =	vst v38  }
0x1c9: {  	v43 =	vpsel p4, v9, v17;
	[tilespmem:s15+$0x470] =	vst v40;
	v42 =	vpsel p5, v0, v41  }
0x1ca: {  	v45 =	vpsel p4, v10, v18;
	v44 =	vpsel p5, v1, v43;
	[tilespmem:s14+$0x8C80] =	vst v42  }
0x1cb: {  	v47 =	vpsel p4, v11, v19;
	v46 =	vpsel p5, v2, v45;
	[tilespmem:s14+$0x8C90] =	vst v44  }
0x1cc: {  	v49 =	vpsel p4, v12, v20;
	v48 =	vpsel p5, v3, v47;
	[tilespmem:s14+$0x8CA0] =	vst v46  }
0x1cd: {  	v51 =	vpsel p4, v13, v21;
	v50 =	vpsel p5, v4, v49;
	[tilespmem:s14+$0x8CB0] =	vst v48  }
0x1ce: {  	v53 =	vpsel p4, v14, v22;
	v52 =	vpsel p5, v5, v51;
	[tilespmem:s14+$0x8CC0] =	vst v50;
	s16 =	spop (v2sf)  }
0x1cf: {  	v55 =	vpsel p4, v15, v23;
	v54 =	vpsel p5, v6, v53;
	[tilespmem:s14+$0x8CD0] =	vst v52;
	(v2sf) =	vpush v24, $0x4;
	p6 =	seq.s32 s16, $0x1  }
0x1d0: {  	v56 =	vpsel p5, v7, v55;
	[tilespmem:s14+$0x8CE0] =	vst v54;
	p2 =	seq.s32 s16, $0x0;
	v57 =	vpsel p6, v8, v16  }
0x1d1: {  	[tilespmem:s14+$0x8CF0] =	vst v56;
	v59 =	vpsel p6, v9, v17;
	v58 =	vpsel p2, v0, v57  }
0x1d2: {  	v61 =	vpsel p6, v10, v18;
	v60 =	vpsel p2, v1, v59;
	[tilespmem:s14+$0x8D00] =	vst v58  }
0x1d3: {  	v63 =	vpsel p6, v11, v19;
	v62 =	vpsel p2, v2, v61;
	[tilespmem:s14+$0x8D10] =	vst v60  }
0x1d4: {  	v29 =	vpsel p6, v12, v20;
	v28 =	vpsel p2, v3, v63;
	[tilespmem:s14+$0x8D20] =	vst v62  }
0x1d5: {  	v31 =	vpsel p6, v13, v21;
	v30 =	vpsel p2, v4, v29;
	[tilespmem:s14+$0x8D30] =	vst v28  }
0x1d6: {  	s17 =	spop (v2sf);
	v33 =	vpsel p6, v14, v22;
	v32 =	vpsel p2, v5, v31;
	[tilespmem:s14+$0x8D40] =	vst v30  }
0x1d7: {  	(v2sf) =	vpush v24, $0x5;
	v35 =	vpsel p6, v15, v23;
	p3 =	seq.s32 s17, $0x1;
	v34 =	vpsel p2, v6, v33;
	[tilespmem:s14+$0x8D50] =	vst v32  }
0x1d8: {  	p4 =	seq.s32 s17, $0x0;
	v36 =	vpsel p2, v7, v35;
	v37 =	vpsel p3, v8, v16;
	[tilespmem:s14+$0x8D60] =	vst v34  }
0x1d9: {  	v39 =	vpsel p3, v9, v17;
	[tilespmem:s14+$0x8D70] =	vst v36;
	v38 =	vpsel p4, v0, v37  }
0x1da: {  	v41 =	vpsel p3, v10, v18;
	v40 =	vpsel p4, v1, v39;
	[tilespmem:s14+$0x8D80] =	vst v38  }
0x1db: {  	v43 =	vpsel p3, v11, v19;
	v42 =	vpsel p4, v2, v41;
	[tilespmem:s14+$0x8D90] =	vst v40  }
0x1dc: {  	v45 =	vpsel p3, v12, v20;
	v44 =	vpsel p4, v3, v43;
	[tilespmem:s14+$0x8DA0] =	vst v42  }
0x1dd: {  	v47 =	vpsel p3, v13, v21;
	v46 =	vpsel p4, v4, v45;
	[tilespmem:s14+$0x8DB0] =	vst v44  }
0x1de: {  	v49 =	vpsel p3, v14, v22;
	v48 =	vpsel p4, v5, v47;
	[tilespmem:s14+$0x8DC0] =	vst v46;
	s18 =	spop (v2sf)  }
0x1df: {  	v51 =	vpsel p3, v15, v23;
	v50 =	vpsel p4, v6, v49;
	[tilespmem:s14+$0x8DD0] =	vst v48;
	(v2sf) =	vpush v24, $0x6;
	p5 =	seq.s32 s18, $0x1  }
0x1e0: {  	v52 =	vpsel p4, v7, v51;
	[tilespmem:s14+$0x8DE0] =	vst v50;
	p6 =	seq.s32 s18, $0x0;
	v53 =	vpsel p5, v8, v16  }
0x1e1: {  	[tilespmem:s14+$0x8DF0] =	vst v52;
	v55 =	vpsel p5, v9, v17;
	v54 =	vpsel p6, v0, v53  }
0x1e2: {  	v57 =	vpsel p5, v10, v18;
	v56 =	vpsel p6, v1, v55;
	[tilespmem:s14+$0x8E00] =	vst v54  }
0x1e3: {  	v59 =	vpsel p5, v11, v19;
	v58 =	vpsel p6, v2, v57;
	[tilespmem:s14+$0x8E10] =	vst v56  }
0x1e4: {  	v61 =	vpsel p5, v12, v20;
	v60 =	vpsel p6, v3, v59;
	[tilespmem:s14+$0x8E20] =	vst v58  }
0x1e5: {  	v63 =	vpsel p5, v13, v21;
	v62 =	vpsel p6, v4, v61;
	[tilespmem:s14+$0x8E30] =	vst v60  }
0x1e6: {  	s19 =	spop (v2sf);
	v29 =	vpsel p5, v14, v22;
	v28 =	vpsel p6, v5, v63;
	[tilespmem:s14+$0x8E40] =	vst v62  }
0x1e7: {  	(v2sf) =	vpush v24, $0x7;
	v31 =	vpsel p5, v15, v23;
	p2 =	seq.s32 s19, $0x1;
	v30 =	vpsel p6, v6, v29;
	[tilespmem:s14+$0x8E50] =	vst v28  }
0x1e8: {  	p3 =	seq.s32 s19, $0x0;
	v32 =	vpsel p6, v7, v31;
	v33 =	vpsel p2, v8, v16;
	[tilespmem:s14+$0x8E60] =	vst v30  }
0x1e9: {  	v35 =	vpsel p2, v9, v17;
	[tilespmem:s14+$0x8E70] =	vst v32;
	v34 =	vpsel p3, v0, v33  }
0x1ea: {  	v37 =	vpsel p2, v10, v18;
	v36 =	vpsel p3, v1, v35;
	[tilespmem:s14+$0x8E80] =	vst v34  }
0x1eb: {  	v39 =	vpsel p2, v11, v19;
	v38 =	vpsel p3, v2, v37;
	[tilespmem:s14+$0x8E90] =	vst v36  }
0x1ec: {  	v41 =	vpsel p2, v12, v20;
	v40 =	vpsel p3, v3, v39;
	[tilespmem:s14+$0x8EA0] =	vst v38  }
0x1ed: {  	v43 =	vpsel p2, v13, v21;
	v42 =	vpsel p3, v4, v41;
	[tilespmem:s14+$0x8EB0] =	vst v40  }
0x1ee: {  	v45 =	vpsel p2, v14, v22;
	v44 =	vpsel p3, v5, v43;
	[tilespmem:s14+$0x8EC0] =	vst v42;
	s20 =	spop (v2sf)  }
0x1ef: {  	v47 =	vpsel p2, v15, v23;
	v46 =	vpsel p3, v6, v45;
	[tilespmem:s14+$0x8ED0] =	vst v44;
	(v2sf) =	vpush v24, $0x8;
	p4 =	seq.s32 s20, $0x1  }
0x1f0: {  	v48 =	vpsel p3, v7, v47;
	[tilespmem:s14+$0x8EE0] =	vst v46;
	p5 =	seq.s32 s20, $0x0;
	v49 =	vpsel p4, v8, v16  }
0x1f1: {  	[tilespmem:s14+$0x8EF0] =	vst v48;
	v51 =	vpsel p4, v9, v17;
	v50 =	vpsel p5, v0, v49  }
0x1f2: {  	v53 =	vpsel p4, v10, v18;
	v52 =	vpsel p5, v1, v51;
	[tilespmem:s14+$0x8F00] =	vst v50  }
0x1f3: {  	v55 =	vpsel p4, v11, v19;
	v54 =	vpsel p5, v2, v53;
	[tilespmem:s14+$0x8F10] =	vst v52  }
0x1f4: {  	v57 =	vpsel p4, v12, v20;
	v56 =	vpsel p5, v3, v55;
	[tilespmem:s14+$0x8F20] =	vst v54  }
0x1f5: {  	v59 =	vpsel p4, v13, v21;
	v58 =	vpsel p5, v4, v57;
	[tilespmem:s14+$0x8F30] =	vst v56  }
0x1f6: {  	s21 =	spop (v2sf);
	v61 =	vpsel p4, v14, v22;
	v60 =	vpsel p5, v5, v59;
	[tilespmem:s14+$0x8F40] =	vst v58  }
0x1f7: {  	(v2sf) =	vpush v24, $0x9;
	v63 =	vpsel p4, v15, v23;
	p6 =	seq.s32 s21, $0x1;
	v62 =	vpsel p5, v6, v61;
	[tilespmem:s14+$0x8F50] =	vst v60  }
0x1f8: {  	p2 =	seq.s32 s21, $0x0;
	v28 =	vpsel p5, v7, v63;
	v29 =	vpsel p6, v8, v16;
	[tilespmem:s14+$0x8F60] =	vst v62  }
0x1f9: {  	v31 =	vpsel p6, v9, v17;
	[tilespmem:s14+$0x8F70] =	vst v28;
	v30 =	vpsel p2, v0, v29  }
0x1fa: {  	v33 =	vpsel p6, v10, v18;
	v32 =	vpsel p2, v1, v31;
	[tilespmem:s14+$0x8F80] =	vst v30  }
0x1fb: {  	v35 =	vpsel p6, v11, v19;
	v34 =	vpsel p2, v2, v33;
	[tilespmem:s14+$0x8F90] =	vst v32  }
0x1fc: {  	v37 =	vpsel p6, v12, v20;
	v36 =	vpsel p2, v3, v35;
	[tilespmem:s14+$0x8FA0] =	vst v34  }
0x1fd: {  	v39 =	vpsel p6, v13, v21;
	v38 =	vpsel p2, v4, v37;
	[tilespmem:s14+$0x8FB0] =	vst v36  }
0x1fe: {  	v41 =	vpsel p6, v14, v22;
	v40 =	vpsel p2, v5, v39;
	[tilespmem:s14+$0x8FC0] =	vst v38;
	s22 =	spop (v2sf)  }
0x1ff: {  	v43 =	vpsel p6, v15, v23;
	v42 =	vpsel p2, v6, v41;
	[tilespmem:s14+$0x8FD0] =	vst v40;
	(v2sf) =	vpush v24, $0xA;
	p3 =	seq.s32 s22, $0x1  }
0x200: {  	v44 =	vpsel p2, v7, v43;
	[tilespmem:s14+$0x8FE0] =	vst v42;
	p4 =	seq.s32 s22, $0x0;
	v45 =	vpsel p3, v8, v16  }
0x201: {  	[tilespmem:s14+$0x8FF0] =	vst v44;
	v47 =	vpsel p3, v9, v17;
	v46 =	vpsel p4, v0, v45  }
0x202: {  	v49 =	vpsel p3, v10, v18;
	v48 =	vpsel p4, v1, v47;
	[tilespmem:s14+$0x9000] =	vst v46  }
0x203: {  	v51 =	vpsel p3, v11, v19;
	v50 =	vpsel p4, v2, v49;
	[tilespmem:s14+$0x9010] =	vst v48  }
0x204: {  	v53 =	vpsel p3, v12, v20;
	v52 =	vpsel p4, v3, v51;
	[tilespmem:s14+$0x9020] =	vst v50  }
0x205: {  	v55 =	vpsel p3, v13, v21;
	v54 =	vpsel p4, v4, v53;
	[tilespmem:s14+$0x9030] =	vst v52  }
0x206: {  	s23 =	spop (v2sf);
	v57 =	vpsel p3, v14, v22;
	v56 =	vpsel p4, v5, v55;
	[tilespmem:s14+$0x9040] =	vst v54  }
0x207: {  	(v2sf) =	vpush v24, $0xB;
	v59 =	vpsel p3, v15, v23;
	p5 =	seq.s32 s23, $0x1;
	v58 =	vpsel p4, v6, v57;
	[tilespmem:s14+$0x9050] =	vst v56  }
0x208: {  	p6 =	seq.s32 s23, $0x0;
	v60 =	vpsel p4, v7, v59;
	v61 =	vpsel p5, v8, v16;
	[tilespmem:s14+$0x9060] =	vst v58  }
0x209: {  	v63 =	vpsel p5, v9, v17;
	[tilespmem:s14+$0x9070] =	vst v60;
	v62 =	vpsel p6, v0, v61  }
0x20a: {  	v29 =	vpsel p5, v10, v18;
	v28 =	vpsel p6, v1, v63;
	[tilespmem:s14+$0x9080] =	vst v62  }
0x20b: {  	v31 =	vpsel p5, v11, v19;
	v30 =	vpsel p6, v2, v29;
	[tilespmem:s14+$0x9090] =	vst v28  }
0x20c: {  	v33 =	vpsel p5, v12, v20;
	v32 =	vpsel p6, v3, v31;
	[tilespmem:s14+$0x90A0] =	vst v30  }
0x20d: {  	v35 =	vpsel p5, v13, v21;
	v34 =	vpsel p6, v4, v33;
	[tilespmem:s14+$0x90B0] =	vst v32  }
0x20e: {  	v37 =	vpsel p5, v14, v22;
	v36 =	vpsel p6, v5, v35;
	[tilespmem:s14+$0x90C0] =	vst v34;
	s24 =	spop (v2sf)  }
0x20f: {  	v39 =	vpsel p5, v15, v23;
	v38 =	vpsel p6, v6, v37;
	[tilespmem:s14+$0x90D0] =	vst v36;
	(v2sf) =	vpush v24, $0xC;
	p2 =	seq.s32 s24, $0x1  }
0x210: {  	v40 =	vpsel p6, v7, v39;
	[tilespmem:s14+$0x90E0] =	vst v38;
	p3 =	seq.s32 s24, $0x0;
	v41 =	vpsel p2, v8, v16  }
0x211: {  	[tilespmem:s14+$0x90F0] =	vst v40;
	v43 =	vpsel p2, v9, v17;
	v42 =	vpsel p3, v0, v41  }
0x212: {  	v45 =	vpsel p2, v10, v18;
	v44 =	vpsel p3, v1, v43;
	[tilespmem:s14+$0x9100] =	vst v42  }
0x213: {  	v47 =	vpsel p2, v11, v19;
	v46 =	vpsel p3, v2, v45;
	[tilespmem:s14+$0x9110] =	vst v44  }
0x214: {  	v49 =	vpsel p2, v12, v20;
	v48 =	vpsel p3, v3, v47;
	[tilespmem:s14+$0x9120] =	vst v46  }
0x215: {  	v51 =	vpsel p2, v13, v21;
	v50 =	vpsel p3, v4, v49;
	[tilespmem:s14+$0x9130] =	vst v48  }
0x216: {  	s25 =	spop (v2sf);
	v53 =	vpsel p2, v14, v22;
	v52 =	vpsel p3, v5, v51;
	[tilespmem:s14+$0x9140] =	vst v50  }
0x217: {  	(v2sf) =	vpush v24, $0xD;
	v55 =	vpsel p2, v15, v23;
	p2 =	seq.s32 s25, $0x1;
	v54 =	vpsel p3, v6, v53;
	[tilespmem:s14+$0x9150] =	vst v52  }
0x218: {  	p4 =	seq.s32 s25, $0x0;
	v56 =	vpsel p3, v7, v55;
	v57 =	vpsel p2, v8, v16;
	[tilespmem:s14+$0x9160] =	vst v54  }
0x219: {  	v59 =	vpsel p2, v9, v17;
	[tilespmem:s14+$0x9170] =	vst v56;
	v58 =	vpsel p4, v0, v57  }
0x21a: {  	v61 =	vpsel p2, v10, v18;
	v60 =	vpsel p4, v1, v59;
	[tilespmem:s14+$0x9180] =	vst v58  }
0x21b: {  	v63 =	vpsel p2, v11, v19;
	v62 =	vpsel p4, v2, v61;
	[tilespmem:s14+$0x9190] =	vst v60  }
0x21c: {  	v29 =	vpsel p2, v12, v20;
	v28 =	vpsel p4, v3, v63;
	[tilespmem:s14+$0x91A0] =	vst v62  }
0x21d: {  	v31 =	vpsel p2, v13, v21;
	v30 =	vpsel p4, v4, v29;
	[tilespmem:s14+$0x91B0] =	vst v28  }
0x21e: {  	v33 =	vpsel p2, v14, v22;
	v32 =	vpsel p4, v5, v31;
	[tilespmem:s14+$0x91C0] =	vst v30;
	s26 =	spop (v2sf)  }
0x21f: {  	v35 =	vpsel p2, v15, v23;
	v34 =	vpsel p4, v6, v33;
	[tilespmem:s14+$0x91D0] =	vst v32;
	(v2sf) =	vpush v24, $0xE;
	p5 =	seq.s32 s26, $0x1  }
0x220: {  	v36 =	vpsel p4, v7, v35;
	[tilespmem:s14+$0x91E0] =	vst v34;
	p6 =	seq.s32 s26, $0x0;
	v37 =	vpsel p5, v8, v16  }
0x221: {  	[tilespmem:s14+$0x91F0] =	vst v36;
	v39 =	vpsel p5, v9, v17;
	v38 =	vpsel p6, v0, v37  }
0x222: {  	v41 =	vpsel p5, v10, v18;
	v40 =	vpsel p6, v1, v39;
	[tilespmem:s14+$0x9200] =	vst v38  }
0x223: {  	v43 =	vpsel p5, v11, v19;
	v42 =	vpsel p6, v2, v41;
	[tilespmem:s14+$0x9210] =	vst v40  }
0x224: {  	v45 =	vpsel p5, v12, v20;
	v44 =	vpsel p6, v3, v43;
	[tilespmem:s14+$0x9220] =	vst v42  }
0x225: {  	v47 =	vpsel p5, v13, v21;
	v46 =	vpsel p6, v4, v45;
	[tilespmem:s14+$0x9230] =	vst v44  }
0x226: {  	s28 =	spop (v2sf);
	v49 =	vpsel p5, v14, v22;
	v48 =	vpsel p6, v5, v47;
	[tilespmem:s14+$0x9240] =	vst v46  }
0x227: {  	(v2sf) =	vpush v24, $0xF;
	v51 =	vpsel p5, v15, v23;
	p0 =	seq.s32 s28, $0x1;
	v50 =	vpsel p6, v6, v49;
	[tilespmem:s14+$0x9250] =	vst v48  }
0x228: {  	p1 =	seq.s32 s28, $0x0;
	v24 =	vpsel p6, v7, v51;
	v52 =	vpsel p0, v8, v16;
	[tilespmem:s14+$0x9260] =	vst v50  }
0x229: {  	v54 =	vpsel p0, v9, v17;
	[tilespmem:s14+$0x9270] =	vst v24;
	v53 =	vpsel p1, v0, v52  }
0x22a: {  	v56 =	vpsel p0, v10, v18;
	v55 =	vpsel p1, v1, v54;
	[tilespmem:s14+$0x9280] =	vst v53  }
0x22b: {  	v58 =	vpsel p0, v11, v19;
	v57 =	vpsel p1, v2, v56;
	[tilespmem:s14+$0x9290] =	vst v55  }
0x22c: {  	v60 =	vpsel p0, v12, v20;
	v59 =	vpsel p1, v3, v58;
	[tilespmem:s14+$0x92A0] =	vst v57  }
0x22d: {  	v62 =	vpsel p0, v13, v21;
	v61 =	vpsel p1, v4, v60;
	[tilespmem:s14+$0x92B0] =	vst v59  }
0x22e: {  	v28 =	vpsel p0, v14, v22;
	v63 =	vpsel p1, v5, v62;
	[tilespmem:s14+$0x92C0] =	vst v61;
	s29 =	spop (v2sf)  }
0x22f: {  	v30 =	vpsel p0, v15, v23;
	v29 =	vpsel p1, v6, v28;
	[tilespmem:s14+$0x92D0] =	vst v63;
	p3 =	seq.s32 s29, $0x1  }
0x230: {  	v31 =	vpsel p1, v7, v30;
	[tilespmem:s14+$0x92E0] =	vst v29;
	p4 =	seq.s32 s29, $0x0;
	v32 =	vpsel p3, v8, v16  }
0x231: {  	[tilespmem:s14+$0x92F0] =	vst v31;
	v34 =	vpsel p3, v9, v17;
	v33 =	vpsel p4, v0, v32  }
0x232: {  	v36 =	vpsel p3, v10, v18;
	v35 =	vpsel p4, v1, v34;
	[tilespmem:s14+$0x9300] =	vst v33  }
0x233: {  	v38 =	vpsel p3, v11, v19;
	v37 =	vpsel p4, v2, v36;
	[tilespmem:s14+$0x9310] =	vst v35  }
0x234: {  	v40 =	vpsel p3, v12, v20;
	v39 =	vpsel p4, v3, v38;
	[tilespmem:s14+$0x9320] =	vst v37  }
0x235: {  	v42 =	vpsel p3, v13, v21;
	v41 =	vpsel p4, v4, v40;
	[tilespmem:s14+$0x9330] =	vst v39  }
0x236: {  	s30 =	spop (v2sf);
	v44 =	vpsel p3, v14, v22;
	v43 =	vpsel p4, v5, v42;
	[tilespmem:s14+$0x9340] =	vst v41  }
0x237: {  	v46 =	vpsel p3, v15, v23;
	p5 =	seq.s32 s30, $0x1;
	v45 =	vpsel p4, v6, v44;
	[tilespmem:s14+$0x9350] =	vst v43  }
0x238: {  	p6 =	seq.s32 s30, $0x0;
	v47 =	vpsel p4, v7, v46;
	v48 =	vpsel p5, v8, v16;
	[tilespmem:s14+$0x9360] =	vst v45  }
0x239: {  	v50 =	vpsel p5, v9, v17;
	[tilespmem:s14+$0x9370] =	vst v47;
	v49 =	vpsel p6, v0, v48  }
0x23a: {  	v52 =	vpsel p5, v10, v18;
	v51 =	vpsel p6, v1, v50;
	[tilespmem:s14+$0x9380] =	vst v49  }
0x23b: {  	v54 =	vpsel p5, v11, v19;
	v53 =	vpsel p6, v2, v52;
	[tilespmem:s14+$0x9390] =	vst v51  }
0x23c: {  	p0 =	slt.u32 s13, $0xE;
	v56 =	vpsel p5, v12, v20;
	v55 =	vpsel p6, v3, v54;
	[tilespmem:s14+$0x93A0] =	vst v53  }
.Ltmp1:
0x23d: {  	v58 =	vpsel p5, v13, v21;
	v57 =	vpsel p6, v4, v56;
	[tilespmem:s14+$0x93B0] =	vst v55;
	(pc) =	sbr.rel @p0 .LBB2_4-.Ltmp1, $4  }
0x23e: {  	v60 =	vpsel p5, v14, v22;
	v59 =	vpsel p6, v5, v58;
	[tilespmem:s14+$0x93C0] =	vst v57  }
0x23f: {  	v62 =	vpsel p5, v15, v23;
	v61 =	vpsel p6, v6, v60;
	[tilespmem:s14+$0x93D0] =	vst v59  }
0x240: {  	s31 =	sadd.s32 $0x2, s13;
	v63 =	vpsel p6, v7, v62;
	[tilespmem:s14+$0x93E0] =	vst v61  }
0x241: {  	s13 =	smov.u32 s31;
	[tilespmem:s14+$0x93F0] =	vst v63  }
0x242: {  	[hbm4b:s6+s3] =	stream.linear.scatter [tilespmem:s11], [sflag:$0x1], $0x8000, $0x38;
	[tilespmem:$0x10400] =	vst v63  }
0x243: {  	s12 =	sadd.s32 $0x1, s12  }
0x244: {  	_ =	swait.ge [sflag:s9], $0x8000;
	p0 =	sne.s32 s12, s7  }
.Ltmp2:
0x245: {  	[sflag:s9] =	ssyncset.done $0x0;
	(pc) =	sbr.rel @p0 .LBB2_1-.Ltmp2, $4  }
0x246: {  	[sflag:s9] =	ssyncadd.s32 $0xFFFF8000  }
0x247: {  	_ =	swait.ge [sflag:s9], $0x8000  }
0x248: {  	[sflag:s9] =	ssyncset.done $0x0  }
0x249: {  	[sflag:s9] =	ssyncadd.s32 $0xFFFF8000  }
0x24a: {  	_ =	sfence.sel $0x180000  }
0x24b: {  	[bflag:$0x0] =	sbarrier.arrive $0xFFFF  }
0x24c: {  	p0 =	sne.s32 s1, $0x0;
	_ =	strace $0x90000047  }
0x24d: {  	s0 =	sadd.s32 @!p0 $0x100000, s0;
	[bflag:$0x2] =	sbarrier.arrive $0xFFFF  }
0x24e: {  	[sflag:s0] =	ssyncadd.tile.s32 @!p0 $0x1;
	_ =	shalt  }
.Lfunc_end2:
_tile_overlayer_lowered:
.L_overlay_start_2:
0x24f: {  	(tag) =	ssettag $0x2  }
0x250: {  	s0 =	rddreg [dreg:$0x0];
	s2 =	stileid.u32  }
0x251: {  	s1 =	rddreg [dreg:$0x1];
	p0 =	sne.s32 s2, $0x0  }
0x252: {  	s3 =	rddreg [dreg:$0x2];
	[bflag:$0x3] =	sbarrier.arrive $0xFFFF;
	s2 =	simm.s32 @!p0 $0x1C02  }
0x253: {  	[timem:s3], [sflag:s2] =	dma.local @!p0 [hbm:s0], s1  }
0x254: {  	s0 =	simm.s32 @!p0 $0x2  }
0x255: {  	_ =	swait.ge @!p0 [sflag:s0], s1  }
0x256: {  	s1 =	ssub.s32 @!p0 $0x0, s1;
	[sflag:s0] =	ssyncset.done @!p0 $0x0  }
0x257: {  	[sflag:s0] =	ssyncadd.s32 @!p0 s1  }
0x258: {  	[bflag:$0x3] =	sbarrier.arrive $0xFFFF  }
0x259: {  	_ =	shalt  }

</sc_bundles>
